<compile_context>
chip_gen: v7x
topology: tpu7x:2x2x1
jax: 0.10.2.dev20260603
libtpu: 0.0.44.dev20260713+nightly
codegen_flags: <defaults>
</compile_context>

<pallas_src>
import functools

import jax
import jax.numpy as jnp
from jax import lax
from jax.experimental import pallas as pl
from jax.experimental.pallas import tpu as pltpu
from jax.experimental.pallas import tpu_sc as plsc

N = 10000
D = 128
E = 320000
L = 3

NC = 2
NS = 16
NW = NC * NS
E_PER_TILE = E // NW
CHUNK = 80
NCHUNK = E_PER_TILE // CHUNK
ROWS_PER_TILE = 624
TAIL_ROWS = N - NS * ROWS_PER_TILE
ZROWS = 48

NBUF = 4
GAHEAD = 3
SWAIT = NBUF - GAHEAD
IBUF = 8
IAHEAD = 6

_SC_MESH = plsc.VectorSubcoreMesh(core_axis_name="c", subcore_axis_name="s")


@functools.partial(
    pl.kernel,
    out_type=jax.ShapeDtypeStruct((NC, N, D), jnp.float32),
    mesh=_SC_MESH,
    scratch_types=[
        pltpu.VMEM_SHARED((N, D), jnp.float32),
        pltpu.VMEM((IBUF, CHUNK), jnp.int32),
        pltpu.VMEM((IBUF, CHUNK), jnp.int32),
        pltpu.VMEM((NBUF, CHUNK, D), jnp.float32),
        pltpu.VMEM((ZROWS, D), jnp.float32),
        pltpu.SemaphoreType.DMA,
        pltpu.SemaphoreType.DMA,
        pltpu.SemaphoreType.DMA,
    ],
)
def _sc_agg(h_hbm, src_hbm, dst_hbm, out_hbm, agg_sh, src_ring, dst_ring,
            rows_v, zbuf, isem, gsem, ssem):
    cid = lax.axis_index("c")
    sid = lax.axis_index("s")
    wid = cid * NS + sid
    ebase = wid * E_PER_TILE

    def _idx_issue(j, buf):
        e0 = ebase + j * CHUNK
        pltpu.async_copy(src_hbm.at[pl.ds(e0, CHUNK)], src_ring.at[buf], isem)
        pltpu.async_copy(dst_hbm.at[pl.ds(e0, CHUNK)], dst_ring.at[buf], isem)

    def _idx_wait(j, buf):
        e0 = ebase + j * CHUNK
        pltpu.make_async_copy(src_hbm.at[pl.ds(e0, CHUNK)], src_ring.at[buf],
                              isem).wait()
        pltpu.make_async_copy(dst_hbm.at[pl.ds(e0, CHUNK)], dst_ring.at[buf],
                              isem).wait()

    def _gather_issue(j, buf, ibuf):
        pltpu.async_copy(h_hbm.at[src_ring.at[ibuf]], rows_v.at[buf], gsem)

    def _gather_wait(j, buf, ibuf):
        pltpu.make_async_copy(h_hbm.at[src_ring.at[ibuf]], rows_v.at[buf],
                              gsem).wait()

    def _scatter_issue(j, buf, ibuf):
        pltpu.async_copy(rows_v.at[buf], agg_sh.at[dst_ring.at[ibuf]], ssem,
                         add=True)

    def _scatter_wait(j, buf, ibuf):
        pltpu.make_async_copy(rows_v.at[buf], agg_sh.at[dst_ring.at[ibuf]],
                              ssem).wait()

    for j in range(IAHEAD):
        _idx_issue(j, j)

    def _zrow(i, carry):
        for g in range(D // 16):
            zbuf[i, pl.ds(g * 16, 16)] = jnp.zeros((16,), jnp.float32)
        return carry

    lax.fori_loop(0, ZROWS, _zrow, 0)

    def _zcp(k, carry):
        pltpu.async_copy(zbuf, agg_sh.at[pl.ds(sid * ROWS_PER_TILE + k * ZROWS,
                                               ZROWS)], ssem)
        return carry

    lax.fori_loop(0, ROWS_PER_TILE // ZROWS, _zcp, 0)

    @pl.when(sid == NS - 1)
    def _zero_tail():
        pltpu.async_copy(zbuf.at[pl.ds(0, TAIL_ROWS)],
                         agg_sh.at[pl.ds(NS * ROWS_PER_TILE, TAIL_ROWS)], ssem)

    def _zcp_drain(k, carry):
        pltpu.make_async_copy(
            zbuf, agg_sh.at[pl.ds(sid * ROWS_PER_TILE + k * ZROWS, ZROWS)],
            ssem).wait()
        return carry

    lax.fori_loop(0, ROWS_PER_TILE // ZROWS, _zcp_drain, 0)

    @pl.when(sid == NS - 1)
    def _zero_tail_drain():
        pltpu.make_async_copy(
            zbuf.at[pl.ds(0, TAIL_ROWS)],
            agg_sh.at[pl.ds(NS * ROWS_PER_TILE, TAIL_ROWS)], ssem).wait()

    plsc.subcore_barrier()

    for j in range(GAHEAD):
        _idx_wait(j, j)
        _gather_issue(j, j, j)

    def _step(j, carry):
        b = lax.rem(j, NBUF)
        ib = lax.rem(j, IBUF)
        _gather_wait(j, b, ib)
        _scatter_issue(j, b, ib)

        @pl.when(j >= SWAIT)
        def _():
            jd = j - SWAIT
            _scatter_wait(jd, lax.rem(jd, NBUF), lax.rem(jd, IBUF))

        @pl.when(j + GAHEAD < NCHUNK)
        def _():
            jg = j + GAHEAD
            ibg = lax.rem(jg, IBUF)
            _idx_wait(jg, ibg)
            _gather_issue(jg, lax.rem(jg, NBUF), ibg)

        @pl.when(j + IAHEAD < NCHUNK)
        def _():
            ji = j + IAHEAD
            _idx_issue(ji, lax.rem(ji, IBUF))

        return carry

    lax.fori_loop(0, NCHUNK, _step, 0)
    for j in range(NCHUNK - SWAIT, NCHUNK):
        _scatter_wait(j, j % NBUF, j % IBUF)
    plsc.subcore_barrier()

    r0 = sid * ROWS_PER_TILE
    pltpu.sync_copy(agg_sh.at[pl.ds(r0, ROWS_PER_TILE)],
                    out_hbm.at[cid, pl.ds(r0, ROWS_PER_TILE)])

    @pl.when(sid == NS - 1)
    def _dump_tail():
        pltpu.sync_copy(agg_sh.at[pl.ds(NS * ROWS_PER_TILE, TAIL_ROWS)],
                        out_hbm.at[cid, pl.ds(NS * ROWS_PER_TILE, TAIL_ROWS)])


_ROWS_BLK = 1000
_GRID = N // _ROWS_BLK
_F32 = jnp.float32


def _proj_body(x_ref, w_ref, b_ref, o_ref):
    o_ref[...] = (jnp.dot(x_ref[...], w_ref[...], preferred_element_type=_F32)
                  + b_ref[...])


def _proj(x, w, bl):
    return pl.pallas_call(
        _proj_body,
        grid=(_GRID,),
        in_specs=[
            pl.BlockSpec((_ROWS_BLK, D), lambda i: (i, 0)),
            pl.BlockSpec((D, D), lambda i: (0, 0)),
            pl.BlockSpec((1, D), lambda i: (0, 0)),
        ],
        out_specs=pl.BlockSpec((_ROWS_BLK, D), lambda i: (i, 0)),
        out_shape=jax.ShapeDtypeStruct((N, D), _F32),
    )(x, w, bl.reshape(1, D))


def _layer_body(p_ref, h_ref, wrel_ref, wroot_ref, b_ref, o_ref, *, relu):
    agg = p_ref[0] + p_ref[1]
    out = (jnp.dot(agg, wrel_ref[...], preferred_element_type=_F32)
           + jnp.dot(h_ref[...], wroot_ref[...], preferred_element_type=_F32)
           + b_ref[...])
    if relu:
        out = jnp.maximum(out, 0.0)
    o_ref[...] = out


def _layer(p, h, wrel, wroot, bl, relu):
    return pl.pallas_call(
        functools.partial(_layer_body, relu=relu),
        grid=(_GRID,),
        in_specs=[
            pl.BlockSpec((NC, _ROWS_BLK, D), lambda i: (0, i, 0)),
            pl.BlockSpec((_ROWS_BLK, D), lambda i: (i, 0)),
            pl.BlockSpec((D, D), lambda i: (0, 0)),
            pl.BlockSpec((D, D), lambda i: (0, 0)),
            pl.BlockSpec((1, D), lambda i: (0, 0)),
        ],
        out_specs=pl.BlockSpec((_ROWS_BLK, D), lambda i: (i, 0)),
        out_shape=jax.ShapeDtypeStruct((N, D), _F32),
    )(p, h, wrel, wroot, bl.reshape(1, D))


def kernel(x, edge_index, edge_attr, batch, Wx, bx, W_rel, W_root, b):
    src = edge_index[0]
    dst = edge_index[1]
    h = _proj(x, Wx, bx)
    for l in range(L):
        p = _sc_agg(h, src, dst)
        h = _layer(p, h, W_rel[l], W_root[l], b[l], relu=(l < L - 1))
    return h

# --- scband reference (transcript-rebuilt; emitter-appended) ---
"""Pipeline reference for scband-gnn-1-efgs-75986561401174 (READ-ONLY COPY).

The authoritative reference and input builder live on the scoring server;
editing this copy changes nothing except your own understanding.
"""

import jax, jax.numpy as jnp
import numpy as np

N = 10000
E = 320000
D_IN = 128
D = 128
L = 3
B = 256
D_EDGE = 16

def setup_inputs(seed: int = 0) -> dict:
    key = jax.random.key(seed)
    ks = jax.random.split(key, 10)
    x = jax.random.normal(ks[0], (N, D_IN), dtype=jnp.float32)
    edge_index = jax.random.randint(ks[1], (2, E), 0, N, dtype=jnp.int32)
    edge_attr = jax.random.normal(ks[2], (E, D_EDGE), dtype=jnp.float32)
    batch = jnp.sort(jax.random.randint(ks[3], (N,), 0, B, dtype=jnp.int32))
    # learned parameters
    Wx = jax.random.normal(ks[4], (D_IN, D), dtype=jnp.float32) * (1.0 / np.sqrt(D_IN))
    bx = jnp.zeros((D,), dtype=jnp.float32)
    W_rel = jax.random.normal(ks[5], (L, D, D), dtype=jnp.float32) * (1.0 / np.sqrt(D))
    W_root = jax.random.normal(ks[6], (L, D, D), dtype=jnp.float32) * (1.0 / np.sqrt(D))
    b = jnp.zeros((L, D), dtype=jnp.float32)
    return {"x": x, "edge_index": edge_index, "edge_attr": edge_attr, "batch": batch,
            "Wx": Wx, "bx": bx, "W_rel": W_rel, "W_root": W_root, "b": b}

def reference(x, edge_index, edge_attr, batch, Wx, bx, W_rel, W_root, b):
    # linear_x input projection
    h = x @ Wx + bx
    src = edge_index[0]
    dst = edge_index[1]
    # num_layer graph-conv layers: h_i' = W_root h_i + W_rel * sum_{j->i} h_j + b
    for l in range(L):
        msgs = jnp.take(h, src, axis=0)                      # gather (SparseCore)
        agg = jax.ops.segment_sum(msgs, dst, num_segments=N)  # scatter-add
        h_new = agg @ W_rel[l] + h @ W_root[l] + b[l]
        if l < L - 1:
            h_new = jax.nn.relu(h_new)  # act_fn; dropout ratio = 0.0
        h = h_new
    # JK == 'last'
    node_representation = h
    return node_representation

if __name__ == "__main__":
    import jax
    _d = setup_inputs()
    print(jax.jit(kernel)(*tuple(_d.values())))

</pallas_src>

<mosaic_0001>
#map = affine_map<(d0, d1) -> (0, 0)>
#map1 = affine_map<(d0, d1) -> (0)>
#map2 = affine_map<(d0, d1) -> (0, 0, 0)>
module attributes {stable_mosaic.version = 14 : i64} {
  func.func @_sc_agg(%arg0: i32, %arg1: i32, %arg2: memref<10000x128xf32, #tpu.memory_space<hbm>>, %arg3: memref<320000xi32, #tpu.memory_space<hbm>>, %arg4: memref<320000xi32, #tpu.memory_space<hbm>>, %arg5: memref<2x10000x128xf32, #tpu.memory_space<hbm>>, %arg6: memref<10000x128xf32, #tpu.memory_space<vmem_shared>>, %arg7: memref<8x80xi32, #tpu.memory_space<vmem>>, %arg8: memref<8x80xi32, #tpu.memory_space<vmem>>, %arg9: memref<4x80x128xf32, #tpu.memory_space<vmem>>, %arg10: memref<48x128xf32, #tpu.memory_space<vmem>>, %arg11: memref<!tpu.dma_semaphore, #tpu.memory_space<semaphore_mem>>, %arg12: memref<!tpu.dma_semaphore, #tpu.memory_space<semaphore_mem>>, %arg13: memref<!tpu.dma_semaphore, #tpu.memory_space<semaphore_mem>>) attributes {dimension_semantics = [#tpu.dimension_semantics<core_parallel>, #tpu.dimension_semantics<subcore_parallel>], iteration_bounds = array<i64: 2, 16>, scalar_prefetch = 0 : i64, scratch_operands = 8 : i64, tpu.core_type = #tpu.core_type<sc_vector_subcore>, window_params = [{transform_indices = #map}, {transform_indices = #map1}, {transform_indices = #map1}, {transform_indices = #map2}]} {
    %mul3A = arith.constant 16 : i32
    %mul3A_0 = arith.muli %arg0, %mul3A : i32
    %add3A = arith.addi %mul3A_0, %arg1 : i32
    %mul3A_1 = arith.constant 10000 : i32
    %mul3A_2 = arith.muli %add3A, %mul3A_1 : i32
    %add3A_3 = arith.constant 0 : i32
    %add3A_4 = arith.addi %mul3A_2, %add3A_3 : i32
    %dma_start3A = arith.constant 0 : i32
    %dma_start3A_5 = arith.constant 0 : i32
    %dma_start3A_6 = tpu.memref_slice %arg7[%dma_start3A, %dma_start3A_5] : memref<8x80xi32, #tpu.memory_space<vmem>> -> memref<1x80xi32, #tpu.memory_space<vmem>>
    %dma_start3A_7 = tpu.memref_squeeze %dma_start3A_6 : memref<1x80xi32, #tpu.memory_space<vmem>> -> memref<80xi32, #tpu.memory_space<vmem>>
    %dma_start3A_8 = tpu.memref_slice %arg3[%add3A_4] : memref<320000xi32, #tpu.memory_space<hbm>> -> memref<80xi32, #tpu.memory_space<hbm>>
    %dma_start3A_9 = arith.constant 0 : i32
    %dma_start3A_10 = tpu.memref_slice %arg7[%dma_start3A, %dma_start3A_9] : memref<8x80xi32, #tpu.memory_space<vmem>> -> memref<1x80xi32, #tpu.memory_space<vmem>>
    %dma_start3A_11 = tpu.memref_squeeze %dma_start3A_10 : memref<1x80xi32, #tpu.memory_space<vmem>> -> memref<80xi32, #tpu.memory_space<vmem>>
    %dma_start3A_12 = tpu.memref_slice %arg3[%add3A_4] : memref<320000xi32, #tpu.memory_space<hbm>> -> memref<80xi32, #tpu.memory_space<hbm>>
    tpu.enqueue_dma source(%dma_start3A_12 : memref<80xi32, #tpu.memory_space<hbm>>) target(%dma_start3A_11 : memref<80xi32, #tpu.memory_space<vmem>>) target_semaphore(%arg11 : memref<!tpu.dma_semaphore, #tpu.memory_space<semaphore_mem>>)
    %dma_start3A_13 = arith.constant 0 : i32
    %dma_start3A_14 = arith.constant 0 : i32
    %dma_start3A_15 = tpu.memref_slice %arg8[%dma_start3A_13, %dma_start3A_14] : memref<8x80xi32, #tpu.memory_space<vmem>> -> memref<1x80xi32, #tpu.memory_space<vmem>>
    %dma_start3A_16 = tpu.memref_squeeze %dma_start3A_15 : memref<1x80xi32, #tpu.memory_space<vmem>> -> memref<80xi32, #tpu.memory_space<vmem>>
    %dma_start3A_17 = tpu.memref_slice %arg4[%add3A_4] : memref<320000xi32, #tpu.memory_space<hbm>> -> memref<80xi32, #tpu.memory_space<hbm>>
    %dma_start3A_18 = arith.constant 0 : i32
    %dma_start3A_19 = tpu.memref_slice %arg8[%dma_start3A_13, %dma_start3A_18] : memref<8x80xi32, #tpu.memory_space<vmem>> -> memref<1x80xi32, #tpu.memory_space<vmem>>
    %dma_start3A_20 = tpu.memref_squeeze %dma_start3A_19 : memref<1x80xi32, #tpu.memory_space<vmem>> -> memref<80xi32, #tpu.memory_space<vmem>>
    %dma_start3A_21 = tpu.memref_slice %arg4[%add3A_4] : memref<320000xi32, #tpu.memory_space<hbm>> -> memref<80xi32, #tpu.memory_space<hbm>>
    tpu.enqueue_dma source(%dma_start3A_21 : memref<80xi32, #tpu.memory_space<hbm>>) target(%dma_start3A_20 : memref<80xi32, #tpu.memory_space<vmem>>) target_semaphore(%arg11 : memref<!tpu.dma_semaphore, #tpu.memory_space<semaphore_mem>>)
    %add3A_22 = arith.constant 80 : i32
    %add3A_23 = arith.addi %mul3A_2, %add3A_22 : i32
    %dma_start3A_24 = arith.constant 1 : i32
    %dma_start3A_25 = arith.constant 0 : i32
    %dma_start3A_26 = tpu.memref_slice %arg7[%dma_start3A_24, %dma_start3A_25] : memref<8x80xi32, #tpu.memory_space<vmem>> -> memref<1x80xi32, #tpu.memory_space<vmem>>
    %dma_start3A_27 = tpu.memref_squeeze %dma_start3A_26 : memref<1x80xi32, #tpu.memory_space<vmem>> -> memref<80xi32, #tpu.memory_space<vmem>>
    %dma_start3A_28 = tpu.memref_slice %arg3[%add3A_23] : memref<320000xi32, #tpu.memory_space<hbm>> -> memref<80xi32, #tpu.memory_space<hbm>>
    %dma_start3A_29 = arith.constant 0 : i32
    %dma_start3A_30 = tpu.memref_slice %arg7[%dma_start3A_24, %dma_start3A_29] : memref<8x80xi32, #tpu.memory_space<vmem>> -> memref<1x80xi32, #tpu.memory_space<vmem>>
    %dma_start3A_31 = tpu.memref_squeeze %dma_start3A_30 : memref<1x80xi32, #tpu.memory_space<vmem>> -> memref<80xi32, #tpu.memory_space<vmem>>
    %dma_start3A_32 = tpu.memref_slice %arg3[%add3A_23] : memref<320000xi32, #tpu.memory_space<hbm>> -> memref<80xi32, #tpu.memory_space<hbm>>
    tpu.enqueue_dma source(%dma_start3A_32 : memref<80xi32, #tpu.memory_space<hbm>>) target(%dma_start3A_31 : memref<80xi32, #tpu.memory_space<vmem>>) target_semaphore(%arg11 : memref<!tpu.dma_semaphore, #tpu.memory_space<semaphore_mem>>)
    %dma_start3A_33 = arith.constant 1 : i32
    %dma_start3A_34 = arith.constant 0 : i32
    %dma_start3A_35 = tpu.memref_slice %arg8[%dma_start3A_33, %dma_start3A_34] : memref<8x80xi32, #tpu.memory_space<vmem>> -> memref<1x80xi32, #tpu.memory_space<vmem>>
    %dma_start3A_36 = tpu.memref_squeeze %dma_start3A_35 : memref<1x80xi32, #tpu.memory_space<vmem>> -> memref<80xi32, #tpu.memory_space<vmem>>
    %dma_start3A_37 = tpu.memref_slice %arg4[%add3A_23] : memref<320000xi32, #tpu.memory_space<hbm>> -> memref<80xi32, #tpu.memory_space<hbm>>
    %dma_start3A_38 = arith.constant 0 : i32
    %dma_start3A_39 = tpu.memref_slice %arg8[%dma_start3A_33, %dma_start3A_38] : memref<8x80xi32, #tpu.memory_space<vmem>> -> memref<1x80xi32, #tpu.memory_space<vmem>>
    %dma_start3A_40 = tpu.memref_squeeze %dma_start3A_39 : memref<1x80xi32, #tpu.memory_space<vmem>> -> memref<80xi32, #tpu.memory_space<vmem>>
    %dma_start3A_41 = tpu.memref_slice %arg4[%add3A_23] : memref<320000xi32, #tpu.memory_space<hbm>> -> memref<80xi32, #tpu.memory_space<hbm>>
    tpu.enqueue_dma source(%dma_start3A_41 : memref<80xi32, #tpu.memory_space<hbm>>) target(%dma_start3A_40 : memref<80xi32, #tpu.memory_space<vmem>>) target_semaphore(%arg11 : memref<!tpu.dma_semaphore, #tpu.memory_space<semaphore_mem>>)
    %add3A_42 = arith.constant 160 : i32
    %add3A_43 = arith.addi %mul3A_2, %add3A_42 : i32
    %dma_start3A_44 = arith.constant 2 : i32
    %dma_start3A_45 = arith.constant 0 : i32
    %dma_start3A_46 = tpu.memref_slice %arg7[%dma_start3A_44, %dma_start3A_45] : memref<8x80xi32, #tpu.memory_space<vmem>> -> memref<1x80xi32, #tpu.memory_space<vmem>>
    %dma_start3A_47 = tpu.memref_squeeze %dma_start3A_46 : memref<1x80xi32, #tpu.memory_space<vmem>> -> memref<80xi32, #tpu.memory_space<vmem>>
    %dma_start3A_48 = tpu.memref_slice %arg3[%add3A_43] : memref<320000xi32, #tpu.memory_space<hbm>> -> memref<80xi32, #tpu.memory_space<hbm>>
    %dma_start3A_49 = arith.constant 0 : i32
    %dma_start3A_50 = tpu.memref_slice %arg7[%dma_start3A_44, %dma_start3A_49] : memref<8x80xi32, #tpu.memory_space<vmem>> -> memref<1x80xi32, #tpu.memory_space<vmem>>
    %dma_start3A_51 = tpu.memref_squeeze %dma_start3A_50 : memref<1x80xi32, #tpu.memory_space<vmem>> -> memref<80xi32, #tpu.memory_space<vmem>>
    %dma_start3A_52 = tpu.memref_slice %arg3[%add3A_43] : memref<320000xi32, #tpu.memory_space<hbm>> -> memref<80xi32, #tpu.memory_space<hbm>>
    tpu.enqueue_dma source(%dma_start3A_52 : memref<80xi32, #tpu.memory_space<hbm>>) target(%dma_start3A_51 : memref<80xi32, #tpu.memory_space<vmem>>) target_semaphore(%arg11 : memref<!tpu.dma_semaphore, #tpu.memory_space<semaphore_mem>>)
    %dma_start3A_53 = arith.constant 2 : i32
    %dma_start3A_54 = arith.constant 0 : i32
    %dma_start3A_55 = tpu.memref_slice %arg8[%dma_start3A_53, %dma_start3A_54] : memref<8x80xi32, #tpu.memory_space<vmem>> -> memref<1x80xi32, #tpu.memory_space<vmem>>
    %dma_start3A_56 = tpu.memref_squeeze %dma_start3A_55 : memref<1x80xi32, #tpu.memory_space<vmem>> -> memref<80xi32, #tpu.memory_space<vmem>>
    %dma_start3A_57 = tpu.memref_slice %arg4[%add3A_43] : memref<320000xi32, #tpu.memory_space<hbm>> -> memref<80xi32, #tpu.memory_space<hbm>>
    %dma_start3A_58 = arith.constant 0 : i32
    %dma_start3A_59 = tpu.memref_slice %arg8[%dma_start3A_53, %dma_start3A_58] : memref<8x80xi32, #tpu.memory_space<vmem>> -> memref<1x80xi32, #tpu.memory_space<vmem>>
    %dma_start3A_60 = tpu.memref_squeeze %dma_start3A_59 : memref<1x80xi32, #tpu.memory_space<vmem>> -> memref<80xi32, #tpu.memory_space<vmem>>
    %dma_start3A_61 = tpu.memref_slice %arg4[%add3A_43] : memref<320000xi32, #tpu.memory_space<hbm>> -> memref<80xi32, #tpu.memory_space<hbm>>
    tpu.enqueue_dma source(%dma_start3A_61 : memref<80xi32, #tpu.memory_space<hbm>>) target(%dma_start3A_60 : memref<80xi32, #tpu.memory_space<vmem>>) target_semaphore(%arg11 : memref<!tpu.dma_semaphore, #tpu.memory_space<semaphore_mem>>)
    %add3A_62 = arith.constant 240 : i32
    %add3A_63 = arith.addi %mul3A_2, %add3A_62 : i32
    %dma_start3A_64 = arith.constant 3 : i32
    %dma_start3A_65 = arith.constant 0 : i32
    %dma_start3A_66 = tpu.memref_slice %arg7[%dma_start3A_64, %dma_start3A_65] : memref<8x80xi32, #tpu.memory_space<vmem>> -> memref<1x80xi32, #tpu.memory_space<vmem>>
    %dma_start3A_67 = tpu.memref_squeeze %dma_start3A_66 : memref<1x80xi32, #tpu.memory_space<vmem>> -> memref<80xi32, #tpu.memory_space<vmem>>
    %dma_start3A_68 = tpu.memref_slice %arg3[%add3A_63] : memref<320000xi32, #tpu.memory_space<hbm>> -> memref<80xi32, #tpu.memory_space<hbm>>
    %dma_start3A_69 = arith.constant 0 : i32
    %dma_start3A_70 = tpu.memref_slice %arg7[%dma_start3A_64, %dma_start3A_69] : memref<8x80xi32, #tpu.memory_space<vmem>> -> memref<1x80xi32, #tpu.memory_space<vmem>>
    %dma_start3A_71 = tpu.memref_squeeze %dma_start3A_70 : memref<1x80xi32, #tpu.memory_space<vmem>> -> memref<80xi32, #tpu.memory_space<vmem>>
    %dma_start3A_72 = tpu.memref_slice %arg3[%add3A_63] : memref<320000xi32, #tpu.memory_space<hbm>> -> memref<80xi32, #tpu.memory_space<hbm>>
    tpu.enqueue_dma source(%dma_start3A_72 : memref<80xi32, #tpu.memory_space<hbm>>) target(%dma_start3A_71 : memref<80xi32, #tpu.memory_space<vmem>>) target_semaphore(%arg11 : memref<!tpu.dma_semaphore, #tpu.memory_space<semaphore_mem>>)
    %dma_start3A_73 = arith.constant 3 : i32
    %dma_start3A_74 = arith.constant 0 : i32
    %dma_start3A_75 = tpu.memref_slice %arg8[%dma_start3A_73, %dma_start3A_74] : memref<8x80xi32, #tpu.memory_space<vmem>> -> memref<1x80xi32, #tpu.memory_space<vmem>>
    %dma_start3A_76 = tpu.memref_squeeze %dma_start3A_75 : memref<1x80xi32, #tpu.memory_space<vmem>> -> memref<80xi32, #tpu.memory_space<vmem>>
    %dma_start3A_77 = tpu.memref_slice %arg4[%add3A_63] : memref<320000xi32, #tpu.memory_space<hbm>> -> memref<80xi32, #tpu.memory_space<hbm>>
    %dma_start3A_78 = arith.constant 0 : i32
    %dma_start3A_79 = tpu.memref_slice %arg8[%dma_start3A_73, %dma_start3A_78] : memref<8x80xi32, #tpu.memory_space<vmem>> -> memref<1x80xi32, #tpu.memory_space<vmem>>
    %dma_start3A_80 = tpu.memref_squeeze %dma_start3A_79 : memref<1x80xi32, #tpu.memory_space<vmem>> -> memref<80xi32, #tpu.memory_space<vmem>>
    %dma_start3A_81 = tpu.memref_slice %arg4[%add3A_63] : memref<320000xi32, #tpu.memory_space<hbm>> -> memref<80xi32, #tpu.memory_space<hbm>>
    tpu.enqueue_dma source(%dma_start3A_81 : memref<80xi32, #tpu.memory_space<hbm>>) target(%dma_start3A_80 : memref<80xi32, #tpu.memory_space<vmem>>) target_semaphore(%arg11 : memref<!tpu.dma_semaphore, #tpu.memory_space<semaphore_mem>>)
    %add3A_82 = arith.constant 320 : i32
    %add3A_83 = arith.addi %mul3A_2, %add3A_82 : i32
    %dma_start3A_84 = arith.constant 4 : i32
    %dma_start3A_85 = arith.constant 0 : i32
    %dma_start3A_86 = tpu.memref_slice %arg7[%dma_start3A_84, %dma_start3A_85] : memref<8x80xi32, #tpu.memory_space<vmem>> -> memref<1x80xi32, #tpu.memory_space<vmem>>
    %dma_start3A_87 = tpu.memref_squeeze %dma_start3A_86 : memref<1x80xi32, #tpu.memory_space<vmem>> -> memref<80xi32, #tpu.memory_space<vmem>>
    %dma_start3A_88 = tpu.memref_slice %arg3[%add3A_83] : memref<320000xi32, #tpu.memory_space<hbm>> -> memref<80xi32, #tpu.memory_space<hbm>>
    %dma_start3A_89 = arith.constant 0 : i32
    %dma_start3A_90 = tpu.memref_slice %arg7[%dma_start3A_84, %dma_start3A_89] : memref<8x80xi32, #tpu.memory_space<vmem>> -> memref<1x80xi32, #tpu.memory_space<vmem>>
    %dma_start3A_91 = tpu.memref_squeeze %dma_start3A_90 : memref<1x80xi32, #tpu.memory_space<vmem>> -> memref<80xi32, #tpu.memory_space<vmem>>
    %dma_start3A_92 = tpu.memref_slice %arg3[%add3A_83] : memref<320000xi32, #tpu.memory_space<hbm>> -> memref<80xi32, #tpu.memory_space<hbm>>
    tpu.enqueue_dma source(%dma_start3A_92 : memref<80xi32, #tpu.memory_space<hbm>>) target(%dma_start3A_91 : memref<80xi32, #tpu.memory_space<vmem>>) target_semaphore(%arg11 : memref<!tpu.dma_semaphore, #tpu.memory_space<semaphore_mem>>)
    %dma_start3A_93 = arith.constant 4 : i32
    %dma_start3A_94 = arith.constant 0 : i32
    %dma_start3A_95 = tpu.memref_slice %arg8[%dma_start3A_93, %dma_start3A_94] : memref<8x80xi32, #tpu.memory_space<vmem>> -> memref<1x80xi32, #tpu.memory_space<vmem>>
    %dma_start3A_96 = tpu.memref_squeeze %dma_start3A_95 : memref<1x80xi32, #tpu.memory_space<vmem>> -> memref<80xi32, #tpu.memory_space<vmem>>
    %dma_start3A_97 = tpu.memref_slice %arg4[%add3A_83] : memref<320000xi32, #tpu.memory_space<hbm>> -> memref<80xi32, #tpu.memory_space<hbm>>
    %dma_start3A_98 = arith.constant 0 : i32
    %dma_start3A_99 = tpu.memref_slice %arg8[%dma_start3A_93, %dma_start3A_98] : memref<8x80xi32, #tpu.memory_space<vmem>> -> memref<1x80xi32, #tpu.memory_space<vmem>>
    %dma_start3A_100 = tpu.memref_squeeze %dma_start3A_99 : memref<1x80xi32, #tpu.memory_space<vmem>> -> memref<80xi32, #tpu.memory_space<vmem>>
    %dma_start3A_101 = tpu.memref_slice %arg4[%add3A_83] : memref<320000xi32, #tpu.memory_space<hbm>> -> memref<80xi32, #tpu.memory_space<hbm>>
    tpu.enqueue_dma source(%dma_start3A_101 : memref<80xi32, #tpu.memory_space<hbm>>) target(%dma_start3A_100 : memref<80xi32, #tpu.memory_space<vmem>>) target_semaphore(%arg11 : memref<!tpu.dma_semaphore, #tpu.memory_space<semaphore_mem>>)
    %add3A_102 = arith.constant 400 : i32
    %add3A_103 = arith.addi %mul3A_2, %add3A_102 : i32
    %dma_start3A_104 = arith.constant 5 : i32
    %dma_start3A_105 = arith.constant 0 : i32
    %dma_start3A_106 = tpu.memref_slice %arg7[%dma_start3A_104, %dma_start3A_105] : memref<8x80xi32, #tpu.memory_space<vmem>> -> memref<1x80xi32, #tpu.memory_space<vmem>>
    %dma_start3A_107 = tpu.memref_squeeze %dma_start3A_106 : memref<1x80xi32, #tpu.memory_space<vmem>> -> memref<80xi32, #tpu.memory_space<vmem>>
    %dma_start3A_108 = tpu.memref_slice %arg3[%add3A_103] : memref<320000xi32, #tpu.memory_space<hbm>> -> memref<80xi32, #tpu.memory_space<hbm>>
    %dma_start3A_109 = arith.constant 0 : i32
    %dma_start3A_110 = tpu.memref_slice %arg7[%dma_start3A_104, %dma_start3A_109] : memref<8x80xi32, #tpu.memory_space<vmem>> -> memref<1x80xi32, #tpu.memory_space<vmem>>
    %dma_start3A_111 = tpu.memref_squeeze %dma_start3A_110 : memref<1x80xi32, #tpu.memory_space<vmem>> -> memref<80xi32, #tpu.memory_space<vmem>>
    %dma_start3A_112 = tpu.memref_slice %arg3[%add3A_103] : memref<320000xi32, #tpu.memory_space<hbm>> -> memref<80xi32, #tpu.memory_space<hbm>>
    tpu.enqueue_dma source(%dma_start3A_112 : memref<80xi32, #tpu.memory_space<hbm>>) target(%dma_start3A_111 : memref<80xi32, #tpu.memory_space<vmem>>) target_semaphore(%arg11 : memref<!tpu.dma_semaphore, #tpu.memory_space<semaphore_mem>>)
    %dma_start3A_113 = arith.constant 5 : i32
    %dma_start3A_114 = arith.constant 0 : i32
    %dma_start3A_115 = tpu.memref_slice %arg8[%dma_start3A_113, %dma_start3A_114] : memref<8x80xi32, #tpu.memory_space<vmem>> -> memref<1x80xi32, #tpu.memory_space<vmem>>
    %dma_start3A_116 = tpu.memref_squeeze %dma_start3A_115 : memref<1x80xi32, #tpu.memory_space<vmem>> -> memref<80xi32, #tpu.memory_space<vmem>>
    %dma_start3A_117 = tpu.memref_slice %arg4[%add3A_103] : memref<320000xi32, #tpu.memory_space<hbm>> -> memref<80xi32, #tpu.memory_space<hbm>>
    %dma_start3A_118 = arith.constant 0 : i32
    %dma_start3A_119 = tpu.memref_slice %arg8[%dma_start3A_113, %dma_start3A_118] : memref<8x80xi32, #tpu.memory_space<vmem>> -> memref<1x80xi32, #tpu.memory_space<vmem>>
    %dma_start3A_120 = tpu.memref_squeeze %dma_start3A_119 : memref<1x80xi32, #tpu.memory_space<vmem>> -> memref<80xi32, #tpu.memory_space<vmem>>
    %dma_start3A_121 = tpu.memref_slice %arg4[%add3A_103] : memref<320000xi32, #tpu.memory_space<hbm>> -> memref<80xi32, #tpu.memory_space<hbm>>
    tpu.enqueue_dma source(%dma_start3A_121 : memref<80xi32, #tpu.memory_space<hbm>>) target(%dma_start3A_120 : memref<80xi32, #tpu.memory_space<vmem>>) target_semaphore(%arg11 : memref<!tpu.dma_semaphore, #tpu.memory_space<semaphore_mem>>)
    %scan3A = arith.constant 0 : i32
    %scan3A_122 = arith.constant 0 : i32
    %scan3A_123 = arith.constant 48 : i32
    %scan3A_124 = arith.addi %scan3A_122, %scan3A_123 : i32
    %scan3A_125 = arith.constant 1 : i32
    scf.for %scan3A_267 = %scan3A_122 to %scan3A_124 step %scan3A_125  : i32 {
      %broadcast_in_dim3A = arith.constant 0.000000e+00 : f32
      %broadcast_in_dim3A_268 = vector.broadcast %broadcast_in_dim3A : f32 to vector<16xf32>
      %swap3A = arith.index_cast %scan3A_267 : i32 to index
      %swap3A_269 = arith.constant 0 : index
      %swap3A_270 = tpu.vector_load %arg10[%swap3A, %swap3A_269] {strides = array<i32>} : memref<48x128xf32, #tpu.memory_space<vmem>>, vector<1x16xf32>,
      %swap3A_271 = vector.shape_cast %swap3A_270 : vector<1x16xf32> to vector<16xf32>
      %swap3A_272 = vector.shape_cast %broadcast_in_dim3A_268 : vector<16xf32> to vector<1x16xf32>
      tpu.vector_store %arg10[%swap3A, %swap3A_269], %swap3A_272 {strides = array<i32>} : memref<48x128xf32, #tpu.memory_space<vmem>>, vector<1x16xf32>,
      %broadcast_in_dim3A_273 = arith.constant 0.000000e+00 : f32
      %broadcast_in_dim3A_274 = vector.broadcast %broadcast_in_dim3A_273 : f32 to vector<16xf32>
      %swap3A_275 = arith.index_cast %scan3A_267 : i32 to index
      %swap3A_276 = arith.constant 16 : index
      %swap3A_277 = tpu.vector_load %arg10[%swap3A_275, %swap3A_276] {strides = array<i32>} : memref<48x128xf32, #tpu.memory_space<vmem>>, vector<1x16xf32>,
      %swap3A_278 = vector.shape_cast %swap3A_277 : vector<1x16xf32> to vector<16xf32>
      %swap3A_279 = vector.shape_cast %broadcast_in_dim3A_274 : vector<16xf32> to vector<1x16xf32>
      tpu.vector_store %arg10[%swap3A_275, %swap3A_276], %swap3A_279 {strides = array<i32>} : memref<48x128xf32, #tpu.memory_space<vmem>>, vector<1x16xf32>,
      %broadcast_in_dim3A_280 = arith.constant 0.000000e+00 : f32
      %broadcast_in_dim3A_281 = vector.broadcast %broadcast_in_dim3A_280 : f32 to vector<16xf32>
      %swap3A_282 = arith.index_cast %scan3A_267 : i32 to index
      %swap3A_283 = arith.constant 32 : index
      %swap3A_284 = tpu.vector_load %arg10[%swap3A_282, %swap3A_283] {strides = array<i32>} : memref<48x128xf32, #tpu.memory_space<vmem>>, vector<1x16xf32>,
      %swap3A_285 = vector.shape_cast %swap3A_284 : vector<1x16xf32> to vector<16xf32>
      %swap3A_286 = vector.shape_cast %broadcast_in_dim3A_281 : vector<16xf32> to vector<1x16xf32>
      tpu.vector_store %arg10[%swap3A_282, %swap3A_283], %swap3A_286 {strides = array<i32>} : memref<48x128xf32, #tpu.memory_space<vmem>>, vector<1x16xf32>,
      %broadcast_in_dim3A_287 = arith.constant 0.000000e+00 : f32
      %broadcast_in_dim3A_288 = vector.broadcast %broadcast_in_dim3A_287 : f32 to vector<16xf32>
      %swap3A_289 = arith.index_cast %scan3A_267 : i32 to index
      %swap3A_290 = arith.constant 48 : index
      %swap3A_291 = tpu.vector_load %arg10[%swap3A_289, %swap3A_290] {strides = array<i32>} : memref<48x128xf32, #tpu.memory_space<vmem>>, vector<1x16xf32>,
      %swap3A_292 = vector.shape_cast %swap3A_291 : vector<1x16xf32> to vector<16xf32>
      %swap3A_293 = vector.shape_cast %broadcast_in_dim3A_288 : vector<16xf32> to vector<1x16xf32>
      tpu.vector_store %arg10[%swap3A_289, %swap3A_290], %swap3A_293 {strides = array<i32>} : memref<48x128xf32, #tpu.memory_space<vmem>>, vector<1x16xf32>,
      %broadcast_in_dim3A_294 = arith.constant 0.000000e+00 : f32
      %broadcast_in_dim3A_295 = vector.broadcast %broadcast_in_dim3A_294 : f32 to vector<16xf32>
      %swap3A_296 = arith.index_cast %scan3A_267 : i32 to index
      %swap3A_297 = arith.constant 64 : index
      %swap3A_298 = tpu.vector_load %arg10[%swap3A_296, %swap3A_297] {strides = array<i32>} : memref<48x128xf32, #tpu.memory_space<vmem>>, vector<1x16xf32>,
      %swap3A_299 = vector.shape_cast %swap3A_298 : vector<1x16xf32> to vector<16xf32>
      %swap3A_300 = vector.shape_cast %broadcast_in_dim3A_295 : vector<16xf32> to vector<1x16xf32>
      tpu.vector_store %arg10[%swap3A_296, %swap3A_297], %swap3A_300 {strides = array<i32>} : memref<48x128xf32, #tpu.memory_space<vmem>>, vector<1x16xf32>,
      %broadcast_in_dim3A_301 = arith.constant 0.000000e+00 : f32
      %broadcast_in_dim3A_302 = vector.broadcast %broadcast_in_dim3A_301 : f32 to vector<16xf32>
      %swap3A_303 = arith.index_cast %scan3A_267 : i32 to index
      %swap3A_304 = arith.constant 80 : index
      %swap3A_305 = tpu.vector_load %arg10[%swap3A_303, %swap3A_304] {strides = array<i32>} : memref<48x128xf32, #tpu.memory_space<vmem>>, vector<1x16xf32>,
      %swap3A_306 = vector.shape_cast %swap3A_305 : vector<1x16xf32> to vector<16xf32>
      %swap3A_307 = vector.shape_cast %broadcast_in_dim3A_302 : vector<16xf32> to vector<1x16xf32>
      tpu.vector_store %arg10[%swap3A_303, %swap3A_304], %swap3A_307 {strides = array<i32>} : memref<48x128xf32, #tpu.memory_space<vmem>>, vector<1x16xf32>,
      %broadcast_in_dim3A_308 = arith.constant 0.000000e+00 : f32
      %broadcast_in_dim3A_309 = vector.broadcast %broadcast_in_dim3A_308 : f32 to vector<16xf32>
      %swap3A_310 = arith.index_cast %scan3A_267 : i32 to index
      %swap3A_311 = arith.constant 96 : index
      %swap3A_312 = tpu.vector_load %arg10[%swap3A_310, %swap3A_311] {strides = array<i32>} : memref<48x128xf32, #tpu.memory_space<vmem>>, vector<1x16xf32>,
      %swap3A_313 = vector.shape_cast %swap3A_312 : vector<1x16xf32> to vector<16xf32>
      %swap3A_314 = vector.shape_cast %broadcast_in_dim3A_309 : vector<16xf32> to vector<1x16xf32>
      tpu.vector_store %arg10[%swap3A_310, %swap3A_311], %swap3A_314 {strides = array<i32>} : memref<48x128xf32, #tpu.memory_space<vmem>>, vector<1x16xf32>,
      %broadcast_in_dim3A_315 = arith.constant 0.000000e+00 : f32
      %broadcast_in_dim3A_316 = vector.broadcast %broadcast_in_dim3A_315 : f32 to vector<16xf32>
      %swap3A_317 = arith.index_cast %scan3A_267 : i32 to index
      %swap3A_318 = arith.constant 112 : index
      %swap3A_319 = tpu.vector_load %arg10[%swap3A_317, %swap3A_318] {strides = array<i32>} : memref<48x128xf32, #tpu.memory_space<vmem>>, vector<1x16xf32>,
      %swap3A_320 = vector.shape_cast %swap3A_319 : vector<1x16xf32> to vector<16xf32>
      %swap3A_321 = vector.shape_cast %broadcast_in_dim3A_316 : vector<16xf32> to vector<1x16xf32>
      tpu.vector_store %arg10[%swap3A_317, %swap3A_318], %swap3A_321 {strides = array<i32>} : memref<48x128xf32, #tpu.memory_space<vmem>>, vector<1x16xf32>,
    }
    %scan3A_126 = arith.constant 48 : i32
    %scan3A_127 = arith.constant 0 : i32
    %scan3A_128 = arith.constant 0 : i32
    %scan3A_129 = arith.constant 13 : i32
    %scan3A_130 = arith.addi %scan3A_128, %scan3A_129 : i32
    %scan3A_131 = arith.constant 1 : i32
    scf.for %scan3A_267 = %scan3A_128 to %scan3A_130 step %scan3A_131  : i32 {
      %mul3A_268 = arith.constant 624 : i32
      %mul3A_269 = arith.muli %arg1, %mul3A_268 : i32
      %mul3A_270 = arith.constant 48 : i32
      %mul3A_271 = arith.muli %scan3A_267, %mul3A_270 : i32
      %add3A_272 = arith.addi %mul3A_269, %mul3A_271 : i32
      %dma_start3A_273 = arith.constant 0 : i32
      %dma_start3A_274 = tpu.memref_slice %arg6[%add3A_272, %dma_start3A_273] : memref<10000x128xf32, #tpu.memory_space<vmem_shared>> -> memref<48x128xf32, #tpu.memory_space<vmem_shared>>
      %dma_start3A_275 = arith.constant 0 : i32
      %dma_start3A_276 = tpu.memref_slice %arg6[%add3A_272, %dma_start3A_275] : memref<10000x128xf32, #tpu.memory_space<vmem_shared>> -> memref<48x128xf32, #tpu.memory_space<vmem_shared>>
      tpu.enqueue_dma source(%arg10 : memref<48x128xf32, #tpu.memory_space<vmem>>) target(%dma_start3A_276 : memref<48x128xf32, #tpu.memory_space<vmem_shared>>) target_semaphore(%arg13 : memref<!tpu.dma_semaphore, #tpu.memory_space<semaphore_mem>>)
    }
    %scan3A_132 = arith.constant 13 : i32
    %eq3A = arith.constant 15 : i32
    %eq3A_133 = arith.cmpi eq, %arg1, %eq3A : i32
    %convert_element_type3A = arith.extui %eq3A_133 : i1 to i32
    %cond3A = arith.constant 0 : i32
    %cond3A_134 = arith.cmpi ne, %convert_element_type3A, %cond3A : i32
    scf.if %cond3A_134 {
      %dma_start3A_267 = arith.constant 0 : i32
      %dma_start3A_268 = arith.constant 0 : i32
      %dma_start3A_269 = tpu.memref_slice %arg10[%dma_start3A_267, %dma_start3A_268] : memref<48x128xf32, #tpu.memory_space<vmem>> -> memref<16x128xf32, #tpu.memory_space<vmem>>
      %dma_start3A_270 = arith.constant 9984 : i32
      %dma_start3A_271 = arith.constant 0 : i32
      %dma_start3A_272 = tpu.memref_slice %arg6[%dma_start3A_270, %dma_start3A_271] : memref<10000x128xf32, #tpu.memory_space<vmem_shared>> -> memref<16x128xf32, #tpu.memory_space<vmem_shared>>
      %dma_start3A_273 = arith.constant 9984 : i32
      %dma_start3A_274 = arith.constant 0 : i32
      %dma_start3A_275 = tpu.memref_slice %arg6[%dma_start3A_273, %dma_start3A_274] : memref<10000x128xf32, #tpu.memory_space<vmem_shared>> -> memref<16x128xf32, #tpu.memory_space<vmem_shared>>
      %dma_start3A_276 = arith.constant 0 : i32
      %dma_start3A_277 = arith.constant 0 : i32
      %dma_start3A_278 = tpu.memref_slice %arg10[%dma_start3A_276, %dma_start3A_277] : memref<48x128xf32, #tpu.memory_space<vmem>> -> memref<16x128xf32, #tpu.memory_space<vmem>>
      tpu.enqueue_dma source(%dma_start3A_278 : memref<16x128xf32, #tpu.memory_space<vmem>>) target(%dma_start3A_275 : memref<16x128xf32, #tpu.memory_space<vmem_shared>>) target_semaphore(%arg13 : memref<!tpu.dma_semaphore, #tpu.memory_space<semaphore_mem>>)
    } else {
    }
    %scan3A_135 = arith.constant 0 : i32
    %scan3A_136 = arith.constant 0 : i32
    %scan3A_137 = arith.constant 13 : i32
    %scan3A_138 = arith.addi %scan3A_136, %scan3A_137 : i32
    %scan3A_139 = arith.constant 1 : i32
    scf.for %scan3A_267 = %scan3A_136 to %scan3A_138 step %scan3A_139  : i32 {
      %mul3A_268 = arith.constant 624 : i32
      %mul3A_269 = arith.muli %arg1, %mul3A_268 : i32
      %mul3A_270 = arith.constant 48 : i32
      %mul3A_271 = arith.muli %scan3A_267, %mul3A_270 : i32
      %add3A_272 = arith.addi %mul3A_269, %mul3A_271 : i32
      %dma_wait3A_273 = arith.constant 0 : i32
      %dma_wait3A_274 = tpu.memref_slice %arg6[%add3A_272, %dma_wait3A_273] : memref<10000x128xf32, #tpu.memory_space<vmem_shared>> -> memref<48x128xf32, #tpu.memory_space<vmem_shared>>
      %dma_wait3A_275 = arith.constant 0 : i32
      %dma_wait3A_276 = tpu.memref_slice %arg6[%add3A_272, %dma_wait3A_275] : memref<10000x128xf32, #tpu.memory_space<vmem_shared>> -> memref<48x128xf32, #tpu.memory_space<vmem_shared>>
      tpu.wait_dma2 semaphore(%arg13 : memref<!tpu.dma_semaphore, #tpu.memory_space<semaphore_mem>>) src(%arg10 : memref<48x128xf32, #tpu.memory_space<vmem>>) dst(%dma_wait3A_276 : memref<48x128xf32, #tpu.memory_space<vmem_shared>>)
    }
    %scan3A_140 = arith.constant 13 : i32
    %eq3A_141 = arith.constant 15 : i32
    %eq3A_142 = arith.cmpi eq, %arg1, %eq3A_141 : i32
    %convert_element_type3A_143 = arith.extui %eq3A_142 : i1 to i32
    %cond3A_144 = arith.constant 0 : i32
    %cond3A_145 = arith.cmpi ne, %convert_element_type3A_143, %cond3A_144 : i32
    scf.if %cond3A_145 {
      %dma_wait3A_267 = arith.constant 0 : i32
      %dma_wait3A_268 = arith.constant 0 : i32
      %dma_wait3A_269 = tpu.memref_slice %arg10[%dma_wait3A_267, %dma_wait3A_268] : memref<48x128xf32, #tpu.memory_space<vmem>> -> memref<16x128xf32, #tpu.memory_space<vmem>>
      %dma_wait3A_270 = arith.constant 9984 : i32
      %dma_wait3A_271 = arith.constant 0 : i32
      %dma_wait3A_272 = tpu.memref_slice %arg6[%dma_wait3A_270, %dma_wait3A_271] : memref<10000x128xf32, #tpu.memory_space<vmem_shared>> -> memref<16x128xf32, #tpu.memory_space<vmem_shared>>
      %dma_wait3A_273 = arith.constant 9984 : i32
      %dma_wait3A_274 = arith.constant 0 : i32
      %dma_wait3A_275 = tpu.memref_slice %arg6[%dma_wait3A_273, %dma_wait3A_274] : memref<10000x128xf32, #tpu.memory_space<vmem_shared>> -> memref<16x128xf32, #tpu.memory_space<vmem_shared>>
      %dma_wait3A_276 = arith.constant 0 : i32
      %dma_wait3A_277 = arith.constant 0 : i32
      %dma_wait3A_278 = tpu.memref_slice %arg10[%dma_wait3A_276, %dma_wait3A_277] : memref<48x128xf32, #tpu.memory_space<vmem>> -> memref<16x128xf32, #tpu.memory_space<vmem>>
      tpu.wait_dma2 semaphore(%arg13 : memref<!tpu.dma_semaphore, #tpu.memory_space<semaphore_mem>>) src(%dma_wait3A_278 : memref<16x128xf32, #tpu.memory_space<vmem>>) dst(%dma_wait3A_275 : memref<16x128xf32, #tpu.memory_space<vmem_shared>>)
    } else {
    }
    %barrier3A = arith.constant 0 : index
    tpu.barrier barrier_id(%barrier3A)
    %add3A_146 = arith.constant 0 : i32
    %add3A_147 = arith.addi %mul3A_2, %add3A_146 : i32
    %dma_wait3A = arith.constant 0 : i32
    %dma_wait3A_148 = arith.constant 0 : i32
    %dma_wait3A_149 = tpu.memref_slice %arg7[%dma_wait3A, %dma_wait3A_148] : memref<8x80xi32, #tpu.memory_space<vmem>> -> memref<1x80xi32, #tpu.memory_space<vmem>>
    %dma_wait3A_150 = tpu.memref_squeeze %dma_wait3A_149 : memref<1x80xi32, #tpu.memory_space<vmem>> -> memref<80xi32, #tpu.memory_space<vmem>>
    %dma_wait3A_151 = tpu.memref_slice %arg3[%add3A_147] : memref<320000xi32, #tpu.memory_space<hbm>> -> memref<80xi32, #tpu.memory_space<hbm>>
    %dma_wait3A_152 = arith.constant 0 : i32
    %dma_wait3A_153 = tpu.memref_slice %arg7[%dma_wait3A, %dma_wait3A_152] : memref<8x80xi32, #tpu.memory_space<vmem>> -> memref<1x80xi32, #tpu.memory_space<vmem>>
    %dma_wait3A_154 = tpu.memref_squeeze %dma_wait3A_153 : memref<1x80xi32, #tpu.memory_space<vmem>> -> memref<80xi32, #tpu.memory_space<vmem>>
    %dma_wait3A_155 = tpu.memref_slice %arg3[%add3A_147] : memref<320000xi32, #tpu.memory_space<hbm>> -> memref<80xi32, #tpu.memory_space<hbm>>
    tpu.wait_dma2 semaphore(%arg11 : memref<!tpu.dma_semaphore, #tpu.memory_space<semaphore_mem>>) src(%dma_wait3A_155 : memref<80xi32, #tpu.memory_space<hbm>>) dst(%dma_wait3A_154 : memref<80xi32, #tpu.memory_space<vmem>>)
    %dma_wait3A_156 = arith.constant 0 : i32
    %dma_wait3A_157 = arith.constant 0 : i32
    %dma_wait3A_158 = tpu.memref_slice %arg8[%dma_wait3A_156, %dma_wait3A_157] : memref<8x80xi32, #tpu.memory_space<vmem>> -> memref<1x80xi32, #tpu.memory_space<vmem>>
    %dma_wait3A_159 = tpu.memref_squeeze %dma_wait3A_158 : memref<1x80xi32, #tpu.memory_space<vmem>> -> memref<80xi32, #tpu.memory_space<vmem>>
    %dma_wait3A_160 = tpu.memref_slice %arg4[%add3A_147] : memref<320000xi32, #tpu.memory_space<hbm>> -> memref<80xi32, #tpu.memory_space<hbm>>
    %dma_wait3A_161 = arith.constant 0 : i32
    %dma_wait3A_162 = tpu.memref_slice %arg8[%dma_wait3A_156, %dma_wait3A_161] : memref<8x80xi32, #tpu.memory_space<vmem>> -> memref<1x80xi32, #tpu.memory_space<vmem>>
    %dma_wait3A_163 = tpu.memref_squeeze %dma_wait3A_162 : memref<1x80xi32, #tpu.memory_space<vmem>> -> memref<80xi32, #tpu.memory_space<vmem>>
    %dma_wait3A_164 = tpu.memref_slice %arg4[%add3A_147] : memref<320000xi32, #tpu.memory_space<hbm>> -> memref<80xi32, #tpu.memory_space<hbm>>
    tpu.wait_dma2 semaphore(%arg11 : memref<!tpu.dma_semaphore, #tpu.memory_space<semaphore_mem>>) src(%dma_wait3A_164 : memref<80xi32, #tpu.memory_space<hbm>>) dst(%dma_wait3A_163 : memref<80xi32, #tpu.memory_space<vmem>>)
    %dma_start3A_165 = arith.constant 0 : i32
    %dma_start3A_166 = arith.constant 0 : i32
    %dma_start3A_167 = arith.constant 0 : i32
    %dma_start3A_168 = arith.constant 0 : i32
    %dma_start3A_169 = tpu.memref_slice %arg9[%dma_start3A_166, %dma_start3A_167, %dma_start3A_168] : memref<4x80x128xf32, #tpu.memory_space<vmem>> -> memref<1x80x128xf32, #tpu.memory_space<vmem>>
    %dma_start3A_170 = tpu.memref_squeeze %dma_start3A_169 : memref<1x80x128xf32, #tpu.memory_space<vmem>> -> memref<80x128xf32, #tpu.memory_space<vmem>>
    %dma_start3A_171 = arith.constant 0 : i32
    %dma_start3A_172 = tpu.memref_slice %arg7[%dma_start3A_165, %dma_start3A_171] : memref<8x80xi32, #tpu.memory_space<vmem>> -> memref<1x80xi32, #tpu.memory_space<vmem>>
    %dma_start3A_173 = tpu.memref_squeeze %dma_start3A_172 : memref<1x80xi32, #tpu.memory_space<vmem>> -> memref<80xi32, #tpu.memory_space<vmem>>
    %dma_start3A_174 = arith.constant 0 : i32
    %dma_start3A_175 = arith.constant 0 : i32
    %dma_start3A_176 = tpu.memref_slice %arg2[%dma_start3A_174, %dma_start3A_175] : memref<10000x128xf32, #tpu.memory_space<hbm>> -> memref<10000x128xf32, #tpu.memory_space<hbm>>
    tpu.enqueue_indirect_dma source(%dma_start3A_176 : memref<10000x128xf32, #tpu.memory_space<hbm>>) target(%dma_start3A_170 : memref<80x128xf32, #tpu.memory_space<vmem>>) offsets(%dma_start3A_173 : memref<80xi32, #tpu.memory_space<vmem>>) semaphore(%arg12 : memref<!tpu.dma_semaphore, #tpu.memory_space<semaphore_mem>>)
    %add3A_177 = arith.constant 80 : i32
    %add3A_178 = arith.addi %mul3A_2, %add3A_177 : i32
    %dma_wait3A_179 = arith.constant 1 : i32
    %dma_wait3A_180 = arith.constant 0 : i32
    %dma_wait3A_181 = tpu.memref_slice %arg7[%dma_wait3A_179, %dma_wait3A_180] : memref<8x80xi32, #tpu.memory_space<vmem>> -> memref<1x80xi32, #tpu.memory_space<vmem>>
    %dma_wait3A_182 = tpu.memref_squeeze %dma_wait3A_181 : memref<1x80xi32, #tpu.memory_space<vmem>> -> memref<80xi32, #tpu.memory_space<vmem>>
    %dma_wait3A_183 = tpu.memref_slice %arg3[%add3A_178] : memref<320000xi32, #tpu.memory_space<hbm>> -> memref<80xi32, #tpu.memory_space<hbm>>
    %dma_wait3A_184 = arith.constant 0 : i32
    %dma_wait3A_185 = tpu.memref_slice %arg7[%dma_wait3A_179, %dma_wait3A_184] : memref<8x80xi32, #tpu.memory_space<vmem>> -> memref<1x80xi32, #tpu.memory_space<vmem>>
    %dma_wait3A_186 = tpu.memref_squeeze %dma_wait3A_185 : memref<1x80xi32, #tpu.memory_space<vmem>> -> memref<80xi32, #tpu.memory_space<vmem>>
    %dma_wait3A_187 = tpu.memref_slice %arg3[%add3A_178] : memref<320000xi32, #tpu.memory_space<hbm>> -> memref<80xi32, #tpu.memory_space<hbm>>
    tpu.wait_dma2 semaphore(%arg11 : memref<!tpu.dma_semaphore, #tpu.memory_space<semaphore_mem>>) src(%dma_wait3A_187 : memref<80xi32, #tpu.memory_space<hbm>>) dst(%dma_wait3A_186 : memref<80xi32, #tpu.memory_space<vmem>>)
    %dma_wait3A_188 = arith.constant 1 : i32
    %dma_wait3A_189 = arith.constant 0 : i32
    %dma_wait3A_190 = tpu.memref_slice %arg8[%dma_wait3A_188, %dma_wait3A_189] : memref<8x80xi32, #tpu.memory_space<vmem>> -> memref<1x80xi32, #tpu.memory_space<vmem>>
    %dma_wait3A_191 = tpu.memref_squeeze %dma_wait3A_190 : memref<1x80xi32, #tpu.memory_space<vmem>> -> memref<80xi32, #tpu.memory_space<vmem>>
    %dma_wait3A_192 = tpu.memref_slice %arg4[%add3A_178] : memref<320000xi32, #tpu.memory_space<hbm>> -> memref<80xi32, #tpu.memory_space<hbm>>
    %dma_wait3A_193 = arith.constant 0 : i32
    %dma_wait3A_194 = tpu.memref_slice %arg8[%dma_wait3A_188, %dma_wait3A_193] : memref<8x80xi32, #tpu.memory_space<vmem>> -> memref<1x80xi32, #tpu.memory_space<vmem>>
    %dma_wait3A_195 = tpu.memref_squeeze %dma_wait3A_194 : memref<1x80xi32, #tpu.memory_space<vmem>> -> memref<80xi32, #tpu.memory_space<vmem>>
    %dma_wait3A_196 = tpu.memref_slice %arg4[%add3A_178] : memref<320000xi32, #tpu.memory_space<hbm>> -> memref<80xi32, #tpu.memory_space<hbm>>
    tpu.wait_dma2 semaphore(%arg11 : memref<!tpu.dma_semaphore, #tpu.memory_space<semaphore_mem>>) src(%dma_wait3A_196 : memref<80xi32, #tpu.memory_space<hbm>>) dst(%dma_wait3A_195 : memref<80xi32, #tpu.memory_space<vmem>>)
    %dma_start3A_197 = arith.constant 1 : i32
    %dma_start3A_198 = arith.constant 1 : i32
    %dma_start3A_199 = arith.constant 0 : i32
    %dma_start3A_200 = arith.constant 0 : i32
    %dma_start3A_201 = tpu.memref_slice %arg9[%dma_start3A_198, %dma_start3A_199, %dma_start3A_200] : memref<4x80x128xf32, #tpu.memory_space<vmem>> -> memref<1x80x128xf32, #tpu.memory_space<vmem>>
    %dma_start3A_202 = tpu.memref_squeeze %dma_start3A_201 : memref<1x80x128xf32, #tpu.memory_space<vmem>> -> memref<80x128xf32, #tpu.memory_space<vmem>>
    %dma_start3A_203 = arith.constant 0 : i32
    %dma_start3A_204 = tpu.memref_slice %arg7[%dma_start3A_197, %dma_start3A_203] : memref<8x80xi32, #tpu.memory_space<vmem>> -> memref<1x80xi32, #tpu.memory_space<vmem>>
    %dma_start3A_205 = tpu.memref_squeeze %dma_start3A_204 : memref<1x80xi32, #tpu.memory_space<vmem>> -> memref<80xi32, #tpu.memory_space<vmem>>
    %dma_start3A_206 = arith.constant 0 : i32
    %dma_start3A_207 = arith.constant 0 : i32
    %dma_start3A_208 = tpu.memref_slice %arg2[%dma_start3A_206, %dma_start3A_207] : memref<10000x128xf32, #tpu.memory_space<hbm>> -> memref<10000x128xf32, #tpu.memory_space<hbm>>
    tpu.enqueue_indirect_dma source(%dma_start3A_208 : memref<10000x128xf32, #tpu.memory_space<hbm>>) target(%dma_start3A_202 : memref<80x128xf32, #tpu.memory_space<vmem>>) offsets(%dma_start3A_205 : memref<80xi32, #tpu.memory_space<vmem>>) semaphore(%arg12 : memref<!tpu.dma_semaphore, #tpu.memory_space<semaphore_mem>>)
    %add3A_209 = arith.constant 160 : i32
    %add3A_210 = arith.addi %mul3A_2, %add3A_209 : i32
    %dma_wait3A_211 = arith.constant 2 : i32
    %dma_wait3A_212 = arith.constant 0 : i32
    %dma_wait3A_213 = tpu.memref_slice %arg7[%dma_wait3A_211, %dma_wait3A_212] : memref<8x80xi32, #tpu.memory_space<vmem>> -> memref<1x80xi32, #tpu.memory_space<vmem>>
    %dma_wait3A_214 = tpu.memref_squeeze %dma_wait3A_213 : memref<1x80xi32, #tpu.memory_space<vmem>> -> memref<80xi32, #tpu.memory_space<vmem>>
    %dma_wait3A_215 = tpu.memref_slice %arg3[%add3A_210] : memref<320000xi32, #tpu.memory_space<hbm>> -> memref<80xi32, #tpu.memory_space<hbm>>
    %dma_wait3A_216 = arith.constant 0 : i32
    %dma_wait3A_217 = tpu.memref_slice %arg7[%dma_wait3A_211, %dma_wait3A_216] : memref<8x80xi32, #tpu.memory_space<vmem>> -> memref<1x80xi32, #tpu.memory_space<vmem>>
    %dma_wait3A_218 = tpu.memref_squeeze %dma_wait3A_217 : memref<1x80xi32, #tpu.memory_space<vmem>> -> memref<80xi32, #tpu.memory_space<vmem>>
    %dma_wait3A_219 = tpu.memref_slice %arg3[%add3A_210] : memref<320000xi32, #tpu.memory_space<hbm>> -> memref<80xi32, #tpu.memory_space<hbm>>
    tpu.wait_dma2 semaphore(%arg11 : memref<!tpu.dma_semaphore, #tpu.memory_space<semaphore_mem>>) src(%dma_wait3A_219 : memref<80xi32, #tpu.memory_space<hbm>>) dst(%dma_wait3A_218 : memref<80xi32, #tpu.memory_space<vmem>>)
    %dma_wait3A_220 = arith.constant 2 : i32
    %dma_wait3A_221 = arith.constant 0 : i32
    %dma_wait3A_222 = tpu.memref_slice %arg8[%dma_wait3A_220, %dma_wait3A_221] : memref<8x80xi32, #tpu.memory_space<vmem>> -> memref<1x80xi32, #tpu.memory_space<vmem>>
    %dma_wait3A_223 = tpu.memref_squeeze %dma_wait3A_222 : memref<1x80xi32, #tpu.memory_space<vmem>> -> memref<80xi32, #tpu.memory_space<vmem>>
    %dma_wait3A_224 = tpu.memref_slice %arg4[%add3A_210] : memref<320000xi32, #tpu.memory_space<hbm>> -> memref<80xi32, #tpu.memory_space<hbm>>
    %dma_wait3A_225 = arith.constant 0 : i32
    %dma_wait3A_226 = tpu.memref_slice %arg8[%dma_wait3A_220, %dma_wait3A_225] : memref<8x80xi32, #tpu.memory_space<vmem>> -> memref<1x80xi32, #tpu.memory_space<vmem>>
    %dma_wait3A_227 = tpu.memref_squeeze %dma_wait3A_226 : memref<1x80xi32, #tpu.memory_space<vmem>> -> memref<80xi32, #tpu.memory_space<vmem>>
    %dma_wait3A_228 = tpu.memref_slice %arg4[%add3A_210] : memref<320000xi32, #tpu.memory_space<hbm>> -> memref<80xi32, #tpu.memory_space<hbm>>
    tpu.wait_dma2 semaphore(%arg11 : memref<!tpu.dma_semaphore, #tpu.memory_space<semaphore_mem>>) src(%dma_wait3A_228 : memref<80xi32, #tpu.memory_space<hbm>>) dst(%dma_wait3A_227 : memref<80xi32, #tpu.memory_space<vmem>>)
    %dma_start3A_229 = arith.constant 2 : i32
    %dma_start3A_230 = arith.constant 2 : i32
    %dma_start3A_231 = arith.constant 0 : i32
    %dma_start3A_232 = arith.constant 0 : i32
    %dma_start3A_233 = tpu.memref_slice %arg9[%dma_start3A_230, %dma_start3A_231, %dma_start3A_232] : memref<4x80x128xf32, #tpu.memory_space<vmem>> -> memref<1x80x128xf32, #tpu.memory_space<vmem>>
    %dma_start3A_234 = tpu.memref_squeeze %dma_start3A_233 : memref<1x80x128xf32, #tpu.memory_space<vmem>> -> memref<80x128xf32, #tpu.memory_space<vmem>>
    %dma_start3A_235 = arith.constant 0 : i32
    %dma_start3A_236 = tpu.memref_slice %arg7[%dma_start3A_229, %dma_start3A_235] : memref<8x80xi32, #tpu.memory_space<vmem>> -> memref<1x80xi32, #tpu.memory_space<vmem>>
    %dma_start3A_237 = tpu.memref_squeeze %dma_start3A_236 : memref<1x80xi32, #tpu.memory_space<vmem>> -> memref<80xi32, #tpu.memory_space<vmem>>
    %dma_start3A_238 = arith.constant 0 : i32
    %dma_start3A_239 = arith.constant 0 : i32
    %dma_start3A_240 = tpu.memref_slice %arg2[%dma_start3A_238, %dma_start3A_239] : memref<10000x128xf32, #tpu.memory_space<hbm>> -> memref<10000x128xf32, #tpu.memory_space<hbm>>
    tpu.enqueue_indirect_dma source(%dma_start3A_240 : memref<10000x128xf32, #tpu.memory_space<hbm>>) target(%dma_start3A_234 : memref<80x128xf32, #tpu.memory_space<vmem>>) offsets(%dma_start3A_237 : memref<80xi32, #tpu.memory_space<vmem>>) semaphore(%arg12 : memref<!tpu.dma_semaphore, #tpu.memory_space<semaphore_mem>>)
    %scan3A_241 = arith.constant 0 : i32
    %scan3A_242 = arith.constant 0 : i32
    %scan3A_243 = arith.constant 125 : i32
    %scan3A_244 = arith.addi %scan3A_242, %scan3A_243 : i32
    %scan3A_245 = arith.constant 1 : i32
    scf.for %scan3A_267 = %scan3A_242 to %scan3A_244 step %scan3A_245  : i32 {
      %rem3A = arith.constant 4 : i32
      %rem3A_268 = arith.remsi %scan3A_267, %rem3A : i32
      %rem3A_269 = arith.constant 8 : i32
      %rem3A_270 = arith.remsi %scan3A_267, %rem3A_269 : i32
      %dma_wait3A_271 = arith.constant 0 : i32
      %dma_wait3A_272 = arith.constant 0 : i32
      %dma_wait3A_273 = tpu.memref_slice %arg9[%rem3A_268, %dma_wait3A_271, %dma_wait3A_272] : memref<4x80x128xf32, #tpu.memory_space<vmem>> -> memref<1x80x128xf32, #tpu.memory_space<vmem>>
      %dma_wait3A_274 = tpu.memref_squeeze %dma_wait3A_273 : memref<1x80x128xf32, #tpu.memory_space<vmem>> -> memref<80x128xf32, #tpu.memory_space<vmem>>
      %dma_wait3A_275 = arith.constant 0 : i32
      %dma_wait3A_276 = tpu.memref_slice %arg7[%rem3A_270, %dma_wait3A_275] : memref<8x80xi32, #tpu.memory_space<vmem>> -> memref<1x80xi32, #tpu.memory_space<vmem>>
      %dma_wait3A_277 = tpu.memref_squeeze %dma_wait3A_276 : memref<1x80xi32, #tpu.memory_space<vmem>> -> memref<80xi32, #tpu.memory_space<vmem>>
      %dma_wait3A_278 = arith.constant 0 : i32
      %dma_wait3A_279 = arith.constant 0 : i32
      %dma_wait3A_280 = tpu.memref_slice %arg2[%dma_wait3A_278, %dma_wait3A_279] : memref<10000x128xf32, #tpu.memory_space<hbm>> -> memref<10000x128xf32, #tpu.memory_space<hbm>>
      tpu.wait_indirect_dma semaphore(%arg12 : memref<!tpu.dma_semaphore, #tpu.memory_space<semaphore_mem>>) src(%dma_wait3A_280 : memref<10000x128xf32, #tpu.memory_space<hbm>>) dst(%dma_wait3A_274 : memref<80x128xf32, #tpu.memory_space<vmem>>)
      %dma_start3A_281 = arith.constant 0 : i32
      %dma_start3A_282 = arith.constant 0 : i32
      %dma_start3A_283 = tpu.memref_slice %arg9[%rem3A_268, %dma_start3A_281, %dma_start3A_282] : memref<4x80x128xf32, #tpu.memory_space<vmem>> -> memref<1x80x128xf32, #tpu.memory_space<vmem>>
      %dma_start3A_284 = tpu.memref_squeeze %dma_start3A_283 : memref<1x80x128xf32, #tpu.memory_space<vmem>> -> memref<80x128xf32, #tpu.memory_space<vmem>>
      %dma_start3A_285 = arith.constant 0 : i32
      %dma_start3A_286 = tpu.memref_slice %arg8[%rem3A_270, %dma_start3A_285] : memref<8x80xi32, #tpu.memory_space<vmem>> -> memref<1x80xi32, #tpu.memory_space<vmem>>
      %dma_start3A_287 = tpu.memref_squeeze %dma_start3A_286 : memref<1x80xi32, #tpu.memory_space<vmem>> -> memref<80xi32, #tpu.memory_space<vmem>>
      %dma_start3A_288 = arith.constant 0 : i32
      %dma_start3A_289 = arith.constant 0 : i32
      %dma_start3A_290 = tpu.memref_slice %arg6[%dma_start3A_288, %dma_start3A_289] : memref<10000x128xf32, #tpu.memory_space<vmem_shared>> -> memref<10000x128xf32, #tpu.memory_space<vmem_shared>>
      tpu.enqueue_indirect_dma source(%dma_start3A_284 : memref<80x128xf32, #tpu.memory_space<vmem>>) target(%dma_start3A_290 : memref<10000x128xf32, #tpu.memory_space<vmem_shared>>) offsets(%dma_start3A_287 : memref<80xi32, #tpu.memory_space<vmem>>) semaphore(%arg13 : memref<!tpu.dma_semaphore, #tpu.memory_space<semaphore_mem>>) {add = true}
      %ge3A = arith.constant 1 : i32
      %ge3A_291 = arith.cmpi sge, %scan3A_267, %ge3A : i32
      %convert_element_type3A_292 = arith.extui %ge3A_291 : i1 to i32
      %cond3A_293 = arith.constant 0 : i32
      %cond3A_294 = arith.cmpi ne, %convert_element_type3A_292, %cond3A_293 : i32
      scf.if %cond3A_294 {
        %sub3A = arith.constant 1 : i32
        %sub3A_308 = arith.subi %scan3A_267, %sub3A : i32
        %rem3A_309 = arith.constant 4 : i32
        %rem3A_310 = arith.remsi %sub3A_308, %rem3A_309 : i32
        %rem3A_311 = arith.constant 8 : i32
        %rem3A_312 = arith.remsi %sub3A_308, %rem3A_311 : i32
        %dma_wait3A_313 = arith.constant 0 : i32
        %dma_wait3A_314 = arith.constant 0 : i32
        %dma_wait3A_315 = tpu.memref_slice %arg9[%rem3A_310, %dma_wait3A_313, %dma_wait3A_314] : memref<4x80x128xf32, #tpu.memory_space<vmem>> -> memref<1x80x128xf32, #tpu.memory_space<vmem>>
        %dma_wait3A_316 = tpu.memref_squeeze %dma_wait3A_315 : memref<1x80x128xf32, #tpu.memory_space<vmem>> -> memref<80x128xf32, #tpu.memory_space<vmem>>
        %dma_wait3A_317 = arith.constant 0 : i32
        %dma_wait3A_318 = tpu.memref_slice %arg8[%rem3A_312, %dma_wait3A_317] : memref<8x80xi32, #tpu.memory_space<vmem>> -> memref<1x80xi32, #tpu.memory_space<vmem>>
        %dma_wait3A_319 = tpu.memref_squeeze %dma_wait3A_318 : memref<1x80xi32, #tpu.memory_space<vmem>> -> memref<80xi32, #tpu.memory_space<vmem>>
        %dma_wait3A_320 = arith.constant 0 : i32
        %dma_wait3A_321 = arith.constant 0 : i32
        %dma_wait3A_322 = tpu.memref_slice %arg6[%dma_wait3A_320, %dma_wait3A_321] : memref<10000x128xf32, #tpu.memory_space<vmem_shared>> -> memref<10000x128xf32, #tpu.memory_space<vmem_shared>>
        tpu.wait_indirect_dma semaphore(%arg13 : memref<!tpu.dma_semaphore, #tpu.memory_space<semaphore_mem>>) src(%dma_wait3A_316 : memref<80x128xf32, #tpu.memory_space<vmem>>) dst(%dma_wait3A_322 : memref<10000x128xf32, #tpu.memory_space<vmem_shared>>)
      } else {
      }
      %add3A_295 = arith.constant 3 : i32
      %add3A_296 = arith.addi %scan3A_267, %add3A_295 : i32
      %lt3A = arith.constant 125 : i32
      %lt3A_297 = arith.cmpi slt, %add3A_296, %lt3A : i32
      %convert_element_type3A_298 = arith.extui %lt3A_297 : i1 to i32
      %cond3A_299 = arith.constant 0 : i32
      %cond3A_300 = arith.cmpi ne, %convert_element_type3A_298, %cond3A_299 : i32
      scf.if %cond3A_300 {
        %add3A_308 = arith.constant 3 : i32
        %add3A_309 = arith.addi %scan3A_267, %add3A_308 : i32
        %rem3A_310 = arith.constant 8 : i32
        %rem3A_311 = arith.remsi %add3A_309, %rem3A_310 : i32
        %mul3A_312 = arith.constant 80 : i32
        %mul3A_313 = arith.muli %add3A_309, %mul3A_312 : i32
        %add3A_314 = arith.addi %mul3A_2, %mul3A_313 : i32
        %dma_wait3A_315 = arith.constant 0 : i32
        %dma_wait3A_316 = tpu.memref_slice %arg7[%rem3A_311, %dma_wait3A_315] : memref<8x80xi32, #tpu.memory_space<vmem>> -> memref<1x80xi32, #tpu.memory_space<vmem>>
        %dma_wait3A_317 = tpu.memref_squeeze %dma_wait3A_316 : memref<1x80xi32, #tpu.memory_space<vmem>> -> memref<80xi32, #tpu.memory_space<vmem>>
        %dma_wait3A_318 = tpu.memref_slice %arg3[%add3A_314] : memref<320000xi32, #tpu.memory_space<hbm>> -> memref<80xi32, #tpu.memory_space<hbm>>
        %dma_wait3A_319 = arith.constant 0 : i32
        %dma_wait3A_320 = tpu.memref_slice %arg7[%rem3A_311, %dma_wait3A_319] : memref<8x80xi32, #tpu.memory_space<vmem>> -> memref<1x80xi32, #tpu.memory_space<vmem>>
        %dma_wait3A_321 = tpu.memref_squeeze %dma_wait3A_320 : memref<1x80xi32, #tpu.memory_space<vmem>> -> memref<80xi32, #tpu.memory_space<vmem>>
        %dma_wait3A_322 = tpu.memref_slice %arg3[%add3A_314] : memref<320000xi32, #tpu.memory_space<hbm>> -> memref<80xi32, #tpu.memory_space<hbm>>
        tpu.wait_dma2 semaphore(%arg11 : memref<!tpu.dma_semaphore, #tpu.memory_space<semaphore_mem>>) src(%dma_wait3A_322 : memref<80xi32, #tpu.memory_space<hbm>>) dst(%dma_wait3A_321 : memref<80xi32, #tpu.memory_space<vmem>>)
        %dma_wait3A_323 = arith.constant 0 : i32
        %dma_wait3A_324 = tpu.memref_slice %arg8[%rem3A_311, %dma_wait3A_323] : memref<8x80xi32, #tpu.memory_space<vmem>> -> memref<1x80xi32, #tpu.memory_space<vmem>>
        %dma_wait3A_325 = tpu.memref_squeeze %dma_wait3A_324 : memref<1x80xi32, #tpu.memory_space<vmem>> -> memref<80xi32, #tpu.memory_space<vmem>>
        %dma_wait3A_326 = tpu.memref_slice %arg4[%add3A_314] : memref<320000xi32, #tpu.memory_space<hbm>> -> memref<80xi32, #tpu.memory_space<hbm>>
        %dma_wait3A_327 = arith.constant 0 : i32
        %dma_wait3A_328 = tpu.memref_slice %arg8[%rem3A_311, %dma_wait3A_327] : memref<8x80xi32, #tpu.memory_space<vmem>> -> memref<1x80xi32, #tpu.memory_space<vmem>>
        %dma_wait3A_329 = tpu.memref_squeeze %dma_wait3A_328 : memref<1x80xi32, #tpu.memory_space<vmem>> -> memref<80xi32, #tpu.memory_space<vmem>>
        %dma_wait3A_330 = tpu.memref_slice %arg4[%add3A_314] : memref<320000xi32, #tpu.memory_space<hbm>> -> memref<80xi32, #tpu.memory_space<hbm>>
        tpu.wait_dma2 semaphore(%arg11 : memref<!tpu.dma_semaphore, #tpu.memory_space<semaphore_mem>>) src(%dma_wait3A_330 : memref<80xi32, #tpu.memory_space<hbm>>) dst(%dma_wait3A_329 : memref<80xi32, #tpu.memory_space<vmem>>)
        %rem3A_331 = arith.constant 4 : i32
        %rem3A_332 = arith.remsi %add3A_309, %rem3A_331 : i32
        %dma_start3A_333 = arith.constant 0 : i32
        %dma_start3A_334 = arith.constant 0 : i32
        %dma_start3A_335 = tpu.memref_slice %arg9[%rem3A_332, %dma_start3A_333, %dma_start3A_334] : memref<4x80x128xf32, #tpu.memory_space<vmem>> -> memref<1x80x128xf32, #tpu.memory_space<vmem>>
        %dma_start3A_336 = tpu.memref_squeeze %dma_start3A_335 : memref<1x80x128xf32, #tpu.memory_space<vmem>> -> memref<80x128xf32, #tpu.memory_space<vmem>>
        %dma_start3A_337 = arith.constant 0 : i32
        %dma_start3A_338 = tpu.memref_slice %arg7[%rem3A_311, %dma_start3A_337] : memref<8x80xi32, #tpu.memory_space<vmem>> -> memref<1x80xi32, #tpu.memory_space<vmem>>
        %dma_start3A_339 = tpu.memref_squeeze %dma_start3A_338 : memref<1x80xi32, #tpu.memory_space<vmem>> -> memref<80xi32, #tpu.memory_space<vmem>>
        %dma_start3A_340 = arith.constant 0 : i32
        %dma_start3A_341 = arith.constant 0 : i32
        %dma_start3A_342 = tpu.memref_slice %arg2[%dma_start3A_340, %dma_start3A_341] : memref<10000x128xf32, #tpu.memory_space<hbm>> -> memref<10000x128xf32, #tpu.memory_space<hbm>>
        tpu.enqueue_indirect_dma source(%dma_start3A_342 : memref<10000x128xf32, #tpu.memory_space<hbm>>) target(%dma_start3A_336 : memref<80x128xf32, #tpu.memory_space<vmem>>) offsets(%dma_start3A_339 : memref<80xi32, #tpu.memory_space<vmem>>) semaphore(%arg12 : memref<!tpu.dma_semaphore, #tpu.memory_space<semaphore_mem>>)
      } else {
      }
      %add3A_301 = arith.constant 6 : i32
      %add3A_302 = arith.addi %scan3A_267, %add3A_301 : i32
      %lt3A_303 = arith.constant 125 : i32
      %lt3A_304 = arith.cmpi slt, %add3A_302, %lt3A_303 : i32
      %convert_element_type3A_305 = arith.extui %lt3A_304 : i1 to i32
      %cond3A_306 = arith.constant 0 : i32
      %cond3A_307 = arith.cmpi ne, %convert_element_type3A_305, %cond3A_306 : i32
      scf.if %cond3A_307 {
        %add3A_308 = arith.constant 6 : i32
        %add3A_309 = arith.addi %scan3A_267, %add3A_308 : i32
        %rem3A_310 = arith.constant 8 : i32
        %rem3A_311 = arith.remsi %add3A_309, %rem3A_310 : i32
        %mul3A_312 = arith.constant 80 : i32
        %mul3A_313 = arith.muli %add3A_309, %mul3A_312 : i32
        %add3A_314 = arith.addi %mul3A_2, %mul3A_313 : i32
        %dma_start3A_315 = arith.constant 0 : i32
        %dma_start3A_316 = tpu.memref_slice %arg7[%rem3A_311, %dma_start3A_315] : memref<8x80xi32, #tpu.memory_space<vmem>> -> memref<1x80xi32, #tpu.memory_space<vmem>>
        %dma_start3A_317 = tpu.memref_squeeze %dma_start3A_316 : memref<1x80xi32, #tpu.memory_space<vmem>> -> memref<80xi32, #tpu.memory_space<vmem>>
        %dma_start3A_318 = tpu.memref_slice %arg3[%add3A_314] : memref<320000xi32, #tpu.memory_space<hbm>> -> memref<80xi32, #tpu.memory_space<hbm>>
        %dma_start3A_319 = arith.constant 0 : i32
        %dma_start3A_320 = tpu.memref_slice %arg7[%rem3A_311, %dma_start3A_319] : memref<8x80xi32, #tpu.memory_space<vmem>> -> memref<1x80xi32, #tpu.memory_space<vmem>>
        %dma_start3A_321 = tpu.memref_squeeze %dma_start3A_320 : memref<1x80xi32, #tpu.memory_space<vmem>> -> memref<80xi32, #tpu.memory_space<vmem>>
        %dma_start3A_322 = tpu.memref_slice %arg3[%add3A_314] : memref<320000xi32, #tpu.memory_space<hbm>> -> memref<80xi32, #tpu.memory_space<hbm>>
        tpu.enqueue_dma source(%dma_start3A_322 : memref<80xi32, #tpu.memory_space<hbm>>) target(%dma_start3A_321 : memref<80xi32, #tpu.memory_space<vmem>>) target_semaphore(%arg11 : memref<!tpu.dma_semaphore, #tpu.memory_space<semaphore_mem>>)
        %dma_start3A_323 = arith.constant 0 : i32
        %dma_start3A_324 = tpu.memref_slice %arg8[%rem3A_311, %dma_start3A_323] : memref<8x80xi32, #tpu.memory_space<vmem>> -> memref<1x80xi32, #tpu.memory_space<vmem>>
        %dma_start3A_325 = tpu.memref_squeeze %dma_start3A_324 : memref<1x80xi32, #tpu.memory_space<vmem>> -> memref<80xi32, #tpu.memory_space<vmem>>
        %dma_start3A_326 = tpu.memref_slice %arg4[%add3A_314] : memref<320000xi32, #tpu.memory_space<hbm>> -> memref<80xi32, #tpu.memory_space<hbm>>
        %dma_start3A_327 = arith.constant 0 : i32
        %dma_start3A_328 = tpu.memref_slice %arg8[%rem3A_311, %dma_start3A_327] : memref<8x80xi32, #tpu.memory_space<vmem>> -> memref<1x80xi32, #tpu.memory_space<vmem>>
        %dma_start3A_329 = tpu.memref_squeeze %dma_start3A_328 : memref<1x80xi32, #tpu.memory_space<vmem>> -> memref<80xi32, #tpu.memory_space<vmem>>
        %dma_start3A_330 = tpu.memref_slice %arg4[%add3A_314] : memref<320000xi32, #tpu.memory_space<hbm>> -> memref<80xi32, #tpu.memory_space<hbm>>
        tpu.enqueue_dma source(%dma_start3A_330 : memref<80xi32, #tpu.memory_space<hbm>>) target(%dma_start3A_329 : memref<80xi32, #tpu.memory_space<vmem>>) target_semaphore(%arg11 : memref<!tpu.dma_semaphore, #tpu.memory_space<semaphore_mem>>)
      } else {
      }
    }
    %scan3A_246 = arith.constant 125 : i32
    %dma_wait3A_247 = arith.constant 0 : i32
    %dma_wait3A_248 = arith.constant 4 : i32
    %dma_wait3A_249 = arith.constant 0 : i32
    %dma_wait3A_250 = arith.constant 0 : i32
    %dma_wait3A_251 = tpu.memref_slice %arg9[%dma_wait3A_247, %dma_wait3A_249, %dma_wait3A_250] : memref<4x80x128xf32, #tpu.memory_space<vmem>> -> memref<1x80x128xf32, #tpu.memory_space<vmem>>
    %dma_wait3A_252 = tpu.memref_squeeze %dma_wait3A_251 : memref<1x80x128xf32, #tpu.memory_space<vmem>> -> memref<80x128xf32, #tpu.memory_space<vmem>>
    %dma_wait3A_253 = arith.constant 0 : i32
    %dma_wait3A_254 = tpu.memref_slice %arg8[%dma_wait3A_248, %dma_wait3A_253] : memref<8x80xi32, #tpu.memory_space<vmem>> -> memref<1x80xi32, #tpu.memory_space<vmem>>
    %dma_wait3A_255 = tpu.memref_squeeze %dma_wait3A_254 : memref<1x80xi32, #tpu.memory_space<vmem>> -> memref<80xi32, #tpu.memory_space<vmem>>
    %dma_wait3A_256 = arith.constant 0 : i32
    %dma_wait3A_257 = arith.constant 0 : i32
    %dma_wait3A_258 = tpu.memref_slice %arg6[%dma_wait3A_256, %dma_wait3A_257] : memref<10000x128xf32, #tpu.memory_space<vmem_shared>> -> memref<10000x128xf32, #tpu.memory_space<vmem_shared>>
    tpu.wait_indirect_dma semaphore(%arg13 : memref<!tpu.dma_semaphore, #tpu.memory_space<semaphore_mem>>) src(%dma_wait3A_252 : memref<80x128xf32, #tpu.memory_space<vmem>>) dst(%dma_wait3A_258 : memref<10000x128xf32, #tpu.memory_space<vmem_shared>>)
    %barrier3A_259 = arith.constant 0 : index
    tpu.barrier barrier_id(%barrier3A_259)
    %mul3A_260 = arith.constant 624 : i32
    %mul3A_261 = arith.muli %arg1, %mul3A_260 : i32
    "tpu.region"() ({
      %run_scoped3A = tpu.sem_alloc : memref<!tpu.dma_semaphore, #tpu.memory_space<semaphore_mem>>
      %dma_start3A_267 = arith.constant 0 : i32
      %dma_start3A_268 = tpu.memref_slice %arg5[%arg0, %mul3A_261, %dma_start3A_267] : memref<2x10000x128xf32, #tpu.memory_space<hbm>> -> memref<1x624x128xf32, #tpu.memory_space<hbm>>
      %dma_start3A_269 = tpu.memref_squeeze %dma_start3A_268 : memref<1x624x128xf32, #tpu.memory_space<hbm>> -> memref<624x128xf32, #tpu.memory_space<hbm>>
      %dma_start3A_270 = arith.constant 0 : i32
      %dma_start3A_271 = tpu.memref_slice %arg6[%mul3A_261, %dma_start3A_270] : memref<10000x128xf32, #tpu.memory_space<vmem_shared>> -> memref<624x128xf32, #tpu.memory_space<vmem_shared>>
      tpu.enqueue_dma source(%dma_start3A_271 : memref<624x128xf32, #tpu.memory_space<vmem_shared>>) target(%dma_start3A_269 : memref<624x128xf32, #tpu.memory_space<hbm>>) target_semaphore(%run_scoped3A : memref<!tpu.dma_semaphore, #tpu.memory_space<semaphore_mem>>)
      %dma_wait3A_272 = arith.constant 0 : i32
      %dma_wait3A_273 = tpu.memref_slice %arg5[%arg0, %mul3A_261, %dma_wait3A_272] : memref<2x10000x128xf32, #tpu.memory_space<hbm>> -> memref<1x624x128xf32, #tpu.memory_space<hbm>>
      %dma_wait3A_274 = tpu.memref_squeeze %dma_wait3A_273 : memref<1x624x128xf32, #tpu.memory_space<hbm>> -> memref<624x128xf32, #tpu.memory_space<hbm>>
      %dma_wait3A_275 = arith.constant 0 : i32
      %dma_wait3A_276 = tpu.memref_slice %arg6[%mul3A_261, %dma_wait3A_275] : memref<10000x128xf32, #tpu.memory_space<vmem_shared>> -> memref<624x128xf32, #tpu.memory_space<vmem_shared>>
      tpu.wait_dma2 semaphore(%run_scoped3A : memref<!tpu.dma_semaphore, #tpu.memory_space<semaphore_mem>>) src(%dma_wait3A_276 : memref<624x128xf32, #tpu.memory_space<vmem_shared>>) dst(%dma_wait3A_274 : memref<624x128xf32, #tpu.memory_space<hbm>>)
      tpu.yield
    }) : () -> ()
    %eq3A_262 = arith.constant 15 : i32
    %eq3A_263 = arith.cmpi eq, %arg1, %eq3A_262 : i32
    %convert_element_type3A_264 = arith.extui %eq3A_263 : i1 to i32
    %cond3A_265 = arith.constant 0 : i32
    %cond3A_266 = arith.cmpi ne, %convert_element_type3A_264, %cond3A_265 : i32
    scf.if %cond3A_266 {
      "tpu.region"() ({
        %run_scoped3A = tpu.sem_alloc : memref<!tpu.dma_semaphore, #tpu.memory_space<semaphore_mem>>
        %dma_start3A_267 = arith.constant 9984 : i32
        %dma_start3A_268 = arith.constant 0 : i32
        %dma_start3A_269 = tpu.memref_slice %arg5[%arg0, %dma_start3A_267, %dma_start3A_268] : memref<2x10000x128xf32, #tpu.memory_space<hbm>> -> memref<1x16x128xf32, #tpu.memory_space<hbm>>
        %dma_start3A_270 = tpu.memref_squeeze %dma_start3A_269 : memref<1x16x128xf32, #tpu.memory_space<hbm>> -> memref<16x128xf32, #tpu.memory_space<hbm>>
        %dma_start3A_271 = arith.constant 9984 : i32
        %dma_start3A_272 = arith.constant 0 : i32
        %dma_start3A_273 = tpu.memref_slice %arg6[%dma_start3A_271, %dma_start3A_272] : memref<10000x128xf32, #tpu.memory_space<vmem_shared>> -> memref<16x128xf32, #tpu.memory_space<vmem_shared>>
        tpu.enqueue_dma source(%dma_start3A_273 : memref<16x128xf32, #tpu.memory_space<vmem_shared>>) target(%dma_start3A_270 : memref<16x128xf32, #tpu.memory_space<hbm>>) target_semaphore(%run_scoped3A : memref<!tpu.dma_semaphore, #tpu.memory_space<semaphore_mem>>)
        %dma_wait3A_274 = arith.constant 9984 : i32
        %dma_wait3A_275 = arith.constant 0 : i32
        %dma_wait3A_276 = tpu.memref_slice %arg5[%arg0, %dma_wait3A_274, %dma_wait3A_275] : memref<2x10000x128xf32, #tpu.memory_space<hbm>> -> memref<1x16x128xf32, #tpu.memory_space<hbm>>
        %dma_wait3A_277 = tpu.memref_squeeze %dma_wait3A_276 : memref<1x16x128xf32, #tpu.memory_space<hbm>> -> memref<16x128xf32, #tpu.memory_space<hbm>>
        %dma_wait3A_278 = arith.constant 9984 : i32
        %dma_wait3A_279 = arith.constant 0 : i32
        %dma_wait3A_280 = tpu.memref_slice %arg6[%dma_wait3A_278, %dma_wait3A_279] : memref<10000x128xf32, #tpu.memory_space<vmem_shared>> -> memref<16x128xf32, #tpu.memory_space<vmem_shared>>
        tpu.wait_dma2 semaphore(%run_scoped3A : memref<!tpu.dma_semaphore, #tpu.memory_space<semaphore_mem>>) src(%dma_wait3A_280 : memref<16x128xf32, #tpu.memory_space<vmem_shared>>) dst(%dma_wait3A_277 : memref<16x128xf32, #tpu.memory_space<hbm>>)
        tpu.yield
      }) : () -> ()
    } else {
    }
    return
  }
}

#map = affine_map<(d0, d1) -> (0, 0)>
#map1 = affine_map<(d0, d1) -> (0)>
#map2 = affine_map<(d0, d1) -> (0, 0, 0)>
module attributes {stable_mosaic.version = 14 : i64} {
  func.func @_sc_agg(%arg0: i32, %arg1: i32, %arg2: memref<10000x128xf32, #tpu.memory_space<hbm>>, %arg3: memref<320000xi32, #tpu.memory_space<hbm>>, %arg4: memref<320000xi32, #tpu.memory_space<hbm>>, %arg5: memref<2x10000x128xf32, #tpu.memory_space<hbm>>, %arg6: memref<10000x128xf32, #tpu.memory_space<vmem_shared>>, %arg7: memref<8x80xi32, #tpu.memory_space<vmem>>, %arg8: memref<8x80xi32, #tpu.memory_space<vmem>>, %arg9: memref<4x80x128xf32, #tpu.memory_space<vmem>>, %arg10: memref<48x128xf32, #tpu.memory_space<vmem>>, %arg11: memref<!tpu.dma_semaphore, #tpu.memory_space<semaphore_mem>>, %arg12: memref<!tpu.dma_semaphore, #tpu.memory_space<semaphore_mem>>, %arg13: memref<!tpu.dma_semaphore, #tpu.memory_space<semaphore_mem>>) attributes {dimension_semantics = [#tpu.dimension_semantics<core_parallel>, #tpu.dimension_semantics<subcore_parallel>], iteration_bounds = array<i64: 2, 16>, scalar_prefetch = 0 : i64, scratch_operands = 8 : i64, tpu.core_type = #tpu.core_type<sc_vector_subcore>, window_params = [{transform_indices = #map}, {transform_indices = #map1}, {transform_indices = #map1}, {transform_indices = #map2}]} {
    %mul3A = arith.constant 16 : i32
    %mul3A_0 = arith.muli %arg0, %mul3A : i32
    %add3A = arith.addi %mul3A_0, %arg1 : i32
    %mul3A_1 = arith.constant 10000 : i32
    %mul3A_2 = arith.muli %add3A, %mul3A_1 : i32
    %add3A_3 = arith.constant 0 : i32
    %add3A_4 = arith.addi %mul3A_2, %add3A_3 : i32
    %dma_start3A = arith.constant 0 : i32
    %dma_start3A_5 = arith.constant 0 : i32
    %dma_start3A_6 = tpu.memref_slice %arg7[%dma_start3A, %dma_start3A_5] : memref<8x80xi32, #tpu.memory_space<vmem>> -> memref<1x80xi32, #tpu.memory_space<vmem>>
    %dma_start3A_7 = tpu.memref_squeeze %dma_start3A_6 : memref<1x80xi32, #tpu.memory_space<vmem>> -> memref<80xi32, #tpu.memory_space<vmem>>
    %dma_start3A_8 = tpu.memref_slice %arg3[%add3A_4] : memref<320000xi32, #tpu.memory_space<hbm>> -> memref<80xi32, #tpu.memory_space<hbm>>
    %dma_start3A_9 = arith.constant 0 : i32
    %dma_start3A_10 = tpu.memref_slice %arg7[%dma_start3A, %dma_start3A_9] : memref<8x80xi32, #tpu.memory_space<vmem>> -> memref<1x80xi32, #tpu.memory_space<vmem>>
    %dma_start3A_11 = tpu.memref_squeeze %dma_start3A_10 : memref<1x80xi32, #tpu.memory_space<vmem>> -> memref<80xi32, #tpu.memory_space<vmem>>
    %dma_start3A_12 = tpu.memref_slice %arg3[%add3A_4] : memref<320000xi32, #tpu.memory_space<hbm>> -> memref<80xi32, #tpu.memory_space<hbm>>
    tpu.enqueue_dma source(%dma_start3A_12 : memref<80xi32, #tpu.memory_space<hbm>>) target(%dma_start3A_11 : memref<80xi32, #tpu.memory_space<vmem>>) target_semaphore(%arg11 : memref<!tpu.dma_semaphore, #tpu.memory_space<semaphore_mem>>)
    %dma_start3A_13 = arith.constant 0 : i32
    %dma_start3A_14 = arith.constant 0 : i32
    %dma_start3A_15 = tpu.memref_slice %arg8[%dma_start3A_13, %dma_start3A_14] : memref<8x80xi32, #tpu.memory_space<vmem>> -> memref<1x80xi32, #tpu.memory_space<vmem>>
    %dma_start3A_16 = tpu.memref_squeeze %dma_start3A_15 : memref<1x80xi32, #tpu.memory_space<vmem>> -> memref<80xi32, #tpu.memory_space<vmem>>
    %dma_start3A_17 = tpu.memref_slice %arg4[%add3A_4] : memref<320000xi32, #tpu.memory_space<hbm>> -> memref<80xi32, #tpu.memory_space<hbm>>
    %dma_start3A_18 = arith.constant 0 : i32
    %dma_start3A_19 = tpu.memref_slice %arg8[%dma_start3A_13, %dma_start3A_18] : memref<8x80xi32, #tpu.memory_space<vmem>> -> memref<1x80xi32, #tpu.memory_space<vmem>>
    %dma_start3A_20 = tpu.memref_squeeze %dma_start3A_19 : memref<1x80xi32, #tpu.memory_space<vmem>> -> memref<80xi32, #tpu.memory_space<vmem>>
    %dma_start3A_21 = tpu.memref_slice %arg4[%add3A_4] : memref<320000xi32, #tpu.memory_space<hbm>> -> memref<80xi32, #tpu.memory_space<hbm>>
    tpu.enqueue_dma source(%dma_start3A_21 : memref<80xi32, #tpu.memory_space<hbm>>) target(%dma_start3A_20 : memref<80xi32, #tpu.memory_space<vmem>>) target_semaphore(%arg11 : memref<!tpu.dma_semaphore, #tpu.memory_space<semaphore_mem>>)
    %add3A_22 = arith.constant 80 : i32
    %add3A_23 = arith.addi %mul3A_2, %add3A_22 : i32
    %dma_start3A_24 = arith.constant 1 : i32
    %dma_start3A_25 = arith.constant 0 : i32
    %dma_start3A_26 = tpu.memref_slice %arg7[%dma_start3A_24, %dma_start3A_25] : memref<8x80xi32, #tpu.memory_space<vmem>> -> memref<1x80xi32, #tpu.memory_space<vmem>>
    %dma_start3A_27 = tpu.memref_squeeze %dma_start3A_26 : memref<1x80xi32, #tpu.memory_space<vmem>> -> memref<80xi32, #tpu.memory_space<vmem>>
    %dma_start3A_28 = tpu.memref_slice %arg3[%add3A_23] : memref<320000xi32, #tpu.memory_space<hbm>> -> memref<80xi32, #tpu.memory_space<hbm>>
    %dma_start3A_29 = arith.constant 0 : i32
    %dma_start3A_30 = tpu.memref_slice %arg7[%dma_start3A_24, %dma_start3A_29] : memref<8x80xi32, #tpu.memory_space<vmem>> -> memref<1x80xi32, #tpu.memory_space<vmem>>
    %dma_start3A_31 = tpu.memref_squeeze %dma_start3A_30 : memref<1x80xi32, #tpu.memory_space<vmem>> -> memref<80xi32, #tpu.memory_space<vmem>>
    %dma_start3A_32 = tpu.memref_slice %arg3[%add3A_23] : memref<320000xi32, #tpu.memory_space<hbm>> -> memref<80xi32, #tpu.memory_space<hbm>>
    tpu.enqueue_dma source(%dma_start3A_32 : memref<80xi32, #tpu.memory_space<hbm>>) target(%dma_start3A_31 : memref<80xi32, #tpu.memory_space<vmem>>) target_semaphore(%arg11 : memref<!tpu.dma_semaphore, #tpu.memory_space<semaphore_mem>>)
    %dma_start3A_33 = arith.constant 1 : i32
    %dma_start3A_34 = arith.constant 0 : i32
    %dma_start3A_35 = tpu.memref_slice %arg8[%dma_start3A_33, %dma_start3A_34] : memref<8x80xi32, #tpu.memory_space<vmem>> -> memref<1x80xi32, #tpu.memory_space<vmem>>
    %dma_start3A_36 = tpu.memref_squeeze %dma_start3A_35 : memref<1x80xi32, #tpu.memory_space<vmem>> -> memref<80xi32, #tpu.memory_space<vmem>>
    %dma_start3A_37 = tpu.memref_slice %arg4[%add3A_23] : memref<320000xi32, #tpu.memory_space<hbm>> -> memref<80xi32, #tpu.memory_space<hbm>>
    %dma_start3A_38 = arith.constant 0 : i32
    %dma_start3A_39 = tpu.memref_slice %arg8[%dma_start3A_33, %dma_start3A_38] : memref<8x80xi32, #tpu.memory_space<vmem>> -> memref<1x80xi32, #tpu.memory_space<vmem>>
    %dma_start3A_40 = tpu.memref_squeeze %dma_start3A_39 : memref<1x80xi32, #tpu.memory_space<vmem>> -> memref<80xi32, #tpu.memory_space<vmem>>
    %dma_start3A_41 = tpu.memref_slice %arg4[%add3A_23] : memref<320000xi32, #tpu.memory_space<hbm>> -> memref<80xi32, #tpu.memory_space<hbm>>
    tpu.enqueue_dma source(%dma_start3A_41 : memref<80xi32, #tpu.memory_space<hbm>>) target(%dma_start3A_40 : memref<80xi32, #tpu.memory_space<vmem>>) target_semaphore(%arg11 : memref<!tpu.dma_semaphore, #tpu.memory_space<semaphore_mem>>)
    %add3A_42 = arith.constant 160 : i32
    %add3A_43 = arith.addi %mul3A_2, %add3A_42 : i32
    %dma_start3A_44 = arith.constant 2 : i32
    %dma_start3A_45 = arith.constant 0 : i32
    %dma_start3A_46 = tpu.memref_slice %arg7[%dma_start3A_44, %dma_start3A_45] : memref<8x80xi32, #tpu.memory_space<vmem>> -> memref<1x80xi32, #tpu.memory_space<vmem>>
    %dma_start3A_47 = tpu.memref_squeeze %dma_start3A_46 : memref<1x80xi32, #tpu.memory_space<vmem>> -> memref<80xi32, #tpu.memory_space<vmem>>
    %dma_start3A_48 = tpu.memref_slice %arg3[%add3A_43] : memref<320000xi32, #tpu.memory_space<hbm>> -> memref<80xi32, #tpu.memory_space<hbm>>
    %dma_start3A_49 = arith.constant 0 : i32
    %dma_start3A_50 = tpu.memref_slice %arg7[%dma_start3A_44, %dma_start3A_49] : memref<8x80xi32, #tpu.memory_space<vmem>> -> memref<1x80xi32, #tpu.memory_space<vmem>>
    %dma_start3A_51 = tpu.memref_squeeze %dma_start3A_50 : memref<1x80xi32, #tpu.memory_space<vmem>> -> memref<80xi32, #tpu.memory_space<vmem>>
    %dma_start3A_52 = tpu.memref_slice %arg3[%add3A_43] : memref<320000xi32, #tpu.memory_space<hbm>> -> memref<80xi32, #tpu.memory_space<hbm>>
    tpu.enqueue_dma source(%dma_start3A_52 : memref<80xi32, #tpu.memory_space<hbm>>) target(%dma_start3A_51 : memref<80xi32, #tpu.memory_space<vmem>>) target_semaphore(%arg11 : memref<!tpu.dma_semaphore, #tpu.memory_space<semaphore_mem>>)
    %dma_start3A_53 = arith.constant 2 : i32
    %dma_start3A_54 = arith.constant 0 : i32
    %dma_start3A_55 = tpu.memref_slice %arg8[%dma_start3A_53, %dma_start3A_54] : memref<8x80xi32, #tpu.memory_space<vmem>> -> memref<1x80xi32, #tpu.memory_space<vmem>>
    %dma_start3A_56 = tpu.memref_squeeze %dma_start3A_55 : memref<1x80xi32, #tpu.memory_space<vmem>> -> memref<80xi32, #tpu.memory_space<vmem>>
    %dma_start3A_57 = tpu.memref_slice %arg4[%add3A_43] : memref<320000xi32, #tpu.memory_space<hbm>> -> memref<80xi32, #tpu.memory_space<hbm>>
    %dma_start3A_58 = arith.constant 0 : i32
    %dma_start3A_59 = tpu.memref_slice %arg8[%dma_start3A_53, %dma_start3A_58] : memref<8x80xi32, #tpu.memory_space<vmem>> -> memref<1x80xi32, #tpu.memory_space<vmem>>
    %dma_start3A_60 = tpu.memref_squeeze %dma_start3A_59 : memref<1x80xi32, #tpu.memory_space<vmem>> -> memref<80xi32, #tpu.memory_space<vmem>>
    %dma_start3A_61 = tpu.memref_slice %arg4[%add3A_43] : memref<320000xi32, #tpu.memory_space<hbm>> -> memref<80xi32, #tpu.memory_space<hbm>>
    tpu.enqueue_dma source(%dma_start3A_61 : memref<80xi32, #tpu.memory_space<hbm>>) target(%dma_start3A_60 : memref<80xi32, #tpu.memory_space<vmem>>) target_semaphore(%arg11 : memref<!tpu.dma_semaphore, #tpu.memory_space<semaphore_mem>>)
    %add3A_62 = arith.constant 240 : i32
    %add3A_63 = arith.addi %mul3A_2, %add3A_62 : i32
    %dma_start3A_64 = arith.constant 3 : i32
    %dma_start3A_65 = arith.constant 0 : i32
    %dma_start3A_66 = tpu.memref_slice %arg7[%dma_start3A_64, %dma_start3A_65] : memref<8x80xi32, #tpu.memory_space<vmem>> -> memref<1x80xi32, #tpu.memory_space<vmem>>
    %dma_start3A_67 = tpu.memref_squeeze %dma_start3A_66 : memref<1x80xi32, #tpu.memory_space<vmem>> -> memref<80xi32, #tpu.memory_space<vmem>>
    %dma_start3A_68 = tpu.memref_slice %arg3[%add3A_63] : memref<320000xi32, #tpu.memory_space<hbm>> -> memref<80xi32, #tpu.memory_space<hbm>>
    %dma_start3A_69 = arith.constant 0 : i32
    %dma_start3A_70 = tpu.memref_slice %arg7[%dma_start3A_64, %dma_start3A_69] : memref<8x80xi32, #tpu.memory_space<vmem>> -> memref<1x80xi32, #tpu.memory_space<vmem>>
    %dma_start3A_71 = tpu.memref_squeeze %dma_start3A_70 : memref<1x80xi32, #tpu.memory_space<vmem>> -> memref<80xi32, #tpu.memory_space<vmem>>
    %dma_start3A_72 = tpu.memref_slice %arg3[%add3A_63] : memref<320000xi32, #tpu.memory_space<hbm>> -> memref<80xi32, #tpu.memory_space<hbm>>
    tpu.enqueue_dma source(%dma_start3A_72 : memref<80xi32, #tpu.memory_space<hbm>>) target(%dma_start3A_71 : memref<80xi32, #tpu.memory_space<vmem>>) target_semaphore(%arg11 : memref<!tpu.dma_semaphore, #tpu.memory_space<semaphore_mem>>)
    %dma_start3A_73 = arith.constant 3 : i32
    %dma_start3A_74 = arith.constant 0 : i32
    %dma_start3A_75 = tpu.memref_slice %arg8[%dma_start3A_73, %dma_start3A_74] : memref<8x80xi32, #tpu.memory_space<vmem>> -> memref<1x80xi32, #tpu.memory_space<vmem>>
    %dma_start3A_76 = tpu.memref_squeeze %dma_start3A_75 : memref<1x80xi32, #tpu.memory_space<vmem>> -> memref<80xi32, #tpu.memory_space<vmem>>
    %dma_start3A_77 = tpu.memref_slice %arg4[%add3A_63] : memref<320000xi32, #tpu.memory_space<hbm>> -> memref<80xi32, #tpu.memory_space<hbm>>
    %dma_start3A_78 = arith.constant 0 : i32
    %dma_start3A_79 = tpu.memref_slice %arg8[%dma_start3A_73, %dma_start3A_78] : memref<8x80xi32, #tpu.memory_space<vmem>> -> memref<1x80xi32, #tpu.memory_space<vmem>>
    %dma_start3A_80 = tpu.memref_squeeze %dma_start3A_79 : memref<1x80xi32, #tpu.memory_space<vmem>> -> memref<80xi32, #tpu.memory_space<vmem>>
    %dma_start3A_81 = tpu.memref_slice %arg4[%add3A_63] : memref<320000xi32, #tpu.memory_space<hbm>> -> memref<80xi32, #tpu.memory_space<hbm>>
    tpu.enqueue_dma source(%dma_start3A_81 : memref<80xi32, #tpu.memory_space<hbm>>) target(%dma_start3A_80 : memref<80xi32, #tpu.memory_space<vmem>>) target_semaphore(%arg11 : memref<!tpu.dma_semaphore, #tpu.memory_space<semaphore_mem>>)
    %add3A_82 = arith.constant 320 : i32
    %add3A_83 = arith.addi %mul3A_2, %add3A_82 : i32
    %dma_start3A_84 = arith.constant 4 : i32
    %dma_start3A_85 = arith.constant 0 : i32
    %dma_start3A_86 = tpu.memref_slice %arg7[%dma_start3A_84, %dma_start3A_85] : memref<8x80xi32, #tpu.memory_space<vmem>> -> memref<1x80xi32, #tpu.memory_space<vmem>>
    %dma_start3A_87 = tpu.memref_squeeze %dma_start3A_86 : memref<1x80xi32, #tpu.memory_space<vmem>> -> memref<80xi32, #tpu.memory_space<vmem>>
    %dma_start3A_88 = tpu.memref_slice %arg3[%add3A_83] : memref<320000xi32, #tpu.memory_space<hbm>> -> memref<80xi32, #tpu.memory_space<hbm>>
    %dma_start3A_89 = arith.constant 0 : i32
    %dma_start3A_90 = tpu.memref_slice %arg7[%dma_start3A_84, %dma_start3A_89] : memref<8x80xi32, #tpu.memory_space<vmem>> -> memref<1x80xi32, #tpu.memory_space<vmem>>
    %dma_start3A_91 = tpu.memref_squeeze %dma_start3A_90 : memref<1x80xi32, #tpu.memory_space<vmem>> -> memref<80xi32, #tpu.memory_space<vmem>>
    %dma_start3A_92 = tpu.memref_slice %arg3[%add3A_83] : memref<320000xi32, #tpu.memory_space<hbm>> -> memref<80xi32, #tpu.memory_space<hbm>>
    tpu.enqueue_dma source(%dma_start3A_92 : memref<80xi32, #tpu.memory_space<hbm>>) target(%dma_start3A_91 : memref<80xi32, #tpu.memory_space<vmem>>) target_semaphore(%arg11 : memref<!tpu.dma_semaphore, #tpu.memory_space<semaphore_mem>>)
    %dma_start3A_93 = arith.constant 4 : i32
    %dma_start3A_94 = arith.constant 0 : i32
    %dma_start3A_95 = tpu.memref_slice %arg8[%dma_start3A_93, %dma_start3A_94] : memref<8x80xi32, #tpu.memory_space<vmem>> -> memref<1x80xi32, #tpu.memory_space<vmem>>
    %dma_start3A_96 = tpu.memref_squeeze %dma_start3A_95 : memref<1x80xi32, #tpu.memory_space<vmem>> -> memref<80xi32, #tpu.memory_space<vmem>>
    %dma_start3A_97 = tpu.memref_slice %arg4[%add3A_83] : memref<320000xi32, #tpu.memory_space<hbm>> -> memref<80xi32, #tpu.memory_space<hbm>>
    %dma_start3A_98 = arith.constant 0 : i32
    %dma_start3A_99 = tpu.memref_slice %arg8[%dma_start3A_93, %dma_start3A_98] : memref<8x80xi32, #tpu.memory_space<vmem>> -> memref<1x80xi32, #tpu.memory_space<vmem>>
    %dma_start3A_100 = tpu.memref_squeeze %dma_start3A_99 : memref<1x80xi32, #tpu.memory_space<vmem>> -> memref<80xi32, #tpu.memory_space<vmem>>
    %dma_start3A_101 = tpu.memref_slice %arg4[%add3A_83] : memref<320000xi32, #tpu.memory_space<hbm>> -> memref<80xi32, #tpu.memory_space<hbm>>
    tpu.enqueue_dma source(%dma_start3A_101 : memref<80xi32, #tpu.memory_space<hbm>>) target(%dma_start3A_100 : memref<80xi32, #tpu.memory_space<vmem>>) target_semaphore(%arg11 : memref<!tpu.dma_semaphore, #tpu.memory_space<semaphore_mem>>)
    %add3A_102 = arith.constant 400 : i32
    %add3A_103 = arith.addi %mul3A_2, %add3A_102 : i32
    %dma_start3A_104 = arith.constant 5 : i32
    %dma_start3A_105 = arith.constant 0 : i32
    %dma_start3A_106 = tpu.memref_slice %arg7[%dma_start3A_104, %dma_start3A_105] : memref<8x80xi32, #tpu.memory_space<vmem>> -> memref<1x80xi32, #tpu.memory_space<vmem>>
    %dma_start3A_107 = tpu.memref_squeeze %dma_start3A_106 : memref<1x80xi32, #tpu.memory_space<vmem>> -> memref<80xi32, #tpu.memory_space<vmem>>
    %dma_start3A_108 = tpu.memref_slice %arg3[%add3A_103] : memref<320000xi32, #tpu.memory_space<hbm>> -> memref<80xi32, #tpu.memory_space<hbm>>
    %dma_start3A_109 = arith.constant 0 : i32
    %dma_start3A_110 = tpu.memref_slice %arg7[%dma_start3A_104, %dma_start3A_109] : memref<8x80xi32, #tpu.memory_space<vmem>> -> memref<1x80xi32, #tpu.memory_space<vmem>>
    %dma_start3A_111 = tpu.memref_squeeze %dma_start3A_110 : memref<1x80xi32, #tpu.memory_space<vmem>> -> memref<80xi32, #tpu.memory_space<vmem>>
    %dma_start3A_112 = tpu.memref_slice %arg3[%add3A_103] : memref<320000xi32, #tpu.memory_space<hbm>> -> memref<80xi32, #tpu.memory_space<hbm>>
    tpu.enqueue_dma source(%dma_start3A_112 : memref<80xi32, #tpu.memory_space<hbm>>) target(%dma_start3A_111 : memref<80xi32, #tpu.memory_space<vmem>>) target_semaphore(%arg11 : memref<!tpu.dma_semaphore, #tpu.memory_space<semaphore_mem>>)
    %dma_start3A_113 = arith.constant 5 : i32
    %dma_start3A_114 = arith.constant 0 : i32
    %dma_start3A_115 = tpu.memref_slice %arg8[%dma_start3A_113, %dma_start3A_114] : memref<8x80xi32, #tpu.memory_space<vmem>> -> memref<1x80xi32, #tpu.memory_space<vmem>>
    %dma_start3A_116 = tpu.memref_squeeze %dma_start3A_115 : memref<1x80xi32, #tpu.memory_space<vmem>> -> memref<80xi32, #tpu.memory_space<vmem>>
    %dma_start3A_117 = tpu.memref_slice %arg4[%add3A_103] : memref<320000xi32, #tpu.memory_space<hbm>> -> memref<80xi32, #tpu.memory_space<hbm>>
    %dma_start3A_118 = arith.constant 0 : i32
    %dma_start3A_119 = tpu.memref_slice %arg8[%dma_start3A_113, %dma_start3A_118] : memref<8x80xi32, #tpu.memory_space<vmem>> -> memref<1x80xi32, #tpu.memory_space<vmem>>
    %dma_start3A_120 = tpu.memref_squeeze %dma_start3A_119 : memref<1x80xi32, #tpu.memory_space<vmem>> -> memref<80xi32, #tpu.memory_space<vmem>>
    %dma_start3A_121 = tpu.memref_slice %arg4[%add3A_103] : memref<320000xi32, #tpu.memory_space<hbm>> -> memref<80xi32, #tpu.memory_space<hbm>>
    tpu.enqueue_dma source(%dma_start3A_121 : memref<80xi32, #tpu.memory_space<hbm>>) target(%dma_start3A_120 : memref<80xi32, #tpu.memory_space<vmem>>) target_semaphore(%arg11 : memref<!tpu.dma_semaphore, #tpu.memory_space<semaphore_mem>>)
    %scan3A = arith.constant 0 : i32
    %scan3A_122 = arith.constant 0 : i32
    %scan3A_123 = arith.constant 48 : i32
    %scan3A_124 = arith.addi %scan3A_122, %scan3A_123 : i32
    %scan3A_125 = arith.constant 1 : i32
    scf.for %scan3A_267 = %scan3A_122 to %scan3A_124 step %scan3A_125  : i32 {
      %broadcast_in_dim3A = arith.constant 0.000000e+00 : f32
      %broadcast_in_dim3A_268 = vector.broadcast %broadcast_in_dim3A : f32 to vector<16xf32>
      %swap3A = arith.index_cast %scan3A_267 : i32 to index
      %swap3A_269 = arith.constant 0 : index
      %swap3A_270 = tpu.vector_load %arg10[%swap3A, %swap3A_269] {strides = array<i32>} : memref<48x128xf32, #tpu.memory_space<vmem>>, vector<1x16xf32>,
      %swap3A_271 = vector.shape_cast %swap3A_270 : vector<1x16xf32> to vector<16xf32>
      %swap3A_272 = vector.shape_cast %broadcast_in_dim3A_268 : vector<16xf32> to vector<1x16xf32>
      tpu.vector_store %arg10[%swap3A, %swap3A_269], %swap3A_272 {strides = array<i32>} : memref<48x128xf32, #tpu.memory_space<vmem>>, vector<1x16xf32>,
      %broadcast_in_dim3A_273 = arith.constant 0.000000e+00 : f32
      %broadcast_in_dim3A_274 = vector.broadcast %broadcast_in_dim3A_273 : f32 to vector<16xf32>
      %swap3A_275 = arith.index_cast %scan3A_267 : i32 to index
      %swap3A_276 = arith.constant 16 : index
      %swap3A_277 = tpu.vector_load %arg10[%swap3A_275, %swap3A_276] {strides = array<i32>} : memref<48x128xf32, #tpu.memory_space<vmem>>, vector<1x16xf32>,
      %swap3A_278 = vector.shape_cast %swap3A_277 : vector<1x16xf32> to vector<16xf32>
      %swap3A_279 = vector.shape_cast %broadcast_in_dim3A_274 : vector<16xf32> to vector<1x16xf32>
      tpu.vector_store %arg10[%swap3A_275, %swap3A_276], %swap3A_279 {strides = array<i32>} : memref<48x128xf32, #tpu.memory_space<vmem>>, vector<1x16xf32>,
      %broadcast_in_dim3A_280 = arith.constant 0.000000e+00 : f32
      %broadcast_in_dim3A_281 = vector.broadcast %broadcast_in_dim3A_280 : f32 to vector<16xf32>
      %swap3A_282 = arith.index_cast %scan3A_267 : i32 to index
      %swap3A_283 = arith.constant 32 : index
      %swap3A_284 = tpu.vector_load %arg10[%swap3A_282, %swap3A_283] {strides = array<i32>} : memref<48x128xf32, #tpu.memory_space<vmem>>, vector<1x16xf32>,
      %swap3A_285 = vector.shape_cast %swap3A_284 : vector<1x16xf32> to vector<16xf32>
      %swap3A_286 = vector.shape_cast %broadcast_in_dim3A_281 : vector<16xf32> to vector<1x16xf32>
      tpu.vector_store %arg10[%swap3A_282, %swap3A_283], %swap3A_286 {strides = array<i32>} : memref<48x128xf32, #tpu.memory_space<vmem>>, vector<1x16xf32>,
      %broadcast_in_dim3A_287 = arith.constant 0.000000e+00 : f32
      %broadcast_in_dim3A_288 = vector.broadcast %broadcast_in_dim3A_287 : f32 to vector<16xf32>
      %swap3A_289 = arith.index_cast %scan3A_267 : i32 to index
      %swap3A_290 = arith.constant 48 : index
      %swap3A_291 = tpu.vector_load %arg10[%swap3A_289, %swap3A_290] {strides = array<i32>} : memref<48x128xf32, #tpu.memory_space<vmem>>, vector<1x16xf32>,
      %swap3A_292 = vector.shape_cast %swap3A_291 : vector<1x16xf32> to vector<16xf32>
      %swap3A_293 = vector.shape_cast %broadcast_in_dim3A_288 : vector<16xf32> to vector<1x16xf32>
      tpu.vector_store %arg10[%swap3A_289, %swap3A_290], %swap3A_293 {strides = array<i32>} : memref<48x128xf32, #tpu.memory_space<vmem>>, vector<1x16xf32>,
      %broadcast_in_dim3A_294 = arith.constant 0.000000e+00 : f32
      %broadcast_in_dim3A_295 = vector.broadcast %broadcast_in_dim3A_294 : f32 to vector<16xf32>
      %swap3A_296 = arith.index_cast %scan3A_267 : i32 to index
      %swap3A_297 = arith.constant 64 : index
      %swap3A_298 = tpu.vector_load %arg10[%swap3A_296, %swap3A_297] {strides = array<i32>} : memref<48x128xf32, #tpu.memory_space<vmem>>, vector<1x16xf32>,
      %swap3A_299 = vector.shape_cast %swap3A_298 : vector<1x16xf32> to vector<16xf32>
      %swap3A_300 = vector.shape_cast %broadcast_in_dim3A_295 : vector<16xf32> to vector<1x16xf32>
      tpu.vector_store %arg10[%swap3A_296, %swap3A_297], %swap3A_300 {strides = array<i32>} : memref<48x128xf32, #tpu.memory_space<vmem>>, vector<1x16xf32>,
      %broadcast_in_dim3A_301 = arith.constant 0.000000e+00 : f32
      %broadcast_in_dim3A_302 = vector.broadcast %broadcast_in_dim3A_301 : f32 to vector<16xf32>
      %swap3A_303 = arith.index_cast %scan3A_267 : i32 to index
      %swap3A_304 = arith.constant 80 : index
      %swap3A_305 = tpu.vector_load %arg10[%swap3A_303, %swap3A_304] {strides = array<i32>} : memref<48x128xf32, #tpu.memory_space<vmem>>, vector<1x16xf32>,
      %swap3A_306 = vector.shape_cast %swap3A_305 : vector<1x16xf32> to vector<16xf32>
      %swap3A_307 = vector.shape_cast %broadcast_in_dim3A_302 : vector<16xf32> to vector<1x16xf32>
      tpu.vector_store %arg10[%swap3A_303, %swap3A_304], %swap3A_307 {strides = array<i32>} : memref<48x128xf32, #tpu.memory_space<vmem>>, vector<1x16xf32>,
      %broadcast_in_dim3A_308 = arith.constant 0.000000e+00 : f32
      %broadcast_in_dim3A_309 = vector.broadcast %broadcast_in_dim3A_308 : f32 to vector<16xf32>
      %swap3A_310 = arith.index_cast %scan3A_267 : i32 to index
      %swap3A_311 = arith.constant 96 : index
      %swap3A_312 = tpu.vector_load %arg10[%swap3A_310, %swap3A_311] {strides = array<i32>} : memref<48x128xf32, #tpu.memory_space<vmem>>, vector<1x16xf32>,
      %swap3A_313 = vector.shape_cast %swap3A_312 : vector<1x16xf32> to vector<16xf32>
      %swap3A_314 = vector.shape_cast %broadcast_in_dim3A_309 : vector<16xf32> to vector<1x16xf32>
      tpu.vector_store %arg10[%swap3A_310, %swap3A_311], %swap3A_314 {strides = array<i32>} : memref<48x128xf32, #tpu.memory_space<vmem>>, vector<1x16xf32>,
      %broadcast_in_dim3A_315 = arith.constant 0.000000e+00 : f32
      %broadcast_in_dim3A_316 = vector.broadcast %broadcast_in_dim3A_315 : f32 to vector<16xf32>
      %swap3A_317 = arith.index_cast %scan3A_267 : i32 to index
      %swap3A_318 = arith.constant 112 : index
      %swap3A_319 = tpu.vector_load %arg10[%swap3A_317, %swap3A_318] {strides = array<i32>} : memref<48x128xf32, #tpu.memory_space<vmem>>, vector<1x16xf32>,
      %swap3A_320 = vector.shape_cast %swap3A_319 : vector<1x16xf32> to vector<16xf32>
      %swap3A_321 = vector.shape_cast %broadcast_in_dim3A_316 : vector<16xf32> to vector<1x16xf32>
      tpu.vector_store %arg10[%swap3A_317, %swap3A_318], %swap3A_321 {strides = array<i32>} : memref<48x128xf32, #tpu.memory_space<vmem>>, vector<1x16xf32>,
    }
    %scan3A_126 = arith.constant 48 : i32
    %scan3A_127 = arith.constant 0 : i32
    %scan3A_128 = arith.constant 0 : i32
    %scan3A_129 = arith.constant 13 : i32
    %scan3A_130 = arith.addi %scan3A_128, %scan3A_129 : i32
    %scan3A_131 = arith.constant 1 : i32
    scf.for %scan3A_267 = %scan3A_128 to %scan3A_130 step %scan3A_131  : i32 {
      %mul3A_268 = arith.constant 624 : i32
      %mul3A_269 = arith.muli %arg1, %mul3A_268 : i32
      %mul3A_270 = arith.constant 48 : i32
      %mul3A_271 = arith.muli %scan3A_267, %mul3A_270 : i32
      %add3A_272 = arith.addi %mul3A_269, %mul3A_271 : i32
      %dma_start3A_273 = arith.constant 0 : i32
      %dma_start3A_274 = tpu.memref_slice %arg6[%add3A_272, %dma_start3A_273] : memref<10000x128xf32, #tpu.memory_space<vmem_shared>> -> memref<48x128xf32, #tpu.memory_space<vmem_shared>>
      %dma_start3A_275 = arith.constant 0 : i32
      %dma_start3A_276 = tpu.memref_slice %arg6[%add3A_272, %dma_start3A_275] : memref<10000x128xf32, #tpu.memory_space<vmem_shared>> -> memref<48x128xf32, #tpu.memory_space<vmem_shared>>
      tpu.enqueue_dma source(%arg10 : memref<48x128xf32, #tpu.memory_space<vmem>>) target(%dma_start3A_276 : memref<48x128xf32, #tpu.memory_space<vmem_shared>>) target_semaphore(%arg13 : memref<!tpu.dma_semaphore, #tpu.memory_space<semaphore_mem>>)
    }
    %scan3A_132 = arith.constant 13 : i32
    %eq3A = arith.constant 15 : i32
    %eq3A_133 = arith.cmpi eq, %arg1, %eq3A : i32
    %convert_element_type3A = arith.extui %eq3A_133 : i1 to i32
    %cond3A = arith.constant 0 : i32
    %cond3A_134 = arith.cmpi ne, %convert_element_type3A, %cond3A : i32
    scf.if %cond3A_134 {
      %dma_start3A_267 = arith.constant 0 : i32
      %dma_start3A_268 = arith.constant 0 : i32
      %dma_start3A_269 = tpu.memref_slice %arg10[%dma_start3A_267, %dma_start3A_268] : memref<48x128xf32, #tpu.memory_space<vmem>> -> memref<16x128xf32, #tpu.memory_space<vmem>>
      %dma_start3A_270 = arith.constant 9984 : i32
      %dma_start3A_271 = arith.constant 0 : i32
      %dma_start3A_272 = tpu.memref_slice %arg6[%dma_start3A_270, %dma_start3A_271] : memref<10000x128xf32, #tpu.memory_space<vmem_shared>> -> memref<16x128xf32, #tpu.memory_space<vmem_shared>>
      %dma_start3A_273 = arith.constant 9984 : i32
      %dma_start3A_274 = arith.constant 0 : i32
      %dma_start3A_275 = tpu.memref_slice %arg6[%dma_start3A_273, %dma_start3A_274] : memref<10000x128xf32, #tpu.memory_space<vmem_shared>> -> memref<16x128xf32, #tpu.memory_space<vmem_shared>>
      %dma_start3A_276 = arith.constant 0 : i32
      %dma_start3A_277 = arith.constant 0 : i32
      %dma_start3A_278 = tpu.memref_slice %arg10[%dma_start3A_276, %dma_start3A_277] : memref<48x128xf32, #tpu.memory_space<vmem>> -> memref<16x128xf32, #tpu.memory_space<vmem>>
      tpu.enqueue_dma source(%dma_start3A_278 : memref<16x128xf32, #tpu.memory_space<vmem>>) target(%dma_start3A_275 : memref<16x128xf32, #tpu.memory_space<vmem_shared>>) target_semaphore(%arg13 : memref<!tpu.dma_semaphore, #tpu.memory_space<semaphore_mem>>)
    } else {
    }
    %scan3A_135 = arith.constant 0 : i32
    %scan3A_136 = arith.constant 0 : i32
    %scan3A_137 = arith.constant 13 : i32
    %scan3A_138 = arith.addi %scan3A_136, %scan3A_137 : i32
    %scan3A_139 = arith.constant 1 : i32
    scf.for %scan3A_267 = %scan3A_136 to %scan3A_138 step %scan3A_139  : i32 {
      %mul3A_268 = arith.constant 624 : i32
      %mul3A_269 = arith.muli %arg1, %mul3A_268 : i32
      %mul3A_270 = arith.constant 48 : i32
      %mul3A_271 = arith.muli %scan3A_267, %mul3A_270 : i32
      %add3A_272 = arith.addi %mul3A_269, %mul3A_271 : i32
      %dma_wait3A_273 = arith.constant 0 : i32
      %dma_wait3A_274 = tpu.memref_slice %arg6[%add3A_272, %dma_wait3A_273] : memref<10000x128xf32, #tpu.memory_space<vmem_shared>> -> memref<48x128xf32, #tpu.memory_space<vmem_shared>>
      %dma_wait3A_275 = arith.constant 0 : i32
      %dma_wait3A_276 = tpu.memref_slice %arg6[%add3A_272, %dma_wait3A_275] : memref<10000x128xf32, #tpu.memory_space<vmem_shared>> -> memref<48x128xf32, #tpu.memory_space<vmem_shared>>
      tpu.wait_dma2 semaphore(%arg13 : memref<!tpu.dma_semaphore, #tpu.memory_space<semaphore_mem>>) src(%arg10 : memref<48x128xf32, #tpu.memory_space<vmem>>) dst(%dma_wait3A_276 : memref<48x128xf32, #tpu.memory_space<vmem_shared>>)
    }
    %scan3A_140 = arith.constant 13 : i32
    %eq3A_141 = arith.constant 15 : i32
    %eq3A_142 = arith.cmpi eq, %arg1, %eq3A_141 : i32
    %convert_element_type3A_143 = arith.extui %eq3A_142 : i1 to i32
    %cond3A_144 = arith.constant 0 : i32
    %cond3A_145 = arith.cmpi ne, %convert_element_type3A_143, %cond3A_144 : i32
    scf.if %cond3A_145 {
      %dma_wait3A_267 = arith.constant 0 : i32
      %dma_wait3A_268 = arith.constant 0 : i32
      %dma_wait3A_269 = tpu.memref_slice %arg10[%dma_wait3A_267, %dma_wait3A_268] : memref<48x128xf32, #tpu.memory_space<vmem>> -> memref<16x128xf32, #tpu.memory_space<vmem>>
      %dma_wait3A_270 = arith.constant 9984 : i32
      %dma_wait3A_271 = arith.constant 0 : i32
      %dma_wait3A_272 = tpu.memref_slice %arg6[%dma_wait3A_270, %dma_wait3A_271] : memref<10000x128xf32, #tpu.memory_space<vmem_shared>> -> memref<16x128xf32, #tpu.memory_space<vmem_shared>>
      %dma_wait3A_273 = arith.constant 9984 : i32
      %dma_wait3A_274 = arith.constant 0 : i32
      %dma_wait3A_275 = tpu.memref_slice %arg6[%dma_wait3A_273, %dma_wait3A_274] : memref<10000x128xf32, #tpu.memory_space<vmem_shared>> -> memref<16x128xf32, #tpu.memory_space<vmem_shared>>
      %dma_wait3A_276 = arith.constant 0 : i32
      %dma_wait3A_277 = arith.constant 0 : i32
      %dma_wait3A_278 = tpu.memref_slice %arg10[%dma_wait3A_276, %dma_wait3A_277] : memref<48x128xf32, #tpu.memory_space<vmem>> -> memref<16x128xf32, #tpu.memory_space<vmem>>
      tpu.wait_dma2 semaphore(%arg13 : memref<!tpu.dma_semaphore, #tpu.memory_space<semaphore_mem>>) src(%dma_wait3A_278 : memref<16x128xf32, #tpu.memory_space<vmem>>) dst(%dma_wait3A_275 : memref<16x128xf32, #tpu.memory_space<vmem_shared>>)
    } else {
    }
    %barrier3A = arith.constant 0 : index
    tpu.barrier barrier_id(%barrier3A)
    %add3A_146 = arith.constant 0 : i32
    %add3A_147 = arith.addi %mul3A_2, %add3A_146 : i32
    %dma_wait3A = arith.constant 0 : i32
    %dma_wait3A_148 = arith.constant 0 : i32
    %dma_wait3A_149 = tpu.memref_slice %arg7[%dma_wait3A, %dma_wait3A_148] : memref<8x80xi32, #tpu.memory_space<vmem>> -> memref<1x80xi32, #tpu.memory_space<vmem>>
    %dma_wait3A_150 = tpu.memref_squeeze %dma_wait3A_149 : memref<1x80xi32, #tpu.memory_space<vmem>> -> memref<80xi32, #tpu.memory_space<vmem>>
    %dma_wait3A_151 = tpu.memref_slice %arg3[%add3A_147] : memref<320000xi32, #tpu.memory_space<hbm>> -> memref<80xi32, #tpu.memory_space<hbm>>
    %dma_wait3A_152 = arith.constant 0 : i32
    %dma_wait3A_153 = tpu.memref_slice %arg7[%dma_wait3A, %dma_wait3A_152] : memref<8x80xi32, #tpu.memory_space<vmem>> -> memref<1x80xi32, #tpu.memory_space<vmem>>
    %dma_wait3A_154 = tpu.memref_squeeze %dma_wait3A_153 : memref<1x80xi32, #tpu.memory_space<vmem>> -> memref<80xi32, #tpu.memory_space<vmem>>
    %dma_wait3A_155 = tpu.memref_slice %arg3[%add3A_147] : memref<320000xi32, #tpu.memory_space<hbm>> -> memref<80xi32, #tpu.memory_space<hbm>>
    tpu.wait_dma2 semaphore(%arg11 : memref<!tpu.dma_semaphore, #tpu.memory_space<semaphore_mem>>) src(%dma_wait3A_155 : memref<80xi32, #tpu.memory_space<hbm>>) dst(%dma_wait3A_154 : memref<80xi32, #tpu.memory_space<vmem>>)
    %dma_wait3A_156 = arith.constant 0 : i32
    %dma_wait3A_157 = arith.constant 0 : i32
    %dma_wait3A_158 = tpu.memref_slice %arg8[%dma_wait3A_156, %dma_wait3A_157] : memref<8x80xi32, #tpu.memory_space<vmem>> -> memref<1x80xi32, #tpu.memory_space<vmem>>
    %dma_wait3A_159 = tpu.memref_squeeze %dma_wait3A_158 : memref<1x80xi32, #tpu.memory_space<vmem>> -> memref<80xi32, #tpu.memory_space<vmem>>
    %dma_wait3A_160 = tpu.memref_slice %arg4[%add3A_147] : memref<320000xi32, #tpu.memory_space<hbm>> -> memref<80xi32, #tpu.memory_space<hbm>>
    %dma_wait3A_161 = arith.constant 0 : i32
    %dma_wait3A_162 = tpu.memref_slice %arg8[%dma_wait3A_156, %dma_wait3A_161] : memref<8x80xi32, #tpu.memory_space<vmem>> -> memref<1x80xi32, #tpu.memory_space<vmem>>
    %dma_wait3A_163 = tpu.memref_squeeze %dma_wait3A_162 : memref<1x80xi32, #tpu.memory_space<vmem>> -> memref<80xi32, #tpu.memory_space<vmem>>
    %dma_wait3A_164 = tpu.memref_slice %arg4[%add3A_147] : memref<320000xi32, #tpu.memory_space<hbm>> -> memref<80xi32, #tpu.memory_space<hbm>>
    tpu.wait_dma2 semaphore(%arg11 : memref<!tpu.dma_semaphore, #tpu.memory_space<semaphore_mem>>) src(%dma_wait3A_164 : memref<80xi32, #tpu.memory_space<hbm>>) dst(%dma_wait3A_163 : memref<80xi32, #tpu.memory_space<vmem>>)
    %dma_start3A_165 = arith.constant 0 : i32
    %dma_start3A_166 = arith.constant 0 : i32
    %dma_start3A_167 = arith.constant 0 : i32
    %dma_start3A_168 = arith.constant 0 : i32
    %dma_start3A_169 = tpu.memref_slice %arg9[%dma_start3A_166, %dma_start3A_167, %dma_start3A_168] : memref<4x80x128xf32, #tpu.memory_space<vmem>> -> memref<1x80x128xf32, #tpu.memory_space<vmem>>
    %dma_start3A_170 = tpu.memref_squeeze %dma_start3A_169 : memref<1x80x128xf32, #tpu.memory_space<vmem>> -> memref<80x128xf32, #tpu.memory_space<vmem>>
    %dma_start3A_171 = arith.constant 0 : i32
    %dma_start3A_172 = tpu.memref_slice %arg7[%dma_start3A_165, %dma_start3A_171] : memref<8x80xi32, #tpu.memory_space<vmem>> -> memref<1x80xi32, #tpu.memory_space<vmem>>
    %dma_start3A_173 = tpu.memref_squeeze %dma_start3A_172 : memref<1x80xi32, #tpu.memory_space<vmem>> -> memref<80xi32, #tpu.memory_space<vmem>>
    %dma_start3A_174 = arith.constant 0 : i32
    %dma_start3A_175 = arith.constant 0 : i32
    %dma_start3A_176 = tpu.memref_slice %arg2[%dma_start3A_174, %dma_start3A_175] : memref<10000x128xf32, #tpu.memory_space<hbm>> -> memref<10000x128xf32, #tpu.memory_space<hbm>>
    tpu.enqueue_indirect_dma source(%dma_start3A_176 : memref<10000x128xf32, #tpu.memory_space<hbm>>) target(%dma_start3A_170 : memref<80x128xf32, #tpu.memory_space<vmem>>) offsets(%dma_start3A_173 : memref<80xi32, #tpu.memory_space<vmem>>) semaphore(%arg12 : memref<!tpu.dma_semaphore, #tpu.memory_space<semaphore_mem>>)
    %add3A_177 = arith.constant 80 : i32
    %add3A_178 = arith.addi %mul3A_2, %add3A_177 : i32
    %dma_wait3A_179 = arith.constant 1 : i32
    %dma_wait3A_180 = arith.constant 0 : i32
    %dma_wait3A_181 = tpu.memref_slice %arg7[%dma_wait3A_179, %dma_wait3A_180] : memref<8x80xi32, #tpu.memory_space<vmem>> -> memref<1x80xi32, #tpu.memory_space<vmem>>
    %dma_wait3A_182 = tpu.memref_squeeze %dma_wait3A_181 : memref<1x80xi32, #tpu.memory_space<vmem>> -> memref<80xi32, #tpu.memory_space<vmem>>
    %dma_wait3A_183 = tpu.memref_slice %arg3[%add3A_178] : memref<320000xi32, #tpu.memory_space<hbm>> -> memref<80xi32, #tpu.memory_space<hbm>>
    %dma_wait3A_184 = arith.constant 0 : i32
    %dma_wait3A_185 = tpu.memref_slice %arg7[%dma_wait3A_179, %dma_wait3A_184] : memref<8x80xi32, #tpu.memory_space<vmem>> -> memref<1x80xi32, #tpu.memory_space<vmem>>
    %dma_wait3A_186 = tpu.memref_squeeze %dma_wait3A_185 : memref<1x80xi32, #tpu.memory_space<vmem>> -> memref<80xi32, #tpu.memory_space<vmem>>
    %dma_wait3A_187 = tpu.memref_slice %arg3[%add3A_178] : memref<320000xi32, #tpu.memory_space<hbm>> -> memref<80xi32, #tpu.memory_space<hbm>>
    tpu.wait_dma2 semaphore(%arg11 : memref<!tpu.dma_semaphore, #tpu.memory_space<semaphore_mem>>) src(%dma_wait3A_187 : memref<80xi32, #tpu.memory_space<hbm>>) dst(%dma_wait3A_186 : memref<80xi32, #tpu.memory_space<vmem>>)
    %dma_wait3A_188 = arith.constant 1 : i32
    %dma_wait3A_189 = arith.constant 0 : i32
    %dma_wait3A_190 = tpu.memref_slice %arg8[%dma_wait3A_188, %dma_wait3A_189] : memref<8x80xi32, #tpu.memory_space<vmem>> -> memref<1x80xi32, #tpu.memory_space<vmem>>
    %dma_wait3A_191 = tpu.memref_squeeze %dma_wait3A_190 : memref<1x80xi32, #tpu.memory_space<vmem>> -> memref<80xi32, #tpu.memory_space<vmem>>
    %dma_wait3A_192 = tpu.memref_slice %arg4[%add3A_178] : memref<320000xi32, #tpu.memory_space<hbm>> -> memref<80xi32, #tpu.memory_space<hbm>>
    %dma_wait3A_193 = arith.constant 0 : i32
    %dma_wait3A_194 = tpu.memref_slice %arg8[%dma_wait3A_188, %dma_wait3A_193] : memref<8x80xi32, #tpu.memory_space<vmem>> -> memref<1x80xi32, #tpu.memory_space<vmem>>
    %dma_wait3A_195 = tpu.memref_squeeze %dma_wait3A_194 : memref<1x80xi32, #tpu.memory_space<vmem>> -> memref<80xi32, #tpu.memory_space<vmem>>
    %dma_wait3A_196 = tpu.memref_slice %arg4[%add3A_178] : memref<320000xi32, #tpu.memory_space<hbm>> -> memref<80xi32, #tpu.memory_space<hbm>>
    tpu.wait_dma2 semaphore(%arg11 : memref<!tpu.dma_semaphore, #tpu.memory_space<semaphore_mem>>) src(%dma_wait3A_196 : memref<80xi32, #tpu.memory_space<hbm>>) dst(%dma_wait3A_195 : memref<80xi32, #tpu.memory_space<vmem>>)
    %dma_start3A_197 = arith.constant 1 : i32
    %dma_start3A_198 = arith.constant 1 : i32
    %dma_start3A_199 = arith.constant 0 : i32
    %dma_start3A_200 = arith.constant 0 : i32
    %dma_start3A_201 = tpu.memref_slice %arg9[%dma_start3A_198, %dma_start3A_199, %dma_start3A_200] : memref<4x80x128xf32, #tpu.memory_space<vmem>> -> memref<1x80x128xf32, #tpu.memory_space<vmem>>
    %dma_start3A_202 = tpu.memref_squeeze %dma_start3A_201 : memref<1x80x128xf32, #tpu.memory_space<vmem>> -> memref<80x128xf32, #tpu.memory_space<vmem>>
    %dma_start3A_203 = arith.constant 0 : i32
    %dma_start3A_204 = tpu.memref_slice %arg7[%dma_start3A_197, %dma_start3A_203] : memref<8x80xi32, #tpu.memory_space<vmem>> -> memref<1x80xi32, #tpu.memory_space<vmem>>
    %dma_start3A_205 = tpu.memref_squeeze %dma_start3A_204 : memref<1x80xi32, #tpu.memory_space<vmem>> -> memref<80xi32, #tpu.memory_space<vmem>>
    %dma_start3A_206 = arith.constant 0 : i32
    %dma_start3A_207 = arith.constant 0 : i32
    %dma_start3A_208 = tpu.memref_slice %arg2[%dma_start3A_206, %dma_start3A_207] : memref<10000x128xf32, #tpu.memory_space<hbm>> -> memref<10000x128xf32, #tpu.memory_space<hbm>>
    tpu.enqueue_indirect_dma source(%dma_start3A_208 : memref<10000x128xf32, #tpu.memory_space<hbm>>) target(%dma_start3A_202 : memref<80x128xf32, #tpu.memory_space<vmem>>) offsets(%dma_start3A_205 : memref<80xi32, #tpu.memory_space<vmem>>) semaphore(%arg12 : memref<!tpu.dma_semaphore, #tpu.memory_space<semaphore_mem>>)
    %add3A_209 = arith.constant 160 : i32
    %add3A_210 = arith.addi %mul3A_2, %add3A_209 : i32
    %dma_wait3A_211 = arith.constant 2 : i32
    %dma_wait3A_212 = arith.constant 0 : i32
    %dma_wait3A_213 = tpu.memref_slice %arg7[%dma_wait3A_211, %dma_wait3A_212] : memref<8x80xi32, #tpu.memory_space<vmem>> -> memref<1x80xi32, #tpu.memory_space<vmem>>
    %dma_wait3A_214 = tpu.memref_squeeze %dma_wait3A_213 : memref<1x80xi32, #tpu.memory_space<vmem>> -> memref<80xi32, #tpu.memory_space<vmem>>
    %dma_wait3A_215 = tpu.memref_slice %arg3[%add3A_210] : memref<320000xi32, #tpu.memory_space<hbm>> -> memref<80xi32, #tpu.memory_space<hbm>>
    %dma_wait3A_216 = arith.constant 0 : i32
    %dma_wait3A_217 = tpu.memref_slice %arg7[%dma_wait3A_211, %dma_wait3A_216] : memref<8x80xi32, #tpu.memory_space<vmem>> -> memref<1x80xi32, #tpu.memory_space<vmem>>
    %dma_wait3A_218 = tpu.memref_squeeze %dma_wait3A_217 : memref<1x80xi32, #tpu.memory_space<vmem>> -> memref<80xi32, #tpu.memory_space<vmem>>
    %dma_wait3A_219 = tpu.memref_slice %arg3[%add3A_210] : memref<320000xi32, #tpu.memory_space<hbm>> -> memref<80xi32, #tpu.memory_space<hbm>>
    tpu.wait_dma2 semaphore(%arg11 : memref<!tpu.dma_semaphore, #tpu.memory_space<semaphore_mem>>) src(%dma_wait3A_219 : memref<80xi32, #tpu.memory_space<hbm>>) dst(%dma_wait3A_218 : memref<80xi32, #tpu.memory_space<vmem>>)
    %dma_wait3A_220 = arith.constant 2 : i32
    %dma_wait3A_221 = arith.constant 0 : i32
    %dma_wait3A_222 = tpu.memref_slice %arg8[%dma_wait3A_220, %dma_wait3A_221] : memref<8x80xi32, #tpu.memory_space<vmem>> -> memref<1x80xi32, #tpu.memory_space<vmem>>
    %dma_wait3A_223 = tpu.memref_squeeze %dma_wait3A_222 : memref<1x80xi32, #tpu.memory_space<vmem>> -> memref<80xi32, #tpu.memory_space<vmem>>
    %dma_wait3A_224 = tpu.memref_slice %arg4[%add3A_210] : memref<320000xi32, #tpu.memory_space<hbm>> -> memref<80xi32, #tpu.memory_space<hbm>>
    %dma_wait3A_225 = arith.constant 0 : i32
    %dma_wait3A_226 = tpu.memref_slice %arg8[%dma_wait3A_220, %dma_wait3A_225] : memref<8x80xi32, #tpu.memory_space<vmem>> -> memref<1x80xi32, #tpu.memory_space<vmem>>
    %dma_wait3A_227 = tpu.memref_squeeze %dma_wait3A_226 : memref<1x80xi32, #tpu.memory_space<vmem>> -> memref<80xi32, #tpu.memory_space<vmem>>
    %dma_wait3A_228 = tpu.memref_slice %arg4[%add3A_210] : memref<320000xi32, #tpu.memory_space<hbm>> -> memref<80xi32, #tpu.memory_space<hbm>>
    tpu.wait_dma2 semaphore(%arg11 : memref<!tpu.dma_semaphore, #tpu.memory_space<semaphore_mem>>) src(%dma_wait3A_228 : memref<80xi32, #tpu.memory_space<hbm>>) dst(%dma_wait3A_227 : memref<80xi32, #tpu.memory_space<vmem>>)
    %dma_start3A_229 = arith.constant 2 : i32
    %dma_start3A_230 = arith.constant 2 : i32
    %dma_start3A_231 = arith.constant 0 : i32
    %dma_start3A_232 = arith.constant 0 : i32
    %dma_start3A_233 = tpu.memref_slice %arg9[%dma_start3A_230, %dma_start3A_231, %dma_start3A_232] : memref<4x80x128xf32, #tpu.memory_space<vmem>> -> memref<1x80x128xf32, #tpu.memory_space<vmem>>
    %dma_start3A_234 = tpu.memref_squeeze %dma_start3A_233 : memref<1x80x128xf32, #tpu.memory_space<vmem>> -> memref<80x128xf32, #tpu.memory_space<vmem>>
    %dma_start3A_235 = arith.constant 0 : i32
    %dma_start3A_236 = tpu.memref_slice %arg7[%dma_start3A_229, %dma_start3A_235] : memref<8x80xi32, #tpu.memory_space<vmem>> -> memref<1x80xi32, #tpu.memory_space<vmem>>
    %dma_start3A_237 = tpu.memref_squeeze %dma_start3A_236 : memref<1x80xi32, #tpu.memory_space<vmem>> -> memref<80xi32, #tpu.memory_space<vmem>>
    %dma_start3A_238 = arith.constant 0 : i32
    %dma_start3A_239 = arith.constant 0 : i32
    %dma_start3A_240 = tpu.memref_slice %arg2[%dma_start3A_238, %dma_start3A_239] : memref<10000x128xf32, #tpu.memory_space<hbm>> -> memref<10000x128xf32, #tpu.memory_space<hbm>>
    tpu.enqueue_indirect_dma source(%dma_start3A_240 : memref<10000x128xf32, #tpu.memory_space<hbm>>) target(%dma_start3A_234 : memref<80x128xf32, #tpu.memory_space<vmem>>) offsets(%dma_start3A_237 : memref<80xi32, #tpu.memory_space<vmem>>) semaphore(%arg12 : memref<!tpu.dma_semaphore, #tpu.memory_space<semaphore_mem>>)
    %scan3A_241 = arith.constant 0 : i32
    %scan3A_242 = arith.constant 0 : i32
    %scan3A_243 = arith.constant 125 : i32
    %scan3A_244 = arith.addi %scan3A_242, %scan3A_243 : i32
    %scan3A_245 = arith.constant 1 : i32
    scf.for %scan3A_267 = %scan3A_242 to %scan3A_244 step %scan3A_245  : i32 {
      %rem3A = arith.constant 4 : i32
      %rem3A_268 = arith.remsi %scan3A_267, %rem3A : i32
      %rem3A_269 = arith.constant 8 : i32
      %rem3A_270 = arith.remsi %scan3A_267, %rem3A_269 : i32
      %dma_wait3A_271 = arith.constant 0 : i32
      %dma_wait3A_272 = arith.constant 0 : i32
      %dma_wait3A_273 = tpu.memref_slice %arg9[%rem3A_268, %dma_wait3A_271, %dma_wait3A_272] : memref<4x80x128xf32, #tpu.memory_space<vmem>> -> memref<1x80x128xf32, #tpu.memory_space<vmem>>
      %dma_wait3A_274 = tpu.memref_squeeze %dma_wait3A_273 : memref<1x80x128xf32, #tpu.memory_space<vmem>> -> memref<80x128xf32, #tpu.memory_space<vmem>>
      %dma_wait3A_275 = arith.constant 0 : i32
      %dma_wait3A_276 = tpu.memref_slice %arg7[%rem3A_270, %dma_wait3A_275] : memref<8x80xi32, #tpu.memory_space<vmem>> -> memref<1x80xi32, #tpu.memory_space<vmem>>
      %dma_wait3A_277 = tpu.memref_squeeze %dma_wait3A_276 : memref<1x80xi32, #tpu.memory_space<vmem>> -> memref<80xi32, #tpu.memory_space<vmem>>
      %dma_wait3A_278 = arith.constant 0 : i32
      %dma_wait3A_279 = arith.constant 0 : i32
      %dma_wait3A_280 = tpu.memref_slice %arg2[%dma_wait3A_278, %dma_wait3A_279] : memref<10000x128xf32, #tpu.memory_space<hbm>> -> memref<10000x128xf32, #tpu.memory_space<hbm>>
      tpu.wait_indirect_dma semaphore(%arg12 : memref<!tpu.dma_semaphore, #tpu.memory_space<semaphore_mem>>) src(%dma_wait3A_280 : memref<10000x128xf32, #tpu.memory_space<hbm>>) dst(%dma_wait3A_274 : memref<80x128xf32, #tpu.memory_space<vmem>>)
      %dma_start3A_281 = arith.constant 0 : i32
      %dma_start3A_282 = arith.constant 0 : i32
      %dma_start3A_283 = tpu.memref_slice %arg9[%rem3A_268, %dma_start3A_281, %dma_start3A_282] : memref<4x80x128xf32, #tpu.memory_space<vmem>> -> memref<1x80x128xf32, #tpu.memory_space<vmem>>
      %dma_start3A_284 = tpu.memref_squeeze %dma_start3A_283 : memref<1x80x128xf32, #tpu.memory_space<vmem>> -> memref<80x128xf32, #tpu.memory_space<vmem>>
      %dma_start3A_285 = arith.constant 0 : i32
      %dma_start3A_286 = tpu.memref_slice %arg8[%rem3A_270, %dma_start3A_285] : memref<8x80xi32, #tpu.memory_space<vmem>> -> memref<1x80xi32, #tpu.memory_space<vmem>>
      %dma_start3A_287 = tpu.memref_squeeze %dma_start3A_286 : memref<1x80xi32, #tpu.memory_space<vmem>> -> memref<80xi32, #tpu.memory_space<vmem>>
      %dma_start3A_288 = arith.constant 0 : i32
      %dma_start3A_289 = arith.constant 0 : i32
      %dma_start3A_290 = tpu.memref_slice %arg6[%dma_start3A_288, %dma_start3A_289] : memref<10000x128xf32, #tpu.memory_space<vmem_shared>> -> memref<10000x128xf32, #tpu.memory_space<vmem_shared>>
      tpu.enqueue_indirect_dma source(%dma_start3A_284 : memref<80x128xf32, #tpu.memory_space<vmem>>) target(%dma_start3A_290 : memref<10000x128xf32, #tpu.memory_space<vmem_shared>>) offsets(%dma_start3A_287 : memref<80xi32, #tpu.memory_space<vmem>>) semaphore(%arg13 : memref<!tpu.dma_semaphore, #tpu.memory_space<semaphore_mem>>) {add = true}
      %ge3A = arith.constant 1 : i32
      %ge3A_291 = arith.cmpi sge, %scan3A_267, %ge3A : i32
      %convert_element_type3A_292 = arith.extui %ge3A_291 : i1 to i32
      %cond3A_293 = arith.constant 0 : i32
      %cond3A_294 = arith.cmpi ne, %convert_element_type3A_292, %cond3A_293 : i32
      scf.if %cond3A_294 {
        %sub3A = arith.constant 1 : i32
        %sub3A_308 = arith.subi %scan3A_267, %sub3A : i32
        %rem3A_309 = arith.constant 4 : i32
        %rem3A_310 = arith.remsi %sub3A_308, %rem3A_309 : i32
        %rem3A_311 = arith.constant 8 : i32
        %rem3A_312 = arith.remsi %sub3A_308, %rem3A_311 : i32
        %dma_wait3A_313 = arith.constant 0 : i32
        %dma_wait3A_314 = arith.constant 0 : i32
        %dma_wait3A_315 = tpu.memref_slice %arg9[%rem3A_310, %dma_wait3A_313, %dma_wait3A_314] : memref<4x80x128xf32, #tpu.memory_space<vmem>> -> memref<1x80x128xf32, #tpu.memory_space<vmem>>
        %dma_wait3A_316 = tpu.memref_squeeze %dma_wait3A_315 : memref<1x80x128xf32, #tpu.memory_space<vmem>> -> memref<80x128xf32, #tpu.memory_space<vmem>>
        %dma_wait3A_317 = arith.constant 0 : i32
        %dma_wait3A_318 = tpu.memref_slice %arg8[%rem3A_312, %dma_wait3A_317] : memref<8x80xi32, #tpu.memory_space<vmem>> -> memref<1x80xi32, #tpu.memory_space<vmem>>
        %dma_wait3A_319 = tpu.memref_squeeze %dma_wait3A_318 : memref<1x80xi32, #tpu.memory_space<vmem>> -> memref<80xi32, #tpu.memory_space<vmem>>
        %dma_wait3A_320 = arith.constant 0 : i32
        %dma_wait3A_321 = arith.constant 0 : i32
        %dma_wait3A_322 = tpu.memref_slice %arg6[%dma_wait3A_320, %dma_wait3A_321] : memref<10000x128xf32, #tpu.memory_space<vmem_shared>> -> memref<10000x128xf32, #tpu.memory_space<vmem_shared>>
        tpu.wait_indirect_dma semaphore(%arg13 : memref<!tpu.dma_semaphore, #tpu.memory_space<semaphore_mem>>) src(%dma_wait3A_316 : memref<80x128xf32, #tpu.memory_space<vmem>>) dst(%dma_wait3A_322 : memref<10000x128xf32, #tpu.memory_space<vmem_shared>>)
      } else {
      }
      %add3A_295 = arith.constant 3 : i32
      %add3A_296 = arith.addi %scan3A_267, %add3A_295 : i32
      %lt3A = arith.constant 125 : i32
      %lt3A_297 = arith.cmpi slt, %add3A_296, %lt3A : i32
      %convert_element_type3A_298 = arith.extui %lt3A_297 : i1 to i32
      %cond3A_299 = arith.constant 0 : i32
      %cond3A_300 = arith.cmpi ne, %convert_element_type3A_298, %cond3A_299 : i32
      scf.if %cond3A_300 {
        %add3A_308 = arith.constant 3 : i32
        %add3A_309 = arith.addi %scan3A_267, %add3A_308 : i32
        %rem3A_310 = arith.constant 8 : i32
        %rem3A_311 = arith.remsi %add3A_309, %rem3A_310 : i32
        %mul3A_312 = arith.constant 80 : i32
        %mul3A_313 = arith.muli %add3A_309, %mul3A_312 : i32
        %add3A_314 = arith.addi %mul3A_2, %mul3A_313 : i32
        %dma_wait3A_315 = arith.constant 0 : i32
        %dma_wait3A_316 = tpu.memref_slice %arg7[%rem3A_311, %dma_wait3A_315] : memref<8x80xi32, #tpu.memory_space<vmem>> -> memref<1x80xi32, #tpu.memory_space<vmem>>
        %dma_wait3A_317 = tpu.memref_squeeze %dma_wait3A_316 : memref<1x80xi32, #tpu.memory_space<vmem>> -> memref<80xi32, #tpu.memory_space<vmem>>
        %dma_wait3A_318 = tpu.memref_slice %arg3[%add3A_314] : memref<320000xi32, #tpu.memory_space<hbm>> -> memref<80xi32, #tpu.memory_space<hbm>>
        %dma_wait3A_319 = arith.constant 0 : i32
        %dma_wait3A_320 = tpu.memref_slice %arg7[%rem3A_311, %dma_wait3A_319] : memref<8x80xi32, #tpu.memory_space<vmem>> -> memref<1x80xi32, #tpu.memory_space<vmem>>
        %dma_wait3A_321 = tpu.memref_squeeze %dma_wait3A_320 : memref<1x80xi32, #tpu.memory_space<vmem>> -> memref<80xi32, #tpu.memory_space<vmem>>
        %dma_wait3A_322 = tpu.memref_slice %arg3[%add3A_314] : memref<320000xi32, #tpu.memory_space<hbm>> -> memref<80xi32, #tpu.memory_space<hbm>>
        tpu.wait_dma2 semaphore(%arg11 : memref<!tpu.dma_semaphore, #tpu.memory_space<semaphore_mem>>) src(%dma_wait3A_322 : memref<80xi32, #tpu.memory_space<hbm>>) dst(%dma_wait3A_321 : memref<80xi32, #tpu.memory_space<vmem>>)
        %dma_wait3A_323 = arith.constant 0 : i32
        %dma_wait3A_324 = tpu.memref_slice %arg8[%rem3A_311, %dma_wait3A_323] : memref<8x80xi32, #tpu.memory_space<vmem>> -> memref<1x80xi32, #tpu.memory_space<vmem>>
        %dma_wait3A_325 = tpu.memref_squeeze %dma_wait3A_324 : memref<1x80xi32, #tpu.memory_space<vmem>> -> memref<80xi32, #tpu.memory_space<vmem>>
        %dma_wait3A_326 = tpu.memref_slice %arg4[%add3A_314] : memref<320000xi32, #tpu.memory_space<hbm>> -> memref<80xi32, #tpu.memory_space<hbm>>
        %dma_wait3A_327 = arith.constant 0 : i32
        %dma_wait3A_328 = tpu.memref_slice %arg8[%rem3A_311, %dma_wait3A_327] : memref<8x80xi32, #tpu.memory_space<vmem>> -> memref<1x80xi32, #tpu.memory_space<vmem>>
        %dma_wait3A_329 = tpu.memref_squeeze %dma_wait3A_328 : memref<1x80xi32, #tpu.memory_space<vmem>> -> memref<80xi32, #tpu.memory_space<vmem>>
        %dma_wait3A_330 = tpu.memref_slice %arg4[%add3A_314] : memref<320000xi32, #tpu.memory_space<hbm>> -> memref<80xi32, #tpu.memory_space<hbm>>
        tpu.wait_dma2 semaphore(%arg11 : memref<!tpu.dma_semaphore, #tpu.memory_space<semaphore_mem>>) src(%dma_wait3A_330 : memref<80xi32, #tpu.memory_space<hbm>>) dst(%dma_wait3A_329 : memref<80xi32, #tpu.memory_space<vmem>>)
        %rem3A_331 = arith.constant 4 : i32
        %rem3A_332 = arith.remsi %add3A_309, %rem3A_331 : i32
        %dma_start3A_333 = arith.constant 0 : i32
        %dma_start3A_334 = arith.constant 0 : i32
        %dma_start3A_335 = tpu.memref_slice %arg9[%rem3A_332, %dma_start3A_333, %dma_start3A_334] : memref<4x80x128xf32, #tpu.memory_space<vmem>> -> memref<1x80x128xf32, #tpu.memory_space<vmem>>
        %dma_start3A_336 = tpu.memref_squeeze %dma_start3A_335 : memref<1x80x128xf32, #tpu.memory_space<vmem>> -> memref<80x128xf32, #tpu.memory_space<vmem>>
        %dma_start3A_337 = arith.constant 0 : i32
        %dma_start3A_338 = tpu.memref_slice %arg7[%rem3A_311, %dma_start3A_337] : memref<8x80xi32, #tpu.memory_space<vmem>> -> memref<1x80xi32, #tpu.memory_space<vmem>>
        %dma_start3A_339 = tpu.memref_squeeze %dma_start3A_338 : memref<1x80xi32, #tpu.memory_space<vmem>> -> memref<80xi32, #tpu.memory_space<vmem>>
        %dma_start3A_340 = arith.constant 0 : i32
        %dma_start3A_341 = arith.constant 0 : i32
        %dma_start3A_342 = tpu.memref_slice %arg2[%dma_start3A_340, %dma_start3A_341] : memref<10000x128xf32, #tpu.memory_space<hbm>> -> memref<10000x128xf32, #tpu.memory_space<hbm>>
        tpu.enqueue_indirect_dma source(%dma_start3A_342 : memref<10000x128xf32, #tpu.memory_space<hbm>>) target(%dma_start3A_336 : memref<80x128xf32, #tpu.memory_space<vmem>>) offsets(%dma_start3A_339 : memref<80xi32, #tpu.memory_space<vmem>>) semaphore(%arg12 : memref<!tpu.dma_semaphore, #tpu.memory_space<semaphore_mem>>)
      } else {
      }
      %add3A_301 = arith.constant 6 : i32
      %add3A_302 = arith.addi %scan3A_267, %add3A_301 : i32
      %lt3A_303 = arith.constant 125 : i32
      %lt3A_304 = arith.cmpi slt, %add3A_302, %lt3A_303 : i32
      %convert_element_type3A_305 = arith.extui %lt3A_304 : i1 to i32
      %cond3A_306 = arith.constant 0 : i32
      %cond3A_307 = arith.cmpi ne, %convert_element_type3A_305, %cond3A_306 : i32
      scf.if %cond3A_307 {
        %add3A_308 = arith.constant 6 : i32
        %add3A_309 = arith.addi %scan3A_267, %add3A_308 : i32
        %rem3A_310 = arith.constant 8 : i32
        %rem3A_311 = arith.remsi %add3A_309, %rem3A_310 : i32
        %mul3A_312 = arith.constant 80 : i32
        %mul3A_313 = arith.muli %add3A_309, %mul3A_312 : i32
        %add3A_314 = arith.addi %mul3A_2, %mul3A_313 : i32
        %dma_start3A_315 = arith.constant 0 : i32
        %dma_start3A_316 = tpu.memref_slice %arg7[%rem3A_311, %dma_start3A_315] : memref<8x80xi32, #tpu.memory_space<vmem>> -> memref<1x80xi32, #tpu.memory_space<vmem>>
        %dma_start3A_317 = tpu.memref_squeeze %dma_start3A_316 : memref<1x80xi32, #tpu.memory_space<vmem>> -> memref<80xi32, #tpu.memory_space<vmem>>
        %dma_start3A_318 = tpu.memref_slice %arg3[%add3A_314] : memref<320000xi32, #tpu.memory_space<hbm>> -> memref<80xi32, #tpu.memory_space<hbm>>
        %dma_start3A_319 = arith.constant 0 : i32
        %dma_start3A_320 = tpu.memref_slice %arg7[%rem3A_311, %dma_start3A_319] : memref<8x80xi32, #tpu.memory_space<vmem>> -> memref<1x80xi32, #tpu.memory_space<vmem>>
        %dma_start3A_321 = tpu.memref_squeeze %dma_start3A_320 : memref<1x80xi32, #tpu.memory_space<vmem>> -> memref<80xi32, #tpu.memory_space<vmem>>
        %dma_start3A_322 = tpu.memref_slice %arg3[%add3A_314] : memref<320000xi32, #tpu.memory_space<hbm>> -> memref<80xi32, #tpu.memory_space<hbm>>
        tpu.enqueue_dma source(%dma_start3A_322 : memref<80xi32, #tpu.memory_space<hbm>>) target(%dma_start3A_321 : memref<80xi32, #tpu.memory_space<vmem>>) target_semaphore(%arg11 : memref<!tpu.dma_semaphore, #tpu.memory_space<semaphore_mem>>)
        %dma_start3A_323 = arith.constant 0 : i32
        %dma_start3A_324 = tpu.memref_slice %arg8[%rem3A_311, %dma_start3A_323] : memref<8x80xi32, #tpu.memory_space<vmem>> -> memref<1x80xi32, #tpu.memory_space<vmem>>
        %dma_start3A_325 = tpu.memref_squeeze %dma_start3A_324 : memref<1x80xi32, #tpu.memory_space<vmem>> -> memref<80xi32, #tpu.memory_space<vmem>>
        %dma_start3A_326 = tpu.memref_slice %arg4[%add3A_314] : memref<320000xi32, #tpu.memory_space<hbm>> -> memref<80xi32, #tpu.memory_space<hbm>>
        %dma_start3A_327 = arith.constant 0 : i32
        %dma_start3A_328 = tpu.memref_slice %arg8[%rem3A_311, %dma_start3A_327] : memref<8x80xi32, #tpu.memory_space<vmem>> -> memref<1x80xi32, #tpu.memory_space<vmem>>
        %dma_start3A_329 = tpu.memref_squeeze %dma_start3A_328 : memref<1x80xi32, #tpu.memory_space<vmem>> -> memref<80xi32, #tpu.memory_space<vmem>>
        %dma_start3A_330 = tpu.memref_slice %arg4[%add3A_314] : memref<320000xi32, #tpu.memory_space<hbm>> -> memref<80xi32, #tpu.memory_space<hbm>>
        tpu.enqueue_dma source(%dma_start3A_330 : memref<80xi32, #tpu.memory_space<hbm>>) target(%dma_start3A_329 : memref<80xi32, #tpu.memory_space<vmem>>) target_semaphore(%arg11 : memref<!tpu.dma_semaphore, #tpu.memory_space<semaphore_mem>>)
      } else {
      }
    }
    %scan3A_246 = arith.constant 125 : i32
    %dma_wait3A_247 = arith.constant 0 : i32
    %dma_wait3A_248 = arith.constant 4 : i32
    %dma_wait3A_249 = arith.constant 0 : i32
    %dma_wait3A_250 = arith.constant 0 : i32
    %dma_wait3A_251 = tpu.memref_slice %arg9[%dma_wait3A_247, %dma_wait3A_249, %dma_wait3A_250] : memref<4x80x128xf32, #tpu.memory_space<vmem>> -> memref<1x80x128xf32, #tpu.memory_space<vmem>>
    %dma_wait3A_252 = tpu.memref_squeeze %dma_wait3A_251 : memref<1x80x128xf32, #tpu.memory_space<vmem>> -> memref<80x128xf32, #tpu.memory_space<vmem>>
    %dma_wait3A_253 = arith.constant 0 : i32
    %dma_wait3A_254 = tpu.memref_slice %arg8[%dma_wait3A_248, %dma_wait3A_253] : memref<8x80xi32, #tpu.memory_space<vmem>> -> memref<1x80xi32, #tpu.memory_space<vmem>>
    %dma_wait3A_255 = tpu.memref_squeeze %dma_wait3A_254 : memref<1x80xi32, #tpu.memory_space<vmem>> -> memref<80xi32, #tpu.memory_space<vmem>>
    %dma_wait3A_256 = arith.constant 0 : i32
    %dma_wait3A_257 = arith.constant 0 : i32
    %dma_wait3A_258 = tpu.memref_slice %arg6[%dma_wait3A_256, %dma_wait3A_257] : memref<10000x128xf32, #tpu.memory_space<vmem_shared>> -> memref<10000x128xf32, #tpu.memory_space<vmem_shared>>
    tpu.wait_indirect_dma semaphore(%arg13 : memref<!tpu.dma_semaphore, #tpu.memory_space<semaphore_mem>>) src(%dma_wait3A_252 : memref<80x128xf32, #tpu.memory_space<vmem>>) dst(%dma_wait3A_258 : memref<10000x128xf32, #tpu.memory_space<vmem_shared>>)
    %barrier3A_259 = arith.constant 0 : index
    tpu.barrier barrier_id(%barrier3A_259)
    %mul3A_260 = arith.constant 624 : i32
    %mul3A_261 = arith.muli %arg1, %mul3A_260 : i32
    "tpu.region"() ({
      %run_scoped3A = tpu.sem_alloc : memref<!tpu.dma_semaphore, #tpu.memory_space<semaphore_mem>>
      %dma_start3A_267 = arith.constant 0 : i32
      %dma_start3A_268 = tpu.memref_slice %arg5[%arg0, %mul3A_261, %dma_start3A_267] : memref<2x10000x128xf32, #tpu.memory_space<hbm>> -> memref<1x624x128xf32, #tpu.memory_space<hbm>>
      %dma_start3A_269 = tpu.memref_squeeze %dma_start3A_268 : memref<1x624x128xf32, #tpu.memory_space<hbm>> -> memref<624x128xf32, #tpu.memory_space<hbm>>
      %dma_start3A_270 = arith.constant 0 : i32
      %dma_start3A_271 = tpu.memref_slice %arg6[%mul3A_261, %dma_start3A_270] : memref<10000x128xf32, #tpu.memory_space<vmem_shared>> -> memref<624x128xf32, #tpu.memory_space<vmem_shared>>
      tpu.enqueue_dma source(%dma_start3A_271 : memref<624x128xf32, #tpu.memory_space<vmem_shared>>) target(%dma_start3A_269 : memref<624x128xf32, #tpu.memory_space<hbm>>) target_semaphore(%run_scoped3A : memref<!tpu.dma_semaphore, #tpu.memory_space<semaphore_mem>>)
      %dma_wait3A_272 = arith.constant 0 : i32
      %dma_wait3A_273 = tpu.memref_slice %arg5[%arg0, %mul3A_261, %dma_wait3A_272] : memref<2x10000x128xf32, #tpu.memory_space<hbm>> -> memref<1x624x128xf32, #tpu.memory_space<hbm>>
      %dma_wait3A_274 = tpu.memref_squeeze %dma_wait3A_273 : memref<1x624x128xf32, #tpu.memory_space<hbm>> -> memref<624x128xf32, #tpu.memory_space<hbm>>
      %dma_wait3A_275 = arith.constant 0 : i32
      %dma_wait3A_276 = tpu.memref_slice %arg6[%mul3A_261, %dma_wait3A_275] : memref<10000x128xf32, #tpu.memory_space<vmem_shared>> -> memref<624x128xf32, #tpu.memory_space<vmem_shared>>
      tpu.wait_dma2 semaphore(%run_scoped3A : memref<!tpu.dma_semaphore, #tpu.memory_space<semaphore_mem>>) src(%dma_wait3A_276 : memref<624x128xf32, #tpu.memory_space<vmem_shared>>) dst(%dma_wait3A_274 : memref<624x128xf32, #tpu.memory_space<hbm>>)
      tpu.yield
    }) : () -> ()
    %eq3A_262 = arith.constant 15 : i32
    %eq3A_263 = arith.cmpi eq, %arg1, %eq3A_262 : i32
    %convert_element_type3A_264 = arith.extui %eq3A_263 : i1 to i32
    %cond3A_265 = arith.constant 0 : i32
    %cond3A_266 = arith.cmpi ne, %convert_element_type3A_264, %cond3A_265 : i32
    scf.if %cond3A_266 {
      "tpu.region"() ({
        %run_scoped3A = tpu.sem_alloc : memref<!tpu.dma_semaphore, #tpu.memory_space<semaphore_mem>>
        %dma_start3A_267 = arith.constant 9984 : i32
        %dma_start3A_268 = arith.constant 0 : i32
        %dma_start3A_269 = tpu.memref_slice %arg5[%arg0, %dma_start3A_267, %dma_start3A_268] : memref<2x10000x128xf32, #tpu.memory_space<hbm>> -> memref<1x16x128xf32, #tpu.memory_space<hbm>>
        %dma_start3A_270 = tpu.memref_squeeze %dma_start3A_269 : memref<1x16x128xf32, #tpu.memory_space<hbm>> -> memref<16x128xf32, #tpu.memory_space<hbm>>
        %dma_start3A_271 = arith.constant 9984 : i32
        %dma_start3A_272 = arith.constant 0 : i32
        %dma_start3A_273 = tpu.memref_slice %arg6[%dma_start3A_271, %dma_start3A_272] : memref<10000x128xf32, #tpu.memory_space<vmem_shared>> -> memref<16x128xf32, #tpu.memory_space<vmem_shared>>
        tpu.enqueue_dma source(%dma_start3A_273 : memref<16x128xf32, #tpu.memory_space<vmem_shared>>) target(%dma_start3A_270 : memref<16x128xf32, #tpu.memory_space<hbm>>) target_semaphore(%run_scoped3A : memref<!tpu.dma_semaphore, #tpu.memory_space<semaphore_mem>>)
        %dma_wait3A_274 = arith.constant 9984 : i32
        %dma_wait3A_275 = arith.constant 0 : i32
        %dma_wait3A_276 = tpu.memref_slice %arg5[%arg0, %dma_wait3A_274, %dma_wait3A_275] : memref<2x10000x128xf32, #tpu.memory_space<hbm>> -> memref<1x16x128xf32, #tpu.memory_space<hbm>>
        %dma_wait3A_277 = tpu.memref_squeeze %dma_wait3A_276 : memref<1x16x128xf32, #tpu.memory_space<hbm>> -> memref<16x128xf32, #tpu.memory_space<hbm>>
        %dma_wait3A_278 = arith.constant 9984 : i32
        %dma_wait3A_279 = arith.constant 0 : i32
        %dma_wait3A_280 = tpu.memref_slice %arg6[%dma_wait3A_278, %dma_wait3A_279] : memref<10000x128xf32, #tpu.memory_space<vmem_shared>> -> memref<16x128xf32, #tpu.memory_space<vmem_shared>>
        tpu.wait_dma2 semaphore(%run_scoped3A : memref<!tpu.dma_semaphore, #tpu.memory_space<semaphore_mem>>) src(%dma_wait3A_280 : memref<16x128xf32, #tpu.memory_space<vmem_shared>>) dst(%dma_wait3A_277 : memref<16x128xf32, #tpu.memory_space<hbm>>)
        tpu.yield
      }) : () -> ()
    } else {
    }
    return
  }
}

#map = affine_map<(d0, d1) -> (0, 0)>
#map1 = affine_map<(d0, d1) -> (0)>
#map2 = affine_map<(d0, d1) -> (0, 0, 0)>
module attributes {stable_mosaic.version = 14 : i64} {
  func.func @_sc_agg(%arg0: i32, %arg1: i32, %arg2: memref<10000x128xf32, #tpu.memory_space<hbm>>, %arg3: memref<320000xi32, #tpu.memory_space<hbm>>, %arg4: memref<320000xi32, #tpu.memory_space<hbm>>, %arg5: memref<2x10000x128xf32, #tpu.memory_space<hbm>>, %arg6: memref<10000x128xf32, #tpu.memory_space<vmem_shared>>, %arg7: memref<8x80xi32, #tpu.memory_space<vmem>>, %arg8: memref<8x80xi32, #tpu.memory_space<vmem>>, %arg9: memref<4x80x128xf32, #tpu.memory_space<vmem>>, %arg10: memref<48x128xf32, #tpu.memory_space<vmem>>, %arg11: memref<!tpu.dma_semaphore, #tpu.memory_space<semaphore_mem>>, %arg12: memref<!tpu.dma_semaphore, #tpu.memory_space<semaphore_mem>>, %arg13: memref<!tpu.dma_semaphore, #tpu.memory_space<semaphore_mem>>) attributes {dimension_semantics = [#tpu.dimension_semantics<core_parallel>, #tpu.dimension_semantics<subcore_parallel>], iteration_bounds = array<i64: 2, 16>, scalar_prefetch = 0 : i64, scratch_operands = 8 : i64, tpu.core_type = #tpu.core_type<sc_vector_subcore>, window_params = [{transform_indices = #map}, {transform_indices = #map1}, {transform_indices = #map1}, {transform_indices = #map2}]} {
    %mul3A = arith.constant 16 : i32
    %mul3A_0 = arith.muli %arg0, %mul3A : i32
    %add3A = arith.addi %mul3A_0, %arg1 : i32
    %mul3A_1 = arith.constant 10000 : i32
    %mul3A_2 = arith.muli %add3A, %mul3A_1 : i32
    %add3A_3 = arith.constant 0 : i32
    %add3A_4 = arith.addi %mul3A_2, %add3A_3 : i32
    %dma_start3A = arith.constant 0 : i32
    %dma_start3A_5 = arith.constant 0 : i32
    %dma_start3A_6 = tpu.memref_slice %arg7[%dma_start3A, %dma_start3A_5] : memref<8x80xi32, #tpu.memory_space<vmem>> -> memref<1x80xi32, #tpu.memory_space<vmem>>
    %dma_start3A_7 = tpu.memref_squeeze %dma_start3A_6 : memref<1x80xi32, #tpu.memory_space<vmem>> -> memref<80xi32, #tpu.memory_space<vmem>>
    %dma_start3A_8 = tpu.memref_slice %arg3[%add3A_4] : memref<320000xi32, #tpu.memory_space<hbm>> -> memref<80xi32, #tpu.memory_space<hbm>>
    %dma_start3A_9 = arith.constant 0 : i32
    %dma_start3A_10 = tpu.memref_slice %arg7[%dma_start3A, %dma_start3A_9] : memref<8x80xi32, #tpu.memory_space<vmem>> -> memref<1x80xi32, #tpu.memory_space<vmem>>
    %dma_start3A_11 = tpu.memref_squeeze %dma_start3A_10 : memref<1x80xi32, #tpu.memory_space<vmem>> -> memref<80xi32, #tpu.memory_space<vmem>>
    %dma_start3A_12 = tpu.memref_slice %arg3[%add3A_4] : memref<320000xi32, #tpu.memory_space<hbm>> -> memref<80xi32, #tpu.memory_space<hbm>>
    tpu.enqueue_dma source(%dma_start3A_12 : memref<80xi32, #tpu.memory_space<hbm>>) target(%dma_start3A_11 : memref<80xi32, #tpu.memory_space<vmem>>) target_semaphore(%arg11 : memref<!tpu.dma_semaphore, #tpu.memory_space<semaphore_mem>>)
    %dma_start3A_13 = arith.constant 0 : i32
    %dma_start3A_14 = arith.constant 0 : i32
    %dma_start3A_15 = tpu.memref_slice %arg8[%dma_start3A_13, %dma_start3A_14] : memref<8x80xi32, #tpu.memory_space<vmem>> -> memref<1x80xi32, #tpu.memory_space<vmem>>
    %dma_start3A_16 = tpu.memref_squeeze %dma_start3A_15 : memref<1x80xi32, #tpu.memory_space<vmem>> -> memref<80xi32, #tpu.memory_space<vmem>>
    %dma_start3A_17 = tpu.memref_slice %arg4[%add3A_4] : memref<320000xi32, #tpu.memory_space<hbm>> -> memref<80xi32, #tpu.memory_space<hbm>>
    %dma_start3A_18 = arith.constant 0 : i32
    %dma_start3A_19 = tpu.memref_slice %arg8[%dma_start3A_13, %dma_start3A_18] : memref<8x80xi32, #tpu.memory_space<vmem>> -> memref<1x80xi32, #tpu.memory_space<vmem>>
    %dma_start3A_20 = tpu.memref_squeeze %dma_start3A_19 : memref<1x80xi32, #tpu.memory_space<vmem>> -> memref<80xi32, #tpu.memory_space<vmem>>
    %dma_start3A_21 = tpu.memref_slice %arg4[%add3A_4] : memref<320000xi32, #tpu.memory_space<hbm>> -> memref<80xi32, #tpu.memory_space<hbm>>
    tpu.enqueue_dma source(%dma_start3A_21 : memref<80xi32, #tpu.memory_space<hbm>>) target(%dma_start3A_20 : memref<80xi32, #tpu.memory_space<vmem>>) target_semaphore(%arg11 : memref<!tpu.dma_semaphore, #tpu.memory_space<semaphore_mem>>)
    %add3A_22 = arith.constant 80 : i32
    %add3A_23 = arith.addi %mul3A_2, %add3A_22 : i32
    %dma_start3A_24 = arith.constant 1 : i32
    %dma_start3A_25 = arith.constant 0 : i32
    %dma_start3A_26 = tpu.memref_slice %arg7[%dma_start3A_24, %dma_start3A_25] : memref<8x80xi32, #tpu.memory_space<vmem>> -> memref<1x80xi32, #tpu.memory_space<vmem>>
    %dma_start3A_27 = tpu.memref_squeeze %dma_start3A_26 : memref<1x80xi32, #tpu.memory_space<vmem>> -> memref<80xi32, #tpu.memory_space<vmem>>
    %dma_start3A_28 = tpu.memref_slice %arg3[%add3A_23] : memref<320000xi32, #tpu.memory_space<hbm>> -> memref<80xi32, #tpu.memory_space<hbm>>
    %dma_start3A_29 = arith.constant 0 : i32
    %dma_start3A_30 = tpu.memref_slice %arg7[%dma_start3A_24, %dma_start3A_29] : memref<8x80xi32, #tpu.memory_space<vmem>> -> memref<1x80xi32, #tpu.memory_space<vmem>>
    %dma_start3A_31 = tpu.memref_squeeze %dma_start3A_30 : memref<1x80xi32, #tpu.memory_space<vmem>> -> memref<80xi32, #tpu.memory_space<vmem>>
    %dma_start3A_32 = tpu.memref_slice %arg3[%add3A_23] : memref<320000xi32, #tpu.memory_space<hbm>> -> memref<80xi32, #tpu.memory_space<hbm>>
    tpu.enqueue_dma source(%dma_start3A_32 : memref<80xi32, #tpu.memory_space<hbm>>) target(%dma_start3A_31 : memref<80xi32, #tpu.memory_space<vmem>>) target_semaphore(%arg11 : memref<!tpu.dma_semaphore, #tpu.memory_space<semaphore_mem>>)
    %dma_start3A_33 = arith.constant 1 : i32
    %dma_start3A_34 = arith.constant 0 : i32
    %dma_start3A_35 = tpu.memref_slice %arg8[%dma_start3A_33, %dma_start3A_34] : memref<8x80xi32, #tpu.memory_space<vmem>> -> memref<1x80xi32, #tpu.memory_space<vmem>>
    %dma_start3A_36 = tpu.memref_squeeze %dma_start3A_35 : memref<1x80xi32, #tpu.memory_space<vmem>> -> memref<80xi32, #tpu.memory_space<vmem>>
    %dma_start3A_37 = tpu.memref_slice %arg4[%add3A_23] : memref<320000xi32, #tpu.memory_space<hbm>> -> memref<80xi32, #tpu.memory_space<hbm>>
    %dma_start3A_38 = arith.constant 0 : i32
    %dma_start3A_39 = tpu.memref_slice %arg8[%dma_start3A_33, %dma_start3A_38] : memref<8x80xi32, #tpu.memory_space<vmem>> -> memref<1x80xi32, #tpu.memory_space<vmem>>
    %dma_start3A_40 = tpu.memref_squeeze %dma_start3A_39 : memref<1x80xi32, #tpu.memory_space<vmem>> -> memref<80xi32, #tpu.memory_space<vmem>>
    %dma_start3A_41 = tpu.memref_slice %arg4[%add3A_23] : memref<320000xi32, #tpu.memory_space<hbm>> -> memref<80xi32, #tpu.memory_space<hbm>>
    tpu.enqueue_dma source(%dma_start3A_41 : memref<80xi32, #tpu.memory_space<hbm>>) target(%dma_start3A_40 : memref<80xi32, #tpu.memory_space<vmem>>) target_semaphore(%arg11 : memref<!tpu.dma_semaphore, #tpu.memory_space<semaphore_mem>>)
    %add3A_42 = arith.constant 160 : i32
    %add3A_43 = arith.addi %mul3A_2, %add3A_42 : i32
    %dma_start3A_44 = arith.constant 2 : i32
    %dma_start3A_45 = arith.constant 0 : i32
    %dma_start3A_46 = tpu.memref_slice %arg7[%dma_start3A_44, %dma_start3A_45] : memref<8x80xi32, #tpu.memory_space<vmem>> -> memref<1x80xi32, #tpu.memory_space<vmem>>
    %dma_start3A_47 = tpu.memref_squeeze %dma_start3A_46 : memref<1x80xi32, #tpu.memory_space<vmem>> -> memref<80xi32, #tpu.memory_space<vmem>>
    %dma_start3A_48 = tpu.memref_slice %arg3[%add3A_43] : memref<320000xi32, #tpu.memory_space<hbm>> -> memref<80xi32, #tpu.memory_space<hbm>>
    %dma_start3A_49 = arith.constant 0 : i32
    %dma_start3A_50 = tpu.memref_slice %arg7[%dma_start3A_44, %dma_start3A_49] : memref<8x80xi32, #tpu.memory_space<vmem>> -> memref<1x80xi32, #tpu.memory_space<vmem>>
    %dma_start3A_51 = tpu.memref_squeeze %dma_start3A_50 : memref<1x80xi32, #tpu.memory_space<vmem>> -> memref<80xi32, #tpu.memory_space<vmem>>
    %dma_start3A_52 = tpu.memref_slice %arg3[%add3A_43] : memref<320000xi32, #tpu.memory_space<hbm>> -> memref<80xi32, #tpu.memory_space<hbm>>
    tpu.enqueue_dma source(%dma_start3A_52 : memref<80xi32, #tpu.memory_space<hbm>>) target(%dma_start3A_51 : memref<80xi32, #tpu.memory_space<vmem>>) target_semaphore(%arg11 : memref<!tpu.dma_semaphore, #tpu.memory_space<semaphore_mem>>)
    %dma_start3A_53 = arith.constant 2 : i32
    %dma_start3A_54 = arith.constant 0 : i32
    %dma_start3A_55 = tpu.memref_slice %arg8[%dma_start3A_53, %dma_start3A_54] : memref<8x80xi32, #tpu.memory_space<vmem>> -> memref<1x80xi32, #tpu.memory_space<vmem>>
    %dma_start3A_56 = tpu.memref_squeeze %dma_start3A_55 : memref<1x80xi32, #tpu.memory_space<vmem>> -> memref<80xi32, #tpu.memory_space<vmem>>
    %dma_start3A_57 = tpu.memref_slice %arg4[%add3A_43] : memref<320000xi32, #tpu.memory_space<hbm>> -> memref<80xi32, #tpu.memory_space<hbm>>
    %dma_start3A_58 = arith.constant 0 : i32
    %dma_start3A_59 = tpu.memref_slice %arg8[%dma_start3A_53, %dma_start3A_58] : memref<8x80xi32, #tpu.memory_space<vmem>> -> memref<1x80xi32, #tpu.memory_space<vmem>>
    %dma_start3A_60 = tpu.memref_squeeze %dma_start3A_59 : memref<1x80xi32, #tpu.memory_space<vmem>> -> memref<80xi32, #tpu.memory_space<vmem>>
    %dma_start3A_61 = tpu.memref_slice %arg4[%add3A_43] : memref<320000xi32, #tpu.memory_space<hbm>> -> memref<80xi32, #tpu.memory_space<hbm>>
    tpu.enqueue_dma source(%dma_start3A_61 : memref<80xi32, #tpu.memory_space<hbm>>) target(%dma_start3A_60 : memref<80xi32, #tpu.memory_space<vmem>>) target_semaphore(%arg11 : memref<!tpu.dma_semaphore, #tpu.memory_space<semaphore_mem>>)
    %add3A_62 = arith.constant 240 : i32
    %add3A_63 = arith.addi %mul3A_2, %add3A_62 : i32
    %dma_start3A_64 = arith.constant 3 : i32
    %dma_start3A_65 = arith.constant 0 : i32
    %dma_start3A_66 = tpu.memref_slice %arg7[%dma_start3A_64, %dma_start3A_65] : memref<8x80xi32, #tpu.memory_space<vmem>> -> memref<1x80xi32, #tpu.memory_space<vmem>>
    %dma_start3A_67 = tpu.memref_squeeze %dma_start3A_66 : memref<1x80xi32, #tpu.memory_space<vmem>> -> memref<80xi32, #tpu.memory_space<vmem>>
    %dma_start3A_68 = tpu.memref_slice %arg3[%add3A_63] : memref<320000xi32, #tpu.memory_space<hbm>> -> memref<80xi32, #tpu.memory_space<hbm>>
    %dma_start3A_69 = arith.constant 0 : i32
    %dma_start3A_70 = tpu.memref_slice %arg7[%dma_start3A_64, %dma_start3A_69] : memref<8x80xi32, #tpu.memory_space<vmem>> -> memref<1x80xi32, #tpu.memory_space<vmem>>
    %dma_start3A_71 = tpu.memref_squeeze %dma_start3A_70 : memref<1x80xi32, #tpu.memory_space<vmem>> -> memref<80xi32, #tpu.memory_space<vmem>>
    %dma_start3A_72 = tpu.memref_slice %arg3[%add3A_63] : memref<320000xi32, #tpu.memory_space<hbm>> -> memref<80xi32, #tpu.memory_space<hbm>>
    tpu.enqueue_dma source(%dma_start3A_72 : memref<80xi32, #tpu.memory_space<hbm>>) target(%dma_start3A_71 : memref<80xi32, #tpu.memory_space<vmem>>) target_semaphore(%arg11 : memref<!tpu.dma_semaphore, #tpu.memory_space<semaphore_mem>>)
    %dma_start3A_73 = arith.constant 3 : i32
    %dma_start3A_74 = arith.constant 0 : i32
    %dma_start3A_75 = tpu.memref_slice %arg8[%dma_start3A_73, %dma_start3A_74] : memref<8x80xi32, #tpu.memory_space<vmem>> -> memref<1x80xi32, #tpu.memory_space<vmem>>
    %dma_start3A_76 = tpu.memref_squeeze %dma_start3A_75 : memref<1x80xi32, #tpu.memory_space<vmem>> -> memref<80xi32, #tpu.memory_space<vmem>>
    %dma_start3A_77 = tpu.memref_slice %arg4[%add3A_63] : memref<320000xi32, #tpu.memory_space<hbm>> -> memref<80xi32, #tpu.memory_space<hbm>>
    %dma_start3A_78 = arith.constant 0 : i32
    %dma_start3A_79 = tpu.memref_slice %arg8[%dma_start3A_73, %dma_start3A_78] : memref<8x80xi32, #tpu.memory_space<vmem>> -> memref<1x80xi32, #tpu.memory_space<vmem>>
    %dma_start3A_80 = tpu.memref_squeeze %dma_start3A_79 : memref<1x80xi32, #tpu.memory_space<vmem>> -> memref<80xi32, #tpu.memory_space<vmem>>
    %dma_start3A_81 = tpu.memref_slice %arg4[%add3A_63] : memref<320000xi32, #tpu.memory_space<hbm>> -> memref<80xi32, #tpu.memory_space<hbm>>
    tpu.enqueue_dma source(%dma_start3A_81 : memref<80xi32, #tpu.memory_space<hbm>>) target(%dma_start3A_80 : memref<80xi32, #tpu.memory_space<vmem>>) target_semaphore(%arg11 : memref<!tpu.dma_semaphore, #tpu.memory_space<semaphore_mem>>)
    %add3A_82 = arith.constant 320 : i32
    %add3A_83 = arith.addi %mul3A_2, %add3A_82 : i32
    %dma_start3A_84 = arith.constant 4 : i32
    %dma_start3A_85 = arith.constant 0 : i32
    %dma_start3A_86 = tpu.memref_slice %arg7[%dma_start3A_84, %dma_start3A_85] : memref<8x80xi32, #tpu.memory_space<vmem>> -> memref<1x80xi32, #tpu.memory_space<vmem>>
    %dma_start3A_87 = tpu.memref_squeeze %dma_start3A_86 : memref<1x80xi32, #tpu.memory_space<vmem>> -> memref<80xi32, #tpu.memory_space<vmem>>
    %dma_start3A_88 = tpu.memref_slice %arg3[%add3A_83] : memref<320000xi32, #tpu.memory_space<hbm>> -> memref<80xi32, #tpu.memory_space<hbm>>
    %dma_start3A_89 = arith.constant 0 : i32
    %dma_start3A_90 = tpu.memref_slice %arg7[%dma_start3A_84, %dma_start3A_89] : memref<8x80xi32, #tpu.memory_space<vmem>> -> memref<1x80xi32, #tpu.memory_space<vmem>>
    %dma_start3A_91 = tpu.memref_squeeze %dma_start3A_90 : memref<1x80xi32, #tpu.memory_space<vmem>> -> memref<80xi32, #tpu.memory_space<vmem>>
    %dma_start3A_92 = tpu.memref_slice %arg3[%add3A_83] : memref<320000xi32, #tpu.memory_space<hbm>> -> memref<80xi32, #tpu.memory_space<hbm>>
    tpu.enqueue_dma source(%dma_start3A_92 : memref<80xi32, #tpu.memory_space<hbm>>) target(%dma_start3A_91 : memref<80xi32, #tpu.memory_space<vmem>>) target_semaphore(%arg11 : memref<!tpu.dma_semaphore, #tpu.memory_space<semaphore_mem>>)
    %dma_start3A_93 = arith.constant 4 : i32
    %dma_start3A_94 = arith.constant 0 : i32
    %dma_start3A_95 = tpu.memref_slice %arg8[%dma_start3A_93, %dma_start3A_94] : memref<8x80xi32, #tpu.memory_space<vmem>> -> memref<1x80xi32, #tpu.memory_space<vmem>>
    %dma_start3A_96 = tpu.memref_squeeze %dma_start3A_95 : memref<1x80xi32, #tpu.memory_space<vmem>> -> memref<80xi32, #tpu.memory_space<vmem>>
    %dma_start3A_97 = tpu.memref_slice %arg4[%add3A_83] : memref<320000xi32, #tpu.memory_space<hbm>> -> memref<80xi32, #tpu.memory_space<hbm>>
    %dma_start3A_98 = arith.constant 0 : i32
    %dma_start3A_99 = tpu.memref_slice %arg8[%dma_start3A_93, %dma_start3A_98] : memref<8x80xi32, #tpu.memory_space<vmem>> -> memref<1x80xi32, #tpu.memory_space<vmem>>
    %dma_start3A_100 = tpu.memref_squeeze %dma_start3A_99 : memref<1x80xi32, #tpu.memory_space<vmem>> -> memref<80xi32, #tpu.memory_space<vmem>>
    %dma_start3A_101 = tpu.memref_slice %arg4[%add3A_83] : memref<320000xi32, #tpu.memory_space<hbm>> -> memref<80xi32, #tpu.memory_space<hbm>>
    tpu.enqueue_dma source(%dma_start3A_101 : memref<80xi32, #tpu.memory_space<hbm>>) target(%dma_start3A_100 : memref<80xi32, #tpu.memory_space<vmem>>) target_semaphore(%arg11 : memref<!tpu.dma_semaphore, #tpu.memory_space<semaphore_mem>>)
    %add3A_102 = arith.constant 400 : i32
    %add3A_103 = arith.addi %mul3A_2, %add3A_102 : i32
    %dma_start3A_104 = arith.constant 5 : i32
    %dma_start3A_105 = arith.constant 0 : i32
    %dma_start3A_106 = tpu.memref_slice %arg7[%dma_start3A_104, %dma_start3A_105] : memref<8x80xi32, #tpu.memory_space<vmem>> -> memref<1x80xi32, #tpu.memory_space<vmem>>
    %dma_start3A_107 = tpu.memref_squeeze %dma_start3A_106 : memref<1x80xi32, #tpu.memory_space<vmem>> -> memref<80xi32, #tpu.memory_space<vmem>>
    %dma_start3A_108 = tpu.memref_slice %arg3[%add3A_103] : memref<320000xi32, #tpu.memory_space<hbm>> -> memref<80xi32, #tpu.memory_space<hbm>>
    %dma_start3A_109 = arith.constant 0 : i32
    %dma_start3A_110 = tpu.memref_slice %arg7[%dma_start3A_104, %dma_start3A_109] : memref<8x80xi32, #tpu.memory_space<vmem>> -> memref<1x80xi32, #tpu.memory_space<vmem>>
    %dma_start3A_111 = tpu.memref_squeeze %dma_start3A_110 : memref<1x80xi32, #tpu.memory_space<vmem>> -> memref<80xi32, #tpu.memory_space<vmem>>
    %dma_start3A_112 = tpu.memref_slice %arg3[%add3A_103] : memref<320000xi32, #tpu.memory_space<hbm>> -> memref<80xi32, #tpu.memory_space<hbm>>
    tpu.enqueue_dma source(%dma_start3A_112 : memref<80xi32, #tpu.memory_space<hbm>>) target(%dma_start3A_111 : memref<80xi32, #tpu.memory_space<vmem>>) target_semaphore(%arg11 : memref<!tpu.dma_semaphore, #tpu.memory_space<semaphore_mem>>)
    %dma_start3A_113 = arith.constant 5 : i32
    %dma_start3A_114 = arith.constant 0 : i32
    %dma_start3A_115 = tpu.memref_slice %arg8[%dma_start3A_113, %dma_start3A_114] : memref<8x80xi32, #tpu.memory_space<vmem>> -> memref<1x80xi32, #tpu.memory_space<vmem>>
    %dma_start3A_116 = tpu.memref_squeeze %dma_start3A_115 : memref<1x80xi32, #tpu.memory_space<vmem>> -> memref<80xi32, #tpu.memory_space<vmem>>
    %dma_start3A_117 = tpu.memref_slice %arg4[%add3A_103] : memref<320000xi32, #tpu.memory_space<hbm>> -> memref<80xi32, #tpu.memory_space<hbm>>
    %dma_start3A_118 = arith.constant 0 : i32
    %dma_start3A_119 = tpu.memref_slice %arg8[%dma_start3A_113, %dma_start3A_118] : memref<8x80xi32, #tpu.memory_space<vmem>> -> memref<1x80xi32, #tpu.memory_space<vmem>>
    %dma_start3A_120 = tpu.memref_squeeze %dma_start3A_119 : memref<1x80xi32, #tpu.memory_space<vmem>> -> memref<80xi32, #tpu.memory_space<vmem>>
    %dma_start3A_121 = tpu.memref_slice %arg4[%add3A_103] : memref<320000xi32, #tpu.memory_space<hbm>> -> memref<80xi32, #tpu.memory_space<hbm>>
    tpu.enqueue_dma source(%dma_start3A_121 : memref<80xi32, #tpu.memory_space<hbm>>) target(%dma_start3A_120 : memref<80xi32, #tpu.memory_space<vmem>>) target_semaphore(%arg11 : memref<!tpu.dma_semaphore, #tpu.memory_space<semaphore_mem>>)
    %scan3A = arith.constant 0 : i32
    %scan3A_122 = arith.constant 0 : i32
    %scan3A_123 = arith.constant 48 : i32
    %scan3A_124 = arith.addi %scan3A_122, %scan3A_123 : i32
    %scan3A_125 = arith.constant 1 : i32
    scf.for %scan3A_267 = %scan3A_122 to %scan3A_124 step %scan3A_125  : i32 {
      %broadcast_in_dim3A = arith.constant 0.000000e+00 : f32
      %broadcast_in_dim3A_268 = vector.broadcast %broadcast_in_dim3A : f32 to vector<16xf32>
      %swap3A = arith.index_cast %scan3A_267 : i32 to index
      %swap3A_269 = arith.constant 0 : index
      %swap3A_270 = tpu.vector_load %arg10[%swap3A, %swap3A_269] {strides = array<i32>} : memref<48x128xf32, #tpu.memory_space<vmem>>, vector<1x16xf32>,
      %swap3A_271 = vector.shape_cast %swap3A_270 : vector<1x16xf32> to vector<16xf32>
      %swap3A_272 = vector.shape_cast %broadcast_in_dim3A_268 : vector<16xf32> to vector<1x16xf32>
      tpu.vector_store %arg10[%swap3A, %swap3A_269], %swap3A_272 {strides = array<i32>} : memref<48x128xf32, #tpu.memory_space<vmem>>, vector<1x16xf32>,
      %broadcast_in_dim3A_273 = arith.constant 0.000000e+00 : f32
      %broadcast_in_dim3A_274 = vector.broadcast %broadcast_in_dim3A_273 : f32 to vector<16xf32>
      %swap3A_275 = arith.index_cast %scan3A_267 : i32 to index
      %swap3A_276 = arith.constant 16 : index
      %swap3A_277 = tpu.vector_load %arg10[%swap3A_275, %swap3A_276] {strides = array<i32>} : memref<48x128xf32, #tpu.memory_space<vmem>>, vector<1x16xf32>,
      %swap3A_278 = vector.shape_cast %swap3A_277 : vector<1x16xf32> to vector<16xf32>
      %swap3A_279 = vector.shape_cast %broadcast_in_dim3A_274 : vector<16xf32> to vector<1x16xf32>
      tpu.vector_store %arg10[%swap3A_275, %swap3A_276], %swap3A_279 {strides = array<i32>} : memref<48x128xf32, #tpu.memory_space<vmem>>, vector<1x16xf32>,
      %broadcast_in_dim3A_280 = arith.constant 0.000000e+00 : f32
      %broadcast_in_dim3A_281 = vector.broadcast %broadcast_in_dim3A_280 : f32 to vector<16xf32>
      %swap3A_282 = arith.index_cast %scan3A_267 : i32 to index
      %swap3A_283 = arith.constant 32 : index
      %swap3A_284 = tpu.vector_load %arg10[%swap3A_282, %swap3A_283] {strides = array<i32>} : memref<48x128xf32, #tpu.memory_space<vmem>>, vector<1x16xf32>,
      %swap3A_285 = vector.shape_cast %swap3A_284 : vector<1x16xf32> to vector<16xf32>
      %swap3A_286 = vector.shape_cast %broadcast_in_dim3A_281 : vector<16xf32> to vector<1x16xf32>
      tpu.vector_store %arg10[%swap3A_282, %swap3A_283], %swap3A_286 {strides = array<i32>} : memref<48x128xf32, #tpu.memory_space<vmem>>, vector<1x16xf32>,
      %broadcast_in_dim3A_287 = arith.constant 0.000000e+00 : f32
      %broadcast_in_dim3A_288 = vector.broadcast %broadcast_in_dim3A_287 : f32 to vector<16xf32>
      %swap3A_289 = arith.index_cast %scan3A_267 : i32 to index
      %swap3A_290 = arith.constant 48 : index
      %swap3A_291 = tpu.vector_load %arg10[%swap3A_289, %swap3A_290] {strides = array<i32>} : memref<48x128xf32, #tpu.memory_space<vmem>>, vector<1x16xf32>,
      %swap3A_292 = vector.shape_cast %swap3A_291 : vector<1x16xf32> to vector<16xf32>
      %swap3A_293 = vector.shape_cast %broadcast_in_dim3A_288 : vector<16xf32> to vector<1x16xf32>
      tpu.vector_store %arg10[%swap3A_289, %swap3A_290], %swap3A_293 {strides = array<i32>} : memref<48x128xf32, #tpu.memory_space<vmem>>, vector<1x16xf32>,
      %broadcast_in_dim3A_294 = arith.constant 0.000000e+00 : f32
      %broadcast_in_dim3A_295 = vector.broadcast %broadcast_in_dim3A_294 : f32 to vector<16xf32>
      %swap3A_296 = arith.index_cast %scan3A_267 : i32 to index
      %swap3A_297 = arith.constant 64 : index
      %swap3A_298 = tpu.vector_load %arg10[%swap3A_296, %swap3A_297] {strides = array<i32>} : memref<48x128xf32, #tpu.memory_space<vmem>>, vector<1x16xf32>,
      %swap3A_299 = vector.shape_cast %swap3A_298 : vector<1x16xf32> to vector<16xf32>
      %swap3A_300 = vector.shape_cast %broadcast_in_dim3A_295 : vector<16xf32> to vector<1x16xf32>
      tpu.vector_store %arg10[%swap3A_296, %swap3A_297], %swap3A_300 {strides = array<i32>} : memref<48x128xf32, #tpu.memory_space<vmem>>, vector<1x16xf32>,
      %broadcast_in_dim3A_301 = arith.constant 0.000000e+00 : f32
      %broadcast_in_dim3A_302 = vector.broadcast %broadcast_in_dim3A_301 : f32 to vector<16xf32>
      %swap3A_303 = arith.index_cast %scan3A_267 : i32 to index
      %swap3A_304 = arith.constant 80 : index
      %swap3A_305 = tpu.vector_load %arg10[%swap3A_303, %swap3A_304] {strides = array<i32>} : memref<48x128xf32, #tpu.memory_space<vmem>>, vector<1x16xf32>,
      %swap3A_306 = vector.shape_cast %swap3A_305 : vector<1x16xf32> to vector<16xf32>
      %swap3A_307 = vector.shape_cast %broadcast_in_dim3A_302 : vector<16xf32> to vector<1x16xf32>
      tpu.vector_store %arg10[%swap3A_303, %swap3A_304], %swap3A_307 {strides = array<i32>} : memref<48x128xf32, #tpu.memory_space<vmem>>, vector<1x16xf32>,
      %broadcast_in_dim3A_308 = arith.constant 0.000000e+00 : f32
      %broadcast_in_dim3A_309 = vector.broadcast %broadcast_in_dim3A_308 : f32 to vector<16xf32>
      %swap3A_310 = arith.index_cast %scan3A_267 : i32 to index
      %swap3A_311 = arith.constant 96 : index
      %swap3A_312 = tpu.vector_load %arg10[%swap3A_310, %swap3A_311] {strides = array<i32>} : memref<48x128xf32, #tpu.memory_space<vmem>>, vector<1x16xf32>,
      %swap3A_313 = vector.shape_cast %swap3A_312 : vector<1x16xf32> to vector<16xf32>
      %swap3A_314 = vector.shape_cast %broadcast_in_dim3A_309 : vector<16xf32> to vector<1x16xf32>
      tpu.vector_store %arg10[%swap3A_310, %swap3A_311], %swap3A_314 {strides = array<i32>} : memref<48x128xf32, #tpu.memory_space<vmem>>, vector<1x16xf32>,
      %broadcast_in_dim3A_315 = arith.constant 0.000000e+00 : f32
      %broadcast_in_dim3A_316 = vector.broadcast %broadcast_in_dim3A_315 : f32 to vector<16xf32>
      %swap3A_317 = arith.index_cast %scan3A_267 : i32 to index
      %swap3A_318 = arith.constant 112 : index
      %swap3A_319 = tpu.vector_load %arg10[%swap3A_317, %swap3A_318] {strides = array<i32>} : memref<48x128xf32, #tpu.memory_space<vmem>>, vector<1x16xf32>,
      %swap3A_320 = vector.shape_cast %swap3A_319 : vector<1x16xf32> to vector<16xf32>
      %swap3A_321 = vector.shape_cast %broadcast_in_dim3A_316 : vector<16xf32> to vector<1x16xf32>
      tpu.vector_store %arg10[%swap3A_317, %swap3A_318], %swap3A_321 {strides = array<i32>} : memref<48x128xf32, #tpu.memory_space<vmem>>, vector<1x16xf32>,
    }
    %scan3A_126 = arith.constant 48 : i32
    %scan3A_127 = arith.constant 0 : i32
    %scan3A_128 = arith.constant 0 : i32
    %scan3A_129 = arith.constant 13 : i32
    %scan3A_130 = arith.addi %scan3A_128, %scan3A_129 : i32
    %scan3A_131 = arith.constant 1 : i32
    scf.for %scan3A_267 = %scan3A_128 to %scan3A_130 step %scan3A_131  : i32 {
      %mul3A_268 = arith.constant 624 : i32
      %mul3A_269 = arith.muli %arg1, %mul3A_268 : i32
      %mul3A_270 = arith.constant 48 : i32
      %mul3A_271 = arith.muli %scan3A_267, %mul3A_270 : i32
      %add3A_272 = arith.addi %mul3A_269, %mul3A_271 : i32
      %dma_start3A_273 = arith.constant 0 : i32
      %dma_start3A_274 = tpu.memref_slice %arg6[%add3A_272, %dma_start3A_273] : memref<10000x128xf32, #tpu.memory_space<vmem_shared>> -> memref<48x128xf32, #tpu.memory_space<vmem_shared>>
      %dma_start3A_275 = arith.constant 0 : i32
      %dma_start3A_276 = tpu.memref_slice %arg6[%add3A_272, %dma_start3A_275] : memref<10000x128xf32, #tpu.memory_space<vmem_shared>> -> memref<48x128xf32, #tpu.memory_space<vmem_shared>>
      tpu.enqueue_dma source(%arg10 : memref<48x128xf32, #tpu.memory_space<vmem>>) target(%dma_start3A_276 : memref<48x128xf32, #tpu.memory_space<vmem_shared>>) target_semaphore(%arg13 : memref<!tpu.dma_semaphore, #tpu.memory_space<semaphore_mem>>)
    }
    %scan3A_132 = arith.constant 13 : i32
    %eq3A = arith.constant 15 : i32
    %eq3A_133 = arith.cmpi eq, %arg1, %eq3A : i32
    %convert_element_type3A = arith.extui %eq3A_133 : i1 to i32
    %cond3A = arith.constant 0 : i32
    %cond3A_134 = arith.cmpi ne, %convert_element_type3A, %cond3A : i32
    scf.if %cond3A_134 {
      %dma_start3A_267 = arith.constant 0 : i32
      %dma_start3A_268 = arith.constant 0 : i32
      %dma_start3A_269 = tpu.memref_slice %arg10[%dma_start3A_267, %dma_start3A_268] : memref<48x128xf32, #tpu.memory_space<vmem>> -> memref<16x128xf32, #tpu.memory_space<vmem>>
      %dma_start3A_270 = arith.constant 9984 : i32
      %dma_start3A_271 = arith.constant 0 : i32
      %dma_start3A_272 = tpu.memref_slice %arg6[%dma_start3A_270, %dma_start3A_271] : memref<10000x128xf32, #tpu.memory_space<vmem_shared>> -> memref<16x128xf32, #tpu.memory_space<vmem_shared>>
      %dma_start3A_273 = arith.constant 9984 : i32
      %dma_start3A_274 = arith.constant 0 : i32
      %dma_start3A_275 = tpu.memref_slice %arg6[%dma_start3A_273, %dma_start3A_274] : memref<10000x128xf32, #tpu.memory_space<vmem_shared>> -> memref<16x128xf32, #tpu.memory_space<vmem_shared>>
      %dma_start3A_276 = arith.constant 0 : i32
      %dma_start3A_277 = arith.constant 0 : i32
      %dma_start3A_278 = tpu.memref_slice %arg10[%dma_start3A_276, %dma_start3A_277] : memref<48x128xf32, #tpu.memory_space<vmem>> -> memref<16x128xf32, #tpu.memory_space<vmem>>
      tpu.enqueue_dma source(%dma_start3A_278 : memref<16x128xf32, #tpu.memory_space<vmem>>) target(%dma_start3A_275 : memref<16x128xf32, #tpu.memory_space<vmem_shared>>) target_semaphore(%arg13 : memref<!tpu.dma_semaphore, #tpu.memory_space<semaphore_mem>>)
    } else {
    }
    %scan3A_135 = arith.constant 0 : i32
    %scan3A_136 = arith.constant 0 : i32
    %scan3A_137 = arith.constant 13 : i32
    %scan3A_138 = arith.addi %scan3A_136, %scan3A_137 : i32
    %scan3A_139 = arith.constant 1 : i32
    scf.for %scan3A_267 = %scan3A_136 to %scan3A_138 step %scan3A_139  : i32 {
      %mul3A_268 = arith.constant 624 : i32
      %mul3A_269 = arith.muli %arg1, %mul3A_268 : i32
      %mul3A_270 = arith.constant 48 : i32
      %mul3A_271 = arith.muli %scan3A_267, %mul3A_270 : i32
      %add3A_272 = arith.addi %mul3A_269, %mul3A_271 : i32
      %dma_wait3A_273 = arith.constant 0 : i32
      %dma_wait3A_274 = tpu.memref_slice %arg6[%add3A_272, %dma_wait3A_273] : memref<10000x128xf32, #tpu.memory_space<vmem_shared>> -> memref<48x128xf32, #tpu.memory_space<vmem_shared>>
      %dma_wait3A_275 = arith.constant 0 : i32
      %dma_wait3A_276 = tpu.memref_slice %arg6[%add3A_272, %dma_wait3A_275] : memref<10000x128xf32, #tpu.memory_space<vmem_shared>> -> memref<48x128xf32, #tpu.memory_space<vmem_shared>>
      tpu.wait_dma2 semaphore(%arg13 : memref<!tpu.dma_semaphore, #tpu.memory_space<semaphore_mem>>) src(%arg10 : memref<48x128xf32, #tpu.memory_space<vmem>>) dst(%dma_wait3A_276 : memref<48x128xf32, #tpu.memory_space<vmem_shared>>)
    }
    %scan3A_140 = arith.constant 13 : i32
    %eq3A_141 = arith.constant 15 : i32
    %eq3A_142 = arith.cmpi eq, %arg1, %eq3A_141 : i32
    %convert_element_type3A_143 = arith.extui %eq3A_142 : i1 to i32
    %cond3A_144 = arith.constant 0 : i32
    %cond3A_145 = arith.cmpi ne, %convert_element_type3A_143, %cond3A_144 : i32
    scf.if %cond3A_145 {
      %dma_wait3A_267 = arith.constant 0 : i32
      %dma_wait3A_268 = arith.constant 0 : i32
      %dma_wait3A_269 = tpu.memref_slice %arg10[%dma_wait3A_267, %dma_wait3A_268] : memref<48x128xf32, #tpu.memory_space<vmem>> -> memref<16x128xf32, #tpu.memory_space<vmem>>
      %dma_wait3A_270 = arith.constant 9984 : i32
      %dma_wait3A_271 = arith.constant 0 : i32
      %dma_wait3A_272 = tpu.memref_slice %arg6[%dma_wait3A_270, %dma_wait3A_271] : memref<10000x128xf32, #tpu.memory_space<vmem_shared>> -> memref<16x128xf32, #tpu.memory_space<vmem_shared>>
      %dma_wait3A_273 = arith.constant 9984 : i32
      %dma_wait3A_274 = arith.constant 0 : i32
      %dma_wait3A_275 = tpu.memref_slice %arg6[%dma_wait3A_273, %dma_wait3A_274] : memref<10000x128xf32, #tpu.memory_space<vmem_shared>> -> memref<16x128xf32, #tpu.memory_space<vmem_shared>>
      %dma_wait3A_276 = arith.constant 0 : i32
      %dma_wait3A_277 = arith.constant 0 : i32
      %dma_wait3A_278 = tpu.memref_slice %arg10[%dma_wait3A_276, %dma_wait3A_277] : memref<48x128xf32, #tpu.memory_space<vmem>> -> memref<16x128xf32, #tpu.memory_space<vmem>>
      tpu.wait_dma2 semaphore(%arg13 : memref<!tpu.dma_semaphore, #tpu.memory_space<semaphore_mem>>) src(%dma_wait3A_278 : memref<16x128xf32, #tpu.memory_space<vmem>>) dst(%dma_wait3A_275 : memref<16x128xf32, #tpu.memory_space<vmem_shared>>)
    } else {
    }
    %barrier3A = arith.constant 0 : index
    tpu.barrier barrier_id(%barrier3A)
    %add3A_146 = arith.constant 0 : i32
    %add3A_147 = arith.addi %mul3A_2, %add3A_146 : i32
    %dma_wait3A = arith.constant 0 : i32
    %dma_wait3A_148 = arith.constant 0 : i32
    %dma_wait3A_149 = tpu.memref_slice %arg7[%dma_wait3A, %dma_wait3A_148] : memref<8x80xi32, #tpu.memory_space<vmem>> -> memref<1x80xi32, #tpu.memory_space<vmem>>
    %dma_wait3A_150 = tpu.memref_squeeze %dma_wait3A_149 : memref<1x80xi32, #tpu.memory_space<vmem>> -> memref<80xi32, #tpu.memory_space<vmem>>
    %dma_wait3A_151 = tpu.memref_slice %arg3[%add3A_147] : memref<320000xi32, #tpu.memory_space<hbm>> -> memref<80xi32, #tpu.memory_space<hbm>>
    %dma_wait3A_152 = arith.constant 0 : i32
    %dma_wait3A_153 = tpu.memref_slice %arg7[%dma_wait3A, %dma_wait3A_152] : memref<8x80xi32, #tpu.memory_space<vmem>> -> memref<1x80xi32, #tpu.memory_space<vmem>>
    %dma_wait3A_154 = tpu.memref_squeeze %dma_wait3A_153 : memref<1x80xi32, #tpu.memory_space<vmem>> -> memref<80xi32, #tpu.memory_space<vmem>>
    %dma_wait3A_155 = tpu.memref_slice %arg3[%add3A_147] : memref<320000xi32, #tpu.memory_space<hbm>> -> memref<80xi32, #tpu.memory_space<hbm>>
    tpu.wait_dma2 semaphore(%arg11 : memref<!tpu.dma_semaphore, #tpu.memory_space<semaphore_mem>>) src(%dma_wait3A_155 : memref<80xi32, #tpu.memory_space<hbm>>) dst(%dma_wait3A_154 : memref<80xi32, #tpu.memory_space<vmem>>)
    %dma_wait3A_156 = arith.constant 0 : i32
    %dma_wait3A_157 = arith.constant 0 : i32
    %dma_wait3A_158 = tpu.memref_slice %arg8[%dma_wait3A_156, %dma_wait3A_157] : memref<8x80xi32, #tpu.memory_space<vmem>> -> memref<1x80xi32, #tpu.memory_space<vmem>>
    %dma_wait3A_159 = tpu.memref_squeeze %dma_wait3A_158 : memref<1x80xi32, #tpu.memory_space<vmem>> -> memref<80xi32, #tpu.memory_space<vmem>>
    %dma_wait3A_160 = tpu.memref_slice %arg4[%add3A_147] : memref<320000xi32, #tpu.memory_space<hbm>> -> memref<80xi32, #tpu.memory_space<hbm>>
    %dma_wait3A_161 = arith.constant 0 : i32
    %dma_wait3A_162 = tpu.memref_slice %arg8[%dma_wait3A_156, %dma_wait3A_161] : memref<8x80xi32, #tpu.memory_space<vmem>> -> memref<1x80xi32, #tpu.memory_space<vmem>>
    %dma_wait3A_163 = tpu.memref_squeeze %dma_wait3A_162 : memref<1x80xi32, #tpu.memory_space<vmem>> -> memref<80xi32, #tpu.memory_space<vmem>>
    %dma_wait3A_164 = tpu.memref_slice %arg4[%add3A_147] : memref<320000xi32, #tpu.memory_space<hbm>> -> memref<80xi32, #tpu.memory_space<hbm>>
    tpu.wait_dma2 semaphore(%arg11 : memref<!tpu.dma_semaphore, #tpu.memory_space<semaphore_mem>>) src(%dma_wait3A_164 : memref<80xi32, #tpu.memory_space<hbm>>) dst(%dma_wait3A_163 : memref<80xi32, #tpu.memory_space<vmem>>)
    %dma_start3A_165 = arith.constant 0 : i32
    %dma_start3A_166 = arith.constant 0 : i32
    %dma_start3A_167 = arith.constant 0 : i32
    %dma_start3A_168 = arith.constant 0 : i32
    %dma_start3A_169 = tpu.memref_slice %arg9[%dma_start3A_166, %dma_start3A_167, %dma_start3A_168] : memref<4x80x128xf32, #tpu.memory_space<vmem>> -> memref<1x80x128xf32, #tpu.memory_space<vmem>>
    %dma_start3A_170 = tpu.memref_squeeze %dma_start3A_169 : memref<1x80x128xf32, #tpu.memory_space<vmem>> -> memref<80x128xf32, #tpu.memory_space<vmem>>
    %dma_start3A_171 = arith.constant 0 : i32
    %dma_start3A_172 = tpu.memref_slice %arg7[%dma_start3A_165, %dma_start3A_171] : memref<8x80xi32, #tpu.memory_space<vmem>> -> memref<1x80xi32, #tpu.memory_space<vmem>>
    %dma_start3A_173 = tpu.memref_squeeze %dma_start3A_172 : memref<1x80xi32, #tpu.memory_space<vmem>> -> memref<80xi32, #tpu.memory_space<vmem>>
    %dma_start3A_174 = arith.constant 0 : i32
    %dma_start3A_175 = arith.constant 0 : i32
    %dma_start3A_176 = tpu.memref_slice %arg2[%dma_start3A_174, %dma_start3A_175] : memref<10000x128xf32, #tpu.memory_space<hbm>> -> memref<10000x128xf32, #tpu.memory_space<hbm>>
    tpu.enqueue_indirect_dma source(%dma_start3A_176 : memref<10000x128xf32, #tpu.memory_space<hbm>>) target(%dma_start3A_170 : memref<80x128xf32, #tpu.memory_space<vmem>>) offsets(%dma_start3A_173 : memref<80xi32, #tpu.memory_space<vmem>>) semaphore(%arg12 : memref<!tpu.dma_semaphore, #tpu.memory_space<semaphore_mem>>)
    %add3A_177 = arith.constant 80 : i32
    %add3A_178 = arith.addi %mul3A_2, %add3A_177 : i32
    %dma_wait3A_179 = arith.constant 1 : i32
    %dma_wait3A_180 = arith.constant 0 : i32
    %dma_wait3A_181 = tpu.memref_slice %arg7[%dma_wait3A_179, %dma_wait3A_180] : memref<8x80xi32, #tpu.memory_space<vmem>> -> memref<1x80xi32, #tpu.memory_space<vmem>>
    %dma_wait3A_182 = tpu.memref_squeeze %dma_wait3A_181 : memref<1x80xi32, #tpu.memory_space<vmem>> -> memref<80xi32, #tpu.memory_space<vmem>>
    %dma_wait3A_183 = tpu.memref_slice %arg3[%add3A_178] : memref<320000xi32, #tpu.memory_space<hbm>> -> memref<80xi32, #tpu.memory_space<hbm>>
    %dma_wait3A_184 = arith.constant 0 : i32
    %dma_wait3A_185 = tpu.memref_slice %arg7[%dma_wait3A_179, %dma_wait3A_184] : memref<8x80xi32, #tpu.memory_space<vmem>> -> memref<1x80xi32, #tpu.memory_space<vmem>>
    %dma_wait3A_186 = tpu.memref_squeeze %dma_wait3A_185 : memref<1x80xi32, #tpu.memory_space<vmem>> -> memref<80xi32, #tpu.memory_space<vmem>>
    %dma_wait3A_187 = tpu.memref_slice %arg3[%add3A_178] : memref<320000xi32, #tpu.memory_space<hbm>> -> memref<80xi32, #tpu.memory_space<hbm>>
    tpu.wait_dma2 semaphore(%arg11 : memref<!tpu.dma_semaphore, #tpu.memory_space<semaphore_mem>>) src(%dma_wait3A_187 : memref<80xi32, #tpu.memory_space<hbm>>) dst(%dma_wait3A_186 : memref<80xi32, #tpu.memory_space<vmem>>)
    %dma_wait3A_188 = arith.constant 1 : i32
    %dma_wait3A_189 = arith.constant 0 : i32
    %dma_wait3A_190 = tpu.memref_slice %arg8[%dma_wait3A_188, %dma_wait3A_189] : memref<8x80xi32, #tpu.memory_space<vmem>> -> memref<1x80xi32, #tpu.memory_space<vmem>>
    %dma_wait3A_191 = tpu.memref_squeeze %dma_wait3A_190 : memref<1x80xi32, #tpu.memory_space<vmem>> -> memref<80xi32, #tpu.memory_space<vmem>>
    %dma_wait3A_192 = tpu.memref_slice %arg4[%add3A_178] : memref<320000xi32, #tpu.memory_space<hbm>> -> memref<80xi32, #tpu.memory_space<hbm>>
    %dma_wait3A_193 = arith.constant 0 : i32
    %dma_wait3A_194 = tpu.memref_slice %arg8[%dma_wait3A_188, %dma_wait3A_193] : memref<8x80xi32, #tpu.memory_space<vmem>> -> memref<1x80xi32, #tpu.memory_space<vmem>>
    %dma_wait3A_195 = tpu.memref_squeeze %dma_wait3A_194 : memref<1x80xi32, #tpu.memory_space<vmem>> -> memref<80xi32, #tpu.memory_space<vmem>>
    %dma_wait3A_196 = tpu.memref_slice %arg4[%add3A_178] : memref<320000xi32, #tpu.memory_space<hbm>> -> memref<80xi32, #tpu.memory_space<hbm>>
    tpu.wait_dma2 semaphore(%arg11 : memref<!tpu.dma_semaphore, #tpu.memory_space<semaphore_mem>>) src(%dma_wait3A_196 : memref<80xi32, #tpu.memory_space<hbm>>) dst(%dma_wait3A_195 : memref<80xi32, #tpu.memory_space<vmem>>)
    %dma_start3A_197 = arith.constant 1 : i32
    %dma_start3A_198 = arith.constant 1 : i32
    %dma_start3A_199 = arith.constant 0 : i32
    %dma_start3A_200 = arith.constant 0 : i32
    %dma_start3A_201 = tpu.memref_slice %arg9[%dma_start3A_198, %dma_start3A_199, %dma_start3A_200] : memref<4x80x128xf32, #tpu.memory_space<vmem>> -> memref<1x80x128xf32, #tpu.memory_space<vmem>>
    %dma_start3A_202 = tpu.memref_squeeze %dma_start3A_201 : memref<1x80x128xf32, #tpu.memory_space<vmem>> -> memref<80x128xf32, #tpu.memory_space<vmem>>
    %dma_start3A_203 = arith.constant 0 : i32
    %dma_start3A_204 = tpu.memref_slice %arg7[%dma_start3A_197, %dma_start3A_203] : memref<8x80xi32, #tpu.memory_space<vmem>> -> memref<1x80xi32, #tpu.memory_space<vmem>>
    %dma_start3A_205 = tpu.memref_squeeze %dma_start3A_204 : memref<1x80xi32, #tpu.memory_space<vmem>> -> memref<80xi32, #tpu.memory_space<vmem>>
    %dma_start3A_206 = arith.constant 0 : i32
    %dma_start3A_207 = arith.constant 0 : i32
    %dma_start3A_208 = tpu.memref_slice %arg2[%dma_start3A_206, %dma_start3A_207] : memref<10000x128xf32, #tpu.memory_space<hbm>> -> memref<10000x128xf32, #tpu.memory_space<hbm>>
    tpu.enqueue_indirect_dma source(%dma_start3A_208 : memref<10000x128xf32, #tpu.memory_space<hbm>>) target(%dma_start3A_202 : memref<80x128xf32, #tpu.memory_space<vmem>>) offsets(%dma_start3A_205 : memref<80xi32, #tpu.memory_space<vmem>>) semaphore(%arg12 : memref<!tpu.dma_semaphore, #tpu.memory_space<semaphore_mem>>)
    %add3A_209 = arith.constant 160 : i32
    %add3A_210 = arith.addi %mul3A_2, %add3A_209 : i32
    %dma_wait3A_211 = arith.constant 2 : i32
    %dma_wait3A_212 = arith.constant 0 : i32
    %dma_wait3A_213 = tpu.memref_slice %arg7[%dma_wait3A_211, %dma_wait3A_212] : memref<8x80xi32, #tpu.memory_space<vmem>> -> memref<1x80xi32, #tpu.memory_space<vmem>>
    %dma_wait3A_214 = tpu.memref_squeeze %dma_wait3A_213 : memref<1x80xi32, #tpu.memory_space<vmem>> -> memref<80xi32, #tpu.memory_space<vmem>>
    %dma_wait3A_215 = tpu.memref_slice %arg3[%add3A_210] : memref<320000xi32, #tpu.memory_space<hbm>> -> memref<80xi32, #tpu.memory_space<hbm>>
    %dma_wait3A_216 = arith.constant 0 : i32
    %dma_wait3A_217 = tpu.memref_slice %arg7[%dma_wait3A_211, %dma_wait3A_216] : memref<8x80xi32, #tpu.memory_space<vmem>> -> memref<1x80xi32, #tpu.memory_space<vmem>>
    %dma_wait3A_218 = tpu.memref_squeeze %dma_wait3A_217 : memref<1x80xi32, #tpu.memory_space<vmem>> -> memref<80xi32, #tpu.memory_space<vmem>>
    %dma_wait3A_219 = tpu.memref_slice %arg3[%add3A_210] : memref<320000xi32, #tpu.memory_space<hbm>> -> memref<80xi32, #tpu.memory_space<hbm>>
    tpu.wait_dma2 semaphore(%arg11 : memref<!tpu.dma_semaphore, #tpu.memory_space<semaphore_mem>>) src(%dma_wait3A_219 : memref<80xi32, #tpu.memory_space<hbm>>) dst(%dma_wait3A_218 : memref<80xi32, #tpu.memory_space<vmem>>)
    %dma_wait3A_220 = arith.constant 2 : i32
    %dma_wait3A_221 = arith.constant 0 : i32
    %dma_wait3A_222 = tpu.memref_slice %arg8[%dma_wait3A_220, %dma_wait3A_221] : memref<8x80xi32, #tpu.memory_space<vmem>> -> memref<1x80xi32, #tpu.memory_space<vmem>>
    %dma_wait3A_223 = tpu.memref_squeeze %dma_wait3A_222 : memref<1x80xi32, #tpu.memory_space<vmem>> -> memref<80xi32, #tpu.memory_space<vmem>>
    %dma_wait3A_224 = tpu.memref_slice %arg4[%add3A_210] : memref<320000xi32, #tpu.memory_space<hbm>> -> memref<80xi32, #tpu.memory_space<hbm>>
    %dma_wait3A_225 = arith.constant 0 : i32
    %dma_wait3A_226 = tpu.memref_slice %arg8[%dma_wait3A_220, %dma_wait3A_225] : memref<8x80xi32, #tpu.memory_space<vmem>> -> memref<1x80xi32, #tpu.memory_space<vmem>>
    %dma_wait3A_227 = tpu.memref_squeeze %dma_wait3A_226 : memref<1x80xi32, #tpu.memory_space<vmem>> -> memref<80xi32, #tpu.memory_space<vmem>>
    %dma_wait3A_228 = tpu.memref_slice %arg4[%add3A_210] : memref<320000xi32, #tpu.memory_space<hbm>> -> memref<80xi32, #tpu.memory_space<hbm>>
    tpu.wait_dma2 semaphore(%arg11 : memref<!tpu.dma_semaphore, #tpu.memory_space<semaphore_mem>>) src(%dma_wait3A_228 : memref<80xi32, #tpu.memory_space<hbm>>) dst(%dma_wait3A_227 : memref<80xi32, #tpu.memory_space<vmem>>)
    %dma_start3A_229 = arith.constant 2 : i32
    %dma_start3A_230 = arith.constant 2 : i32
    %dma_start3A_231 = arith.constant 0 : i32
    %dma_start3A_232 = arith.constant 0 : i32
    %dma_start3A_233 = tpu.memref_slice %arg9[%dma_start3A_230, %dma_start3A_231, %dma_start3A_232] : memref<4x80x128xf32, #tpu.memory_space<vmem>> -> memref<1x80x128xf32, #tpu.memory_space<vmem>>
    %dma_start3A_234 = tpu.memref_squeeze %dma_start3A_233 : memref<1x80x128xf32, #tpu.memory_space<vmem>> -> memref<80x128xf32, #tpu.memory_space<vmem>>
    %dma_start3A_235 = arith.constant 0 : i32
    %dma_start3A_236 = tpu.memref_slice %arg7[%dma_start3A_229, %dma_start3A_235] : memref<8x80xi32, #tpu.memory_space<vmem>> -> memref<1x80xi32, #tpu.memory_space<vmem>>
    %dma_start3A_237 = tpu.memref_squeeze %dma_start3A_236 : memref<1x80xi32, #tpu.memory_space<vmem>> -> memref<80xi32, #tpu.memory_space<vmem>>
    %dma_start3A_238 = arith.constant 0 : i32
    %dma_start3A_239 = arith.constant 0 : i32
    %dma_start3A_240 = tpu.memref_slice %arg2[%dma_start3A_238, %dma_start3A_239] : memref<10000x128xf32, #tpu.memory_space<hbm>> -> memref<10000x128xf32, #tpu.memory_space<hbm>>
    tpu.enqueue_indirect_dma source(%dma_start3A_240 : memref<10000x128xf32, #tpu.memory_space<hbm>>) target(%dma_start3A_234 : memref<80x128xf32, #tpu.memory_space<vmem>>) offsets(%dma_start3A_237 : memref<80xi32, #tpu.memory_space<vmem>>) semaphore(%arg12 : memref<!tpu.dma_semaphore, #tpu.memory_space<semaphore_mem>>)
    %scan3A_241 = arith.constant 0 : i32
    %scan3A_242 = arith.constant 0 : i32
    %scan3A_243 = arith.constant 125 : i32
    %scan3A_244 = arith.addi %scan3A_242, %scan3A_243 : i32
    %scan3A_245 = arith.constant 1 : i32
    scf.for %scan3A_267 = %scan3A_242 to %scan3A_244 step %scan3A_245  : i32 {
      %rem3A = arith.constant 4 : i32
      %rem3A_268 = arith.remsi %scan3A_267, %rem3A : i32
      %rem3A_269 = arith.constant 8 : i32
      %rem3A_270 = arith.remsi %scan3A_267, %rem3A_269 : i32
      %dma_wait3A_271 = arith.constant 0 : i32
      %dma_wait3A_272 = arith.constant 0 : i32
      %dma_wait3A_273 = tpu.memref_slice %arg9[%rem3A_268, %dma_wait3A_271, %dma_wait3A_272] : memref<4x80x128xf32, #tpu.memory_space<vmem>> -> memref<1x80x128xf32, #tpu.memory_space<vmem>>
      %dma_wait3A_274 = tpu.memref_squeeze %dma_wait3A_273 : memref<1x80x128xf32, #tpu.memory_space<vmem>> -> memref<80x128xf32, #tpu.memory_space<vmem>>
      %dma_wait3A_275 = arith.constant 0 : i32
      %dma_wait3A_276 = tpu.memref_slice %arg7[%rem3A_270, %dma_wait3A_275] : memref<8x80xi32, #tpu.memory_space<vmem>> -> memref<1x80xi32, #tpu.memory_space<vmem>>
      %dma_wait3A_277 = tpu.memref_squeeze %dma_wait3A_276 : memref<1x80xi32, #tpu.memory_space<vmem>> -> memref<80xi32, #tpu.memory_space<vmem>>
      %dma_wait3A_278 = arith.constant 0 : i32
      %dma_wait3A_279 = arith.constant 0 : i32
      %dma_wait3A_280 = tpu.memref_slice %arg2[%dma_wait3A_278, %dma_wait3A_279] : memref<10000x128xf32, #tpu.memory_space<hbm>> -> memref<10000x128xf32, #tpu.memory_space<hbm>>
      tpu.wait_indirect_dma semaphore(%arg12 : memref<!tpu.dma_semaphore, #tpu.memory_space<semaphore_mem>>) src(%dma_wait3A_280 : memref<10000x128xf32, #tpu.memory_space<hbm>>) dst(%dma_wait3A_274 : memref<80x128xf32, #tpu.memory_space<vmem>>)
      %dma_start3A_281 = arith.constant 0 : i32
      %dma_start3A_282 = arith.constant 0 : i32
      %dma_start3A_283 = tpu.memref_slice %arg9[%rem3A_268, %dma_start3A_281, %dma_start3A_282] : memref<4x80x128xf32, #tpu.memory_space<vmem>> -> memref<1x80x128xf32, #tpu.memory_space<vmem>>
      %dma_start3A_284 = tpu.memref_squeeze %dma_start3A_283 : memref<1x80x128xf32, #tpu.memory_space<vmem>> -> memref<80x128xf32, #tpu.memory_space<vmem>>
      %dma_start3A_285 = arith.constant 0 : i32
      %dma_start3A_286 = tpu.memref_slice %arg8[%rem3A_270, %dma_start3A_285] : memref<8x80xi32, #tpu.memory_space<vmem>> -> memref<1x80xi32, #tpu.memory_space<vmem>>
      %dma_start3A_287 = tpu.memref_squeeze %dma_start3A_286 : memref<1x80xi32, #tpu.memory_space<vmem>> -> memref<80xi32, #tpu.memory_space<vmem>>
      %dma_start3A_288 = arith.constant 0 : i32
      %dma_start3A_289 = arith.constant 0 : i32
      %dma_start3A_290 = tpu.memref_slice %arg6[%dma_start3A_288, %dma_start3A_289] : memref<10000x128xf32, #tpu.memory_space<vmem_shared>> -> memref<10000x128xf32, #tpu.memory_space<vmem_shared>>
      tpu.enqueue_indirect_dma source(%dma_start3A_284 : memref<80x128xf32, #tpu.memory_space<vmem>>) target(%dma_start3A_290 : memref<10000x128xf32, #tpu.memory_space<vmem_shared>>) offsets(%dma_start3A_287 : memref<80xi32, #tpu.memory_space<vmem>>) semaphore(%arg13 : memref<!tpu.dma_semaphore, #tpu.memory_space<semaphore_mem>>) {add = true}
      %ge3A = arith.constant 1 : i32
      %ge3A_291 = arith.cmpi sge, %scan3A_267, %ge3A : i32
      %convert_element_type3A_292 = arith.extui %ge3A_291 : i1 to i32
      %cond3A_293 = arith.constant 0 : i32
      %cond3A_294 = arith.cmpi ne, %convert_element_type3A_292, %cond3A_293 : i32
      scf.if %cond3A_294 {
        %sub3A = arith.constant 1 : i32
        %sub3A_308 = arith.subi %scan3A_267, %sub3A : i32
        %rem3A_309 = arith.constant 4 : i32
        %rem3A_310 = arith.remsi %sub3A_308, %rem3A_309 : i32
        %rem3A_311 = arith.constant 8 : i32
        %rem3A_312 = arith.remsi %sub3A_308, %rem3A_311 : i32
        %dma_wait3A_313 = arith.constant 0 : i32
        %dma_wait3A_314 = arith.constant 0 : i32
        %dma_wait3A_315 = tpu.memref_slice %arg9[%rem3A_310, %dma_wait3A_313, %dma_wait3A_314] : memref<4x80x128xf32, #tpu.memory_space<vmem>> -> memref<1x80x128xf32, #tpu.memory_space<vmem>>
        %dma_wait3A_316 = tpu.memref_squeeze %dma_wait3A_315 : memref<1x80x128xf32, #tpu.memory_space<vmem>> -> memref<80x128xf32, #tpu.memory_space<vmem>>
        %dma_wait3A_317 = arith.constant 0 : i32
        %dma_wait3A_318 = tpu.memref_slice %arg8[%rem3A_312, %dma_wait3A_317] : memref<8x80xi32, #tpu.memory_space<vmem>> -> memref<1x80xi32, #tpu.memory_space<vmem>>
        %dma_wait3A_319 = tpu.memref_squeeze %dma_wait3A_318 : memref<1x80xi32, #tpu.memory_space<vmem>> -> memref<80xi32, #tpu.memory_space<vmem>>
        %dma_wait3A_320 = arith.constant 0 : i32
        %dma_wait3A_321 = arith.constant 0 : i32
        %dma_wait3A_322 = tpu.memref_slice %arg6[%dma_wait3A_320, %dma_wait3A_321] : memref<10000x128xf32, #tpu.memory_space<vmem_shared>> -> memref<10000x128xf32, #tpu.memory_space<vmem_shared>>
        tpu.wait_indirect_dma semaphore(%arg13 : memref<!tpu.dma_semaphore, #tpu.memory_space<semaphore_mem>>) src(%dma_wait3A_316 : memref<80x128xf32, #tpu.memory_space<vmem>>) dst(%dma_wait3A_322 : memref<10000x128xf32, #tpu.memory_space<vmem_shared>>)
      } else {
      }
      %add3A_295 = arith.constant 3 : i32
      %add3A_296 = arith.addi %scan3A_267, %add3A_295 : i32
      %lt3A = arith.constant 125 : i32
      %lt3A_297 = arith.cmpi slt, %add3A_296, %lt3A : i32
      %convert_element_type3A_298 = arith.extui %lt3A_297 : i1 to i32
      %cond3A_299 = arith.constant 0 : i32
      %cond3A_300 = arith.cmpi ne, %convert_element_type3A_298, %cond3A_299 : i32
      scf.if %cond3A_300 {
        %add3A_308 = arith.constant 3 : i32
        %add3A_309 = arith.addi %scan3A_267, %add3A_308 : i32
        %rem3A_310 = arith.constant 8 : i32
        %rem3A_311 = arith.remsi %add3A_309, %rem3A_310 : i32
        %mul3A_312 = arith.constant 80 : i32
        %mul3A_313 = arith.muli %add3A_309, %mul3A_312 : i32
        %add3A_314 = arith.addi %mul3A_2, %mul3A_313 : i32
        %dma_wait3A_315 = arith.constant 0 : i32
        %dma_wait3A_316 = tpu.memref_slice %arg7[%rem3A_311, %dma_wait3A_315] : memref<8x80xi32, #tpu.memory_space<vmem>> -> memref<1x80xi32, #tpu.memory_space<vmem>>
        %dma_wait3A_317 = tpu.memref_squeeze %dma_wait3A_316 : memref<1x80xi32, #tpu.memory_space<vmem>> -> memref<80xi32, #tpu.memory_space<vmem>>
        %dma_wait3A_318 = tpu.memref_slice %arg3[%add3A_314] : memref<320000xi32, #tpu.memory_space<hbm>> -> memref<80xi32, #tpu.memory_space<hbm>>
        %dma_wait3A_319 = arith.constant 0 : i32
        %dma_wait3A_320 = tpu.memref_slice %arg7[%rem3A_311, %dma_wait3A_319] : memref<8x80xi32, #tpu.memory_space<vmem>> -> memref<1x80xi32, #tpu.memory_space<vmem>>
        %dma_wait3A_321 = tpu.memref_squeeze %dma_wait3A_320 : memref<1x80xi32, #tpu.memory_space<vmem>> -> memref<80xi32, #tpu.memory_space<vmem>>
        %dma_wait3A_322 = tpu.memref_slice %arg3[%add3A_314] : memref<320000xi32, #tpu.memory_space<hbm>> -> memref<80xi32, #tpu.memory_space<hbm>>
        tpu.wait_dma2 semaphore(%arg11 : memref<!tpu.dma_semaphore, #tpu.memory_space<semaphore_mem>>) src(%dma_wait3A_322 : memref<80xi32, #tpu.memory_space<hbm>>) dst(%dma_wait3A_321 : memref<80xi32, #tpu.memory_space<vmem>>)
        %dma_wait3A_323 = arith.constant 0 : i32
        %dma_wait3A_324 = tpu.memref_slice %arg8[%rem3A_311, %dma_wait3A_323] : memref<8x80xi32, #tpu.memory_space<vmem>> -> memref<1x80xi32, #tpu.memory_space<vmem>>
        %dma_wait3A_325 = tpu.memref_squeeze %dma_wait3A_324 : memref<1x80xi32, #tpu.memory_space<vmem>> -> memref<80xi32, #tpu.memory_space<vmem>>
        %dma_wait3A_326 = tpu.memref_slice %arg4[%add3A_314] : memref<320000xi32, #tpu.memory_space<hbm>> -> memref<80xi32, #tpu.memory_space<hbm>>
        %dma_wait3A_327 = arith.constant 0 : i32
        %dma_wait3A_328 = tpu.memref_slice %arg8[%rem3A_311, %dma_wait3A_327] : memref<8x80xi32, #tpu.memory_space<vmem>> -> memref<1x80xi32, #tpu.memory_space<vmem>>
        %dma_wait3A_329 = tpu.memref_squeeze %dma_wait3A_328 : memref<1x80xi32, #tpu.memory_space<vmem>> -> memref<80xi32, #tpu.memory_space<vmem>>
        %dma_wait3A_330 = tpu.memref_slice %arg4[%add3A_314] : memref<320000xi32, #tpu.memory_space<hbm>> -> memref<80xi32, #tpu.memory_space<hbm>>
        tpu.wait_dma2 semaphore(%arg11 : memref<!tpu.dma_semaphore, #tpu.memory_space<semaphore_mem>>) src(%dma_wait3A_330 : memref<80xi32, #tpu.memory_space<hbm>>) dst(%dma_wait3A_329 : memref<80xi32, #tpu.memory_space<vmem>>)
        %rem3A_331 = arith.constant 4 : i32
        %rem3A_332 = arith.remsi %add3A_309, %rem3A_331 : i32
        %dma_start3A_333 = arith.constant 0 : i32
        %dma_start3A_334 = arith.constant 0 : i32
        %dma_start3A_335 = tpu.memref_slice %arg9[%rem3A_332, %dma_start3A_333, %dma_start3A_334] : memref<4x80x128xf32, #tpu.memory_space<vmem>> -> memref<1x80x128xf32, #tpu.memory_space<vmem>>
        %dma_start3A_336 = tpu.memref_squeeze %dma_start3A_335 : memref<1x80x128xf32, #tpu.memory_space<vmem>> -> memref<80x128xf32, #tpu.memory_space<vmem>>
        %dma_start3A_337 = arith.constant 0 : i32
        %dma_start3A_338 = tpu.memref_slice %arg7[%rem3A_311, %dma_start3A_337] : memref<8x80xi32, #tpu.memory_space<vmem>> -> memref<1x80xi32, #tpu.memory_space<vmem>>
        %dma_start3A_339 = tpu.memref_squeeze %dma_start3A_338 : memref<1x80xi32, #tpu.memory_space<vmem>> -> memref<80xi32, #tpu.memory_space<vmem>>
        %dma_start3A_340 = arith.constant 0 : i32
        %dma_start3A_341 = arith.constant 0 : i32
        %dma_start3A_342 = tpu.memref_slice %arg2[%dma_start3A_340, %dma_start3A_341] : memref<10000x128xf32, #tpu.memory_space<hbm>> -> memref<10000x128xf32, #tpu.memory_space<hbm>>
        tpu.enqueue_indirect_dma source(%dma_start3A_342 : memref<10000x128xf32, #tpu.memory_space<hbm>>) target(%dma_start3A_336 : memref<80x128xf32, #tpu.memory_space<vmem>>) offsets(%dma_start3A_339 : memref<80xi32, #tpu.memory_space<vmem>>) semaphore(%arg12 : memref<!tpu.dma_semaphore, #tpu.memory_space<semaphore_mem>>)
      } else {
      }
      %add3A_301 = arith.constant 6 : i32
      %add3A_302 = arith.addi %scan3A_267, %add3A_301 : i32
      %lt3A_303 = arith.constant 125 : i32
      %lt3A_304 = arith.cmpi slt, %add3A_302, %lt3A_303 : i32
      %convert_element_type3A_305 = arith.extui %lt3A_304 : i1 to i32
      %cond3A_306 = arith.constant 0 : i32
      %cond3A_307 = arith.cmpi ne, %convert_element_type3A_305, %cond3A_306 : i32
      scf.if %cond3A_307 {
        %add3A_308 = arith.constant 6 : i32
        %add3A_309 = arith.addi %scan3A_267, %add3A_308 : i32
        %rem3A_310 = arith.constant 8 : i32
        %rem3A_311 = arith.remsi %add3A_309, %rem3A_310 : i32
        %mul3A_312 = arith.constant 80 : i32
        %mul3A_313 = arith.muli %add3A_309, %mul3A_312 : i32
        %add3A_314 = arith.addi %mul3A_2, %mul3A_313 : i32
        %dma_start3A_315 = arith.constant 0 : i32
        %dma_start3A_316 = tpu.memref_slice %arg7[%rem3A_311, %dma_start3A_315] : memref<8x80xi32, #tpu.memory_space<vmem>> -> memref<1x80xi32, #tpu.memory_space<vmem>>
        %dma_start3A_317 = tpu.memref_squeeze %dma_start3A_316 : memref<1x80xi32, #tpu.memory_space<vmem>> -> memref<80xi32, #tpu.memory_space<vmem>>
        %dma_start3A_318 = tpu.memref_slice %arg3[%add3A_314] : memref<320000xi32, #tpu.memory_space<hbm>> -> memref<80xi32, #tpu.memory_space<hbm>>
        %dma_start3A_319 = arith.constant 0 : i32
        %dma_start3A_320 = tpu.memref_slice %arg7[%rem3A_311, %dma_start3A_319] : memref<8x80xi32, #tpu.memory_space<vmem>> -> memref<1x80xi32, #tpu.memory_space<vmem>>
        %dma_start3A_321 = tpu.memref_squeeze %dma_start3A_320 : memref<1x80xi32, #tpu.memory_space<vmem>> -> memref<80xi32, #tpu.memory_space<vmem>>
        %dma_start3A_322 = tpu.memref_slice %arg3[%add3A_314] : memref<320000xi32, #tpu.memory_space<hbm>> -> memref<80xi32, #tpu.memory_space<hbm>>
        tpu.enqueue_dma source(%dma_start3A_322 : memref<80xi32, #tpu.memory_space<hbm>>) target(%dma_start3A_321 : memref<80xi32, #tpu.memory_space<vmem>>) target_semaphore(%arg11 : memref<!tpu.dma_semaphore, #tpu.memory_space<semaphore_mem>>)
        %dma_start3A_323 = arith.constant 0 : i32
        %dma_start3A_324 = tpu.memref_slice %arg8[%rem3A_311, %dma_start3A_323] : memref<8x80xi32, #tpu.memory_space<vmem>> -> memref<1x80xi32, #tpu.memory_space<vmem>>
        %dma_start3A_325 = tpu.memref_squeeze %dma_start3A_324 : memref<1x80xi32, #tpu.memory_space<vmem>> -> memref<80xi32, #tpu.memory_space<vmem>>
        %dma_start3A_326 = tpu.memref_slice %arg4[%add3A_314] : memref<320000xi32, #tpu.memory_space<hbm>> -> memref<80xi32, #tpu.memory_space<hbm>>
        %dma_start3A_327 = arith.constant 0 : i32
        %dma_start3A_328 = tpu.memref_slice %arg8[%rem3A_311, %dma_start3A_327] : memref<8x80xi32, #tpu.memory_space<vmem>> -> memref<1x80xi32, #tpu.memory_space<vmem>>
        %dma_start3A_329 = tpu.memref_squeeze %dma_start3A_328 : memref<1x80xi32, #tpu.memory_space<vmem>> -> memref<80xi32, #tpu.memory_space<vmem>>
        %dma_start3A_330 = tpu.memref_slice %arg4[%add3A_314] : memref<320000xi32, #tpu.memory_space<hbm>> -> memref<80xi32, #tpu.memory_space<hbm>>
        tpu.enqueue_dma source(%dma_start3A_330 : memref<80xi32, #tpu.memory_space<hbm>>) target(%dma_start3A_329 : memref<80xi32, #tpu.memory_space<vmem>>) target_semaphore(%arg11 : memref<!tpu.dma_semaphore, #tpu.memory_space<semaphore_mem>>)
      } else {
      }
    }
    %scan3A_246 = arith.constant 125 : i32
    %dma_wait3A_247 = arith.constant 0 : i32
    %dma_wait3A_248 = arith.constant 4 : i32
    %dma_wait3A_249 = arith.constant 0 : i32
    %dma_wait3A_250 = arith.constant 0 : i32
    %dma_wait3A_251 = tpu.memref_slice %arg9[%dma_wait3A_247, %dma_wait3A_249, %dma_wait3A_250] : memref<4x80x128xf32, #tpu.memory_space<vmem>> -> memref<1x80x128xf32, #tpu.memory_space<vmem>>
    %dma_wait3A_252 = tpu.memref_squeeze %dma_wait3A_251 : memref<1x80x128xf32, #tpu.memory_space<vmem>> -> memref<80x128xf32, #tpu.memory_space<vmem>>
    %dma_wait3A_253 = arith.constant 0 : i32
    %dma_wait3A_254 = tpu.memref_slice %arg8[%dma_wait3A_248, %dma_wait3A_253] : memref<8x80xi32, #tpu.memory_space<vmem>> -> memref<1x80xi32, #tpu.memory_space<vmem>>
    %dma_wait3A_255 = tpu.memref_squeeze %dma_wait3A_254 : memref<1x80xi32, #tpu.memory_space<vmem>> -> memref<80xi32, #tpu.memory_space<vmem>>
    %dma_wait3A_256 = arith.constant 0 : i32
    %dma_wait3A_257 = arith.constant 0 : i32
    %dma_wait3A_258 = tpu.memref_slice %arg6[%dma_wait3A_256, %dma_wait3A_257] : memref<10000x128xf32, #tpu.memory_space<vmem_shared>> -> memref<10000x128xf32, #tpu.memory_space<vmem_shared>>
    tpu.wait_indirect_dma semaphore(%arg13 : memref<!tpu.dma_semaphore, #tpu.memory_space<semaphore_mem>>) src(%dma_wait3A_252 : memref<80x128xf32, #tpu.memory_space<vmem>>) dst(%dma_wait3A_258 : memref<10000x128xf32, #tpu.memory_space<vmem_shared>>)
    %barrier3A_259 = arith.constant 0 : index
    tpu.barrier barrier_id(%barrier3A_259)
    %mul3A_260 = arith.constant 624 : i32
    %mul3A_261 = arith.muli %arg1, %mul3A_260 : i32
    "tpu.region"() ({
      %run_scoped3A = tpu.sem_alloc : memref<!tpu.dma_semaphore, #tpu.memory_space<semaphore_mem>>
      %dma_start3A_267 = arith.constant 0 : i32
      %dma_start3A_268 = tpu.memref_slice %arg5[%arg0, %mul3A_261, %dma_start3A_267] : memref<2x10000x128xf32, #tpu.memory_space<hbm>> -> memref<1x624x128xf32, #tpu.memory_space<hbm>>
      %dma_start3A_269 = tpu.memref_squeeze %dma_start3A_268 : memref<1x624x128xf32, #tpu.memory_space<hbm>> -> memref<624x128xf32, #tpu.memory_space<hbm>>
      %dma_start3A_270 = arith.constant 0 : i32
      %dma_start3A_271 = tpu.memref_slice %arg6[%mul3A_261, %dma_start3A_270] : memref<10000x128xf32, #tpu.memory_space<vmem_shared>> -> memref<624x128xf32, #tpu.memory_space<vmem_shared>>
      tpu.enqueue_dma source(%dma_start3A_271 : memref<624x128xf32, #tpu.memory_space<vmem_shared>>) target(%dma_start3A_269 : memref<624x128xf32, #tpu.memory_space<hbm>>) target_semaphore(%run_scoped3A : memref<!tpu.dma_semaphore, #tpu.memory_space<semaphore_mem>>)
      %dma_wait3A_272 = arith.constant 0 : i32
      %dma_wait3A_273 = tpu.memref_slice %arg5[%arg0, %mul3A_261, %dma_wait3A_272] : memref<2x10000x128xf32, #tpu.memory_space<hbm>> -> memref<1x624x128xf32, #tpu.memory_space<hbm>>
      %dma_wait3A_274 = tpu.memref_squeeze %dma_wait3A_273 : memref<1x624x128xf32, #tpu.memory_space<hbm>> -> memref<624x128xf32, #tpu.memory_space<hbm>>
      %dma_wait3A_275 = arith.constant 0 : i32
      %dma_wait3A_276 = tpu.memref_slice %arg6[%mul3A_261, %dma_wait3A_275] : memref<10000x128xf32, #tpu.memory_space<vmem_shared>> -> memref<624x128xf32, #tpu.memory_space<vmem_shared>>
      tpu.wait_dma2 semaphore(%run_scoped3A : memref<!tpu.dma_semaphore, #tpu.memory_space<semaphore_mem>>) src(%dma_wait3A_276 : memref<624x128xf32, #tpu.memory_space<vmem_shared>>) dst(%dma_wait3A_274 : memref<624x128xf32, #tpu.memory_space<hbm>>)
      tpu.yield
    }) : () -> ()
    %eq3A_262 = arith.constant 15 : i32
    %eq3A_263 = arith.cmpi eq, %arg1, %eq3A_262 : i32
    %convert_element_type3A_264 = arith.extui %eq3A_263 : i1 to i32
    %cond3A_265 = arith.constant 0 : i32
    %cond3A_266 = arith.cmpi ne, %convert_element_type3A_264, %cond3A_265 : i32
    scf.if %cond3A_266 {
      "tpu.region"() ({
        %run_scoped3A = tpu.sem_alloc : memref<!tpu.dma_semaphore, #tpu.memory_space<semaphore_mem>>
        %dma_start3A_267 = arith.constant 9984 : i32
        %dma_start3A_268 = arith.constant 0 : i32
        %dma_start3A_269 = tpu.memref_slice %arg5[%arg0, %dma_start3A_267, %dma_start3A_268] : memref<2x10000x128xf32, #tpu.memory_space<hbm>> -> memref<1x16x128xf32, #tpu.memory_space<hbm>>
        %dma_start3A_270 = tpu.memref_squeeze %dma_start3A_269 : memref<1x16x128xf32, #tpu.memory_space<hbm>> -> memref<16x128xf32, #tpu.memory_space<hbm>>
        %dma_start3A_271 = arith.constant 9984 : i32
        %dma_start3A_272 = arith.constant 0 : i32
        %dma_start3A_273 = tpu.memref_slice %arg6[%dma_start3A_271, %dma_start3A_272] : memref<10000x128xf32, #tpu.memory_space<vmem_shared>> -> memref<16x128xf32, #tpu.memory_space<vmem_shared>>
        tpu.enqueue_dma source(%dma_start3A_273 : memref<16x128xf32, #tpu.memory_space<vmem_shared>>) target(%dma_start3A_270 : memref<16x128xf32, #tpu.memory_space<hbm>>) target_semaphore(%run_scoped3A : memref<!tpu.dma_semaphore, #tpu.memory_space<semaphore_mem>>)
        %dma_wait3A_274 = arith.constant 9984 : i32
        %dma_wait3A_275 = arith.constant 0 : i32
        %dma_wait3A_276 = tpu.memref_slice %arg5[%arg0, %dma_wait3A_274, %dma_wait3A_275] : memref<2x10000x128xf32, #tpu.memory_space<hbm>> -> memref<1x16x128xf32, #tpu.memory_space<hbm>>
        %dma_wait3A_277 = tpu.memref_squeeze %dma_wait3A_276 : memref<1x16x128xf32, #tpu.memory_space<hbm>> -> memref<16x128xf32, #tpu.memory_space<hbm>>
        %dma_wait3A_278 = arith.constant 9984 : i32
        %dma_wait3A_279 = arith.constant 0 : i32
        %dma_wait3A_280 = tpu.memref_slice %arg6[%dma_wait3A_278, %dma_wait3A_279] : memref<10000x128xf32, #tpu.memory_space<vmem_shared>> -> memref<16x128xf32, #tpu.memory_space<vmem_shared>>
        tpu.wait_dma2 semaphore(%run_scoped3A : memref<!tpu.dma_semaphore, #tpu.memory_space<semaphore_mem>>) src(%dma_wait3A_280 : memref<16x128xf32, #tpu.memory_space<vmem_shared>>) dst(%dma_wait3A_277 : memref<16x128xf32, #tpu.memory_space<hbm>>)
        tpu.yield
      }) : () -> ()
    } else {
    }
    return
  }
}

module attributes {stable_mosaic.version = 14 : i64} {
  func.func @_proj_body(%arg0: i32, %arg1: memref<1000x128xf32, #tpu.memory_space<vmem>>, %arg2: memref<128x128xf32, #tpu.memory_space<vmem>>, %arg3: memref<1x128xf32, #tpu.memory_space<vmem>>, %arg4: memref<1000x128xf32, #tpu.memory_space<vmem>>) attributes {dimension_semantics = [#tpu.dimension_semantics<arbitrary>], iteration_bounds = array<i64: 10>, scalar_prefetch = 0 : i64, scratch_operands = 0 : i64, tpu.core_type = #tpu.core_type<tc>, window_params = [{transform_indices = @transform_0, window_bounds = array<i64: 1000, 128>}, {pipeline_mode = #tpu.pipeline_mode<synchronous>, transform_indices = @transform_1, window_bounds = array<i64: 128, 128>}, {pipeline_mode = #tpu.pipeline_mode<synchronous>, transform_indices = @transform_2, window_bounds = array<i64: 1, 128>}, {transform_indices = @transform_3, window_bounds = array<i64: 1000, 128>}]} {
    %get3A = arith.constant 0 : index
    %get3A_0 = arith.constant 0 : index
    %get3A_1 = vector.load %arg1[%get3A, %get3A_0] : memref<1000x128xf32, #tpu.memory_space<vmem>>, vector<1000x128xf32>
    %get3A_2 = arith.constant 0 : index
    %get3A_3 = arith.constant 0 : index
    %get3A_4 = vector.load %arg2[%get3A_2, %get3A_3] : memref<128x128xf32, #tpu.memory_space<vmem>>, vector<128x128xf32>
    %dot_general3A = arith.constant dense<0.000000e+00> : vector<1000x128xf32>
    %dot_general3A_5 = tpu.matmul %get3A_1, %get3A_4, %dot_general3A {dimension_numbers = #tpu.dot_dimension_numbers<[1], [0], [0], [1], [0, 0, 1, 1], [], []>, transpose_lhs_hint = false} : vector<1000x128xf32>, vector<128x128xf32>, vector<1000x128xf32> -> vector<1000x128xf32>
    %get3A_6 = arith.constant 0 : index
    %get3A_7 = arith.constant 0 : index
    %get3A_8 = vector.load %arg3[%get3A_6, %get3A_7] : memref<1x128xf32, #tpu.memory_space<vmem>>, vector<1x128xf32>
    %add3A = vector.broadcast %get3A_8 : vector<1x128xf32> to vector<1000x128xf32>
    %add3A_9 = arith.addf %dot_general3A_5, %add3A : vector<1000x128xf32>
    %swap3A = arith.constant 0 : index
    %swap3A_10 = arith.constant 0 : index
    %swap3A_11 = vector.load %arg4[%swap3A, %swap3A_10] : memref<1000x128xf32, #tpu.memory_space<vmem>>, vector<1000x128xf32>
    tpu.vector_store %arg4[%swap3A, %swap3A_10], %add3A_9 {strides = array<i32>} : memref<1000x128xf32, #tpu.memory_space<vmem>>, vector<1000x128xf32>,
    return
  }
  func.func @transform_0(%arg0: i32) -> (i32, i32) {
    %c0_i32 = arith.constant 0 : i32
    %c0_i32_0 = arith.constant 0 : i32
    return %arg0, %c0_i32 : i32, i32
  }
  func.func @transform_1(%arg0: i32) -> (i32, i32) {
    %c0_i32 = arith.constant 0 : i32
    %c0_i32_0 = arith.constant 0 : i32
    %c0_i32_1 = arith.constant 0 : i32
    return %c0_i32, %c0_i32_0 : i32, i32
  }
  func.func @transform_2(%arg0: i32) -> (i32, i32) {
    %c0_i32 = arith.constant 0 : i32
    %c0_i32_0 = arith.constant 0 : i32
    %c0_i32_1 = arith.constant 0 : i32
    return %c0_i32, %c0_i32_0 : i32, i32
  }
  func.func @transform_3(%arg0: i32) -> (i32, i32) {
    %c0_i32 = arith.constant 0 : i32
    %c0_i32_0 = arith.constant 0 : i32
    return %arg0, %c0_i32 : i32, i32
  }
}

module attributes {stable_mosaic.version = 14 : i64} {
  func.func @_layer_body(%arg0: i32, %arg1: memref<2x1000x128xf32, #tpu.memory_space<vmem>>, %arg2: memref<1000x128xf32, #tpu.memory_space<vmem>>, %arg3: memref<128x128xf32, #tpu.memory_space<vmem>>, %arg4: memref<128x128xf32, #tpu.memory_space<vmem>>, %arg5: memref<1x128xf32, #tpu.memory_space<vmem>>, %arg6: memref<1000x128xf32, #tpu.memory_space<vmem>>) attributes {dimension_semantics = [#tpu.dimension_semantics<arbitrary>], iteration_bounds = array<i64: 10>, scalar_prefetch = 0 : i64, scratch_operands = 0 : i64, tpu.core_type = #tpu.core_type<tc>, window_params = [{transform_indices = @transform_0, window_bounds = array<i64: 2, 1000, 128>}, {transform_indices = @transform_1, window_bounds = array<i64: 1000, 128>}, {pipeline_mode = #tpu.pipeline_mode<synchronous>, transform_indices = @transform_2, window_bounds = array<i64: 128, 128>}, {pipeline_mode = #tpu.pipeline_mode<synchronous>, transform_indices = @transform_3, window_bounds = array<i64: 128, 128>}, {pipeline_mode = #tpu.pipeline_mode<synchronous>, transform_indices = @transform_4, window_bounds = array<i64: 1, 128>}, {transform_indices = @transform_5, window_bounds = array<i64: 1000, 128>}]} {
    %get3A = arith.constant 0 : index
    %get3A_0 = arith.constant 0 : index
    %get3A_1 = arith.constant 0 : index
    %get3A_2 = vector.load %arg1[%get3A, %get3A_0, %get3A_1] : memref<2x1000x128xf32, #tpu.memory_space<vmem>>, vector<1x1000x128xf32>
    %get3A_3 = vector.shape_cast %get3A_2 : vector<1x1000x128xf32> to vector<1000x128xf32>
    %get3A_4 = arith.constant 1 : index
    %get3A_5 = arith.constant 0 : index
    %get3A_6 = arith.constant 0 : index
    %get3A_7 = vector.load %arg1[%get3A_4, %get3A_5, %get3A_6] : memref<2x1000x128xf32, #tpu.memory_space<vmem>>, vector<1x1000x128xf32>
    %get3A_8 = vector.shape_cast %get3A_7 : vector<1x1000x128xf32> to vector<1000x128xf32>
    %add3A = arith.addf %get3A_3, %get3A_8 : vector<1000x128xf32>
    %get3A_9 = arith.constant 0 : index
    %get3A_10 = arith.constant 0 : index
    %get3A_11 = vector.load %arg3[%get3A_9, %get3A_10] : memref<128x128xf32, #tpu.memory_space<vmem>>, vector<128x128xf32>
    %dot_general3A = arith.constant dense<0.000000e+00> : vector<1000x128xf32>
    %dot_general3A_12 = tpu.matmul %add3A, %get3A_11, %dot_general3A {dimension_numbers = #tpu.dot_dimension_numbers<[1], [0], [0], [1], [0, 0, 1, 1], [], []>, transpose_lhs_hint = false} : vector<1000x128xf32>, vector<128x128xf32>, vector<1000x128xf32> -> vector<1000x128xf32>
    %get3A_13 = arith.constant 0 : index
    %get3A_14 = arith.constant 0 : index
    %get3A_15 = vector.load %arg2[%get3A_13, %get3A_14] : memref<1000x128xf32, #tpu.memory_space<vmem>>, vector<1000x128xf32>
    %get3A_16 = arith.constant 0 : index
    %get3A_17 = arith.constant 0 : index
    %get3A_18 = vector.load %arg4[%get3A_16, %get3A_17] : memref<128x128xf32, #tpu.memory_space<vmem>>, vector<128x128xf32>
    %dot_general3A_19 = arith.constant dense<0.000000e+00> : vector<1000x128xf32>
    %dot_general3A_20 = tpu.matmul %get3A_15, %get3A_18, %dot_general3A_19 {dimension_numbers = #tpu.dot_dimension_numbers<[1], [0], [0], [1], [0, 0, 1, 1], [], []>, transpose_lhs_hint = false} : vector<1000x128xf32>, vector<128x128xf32>, vector<1000x128xf32> -> vector<1000x128xf32>
    %add3A_21 = arith.addf %dot_general3A_12, %dot_general3A_20 : vector<1000x128xf32>
    %get3A_22 = arith.constant 0 : index
    %get3A_23 = arith.constant 0 : index
    %get3A_24 = vector.load %arg5[%get3A_22, %get3A_23] : memref<1x128xf32, #tpu.memory_space<vmem>>, vector<1x128xf32>
    %add3A_25 = vector.broadcast %get3A_24 : vector<1x128xf32> to vector<1000x128xf32>
    %add3A_26 = arith.addf %add3A_21, %add3A_25 : vector<1000x128xf32>
    %max3A = arith.constant 0.000000e+00 : f32
    %max3A_27 = vector.broadcast %max3A : f32 to vector<1000x128xf32>
    %max3A_28 = arith.maximumf %add3A_26, %max3A_27 : vector<1000x128xf32>
    %swap3A = arith.constant 0 : index
    %swap3A_29 = arith.constant 0 : index
    %swap3A_30 = vector.load %arg6[%swap3A, %swap3A_29] : memref<1000x128xf32, #tpu.memory_space<vmem>>, vector<1000x128xf32>
    tpu.vector_store %arg6[%swap3A, %swap3A_29], %max3A_28 {strides = array<i32>} : memref<1000x128xf32, #tpu.memory_space<vmem>>, vector<1000x128xf32>,
    return
  }
  func.func @transform_0(%arg0: i32) -> (i32, i32, i32) {
    %c0_i32 = arith.constant 0 : i32
    %c0_i32_0 = arith.constant 0 : i32
    %c0_i32_1 = arith.constant 0 : i32
    return %c0_i32, %arg0, %c0_i32_0 : i32, i32, i32
  }
  func.func @transform_1(%arg0: i32) -> (i32, i32) {
    %c0_i32 = arith.constant 0 : i32
    %c0_i32_0 = arith.constant 0 : i32
    return %arg0, %c0_i32 : i32, i32
  }
  func.func @transform_2(%arg0: i32) -> (i32, i32) {
    %c0_i32 = arith.constant 0 : i32
    %c0_i32_0 = arith.constant 0 : i32
    %c0_i32_1 = arith.constant 0 : i32
    return %c0_i32, %c0_i32_0 : i32, i32
  }
  func.func @transform_3(%arg0: i32) -> (i32, i32) {
    %c0_i32 = arith.constant 0 : i32
    %c0_i32_0 = arith.constant 0 : i32
    %c0_i32_1 = arith.constant 0 : i32
    return %c0_i32, %c0_i32_0 : i32, i32
  }
  func.func @transform_4(%arg0: i32) -> (i32, i32) {
    %c0_i32 = arith.constant 0 : i32
    %c0_i32_0 = arith.constant 0 : i32
    %c0_i32_1 = arith.constant 0 : i32
    return %c0_i32, %c0_i32_0 : i32, i32
  }
  func.func @transform_5(%arg0: i32) -> (i32, i32) {
    %c0_i32 = arith.constant 0 : i32
    %c0_i32_0 = arith.constant 0 : i32
    return %arg0, %c0_i32 : i32, i32
  }
}

module attributes {stable_mosaic.version = 14 : i64} {
  func.func @_layer_body(%arg0: i32, %arg1: memref<2x1000x128xf32, #tpu.memory_space<vmem>>, %arg2: memref<1000x128xf32, #tpu.memory_space<vmem>>, %arg3: memref<128x128xf32, #tpu.memory_space<vmem>>, %arg4: memref<128x128xf32, #tpu.memory_space<vmem>>, %arg5: memref<1x128xf32, #tpu.memory_space<vmem>>, %arg6: memref<1000x128xf32, #tpu.memory_space<vmem>>) attributes {dimension_semantics = [#tpu.dimension_semantics<arbitrary>], iteration_bounds = array<i64: 10>, scalar_prefetch = 0 : i64, scratch_operands = 0 : i64, tpu.core_type = #tpu.core_type<tc>, window_params = [{transform_indices = @transform_0, window_bounds = array<i64: 2, 1000, 128>}, {transform_indices = @transform_1, window_bounds = array<i64: 1000, 128>}, {pipeline_mode = #tpu.pipeline_mode<synchronous>, transform_indices = @transform_2, window_bounds = array<i64: 128, 128>}, {pipeline_mode = #tpu.pipeline_mode<synchronous>, transform_indices = @transform_3, window_bounds = array<i64: 128, 128>}, {pipeline_mode = #tpu.pipeline_mode<synchronous>, transform_indices = @transform_4, window_bounds = array<i64: 1, 128>}, {transform_indices = @transform_5, window_bounds = array<i64: 1000, 128>}]} {
    %get3A = arith.constant 0 : index
    %get3A_0 = arith.constant 0 : index
    %get3A_1 = arith.constant 0 : index
    %get3A_2 = vector.load %arg1[%get3A, %get3A_0, %get3A_1] : memref<2x1000x128xf32, #tpu.memory_space<vmem>>, vector<1x1000x128xf32>
    %get3A_3 = vector.shape_cast %get3A_2 : vector<1x1000x128xf32> to vector<1000x128xf32>
    %get3A_4 = arith.constant 1 : index
    %get3A_5 = arith.constant 0 : index
    %get3A_6 = arith.constant 0 : index
    %get3A_7 = vector.load %arg1[%get3A_4, %get3A_5, %get3A_6] : memref<2x1000x128xf32, #tpu.memory_space<vmem>>, vector<1x1000x128xf32>
    %get3A_8 = vector.shape_cast %get3A_7 : vector<1x1000x128xf32> to vector<1000x128xf32>
    %add3A = arith.addf %get3A_3, %get3A_8 : vector<1000x128xf32>
    %get3A_9 = arith.constant 0 : index
    %get3A_10 = arith.constant 0 : index
    %get3A_11 = vector.load %arg3[%get3A_9, %get3A_10] : memref<128x128xf32, #tpu.memory_space<vmem>>, vector<128x128xf32>
    %dot_general3A = arith.constant dense<0.000000e+00> : vector<1000x128xf32>
    %dot_general3A_12 = tpu.matmul %add3A, %get3A_11, %dot_general3A {dimension_numbers = #tpu.dot_dimension_numbers<[1], [0], [0], [1], [0, 0, 1, 1], [], []>, transpose_lhs_hint = false} : vector<1000x128xf32>, vector<128x128xf32>, vector<1000x128xf32> -> vector<1000x128xf32>
    %get3A_13 = arith.constant 0 : index
    %get3A_14 = arith.constant 0 : index
    %get3A_15 = vector.load %arg2[%get3A_13, %get3A_14] : memref<1000x128xf32, #tpu.memory_space<vmem>>, vector<1000x128xf32>
    %get3A_16 = arith.constant 0 : index
    %get3A_17 = arith.constant 0 : index
    %get3A_18 = vector.load %arg4[%get3A_16, %get3A_17] : memref<128x128xf32, #tpu.memory_space<vmem>>, vector<128x128xf32>
    %dot_general3A_19 = arith.constant dense<0.000000e+00> : vector<1000x128xf32>
    %dot_general3A_20 = tpu.matmul %get3A_15, %get3A_18, %dot_general3A_19 {dimension_numbers = #tpu.dot_dimension_numbers<[1], [0], [0], [1], [0, 0, 1, 1], [], []>, transpose_lhs_hint = false} : vector<1000x128xf32>, vector<128x128xf32>, vector<1000x128xf32> -> vector<1000x128xf32>
    %add3A_21 = arith.addf %dot_general3A_12, %dot_general3A_20 : vector<1000x128xf32>
    %get3A_22 = arith.constant 0 : index
    %get3A_23 = arith.constant 0 : index
    %get3A_24 = vector.load %arg5[%get3A_22, %get3A_23] : memref<1x128xf32, #tpu.memory_space<vmem>>, vector<1x128xf32>
    %add3A_25 = vector.broadcast %get3A_24 : vector<1x128xf32> to vector<1000x128xf32>
    %add3A_26 = arith.addf %add3A_21, %add3A_25 : vector<1000x128xf32>
    %swap3A = arith.constant 0 : index
    %swap3A_27 = arith.constant 0 : index
    %swap3A_28 = vector.load %arg6[%swap3A, %swap3A_27] : memref<1000x128xf32, #tpu.memory_space<vmem>>, vector<1000x128xf32>
    tpu.vector_store %arg6[%swap3A, %swap3A_27], %add3A_26 {strides = array<i32>} : memref<1000x128xf32, #tpu.memory_space<vmem>>, vector<1000x128xf32>,
    return
  }
  func.func @transform_0(%arg0: i32) -> (i32, i32, i32) {
    %c0_i32 = arith.constant 0 : i32
    %c0_i32_0 = arith.constant 0 : i32
    %c0_i32_1 = arith.constant 0 : i32
    return %c0_i32, %arg0, %c0_i32_0 : i32, i32, i32
  }
  func.func @transform_1(%arg0: i32) -> (i32, i32) {
    %c0_i32 = arith.constant 0 : i32
    %c0_i32_0 = arith.constant 0 : i32
    return %arg0, %c0_i32 : i32, i32
  }
  func.func @transform_2(%arg0: i32) -> (i32, i32) {
    %c0_i32 = arith.constant 0 : i32
    %c0_i32_0 = arith.constant 0 : i32
    %c0_i32_1 = arith.constant 0 : i32
    return %c0_i32, %c0_i32_0 : i32, i32
  }
  func.func @transform_3(%arg0: i32) -> (i32, i32) {
    %c0_i32 = arith.constant 0 : i32
    %c0_i32_0 = arith.constant 0 : i32
    %c0_i32_1 = arith.constant 0 : i32
    return %c0_i32, %c0_i32_0 : i32, i32
  }
  func.func @transform_4(%arg0: i32) -> (i32, i32) {
    %c0_i32 = arith.constant 0 : i32
    %c0_i32_0 = arith.constant 0 : i32
    %c0_i32_1 = arith.constant 0 : i32
    return %c0_i32, %c0_i32_0 : i32, i32
  }
  func.func @transform_5(%arg0: i32) -> (i32, i32) {
    %c0_i32 = arith.constant 0 : i32
    %c0_i32_0 = arith.constant 0 : i32
    return %arg0, %c0_i32 : i32, i32
  }
}

</mosaic_0001>

<sc_bundles>
// kernel: kernel.12.cloned.1.call-start
scs
__scs_entry_jumppad:
0x0: {  	(pc) =	sbr.rel $0x88, $3  }
0x1: {  	(tag) =	ssettag $0x0;
	lr =	simm.s32 $0x1  }
0x2: {  	[smem:$0x3F9A] =	sst lr;
	_ =	strace $0xD0000000  }
0x3: {  	_ = 	snop  }
0x4: {  	_ = 	snop  }
0x5: {  	_ = 	snop  }
0x6: {  	_ = 	snop  }
0x7: {  	_ = 	snop  }
__scs_overlays_trampoline_lowered:
0x8: {  	[smem:$0x3FA9] =	sst s0  }
0x9: {  	[smem:$0x3FAA] =	sst s1  }
0xa: {  	[smem:$0x3FAB] =	sst s2  }
0xb: {  	[smem:$0x3FAC] =	sst s3  }
0xc: {  	[smem:$0x3FAD] =	sst s4  }
0xd: {  	[smem:$0x3FAE] =	sst s5  }
0xe: {  	[smem:$0x3FAF] =	sst s6  }
0xf: {  	[smem:$0x3FB0] =	sst s7  }
0x10: {  	[smem:$0x3FB1] =	sst s8  }
0x11: {  	[smem:$0x3FB2] =	sst s9;
	s0 =	simm.s32 @!p0 $0x0  }
0x12: {  	s1 =	sld [smem:$0x3F98];
	s0 =	simm.s32 @p0 $0x1  }
0x13: {  	[smem:$0x3FB3] =	sst s0;
	s0 =	simm.s32 @!p1 $0x0  }
0x14: {  	s2 =	sld [smem:$0x3F97];
	s0 =	simm.s32 @p1 $0x1  }
0x15: {  	[smem:$0x3FB4] =	sst s0;
	s0 =	simm.s32 @!p2 $0x0  }
0x16: {  	s3 =	sld [smem:$0x3FDB];
	s0 =	simm.s32 @p2 $0x1  }
0x17: {  	s4 =	simm.s32 $0x1BF5;
	[smem:$0x3FB6] =	sst s0  }
0x18: {  	s0 =	sld [smem:$0x3F99];
	_ =	swait.ge [sflag:s4], $0x0  }
0x19: {  	s7 =	sld [smem:$0x3F9A]  }
0x1a: {  	s8 =	sadd.s32 $0xFFFFE003, lr  }
0x1b: {  	s9 =	sadd.s32 $0xFFFFFEF7, lr;
	s5 =	simm.s32 $0xFFFFFFFF;
	p2 =	slt.u32 s8, $0xFFFFF086  }
0x1c: {  	p1 =	slt.u32 s9, $0xF7A;
	s5 =	simm.s32 @!p2 $0x0  }
0x1d: {  	s5 =	simm.s32 @p1 $0x1;
	p0 =	seq.s32 s7, s2  }
0x1e: {  	s7 =	smul.u32 @!p0 $0xF7A, s2;
	p2 =	seq.s32 @!p0 s5, $0x0  }
0x1f: {  	s9 =	smul.u32 $0xF7A, s1;
	s8 =	simm.s32 @!p0 $0x1BF5;
	p2 =	por !p2, p0  }
0x20: {  	[sflag:s8] =	ssyncset.s32 @!p0 $0xFFFFF086;
	s6 =	sadd.s32 @!p0 s3, s7;
	s7 =	simm.s32 @!p0 $0x108  }
0x21: {  	s3 =	sadd.s32 s3, s9;
	s6 =	sadd.s32 @!p0 $0x88, s6;
	s7 =	simm.s32 @p2 $0x1082  }
0x22: {  	[simem:s7], [sflag:s8] =	dma.local @!p0 [hbm:s6], $0xF7A  }
0x23: {  	s9 =	sor.u32 $0xD0000000, s2;
	s6 =	simm.s32 $0x108;
	_ =	swait.ge @!p0 [sflag:s8], $0x0  }
0x24: {  	s3 =	sadd.s32 $0x88, s3;
	s6 =	simm.s32 @!p1 $0x1082;
	[sflag:s4] =	ssyncset.s32 $0xFFFFF086  }
0x25: {  	[simem:s6], [sflag:s4] =	dma.local [hbm:s3], $0xF7A  }
0x26: {  	[smem:$0x3F9A] =	sst s1;
	(tag) =	ssettag s2;
	_ =	strace s9  }
0x27: {  	s1 =	sld [smem:$0x3FAA]  }
0x28: {  	s2 =	sld [smem:$0x3FAB]  }
0x29: {  	s4 =	sld [smem:$0x3FAD]  }
0x2a: {  	p0 =	seq.s32 s5, $0x0;
	s5 =	sld [smem:$0x3FAE]  }
0x2b: {  	s6 =	sld [smem:$0x3FAF]  }
0x2c: {  	s7 =	sld [smem:$0x3FB0]  }
0x2d: {  	s3 =	simm.s32 $0x108;
	s8 =	sld [smem:$0x3FB1]  }
0x2e: {  	s3 =	simm.s32 @!p0 $0x1082;
	s9 =	sld [smem:$0x3FB2]  }
0x2f: {  	lr =	sadd.s32 s0, s3;
	s0 =	sld [smem:$0x3FA9]  }
0x30: {  	s3 =	sld [smem:$0x3FAC]  }
0x31: {  	[smem:$0x3FB5] =	sst s10  }
0x32: {  	s10 =	sld [smem:$0x3FB3];
	_ =	sdelay $0x3  }
0x33: {  	p0 =	seq.s32 s10, $0x1;
	s10 =	sld [smem:$0x3FB5];
	_ =	sdelay $0x3  }
0x34: {  	[smem:$0x3FB5] =	sst s10  }
0x35: {  	s10 =	sld [smem:$0x3FB4];
	_ =	sdelay $0x3  }
0x36: {  	p1 =	seq.s32 s10, $0x1;
	s10 =	sld [smem:$0x3FB5];
	_ =	sdelay $0x3  }
0x37: {  	[smem:$0x3FB5] =	sst s10  }
0x38: {  	s10 =	sld [smem:$0x3FB6]  }
0x39: {  	_ = 	snop;
	(pc) =	sbr.ind lr, $3  }
0x3a: {  	_ = 	snop  }
0x3b: {  	_ = 	snop  }
0x3c: {  	p2 =	seq.s32 s10, $0x1;
	s10 =	sld [smem:$0x3FB5]  }
0x3d: {  	_ =	shalt  }
0x3e: {  	_ =	shalt  }
0x3f: {  	_ =	shalt  }
0x40: {  	_ =	shalt  }
0x41: {  	_ =	shalt  }
0x42: {  	_ =	shalt  }
0x43: {  	_ =	shalt  }
0x44: {  	_ =	shalt  }
0x45: {  	_ =	shalt  }
0x46: {  	_ =	shalt  }
0x47: {  	_ =	shalt  }
0x48: {  	_ =	shalt  }
0x49: {  	_ =	shalt  }
0x4a: {  	_ =	shalt  }
0x4b: {  	_ =	shalt  }
0x4c: {  	_ =	shalt  }
0x4d: {  	_ =	shalt  }
0x4e: {  	_ =	shalt  }
0x4f: {  	_ =	shalt  }
0x50: {  	_ =	shalt  }
0x51: {  	_ =	shalt  }
0x52: {  	_ =	shalt  }
0x53: {  	_ =	shalt  }
0x54: {  	_ =	shalt  }
0x55: {  	_ =	shalt  }
0x56: {  	_ =	shalt  }
0x57: {  	_ =	shalt  }
0x58: {  	_ =	shalt  }
0x59: {  	_ =	shalt  }
0x5a: {  	_ =	shalt  }
0x5b: {  	_ =	shalt  }
0x5c: {  	_ =	shalt  }
0x5d: {  	_ =	shalt  }
0x5e: {  	_ =	shalt  }
0x5f: {  	_ =	shalt  }
0x60: {  	_ =	shalt  }
0x61: {  	_ =	shalt  }
0x62: {  	_ =	shalt  }
0x63: {  	_ =	shalt  }
0x64: {  	_ =	shalt  }
0x65: {  	_ =	shalt  }
0x66: {  	_ =	shalt  }
0x67: {  	_ =	shalt  }
0x68: {  	_ =	shalt  }
0x69: {  	_ =	shalt  }
0x6a: {  	_ =	shalt  }
0x6b: {  	_ =	shalt  }
0x6c: {  	_ =	shalt  }
0x6d: {  	_ =	shalt  }
0x6e: {  	_ =	shalt  }
0x6f: {  	_ =	shalt  }
0x70: {  	_ =	shalt  }
0x71: {  	_ =	shalt  }
0x72: {  	_ =	shalt  }
0x73: {  	_ =	shalt  }
0x74: {  	_ =	shalt  }
0x75: {  	_ =	shalt  }
0x76: {  	_ =	shalt  }
0x77: {  	_ =	shalt  }
0x78: {  	_ =	shalt  }
0x79: {  	_ =	shalt  }
0x7a: {  	_ =	shalt  }
0x7b: {  	_ =	shalt  }
0x7c: {  	_ =	shalt  }
0x7d: {  	_ =	shalt  }
0x7e: {  	_ =	shalt  }
0x7f: {  	_ =	shalt  }
0x80: {  	_ =	shalt  }
0x81: {  	_ =	shalt  }
0x82: {  	_ =	shalt  }
0x83: {  	_ =	shalt  }
0x84: {  	_ =	shalt  }
0x85: {  	_ =	shalt  }
0x86: {  	_ =	shalt  }
0x87: {  	_ =	shalt  }
.Lfunc_end0:
.L_simem_size_0:
called_computation.1_lowered:
.L_overlay_start_0:
0x88: {  	s2 =	sld [smem:$0x3FD9]  }
0x89: {  	s3 =	sld [smem:$0x3FFE];
	_ =	sdelay $0x1  }
0x8a: {  	s1 =	srdreg.scid  }
0x8b: {  	s0 =	sand.u32 $0x1, s1  }
0x8c: {  	s17 =	sshll.u32 s0, $0xA;
	s2 =	sadd.s32 s3, s2  }
0x8d: {  	s2 =	sadd.s32 s2, s17  }
0x8e: {  	[smem:$0x3FC1] =	sst s2  }
0x8f: {  	_ = 	snop  }
0x90: {  	s2 =	sld [smem:$0x3FD0];
	(tm) =	ssettm $0x1  }
0x91: {  	s18 =	sld [smem:$0x3FFB];
	_ =	sdelay $0x3  }
0x92: {  	_ =	strace s18  }
0x93: {  	s3 =	sld [smem:$0x3FFC];
	_ =	sdelay $0x3  }
0x94: {  	_ =	strace s3  }
0x95: {  	s3 =	sld [smem:$0x3FFD];
	_ =	sdelay $0x3  }
0x96: {  	_ =	strace s3  }
0x97: {  	_ =	strace $0x8FFFFFFF  }
0x98: {  	s19 =	sld [smem:$0x3FDB];
	_ =	sdelay $0x1  }
0x99: {  	s4 =	simm.s32 $_scs_section_size  }
0x9a: {  	s5 =	simm.s32 $_size__tile_overlayer_lowered;
	s6 =	simm.s32 $_tile_overlayer_lowered  }
0x9b: {  	s22 =	simm.s32 $0x1BFF;
	s21 =	sshll.u32 s6, $0x1;
	s3 =	sadd.s32 s4, s19  }
0x9c: {  	s7 =	simm.s32 $0x0;
	s20 =	sshll.u32 s5, $0x1;
	s5 =	sadd.s32 s21, s3  }
0x9d: {  	[timem:s7], [sflag:s22] =	dma.local [hbm:s5], s20  }
0x9e: {  	_ =	swait.ge [sflag:s22], s20  }
0x9f: {  	s4 =	ssub.s32 $0x0, s20;
	[sflag:s22] =	ssyncset.done $0x0  }
0xa0: {  	[sflag:s22] =	ssyncadd.s32 s4;
	_ =	sdelay $0x1  }
0xa1: {  	s23 =	simm.s32 $0x1B8B  }
0xa2: {  	_ =	swait.ge [sflag:s23], $0x1  }
0xa3: {  	[sflag:s23] =	ssyncset.done $0x0  }
0xa4: {  	s25 =	simm.s32 $0x1B8E;
	s24 =	sld [smem:$0x3FFE];
	[sflag:s23] =	ssyncadd.s32 $0xFFFFFFFF  }
0xa5: {  	s26 =	simm.s32 $execute0_lowered;
	[smem:$0x3FD2] =	sst s25  }
0xa6: {  	s5 =	sshll.u32 s26, $0x1;
	_ =	strace $0x80000049;
	[dreg:$0x1] =	wrdreg $0xFFFFFFFF  }
0xa7: {  	s28 =	simm.s32 $_size_execute0_lowered;
	s3 =	sadd.s32 s3, s5;
	[dreg:$0x0] =	wrdreg $0x0  }
0xa8: {  	s5 =	sshll.u32 s28, $0x1;
	[dreg:$0x2] =	wrdreg s3  }
0xa9: {  	[dreg:$0x3] =	wrdreg s5  }
0xaa: {  	[dreg:$0x4] =	wrdreg $0xC0  }
0xab: {  	_ =	task [dreg:s7], $0x5FFFF  }
0xac: {  	[dreg:$0x1] =	wrdreg $0xFFFFFFFF  }
0xad: {  	[dreg:$0x0] =	wrdreg $0x60  }
0xae: {  	[dreg:$0x2] =	wrdreg s2  }
0xaf: {  	[dreg:$0x3] =	wrdreg s24  }
0xb0: {  	[dreg:$0x4] =	wrdreg $0x0  }
0xb1: {  	[dreg:$0x5] =	wrdreg $0x9  }
0xb2: {  	_ =	task.clear_ibuf [dreg:s7], $0x6FFFF;
	_ =	strace $0x90000049  }
0xb3: {  	s29 =	simm.s32 $0x9;
	_ =	strace $0x8000004B  }
0xb4: {  	_ =	swait.ge [sflag:s29], $0x1  }
0xb5: {  	[sflag:s29] =	ssyncadd.s32 $0xFFFFFFFF  }
0xb6: {  	_ =	strace $0x9000004B  }
0xb7: {  	_ =	sfence  }
0xb8: {  	s30 =	sld [smem:$0x0];
	_ =	sdelay $0x2  }
0xb9: {  	s31 =	sshll.u32 s1, $0xD;
	s1 =	sshrl.u32 s1, $0x2  }
0xba: {  	s3 =	sand.u32 $0x4000, s31;
	s1 =	sadd.s32 s1, s30  }
0xbb: {  	s0 =	sor.u32 s3, s0;
	s1 =	sshll.u32 s1, $0x11  }
0xbc: {  	s0 =	sor.u32 s1, s0  }
0xbd: {  	s0 =	sadd.s32 $0x8F2B, s0  }
0xbe: {  	[sflag:s0] =	ssyncadd.remote.s32 $0x1  }
0xbf: {  	_ =	sfence.sel $0xFFFF  }
0xc0: {  	[dreg:$0x0] =	wrdreg $0xFFFFFFFF;
	(pc) =	sbr.abs _section_cstart, $3  }
0xc1: {  	[dreg:$0x1] =	wrdreg $0xFFFFFFFF  }
0xc2: {  	_ =	task.clear_ibuf [dreg:s7], $0x2FFFF;
	_ =	strace $0x9FFFFFFF  }
0xc3: {  	(tm) =	ssettm $0x7FFFFFFF  }
tec
execute0_lowered:
.L_overlay_start_1:
0x0: {  	(tag) =	ssettag $0x1  }
0x1: {  	s1 =	rddreg [dreg:$0x0]  }
0x2: {  	s0 =	rddreg [dreg:$0x1]  }
0x3: {  	s2 =	rddreg [dreg:$0x2];
	s3 =	srdreg.scid;
	s4 =	simm.s32 $0x0  }
0x4: {  	s14 =	stileid.u32;
	s3 =	sand.u32 $0x1, s3;
	[smem:$0x7FF] =	sst s4  }
0x5: {  	s7 =	sadd.s32 $0xC400, s0;
	s8 =	sadd.s32 $0x2600, s0;
	s25 =	smul.u32 $0x13800, s14  }
0x6: {  	s0 =	sadd.s32 $0x16200, s0;
	s28 =	smul.u32 $0x2710, s14;
	s5 =	sshll.u32 s3, $0x4  }
0x7: {  	s13 =	smul.u32 $0x4E000, s14;
	s6 =	ssub.s32 $0x2, s3;
	s5 =	sor.u32 s14, s5  }
0x8: {  	p0 =	sne.s32 s14, $0xF;
	s9 =	sshrl.u32 s6, $0x1;
	s5 =	smul.u32 $0x2710, s5  }
0x9: {  	_ =	strace $0x8000004A;
	s11 =	smul.u32 $0x138800, s3;
	s6 =	ssub.s32 s6, s9  }
0xa: {  	s3 =	smul.u32 $0x27100, s3;
	s16 =	smax.u32 s6, $0x1;
	s5 =	sshrl.u32 s5, $0x3  }
0xb: {  	s14 =	simm.s32 $0x13A00;
	[dreg:$0x14] =	wrdreg s16;
	s18 =	sadd.s32 s7, s5  }
0xc: {  	s19 =	sadd.s32 s8, s5;
	s20 =	sadd.s32 $0xA, s5;
	[dreg:$0x4] =	wrdreg s18  }
0xd: {  	s3 =	sadd.s32 s28, s3;
	[dreg:$0x5] =	wrdreg s19;
	s10 =	sadd.s32 s7, s20  }
0xe: {  	s21 =	sadd.s32 $0x14, s5;
	s9 =	sadd.s32 s8, s20;
	[dreg:$0x6] =	wrdreg s10  }
0xf: {  	s23 =	sadd.s32 $0x1E, s5;
	s22 =	sadd.s32 s7, s21;
	[dreg:$0x7] =	wrdreg s9  }
0x10: {  	s26 =	sadd.s32 $0x28, s5;
	s24 =	sadd.s32 s7, s23;
	[dreg:$0x8] =	wrdreg s22  }
0x11: {  	s29 =	sadd.s32 $0x32, s5;
	s12 =	sadd.s32 s7, s26;
	[dreg:$0xa] =	wrdreg s24  }
0x12: {  	s3 =	sadd.s32 $0x230, s3;
	s30 =	sadd.s32 s7, s29;
	[dreg:$0xc] =	wrdreg s12  }
0x13: {  	s5 =	sadd.s32 $0x3C, s5;
	s31 =	sadd.s32 s8, s29;
	[dreg:$0xe] =	wrdreg s30  }
0x14: {  	s6 =	simm.s32 $0x13880;
	s15 =	sadd.s32 s7, s5;
	[dreg:$0xf] =	wrdreg s31  }
0x15: {  	s3 =	sshrl.u32 s3, $0x3;
	s5 =	sadd.s32 s8, s5;
	[dreg:$0x11] =	wrdreg s15  }
0x16: {  	s16 =	simm.s32 $0x3;
	s9 =	sadd.s32 s8, s21;
	[dreg:$0x12] =	wrdreg s5  }
0x17: {  	s10 =	sadd.s32 s8, s23;
	s12 =	sshrl.u32 s13, $0x2;
	[dreg:$0x9] =	wrdreg s9  }
0x18: {  	[dreg:$0xb] =	wrdreg s10;
	s10 =	sadd.s32 s8, s26;
	s23 =	sadd.s32 s12, s2  }
0x19: {  	s13 =	sshrl.u32 s11, $0x3;
	[dreg:$0xd] =	wrdreg s10;
	s17 =	sadd.s32 $0x1800, s23  }
0x1a: {  	s5 =	sadd.s32 s3, s8;
	s18 =	sadd.s32 $0x3000, s23;
	[dreg:$0x15] =	wrdreg s17  }
0x1b: {  	s21 =	sadd.s32 s3, s7;
	s19 =	sadd.s32 $0x4800, s23;
	[dreg:$0x16] =	wrdreg s18  }
0x1c: {  	s22 =	sadd.s32 $0x138000, s2;
	s20 =	sadd.s32 $0x6000, s23;
	[dreg:$0x17] =	wrdreg s19  }
0x1d: {  	s7 =	simm.s32 $0x13C80;
	s24 =	sadd.s32 $0x7800, s23;
	[dreg:$0x18] =	wrdreg s20  }
0x1e: {  	s9 =	sadd.s32 s25, s11;
	s25 =	sadd.s32 $0x9000, s23;
	[dreg:$0x19] =	wrdreg s24  }
0x1f: {  	s15 =	simm.s32 $0x1E080;
	s26 =	sadd.s32 $0xA800, s23;
	[dreg:$0x1a] =	wrdreg s25  }
0x20: {  	s8 =	simm.s32 $0x13900;
	s28 =	sadd.s32 $0xC000, s23;
	[dreg:$0x1b] =	wrdreg s26  }
0x21: {  	s9 =	sshrl.u32 s9, $0x3;
	s29 =	sadd.s32 $0xD800, s23;
	[dreg:$0x1c] =	wrdreg s28  }
0x22: {  	s30 =	sadd.s32 $0xF000, s23;
	s31 =	sadd.s32 $0x10800, s23;
	[dreg:$0x1d] =	wrdreg s29  }
0x23: {  	s9 =	sadd.s32 s0, s9;
	s0 =	sadd.s32 s0, s13;
	[dreg:$0x1e] =	wrdreg s30  }
0x24: {  	[dreg:$0x1f] =	wrdreg s31;
	s13 =	simm.s32 $0x13980;
	s17 =	simm.s32 $0x1  }
0x25: {  	s18 =	simm.s32 $0x50;
	s19 =	simm.s32 $0x14080;
	s24 =	simm.s32 $0x2  }
0x26: {  	s25 =	simm.s32 $0x4;
	[dreg:$0x10] =	wrdreg s9;
	s0 =	sadd.s32 $0x27000, s0  }
0x27: {  	v0 =	vimm.f32 $0.0e+00;
	s26 =	simm.s32 $0x0;
	s9 =	sadd.s32 $0x12000, s23;
	[dreg:$0x13] =	wrdreg s0  }
.LBB2_1:
0x28: {  	s0 =	rddreg [dreg:$0x4]  }
0x29: {  	[tilespmem:s6], [sflag:$0x1] =	stream.linear.gather [hbm4b:s0+s4], $0x50, $0x38;
	[tilespmem:$0x1F880] =	vst v63  }
0x2a: {  	s3 =	rddreg [dreg:$0x5]  }
0x2b: {  	[tilespmem:s7], [sflag:$0x1] =	stream.linear.gather [hbm4b:s3+s4], $0x50, $0x38;
	[tilespmem:$0x1F880] =	vst v63  }
0x2c: {  	s10 =	rddreg [dreg:$0x6]  }
0x2d: {  	[tilespmem:s8], [sflag:$0x1] =	stream.linear.gather [hbm4b:s10+s4], $0x50, $0x38;
	[tilespmem:$0x1F880] =	vst v63  }
0x2e: {  	s11 =	rddreg [dreg:$0x7];
	s3 =	simm.s32 $0x13D00  }
0x2f: {  	[tilespmem:s3], [sflag:$0x1] =	stream.linear.gather [hbm4b:s11+s4], $0x50, $0x38;
	[tilespmem:$0x1F880] =	vst v63  }
0x30: {  	s12 =	rddreg [dreg:$0x8]  }
0x31: {  	[tilespmem:s13], [sflag:$0x1] =	stream.linear.gather [hbm4b:s12+s4], $0x50, $0x38;
	[tilespmem:$0x1F880] =	vst v63  }
0x32: {  	s20 =	rddreg [dreg:$0x9];
	s28 =	simm.s32 $0x13D80  }
0x33: {  	[tilespmem:s28], [sflag:$0x1] =	stream.linear.gather [hbm4b:s20+s4], $0x50, $0x38;
	[tilespmem:$0x1F880] =	vst v63  }
0x34: {  	s29 =	rddreg [dreg:$0xa]  }
0x35: {  	[tilespmem:s14], [sflag:$0x1] =	stream.linear.gather [hbm4b:s29+s4], $0x50, $0x38;
	[tilespmem:$0x1F880] =	vst v63  }
0x36: {  	s30 =	rddreg [dreg:$0xb];
	s31 =	simm.s32 $0x13E00  }
0x37: {  	[tilespmem:s31], [sflag:$0x1] =	stream.linear.gather [hbm4b:s30+s4], $0x50, $0x38;
	[tilespmem:$0x1F880] =	vst v63  }
0x38: {  	s10 =	rddreg [dreg:$0xc];
	s11 =	simm.s32 $0x13A80  }
0x39: {  	[tilespmem:s11], [sflag:$0x1] =	stream.linear.gather [hbm4b:s10+s4], $0x50, $0x38;
	[tilespmem:$0x1F880] =	vst v63  }
0x3a: {  	s12 =	rddreg [dreg:$0xd];
	s20 =	simm.s32 $0x13E80  }
0x3b: {  	[tilespmem:s20], [sflag:$0x1] =	stream.linear.gather [hbm4b:s12+s4], $0x50, $0x38;
	[tilespmem:$0x1F880] =	vst v63  }
0x3c: {  	s0 =	simm.s32 $0x0;
	s28 =	rddreg [dreg:$0xe];
	s29 =	simm.s32 $0x13B00  }
0x3d: {  	[tilespmem:s29], [sflag:$0x1] =	stream.linear.gather [hbm4b:s28+s4], $0x50, $0x38;
	[tilespmem:$0x1F880] =	vst v63  }
0x3e: {  	s3 =	simm.s32 $0x200;
	s30 =	rddreg [dreg:$0xf];
	s31 =	simm.s32 $0x13F00  }
0x3f: {  	[tilespmem:s31], [sflag:$0x1] =	stream.linear.gather [hbm4b:s30+s4], $0x50, $0x38;
	[tilespmem:$0x1F880] =	vst v63  }
.LBB2_2:
0x40: {  	p1 =	sne.s32 s3, $0x5E00;
	[tilespmem:s0+$0x1E0F0] =	vst v0  }
0x41: {  	[tilespmem:s0+$0x1E080] =	vst v0  }
0x42: {  	[tilespmem:s0+$0x1E090] =	vst v0  }
.Ltmp0:
0x43: {  	[tilespmem:s0+$0x1E0A0] =	vst v0;
	(pc) =	sbr.rel @p1 .LBB2_2-.Ltmp0, $4  }
0x44: {  	[tilespmem:s0+$0x1E0B0] =	vst v0  }
0x45: {  	[tilespmem:s0+$0x1E0C0] =	vst v0  }
0x46: {  	[tilespmem:s0+$0x1E0D0] =	vst v0  }
0x47: {  	[tilespmem:s0+$0x1E0E0] =	vst v0;
	s0 =	sshra.s32 s3, $0x2;
	s3 =	sadd.s32 $0x200, s3  }
0x48: {  	[tilespmem:s0+$0x1E0F0] =	vst v0  }
0x49: {  	[tilespmem:s0+$0x1E080] =	vst v0  }
0x4a: {  	[tilespmem:s0+$0x1E090] =	vst v0  }
0x4b: {  	[tilespmem:s0+$0x1E0A0] =	vst v0  }
0x4c: {  	[tilespmem:s0+$0x1E0B0] =	vst v0  }
0x4d: {  	[tilespmem:s0+$0x1E0C0] =	vst v0  }
0x4e: {  	[tilespmem:s0+$0x1E0D0] =	vst v0  }
0x4f: {  	[tilespmem:s0+$0x1E0E0] =	vst v0  }
0x50: {  	[spmem:s23] =	stream.linear.scatter [tilespmem:s15], [sflag:$0x3], $0x1800, $0x38;
	[tilespmem:$0x1F880] =	vst v63  }
0x51: {  	s20 =	rddreg [dreg:$0x15]  }
0x52: {  	[spmem:s20] =	stream.linear.scatter [tilespmem:s15], [sflag:$0x3], $0x1800, $0x38;
	[tilespmem:$0x1F880] =	vst v63  }
0x53: {  	s3 =	rddreg [dreg:$0x16]  }
0x54: {  	[spmem:s3] =	stream.linear.scatter [tilespmem:s15], [sflag:$0x3], $0x1800, $0x38;
	[tilespmem:$0x1F880] =	vst v63  }
0x55: {  	s10 =	rddreg [dreg:$0x17]  }
0x56: {  	[spmem:s10] =	stream.linear.scatter [tilespmem:s15], [sflag:$0x3], $0x1800, $0x38;
	[tilespmem:$0x1F880] =	vst v63  }
0x57: {  	s11 =	rddreg [dreg:$0x18]  }
0x58: {  	[spmem:s11] =	stream.linear.scatter [tilespmem:s15], [sflag:$0x3], $0x1800, $0x38;
	[tilespmem:$0x1F880] =	vst v63  }
0x59: {  	s12 =	rddreg [dreg:$0x19]  }
0x5a: {  	[spmem:s12] =	stream.linear.scatter [tilespmem:s15], [sflag:$0x3], $0x1800, $0x38;
	[tilespmem:$0x1F880] =	vst v63  }
0x5b: {  	s20 =	rddreg [dreg:$0x1a]  }
0x5c: {  	[spmem:s20] =	stream.linear.scatter [tilespmem:s15], [sflag:$0x3], $0x1800, $0x38;
	[tilespmem:$0x1F880] =	vst v63  }
0x5d: {  	s3 =	rddreg [dreg:$0x1b]  }
0x5e: {  	[spmem:s3] =	stream.linear.scatter [tilespmem:s15], [sflag:$0x3], $0x1800, $0x38;
	[tilespmem:$0x1F880] =	vst v63  }
0x5f: {  	s10 =	rddreg [dreg:$0x1c]  }
0x60: {  	[spmem:s10] =	stream.linear.scatter [tilespmem:s15], [sflag:$0x3], $0x1800, $0x38;
	[tilespmem:$0x1F880] =	vst v63  }
0x61: {  	s11 =	rddreg [dreg:$0x1d]  }
0x62: {  	[spmem:s11] =	stream.linear.scatter [tilespmem:s15], [sflag:$0x3], $0x1800, $0x38;
	[tilespmem:$0x1F880] =	vst v63  }
0x63: {  	s12 =	rddreg [dreg:$0x1e]  }
0x64: {  	[spmem:s12] =	stream.linear.scatter [tilespmem:s15], [sflag:$0x3], $0x1800, $0x38;
	[tilespmem:$0x1F880] =	vst v63  }
0x65: {  	s20 =	rddreg [dreg:$0x1f]  }
0x66: {  	[spmem:s20] =	stream.linear.scatter [tilespmem:s15], [sflag:$0x3], $0x1800, $0x38;
	[tilespmem:$0x1F880] =	vst v63  }
0x67: {  	_ = 	snop  }
0x68: {  	[spmem:s9] =	stream.linear.scatter [tilespmem:s15], [sflag:$0x3], $0x1800, $0x38;
	[tilespmem:$0x1F880] =	vst v63  }
0x69: {  	s0 =	simm.s32 @!p0 $0x1E080  }
0x6a: {  	[spmem:s22] =	stream.linear.scatter @!p0 [tilespmem:s0], [sflag:$0x3], $0x800, $0x38;
	[tilespmem:$0x1F880] =	vst v63  }
0x6b: {  	_ =	swait.ge [sflag:s16], $0x1800  }
0x6c: {  	[sflag:s16] =	ssyncset.done $0x0  }
0x6d: {  	[sflag:s16] =	ssyncadd.s32 $0xFFFFE800  }
0x6e: {  	_ =	swait.ge [sflag:s16], $0x1800  }
0x6f: {  	[sflag:s16] =	ssyncset.done $0x0  }
0x70: {  	[sflag:s16] =	ssyncadd.s32 $0xFFFFE800  }
0x71: {  	_ =	swait.ge [sflag:s16], $0x1800  }
0x72: {  	[sflag:s16] =	ssyncset.done $0x0  }
0x73: {  	[sflag:s16] =	ssyncadd.s32 $0xFFFFE800  }
0x74: {  	_ =	swait.ge [sflag:s16], $0x1800  }
0x75: {  	[sflag:s16] =	ssyncset.done $0x0  }
0x76: {  	[sflag:s16] =	ssyncadd.s32 $0xFFFFE800  }
0x77: {  	_ =	swait.ge [sflag:s16], $0x1800  }
0x78: {  	[sflag:s16] =	ssyncset.done $0x0  }
0x79: {  	[sflag:s16] =	ssyncadd.s32 $0xFFFFE800  }
0x7a: {  	_ =	swait.ge [sflag:s16], $0x1800  }
0x7b: {  	[sflag:s16] =	ssyncset.done $0x0  }
0x7c: {  	[sflag:s16] =	ssyncadd.s32 $0xFFFFE800  }
0x7d: {  	_ =	swait.ge [sflag:s16], $0x1800  }
0x7e: {  	[sflag:s16] =	ssyncset.done $0x0  }
0x7f: {  	[sflag:s16] =	ssyncadd.s32 $0xFFFFE800  }
0x80: {  	_ =	swait.ge [sflag:s16], $0x1800  }
0x81: {  	[sflag:s16] =	ssyncset.done $0x0  }
0x82: {  	[sflag:s16] =	ssyncadd.s32 $0xFFFFE800  }
0x83: {  	_ =	swait.ge [sflag:s16], $0x1800  }
0x84: {  	[sflag:s16] =	ssyncset.done $0x0  }
0x85: {  	[sflag:s16] =	ssyncadd.s32 $0xFFFFE800  }
0x86: {  	_ =	swait.ge [sflag:s16], $0x1800  }
0x87: {  	[sflag:s16] =	ssyncset.done $0x0  }
0x88: {  	[sflag:s16] =	ssyncadd.s32 $0xFFFFE800  }
0x89: {  	_ =	swait.ge [sflag:s16], $0x1800  }
0x8a: {  	[sflag:s16] =	ssyncset.done $0x0  }
0x8b: {  	[sflag:s16] =	ssyncadd.s32 $0xFFFFE800  }
0x8c: {  	_ =	swait.ge [sflag:s16], $0x1800  }
0x8d: {  	[sflag:s16] =	ssyncset.done $0x0  }
0x8e: {  	[sflag:s16] =	ssyncadd.s32 $0xFFFFE800  }
0x8f: {  	_ =	swait.ge [sflag:s16], $0x1800  }
0x90: {  	[sflag:s16] =	ssyncset.done $0x0  }
0x91: {  	s0 =	simm.s32 @!p0 $0x3;
	[sflag:s16] =	ssyncadd.s32 $0xFFFFE800  }
0x92: {  	_ =	swait.ge @!p0 [sflag:s0], $0x800  }
0x93: {  	[sflag:s0] =	ssyncset.done @!p0 $0x0  }
0x94: {  	[sflag:s0] =	ssyncadd.s32 @!p0 $0xFFFFF800  }
0x95: {  	[bflag:$0x0] =	sbarrier.arrive $0xFFFF  }
0x96: {  	_ =	swait.ge [sflag:s17], $0x50  }
0x97: {  	[sflag:s17] =	ssyncset.done $0x0  }
0x98: {  	[sflag:s17] =	ssyncadd.s32 $0xFFFFFFB0  }
0x99: {  	_ =	swait.ge [sflag:s17], $0x50  }
0x9a: {  	[sflag:s17] =	ssyncset.done $0x0  }
0x9b: {  	[sflag:s17] =	ssyncadd.s32 $0xFFFFFFB0  }
0x9c: {  	[tilespmem:s19], [sflag:$0x2] =	stream.indirect.gather [hbm4b:s1+s18], $0x80, s6, s18, $0xb8;
	[tilespmem:$0x1F880] =	vst v63  }
0x9d: {  	_ =	swait.ge [sflag:s17], $0x50  }
0x9e: {  	[sflag:s17] =	ssyncset.done $0x0  }
0x9f: {  	[sflag:s17] =	ssyncadd.s32 $0xFFFFFFB0  }
0xa0: {  	_ =	swait.ge [sflag:s17], $0x50  }
0xa1: {  	[sflag:s17] =	ssyncset.done $0x0  }
0xa2: {  	s3 =	simm.s32 $0x16880;
	[sflag:s17] =	ssyncadd.s32 $0xFFFFFFB0  }
0xa3: {  	[tilespmem:s3], [sflag:$0x2] =	stream.indirect.gather [hbm4b:s1+s18], $0x80, s8, s18, $0xb8;
	[tilespmem:$0x1F880] =	vst v63  }
0xa4: {  	_ =	swait.ge [sflag:s17], $0x50  }
0xa5: {  	[sflag:s17] =	ssyncset.done $0x0  }
0xa6: {  	[sflag:s17] =	ssyncadd.s32 $0xFFFFFFB0  }
0xa7: {  	_ =	swait.ge [sflag:s17], $0x50  }
0xa8: {  	[sflag:s17] =	ssyncset.done $0x0  }
0xa9: {  	s6 =	simm.s32 $0x19080;
	[sflag:s17] =	ssyncadd.s32 $0xFFFFFFB0  }
0xaa: {  	[tilespmem:s6], [sflag:$0x2] =	stream.indirect.gather [hbm4b:s1+s18], $0x80, s13, s18, $0xb8;
	[tilespmem:$0x1F880] =	vst v63  }
0xab: {  	_ =	swait.ge [sflag:s24], $0x2800  }
0xac: {  	[sflag:s24] =	ssyncset.done $0x0  }
0xad: {  	[sflag:s24] =	ssyncadd.s32 $0xFFFFD800  }
0xae: {  	[spmem:s2] =	stream.indirect.scatter.add.f32 [tilespmem:s19], [sflag:$0x3], $0x80, s7, s18, $0xb8;
	[tilespmem:$0x1F880] =	vst v63  }
0xaf: {  	_ =	swait.ge [sflag:s17], $0x50  }
0xb0: {  	[sflag:s17] =	ssyncset.done $0x0  }
0xb1: {  	[sflag:s17] =	ssyncadd.s32 $0xFFFFFFB0  }
0xb2: {  	_ =	swait.ge [sflag:s17], $0x50  }
0xb3: {  	s11 =	simm.s32 $0x13F80;
	[sflag:s17] =	ssyncset.done $0x0  }
0xb4: {  	s12 =	simm.s32 $0x1;
	s7 =	simm.s32 $0x1B880;
	[sflag:s17] =	ssyncadd.s32 $0xFFFFFFB0  }
0xb5: {  	[tilespmem:s7], [sflag:$0x2] =	stream.indirect.gather [hbm4b:s1+s18], $0x80, s14, s18, $0xb8;
	[tilespmem:$0x1F880] =	vst v63  }
0xb6: {  	s0 =	sand.u32 $0x3, s12;
	s3 =	simm.s32 $0x13B80;
	s8 =	rddreg [dreg:$0x11]  }
0xb7: {  	[tilespmem:s3], [sflag:$0x1] =	stream.linear.gather [hbm4b:s8+s4], $0x50, $0x38;
	[tilespmem:$0x1F880] =	vst v63  }
0xb8: {  	s20 =	simm.s32 $0x200;
	s0 =	smul.u32 $0xA000, s0;
	s10 =	rddreg [dreg:$0x12]  }
0xb9: {  	[tilespmem:s11], [sflag:$0x1] =	stream.linear.gather [hbm4b:s10+s4], $0x50, $0x38;
	[tilespmem:$0x1F880] =	vst v63  }
0xba: {  	s3 =	sand.u32 $0xE00, s20;
	_ =	swait.ge [sflag:s24], $0x2800  }
0xbb: {  	s0 =	sshrl.u32 s0, $0x2;
	s3 =	sshrl.u32 s3, $0x2;
	[sflag:s24] =	ssyncset.done $0x0  }
0xbc: {  	s0 =	sadd.s32 $0x14080, s0;
	s3 =	sadd.s32 $0x13C80, s3;
	[sflag:s24] =	ssyncadd.s32 $0xFFFFD800  }
0xbd: {  	[spmem:s2] =	stream.indirect.scatter.add.f32 [tilespmem:s0], [sflag:$0x3], $0x80, s3, s18, $0xb8;
	[tilespmem:$0x1F880] =	vst v63  }
0xbe: {  	p1 =	por $0x0, $0x0;
	s31 =	simm.s32 $0x2;
	_ =	swait.ge [sflag:s16], $0x2800  }
0xbf: {  	s29 =	sadd.s32 $0xA, s21;
	s28 =	sadd.s32 $0xA, s5;
	[sflag:s16] =	ssyncset.done $0x0  }
0xc0: {  	p2 =	por @!p1 $0x0, $0x0;
	s3 =	simm.s32 @!p1 $0x1;
	[sflag:s16] =	ssyncadd.s32 $0xFFFFD800  }
0xc1: {  	s6 =	simm.s32 $0x800;
	s0 =	simm.s32 $0x4;
	_ =	swait.ge @!p1 [sflag:s3], $0x50  }
0xc2: {  	s6 =	sand.u32 @!p1 $0xE00, s6;
	s0 =	sand.u32 @!p1 $0x3, s0;
	[sflag:s3] =	ssyncset.done @!p1 $0x0  }
0xc3: {  	s6 =	sshrl.u32 @!p1 s6, $0x2;
	s0 =	smul.u32 @!p1 $0xA000, s0;
	[sflag:s3] =	ssyncadd.s32 @!p1 $0xFFFFFFB0  }
0xc4: {  	p2 =	por p2, p1;
	s6 =	sadd.s32 @!p1 $0x13880, s6;
	_ =	swait.ge @!p1 [sflag:s3], $0x50  }
0xc5: {  	s10 =	simm.s32 $0x380;
	s0 =	sshrl.u32 @!p1 s0, $0x2;
	[sflag:s3] =	ssyncset.done @!p1 $0x0  }
0xc6: {  	s11 =	simm.s32 @!p1 $0x50;
	s0 =	sadd.s32 @!p1 $0x14080, s0;
	[sflag:s3] =	ssyncadd.s32 @!p1 $0xFFFFFFB0  }
0xc7: {  	[tilespmem:s0], [sflag:$0x2] =	stream.indirect.gather @!p1 [hbm4b:s1+s11], $0x80, s6, s11, $0xb8;
	[tilespmem:$0x1F880] =	vst v63  }
0xc8: {  	s30 =	simm.s32 $0x400;
	s20 =	smov.u32 s5;
	s6 =	sand.u32 @!p2 $0x380, s10  }
0xc9: {  	s0 =	simm.s32 $0x5;
	s11 =	simm.s32 @!p2 $0x0;
	s3 =	sadd.s32 @!p2 $0x13880, s6  }
0xca: {  	[tilespmem:s3], [sflag:$0x1] =	stream.linear.gather @!p2 [hbm4b:s21+s11], $0x50, $0x38;
	[tilespmem:$0x1F880] =	vst v63  }
0xcb: {  	s10 =	simm.s32 $0x6;
	s6 =	sadd.s32 @!p2 $0x13C80, s6;
	s3 =	simm.s32 $0xA00  }
.LBB2_4:
0xcc: {  	s12 =	sand.u32 $0x3, s31;
	s7 =	smov.u32 s31;
	s31 =	sadd.s32 $0xFFFFFFFD, s10  }
0xcd: {  	s8 =	smov.u32 s0;
	s0 =	smov.u32 s10;
	s10 =	sadd.s32 $0x1, s10  }
0xce: {  	[tilespmem:s6], [sflag:$0x1] =	stream.linear.gather @!p2 [hbm4b:s20+s11], $0x50, $0x38;
	[tilespmem:$0x1F880] =	vst v63  }
0xcf: {  	p1 =	sne.s32 s10, $0x80;
	s6 =	smul.u32 $0xA000, s12;
	s11 =	sadd.s32 $0xFFFFFA00, s3  }
0xd0: {  	s12 =	smov.u32 s29;
	s11 =	sand.u32 $0xE00, s11;
	_ =	swait.ge [sflag:s24], $0x2800  }
0xd1: {  	s6 =	sshrl.u32 s6, $0x2;
	s11 =	sshrl.u32 s11, $0x2;
	[sflag:s24] =	ssyncset.done $0x0  }
0xd2: {  	s6 =	sadd.s32 $0x14080, s6;
	s11 =	sadd.s32 $0x13C80, s11;
	[sflag:s24] =	ssyncadd.s32 $0xFFFFD800  }
0xd3: {  	[spmem:s2] =	stream.indirect.scatter.add.f32 [tilespmem:s6], [sflag:$0x3], $0x80, s11, s18, $0xb8;
	[tilespmem:$0x1F880] =	vst v63  }
0xd4: {  	s20 =	smov.u32 s28;
	_ =	swait.ge [sflag:s16], $0x2800  }
0xd5: {  	p3 =	sgt.u32 s7, $0x79;
	[sflag:s16] =	ssyncset.done $0x0  }
0xd6: {  	s8 =	sand.u32 @!p3 $0x3, s8;
	s6 =	simm.s32 @!p3 $0x1;
	[sflag:s16] =	ssyncadd.s32 $0xFFFFD800  }
0xd7: {  	s8 =	smul.u32 @!p3 $0xA000, s8;
	s11 =	sand.u32 @!p3 $0xE00, s3;
	_ =	swait.ge @!p3 [sflag:s6], $0x50  }
0xd8: {  	p2 =	sgt.u32 @!p3 s7, $0x76;
	s11 =	sshrl.u32 @!p3 s11, $0x2;
	[sflag:s6] =	ssyncset.done @!p3 $0x0  }
0xd9: {  	s8 =	sshrl.u32 @!p3 s8, $0x2;
	s7 =	sadd.s32 @!p3 $0x13880, s11;
	[sflag:s6] =	ssyncadd.s32 @!p3 $0xFFFFFFB0  }
0xda: {  	s8 =	sadd.s32 @!p3 $0x14080, s8;
	s3 =	sadd.s32 $0x200, s3;
	_ =	swait.ge @!p3 [sflag:s6], $0x50  }
0xdb: {  	s29 =	sadd.s32 $0xA, s29;
	s11 =	simm.s32 @!p3 $0x50;
	[sflag:s6] =	ssyncset.done @!p3 $0x0  }
.Ltmp1:
0xdc: {  	p2 =	por p2, p3;
	[sflag:s6] =	ssyncadd.s32 @!p3 $0xFFFFFFB0;
	(pc) =	sbr.rel @p1 .LBB2_4-.Ltmp1, $4  }
0xdd: {  	[tilespmem:s8], [sflag:$0x2] =	stream.indirect.gather @!p3 [hbm4b:s1+s11], $0x80, s7, s11, $0xb8;
	[tilespmem:$0x1F880] =	vst v63  }
0xde: {  	s28 =	sadd.s32 $0xA, s28;
	s6 =	sand.u32 @!p2 $0x380, s30;
	s11 =	simm.s32 @!p2 $0x0  }
0xdf: {  	s30 =	sadd.s32 $0x80, s30;
	s7 =	sadd.s32 @!p2 $0x13880, s6;
	s6 =	sadd.s32 @!p2 $0x13C80, s6  }
0xe0: {  	[tilespmem:s7], [sflag:$0x1] =	stream.linear.gather @!p2 [hbm4b:s12+s11], $0x50, $0x38;
	[tilespmem:$0x1F880] =	vst v63  }
0xe1: {  	s7 =	sand.u32 $0x3, s31  }
0xe2: {  	[tilespmem:s6], [sflag:$0x1] =	stream.linear.gather @!p2 [hbm4b:s20+s11], $0x50, $0x38;
	[tilespmem:$0x1F880] =	vst v63  }
0xe3: {  	s20 =	sadd.s32 $0xFFFFFA00, s3;
	s12 =	smul.u32 $0xA000, s7  }
0xe4: {  	_ =	swait.ge [sflag:s24], $0x2800;
	s7 =	sand.u32 $0xE00, s20  }
0xe5: {  	[sflag:s24] =	ssyncset.done $0x0;
	s7 =	sshrl.u32 s7, $0x2;
	s6 =	sshrl.u32 s12, $0x2  }
0xe6: {  	[sflag:s24] =	ssyncadd.s32 $0xFFFFD800;
	s7 =	sadd.s32 $0x13C80, s7;
	s6 =	sadd.s32 $0x14080, s6  }
0xe7: {  	[spmem:s2] =	stream.indirect.scatter.add.f32 [tilespmem:s6], [sflag:$0x3], $0x80, s7, s18, $0xb8;
	[tilespmem:$0x1F880] =	vst v63  }
0xe8: {  	_ =	swait.ge [sflag:s16], $0x2800  }
0xe9: {  	p1 =	sgt.u32 s31, $0x79;
	[sflag:s16] =	ssyncset.done $0x0  }
0xea: {  	s6 =	simm.s32 @!p1 $0x1;
	[sflag:s16] =	ssyncadd.s32 $0xFFFFD800  }
0xeb: {  	_ =	swait.ge @!p1 [sflag:s6], $0x50  }
0xec: {  	s0 =	sand.u32 @!p1 $0x3, s0;
	s3 =	sand.u32 @!p1 $0xE00, s3;
	[sflag:s6] =	ssyncset.done @!p1 $0x0  }
0xed: {  	p2 =	sgt.u32 @!p1 s31, $0x76;
	s0 =	smul.u32 @!p1 $0xA000, s0;
	[sflag:s6] =	ssyncadd.s32 @!p1 $0xFFFFFFB0  }
0xee: {  	s3 =	sshrl.u32 @!p1 s3, $0x2;
	p2 =	por p2, p1;
	_ =	swait.ge @!p1 [sflag:s6], $0x50  }
0xef: {  	s3 =	sadd.s32 @!p1 $0x13880, s3;
	s0 =	sshrl.u32 @!p1 s0, $0x2;
	[sflag:s6] =	ssyncset.done @!p1 $0x0  }
0xf0: {  	s0 =	sadd.s32 @!p1 $0x14080, s0;
	s7 =	simm.s32 @!p1 $0x50;
	[sflag:s6] =	ssyncadd.s32 @!p1 $0xFFFFFFB0  }
0xf1: {  	[tilespmem:s0], [sflag:$0x2] =	stream.indirect.gather @!p1 [hbm4b:s1+s7], $0x80, s3, s7, $0xb8;
	[tilespmem:$0x1F880] =	vst v63  }
0xf2: {  	s0 =	sand.u32 @!p2 $0x380, s30  }
0xf3: {  	s3 =	simm.s32 @!p2 $0x0;
	s6 =	sadd.s32 @!p2 $0x13880, s0  }
0xf4: {  	[tilespmem:s6], [sflag:$0x1] =	stream.linear.gather @!p2 [hbm4b:s29+s3], $0x50, $0x38;
	[tilespmem:$0x1F880] =	vst v63  }
0xf5: {  	s0 =	sadd.s32 @!p2 $0x13C80, s0  }
0xf6: {  	[tilespmem:s0], [sflag:$0x1] =	stream.linear.gather @!p2 [hbm4b:s28+s3], $0x50, $0x38;
	[tilespmem:$0x1F880] =	vst v63  }
0xf7: {  	_ =	swait.ge [sflag:s16], $0x2800  }
0xf8: {  	[sflag:s16] =	ssyncset.done $0x0  }
0xf9: {  	s28 =	stileid.u32;
	[sflag:s16] =	ssyncadd.s32 $0xFFFFD800  }
0xfa: {  	s0 =	sshll.u32 s28, $0x6;
	[bflag:$0x0] =	sbarrier.arrive $0xFFFF  }
0xfb: {  	s29 =	sshrl.u32 s23, $0x3;
	s0 =	sor.u32 $0x1C04, s0;
	s30 =	rddreg [dreg:$0x10]  }
0xfc: {  	[hbm:s30], [sflag:s0] =	dma.local [spmem:s29], $0x2700  }
0xfd: {  	_ =	swait.ge [sflag:s25], $0x2700  }
0xfe: {  	[sflag:s25] =	ssyncset.done $0x0  }
0xff: {  	s3 =	sshrl.u32 @!p0 s22, $0x3;
	s6 =	rddreg [dreg:$0x13];
	[sflag:s25] =	ssyncadd.s32 $0xFFFFD900  }
0x100: {  	[hbm:s6], [sflag:s0] =	dma.local @!p0 [spmem:s3], $0x100  }
0x101: {  	s0 =	simm.s32 @!p0 $0x4  }
0x102: {  	_ =	swait.ge @!p0 [sflag:s0], $0x100  }
0x103: {  	s26 =	sadd.s32 $0x1, s26;
	s31 =	rddreg [dreg:$0x14]  }
0x104: {  	p1 =	sne.s32 s26, s31  }
.Ltmp2:
0x105: {  	_ = 	snop;
	(pc) =	sbr.rel @p1 .LBB2_1-.Ltmp2, $3  }
0x106: {  	_ =	sdelay $0x1  }
0x107: {  	s8 =	simm.s32 $0x13900;
	[sflag:s0] =	ssyncset.done @!p0 $0x0  }
0x108: {  	s7 =	simm.s32 $0x13C80;
	s6 =	simm.s32 $0x13880;
	[sflag:s0] =	ssyncadd.s32 @!p0 $0xFFFFFF00  }
0x109: {  	_ =	sfence.sel $0x180000  }
0x10a: {  	[bflag:$0x0] =	sbarrier.arrive $0xFFFF  }
0x10b: {  	_ =	strace $0x9000004A  }
0x10c: {  	s0 =	stileid.u32;
	[bflag:$0x2] =	sbarrier.arrive $0xFFFF  }
0x10d: {  	p0 =	sne.s32 s0, $0x0;
	s0 =	rddreg [dreg:$0x3]  }
0x10e: {  	s0 =	sadd.s32 @!p0 $0x100000, s0  }
0x10f: {  	[sflag:s0] =	ssyncadd.tile.s32 @!p0 $0x1;
	_ =	shalt  }
.Lfunc_end2:
_tile_overlayer_lowered:
.L_overlay_start_2:
0x110: {  	(tag) =	ssettag $0x2  }
0x111: {  	s0 =	rddreg [dreg:$0x0];
	s2 =	stileid.u32  }
0x112: {  	s1 =	rddreg [dreg:$0x1];
	p0 =	sne.s32 s2, $0x0  }
0x113: {  	s3 =	rddreg [dreg:$0x2];
	[bflag:$0x3] =	sbarrier.arrive $0xFFFF;
	s2 =	simm.s32 @!p0 $0x1C04  }
0x114: {  	[timem:s3], [sflag:s2] =	dma.local @!p0 [hbm:s0], s1  }
0x115: {  	s0 =	simm.s32 @!p0 $0x4  }
0x116: {  	_ =	swait.ge @!p0 [sflag:s0], s1  }
0x117: {  	s1 =	ssub.s32 @!p0 $0x0, s1;
	[sflag:s0] =	ssyncset.done @!p0 $0x0  }
0x118: {  	[sflag:s0] =	ssyncadd.s32 @!p0 s1  }
0x119: {  	[bflag:$0x3] =	sbarrier.arrive $0xFFFF  }
0x11a: {  	_ =	shalt  }

// kernel: kernel.15.cloned.1.call-start
scs
__scs_entry_jumppad:
0x0: {  	(pc) =	sbr.rel $0x88, $3  }
0x1: {  	(tag) =	ssettag $0x0;
	lr =	simm.s32 $0x1  }
0x2: {  	[smem:$0x3F9A] =	sst lr;
	_ =	strace $0xD0000000  }
0x3: {  	_ = 	snop  }
0x4: {  	_ = 	snop  }
0x5: {  	_ = 	snop  }
0x6: {  	_ = 	snop  }
0x7: {  	_ = 	snop  }
__scs_overlays_trampoline_lowered:
0x8: {  	[smem:$0x3FA9] =	sst s0  }
0x9: {  	[smem:$0x3FAA] =	sst s1  }
0xa: {  	[smem:$0x3FAB] =	sst s2  }
0xb: {  	[smem:$0x3FAC] =	sst s3  }
0xc: {  	[smem:$0x3FAD] =	sst s4  }
0xd: {  	[smem:$0x3FAE] =	sst s5  }
0xe: {  	[smem:$0x3FAF] =	sst s6  }
0xf: {  	[smem:$0x3FB0] =	sst s7  }
0x10: {  	[smem:$0x3FB1] =	sst s8  }
0x11: {  	[smem:$0x3FB2] =	sst s9;
	s0 =	simm.s32 @!p0 $0x0  }
0x12: {  	s1 =	sld [smem:$0x3F98];
	s0 =	simm.s32 @p0 $0x1  }
0x13: {  	[smem:$0x3FB3] =	sst s0;
	s0 =	simm.s32 @!p1 $0x0  }
0x14: {  	s2 =	sld [smem:$0x3F97];
	s0 =	simm.s32 @p1 $0x1  }
0x15: {  	[smem:$0x3FB4] =	sst s0;
	s0 =	simm.s32 @!p2 $0x0  }
0x16: {  	s3 =	sld [smem:$0x3FDB];
	s0 =	simm.s32 @p2 $0x1  }
0x17: {  	s4 =	simm.s32 $0x1BF5;
	[smem:$0x3FB6] =	sst s0  }
0x18: {  	s0 =	sld [smem:$0x3F99];
	_ =	swait.ge [sflag:s4], $0x0  }
0x19: {  	s7 =	sld [smem:$0x3F9A]  }
0x1a: {  	s8 =	sadd.s32 $0xFFFFE003, lr  }
0x1b: {  	s9 =	sadd.s32 $0xFFFFFEF7, lr;
	s5 =	simm.s32 $0xFFFFFFFF;
	p2 =	slt.u32 s8, $0xFFFFF086  }
0x1c: {  	p1 =	slt.u32 s9, $0xF7A;
	s5 =	simm.s32 @!p2 $0x0  }
0x1d: {  	s5 =	simm.s32 @p1 $0x1;
	p0 =	seq.s32 s7, s2  }
0x1e: {  	s7 =	smul.u32 @!p0 $0xF7A, s2;
	p2 =	seq.s32 @!p0 s5, $0x0  }
0x1f: {  	s9 =	smul.u32 $0xF7A, s1;
	s8 =	simm.s32 @!p0 $0x1BF5;
	p2 =	por !p2, p0  }
0x20: {  	[sflag:s8] =	ssyncset.s32 @!p0 $0xFFFFF086;
	s6 =	sadd.s32 @!p0 s3, s7;
	s7 =	simm.s32 @!p0 $0x108  }
0x21: {  	s3 =	sadd.s32 s3, s9;
	s6 =	sadd.s32 @!p0 $0x88, s6;
	s7 =	simm.s32 @p2 $0x1082  }
0x22: {  	[simem:s7], [sflag:s8] =	dma.local @!p0 [hbm:s6], $0xF7A  }
0x23: {  	s9 =	sor.u32 $0xD0000000, s2;
	s6 =	simm.s32 $0x108;
	_ =	swait.ge @!p0 [sflag:s8], $0x0  }
0x24: {  	s3 =	sadd.s32 $0x88, s3;
	s6 =	simm.s32 @!p1 $0x1082;
	[sflag:s4] =	ssyncset.s32 $0xFFFFF086  }
0x25: {  	[simem:s6], [sflag:s4] =	dma.local [hbm:s3], $0xF7A  }
0x26: {  	[smem:$0x3F9A] =	sst s1;
	(tag) =	ssettag s2;
	_ =	strace s9  }
0x27: {  	s1 =	sld [smem:$0x3FAA]  }
0x28: {  	s2 =	sld [smem:$0x3FAB]  }
0x29: {  	s4 =	sld [smem:$0x3FAD]  }
0x2a: {  	p0 =	seq.s32 s5, $0x0;
	s5 =	sld [smem:$0x3FAE]  }
0x2b: {  	s6 =	sld [smem:$0x3FAF]  }
0x2c: {  	s7 =	sld [smem:$0x3FB0]  }
0x2d: {  	s3 =	simm.s32 $0x108;
	s8 =	sld [smem:$0x3FB1]  }
0x2e: {  	s3 =	simm.s32 @!p0 $0x1082;
	s9 =	sld [smem:$0x3FB2]  }
0x2f: {  	lr =	sadd.s32 s0, s3;
	s0 =	sld [smem:$0x3FA9]  }
0x30: {  	s3 =	sld [smem:$0x3FAC]  }
0x31: {  	[smem:$0x3FB5] =	sst s10  }
0x32: {  	s10 =	sld [smem:$0x3FB3];
	_ =	sdelay $0x3  }
0x33: {  	p0 =	seq.s32 s10, $0x1;
	s10 =	sld [smem:$0x3FB5];
	_ =	sdelay $0x3  }
0x34: {  	[smem:$0x3FB5] =	sst s10  }
0x35: {  	s10 =	sld [smem:$0x3FB4];
	_ =	sdelay $0x3  }
0x36: {  	p1 =	seq.s32 s10, $0x1;
	s10 =	sld [smem:$0x3FB5];
	_ =	sdelay $0x3  }
0x37: {  	[smem:$0x3FB5] =	sst s10  }
0x38: {  	s10 =	sld [smem:$0x3FB6]  }
0x39: {  	_ = 	snop;
	(pc) =	sbr.ind lr, $3  }
0x3a: {  	_ = 	snop  }
0x3b: {  	_ = 	snop  }
0x3c: {  	p2 =	seq.s32 s10, $0x1;
	s10 =	sld [smem:$0x3FB5]  }
0x3d: {  	_ =	shalt  }
0x3e: {  	_ =	shalt  }
0x3f: {  	_ =	shalt  }
0x40: {  	_ =	shalt  }
0x41: {  	_ =	shalt  }
0x42: {  	_ =	shalt  }
0x43: {  	_ =	shalt  }
0x44: {  	_ =	shalt  }
0x45: {  	_ =	shalt  }
0x46: {  	_ =	shalt  }
0x47: {  	_ =	shalt  }
0x48: {  	_ =	shalt  }
0x49: {  	_ =	shalt  }
0x4a: {  	_ =	shalt  }
0x4b: {  	_ =	shalt  }
0x4c: {  	_ =	shalt  }
0x4d: {  	_ =	shalt  }
0x4e: {  	_ =	shalt  }
0x4f: {  	_ =	shalt  }
0x50: {  	_ =	shalt  }
0x51: {  	_ =	shalt  }
0x52: {  	_ =	shalt  }
0x53: {  	_ =	shalt  }
0x54: {  	_ =	shalt  }
0x55: {  	_ =	shalt  }
0x56: {  	_ =	shalt  }
0x57: {  	_ =	shalt  }
0x58: {  	_ =	shalt  }
0x59: {  	_ =	shalt  }
0x5a: {  	_ =	shalt  }
0x5b: {  	_ =	shalt  }
0x5c: {  	_ =	shalt  }
0x5d: {  	_ =	shalt  }
0x5e: {  	_ =	shalt  }
0x5f: {  	_ =	shalt  }
0x60: {  	_ =	shalt  }
0x61: {  	_ =	shalt  }
0x62: {  	_ =	shalt  }
0x63: {  	_ =	shalt  }
0x64: {  	_ =	shalt  }
0x65: {  	_ =	shalt  }
0x66: {  	_ =	shalt  }
0x67: {  	_ =	shalt  }
0x68: {  	_ =	shalt  }
0x69: {  	_ =	shalt  }
0x6a: {  	_ =	shalt  }
0x6b: {  	_ =	shalt  }
0x6c: {  	_ =	shalt  }
0x6d: {  	_ =	shalt  }
0x6e: {  	_ =	shalt  }
0x6f: {  	_ =	shalt  }
0x70: {  	_ =	shalt  }
0x71: {  	_ =	shalt  }
0x72: {  	_ =	shalt  }
0x73: {  	_ =	shalt  }
0x74: {  	_ =	shalt  }
0x75: {  	_ =	shalt  }
0x76: {  	_ =	shalt  }
0x77: {  	_ =	shalt  }
0x78: {  	_ =	shalt  }
0x79: {  	_ =	shalt  }
0x7a: {  	_ =	shalt  }
0x7b: {  	_ =	shalt  }
0x7c: {  	_ =	shalt  }
0x7d: {  	_ =	shalt  }
0x7e: {  	_ =	shalt  }
0x7f: {  	_ =	shalt  }
0x80: {  	_ =	shalt  }
0x81: {  	_ =	shalt  }
0x82: {  	_ =	shalt  }
0x83: {  	_ =	shalt  }
0x84: {  	_ =	shalt  }
0x85: {  	_ =	shalt  }
0x86: {  	_ =	shalt  }
0x87: {  	_ =	shalt  }
.Lfunc_end0:
.L_simem_size_0:
called_computation.2_lowered:
.L_overlay_start_0:
0x88: {  	s2 =	sld [smem:$0x3FD9]  }
0x89: {  	s3 =	sld [smem:$0x3FFE];
	_ =	sdelay $0x1  }
0x8a: {  	s1 =	srdreg.scid  }
0x8b: {  	s0 =	sand.u32 $0x1, s1  }
0x8c: {  	s17 =	sshll.u32 s0, $0xA;
	s2 =	sadd.s32 s3, s2  }
0x8d: {  	s2 =	sadd.s32 s2, s17  }
0x8e: {  	[smem:$0x3FC1] =	sst s2  }
0x8f: {  	_ = 	snop  }
0x90: {  	s2 =	sld [smem:$0x3FD0];
	(tm) =	ssettm $0x1  }
0x91: {  	s18 =	sld [smem:$0x3FFB];
	_ =	sdelay $0x3  }
0x92: {  	_ =	strace s18  }
0x93: {  	s3 =	sld [smem:$0x3FFC];
	_ =	sdelay $0x3  }
0x94: {  	_ =	strace s3  }
0x95: {  	s3 =	sld [smem:$0x3FFD];
	_ =	sdelay $0x3  }
0x96: {  	_ =	strace s3  }
0x97: {  	_ =	strace $0x8FFFFFFF  }
0x98: {  	s19 =	sld [smem:$0x3FDB];
	_ =	sdelay $0x1  }
0x99: {  	s4 =	simm.s32 $_scs_section_size  }
0x9a: {  	s5 =	simm.s32 $_size__tile_overlayer_lowered;
	s6 =	simm.s32 $_tile_overlayer_lowered  }
0x9b: {  	s22 =	simm.s32 $0x1BFF;
	s21 =	sshll.u32 s6, $0x1;
	s3 =	sadd.s32 s4, s19  }
0x9c: {  	s7 =	simm.s32 $0x0;
	s20 =	sshll.u32 s5, $0x1;
	s5 =	sadd.s32 s21, s3  }
0x9d: {  	[timem:s7], [sflag:s22] =	dma.local [hbm:s5], s20  }
0x9e: {  	_ =	swait.ge [sflag:s22], s20  }
0x9f: {  	s4 =	ssub.s32 $0x0, s20;
	[sflag:s22] =	ssyncset.done $0x0  }
0xa0: {  	[sflag:s22] =	ssyncadd.s32 s4;
	_ =	sdelay $0x1  }
0xa1: {  	s23 =	simm.s32 $0x1B8B  }
0xa2: {  	_ =	swait.ge [sflag:s23], $0x1  }
0xa3: {  	[sflag:s23] =	ssyncset.done $0x0  }
0xa4: {  	s25 =	simm.s32 $0x1B8E;
	s24 =	sld [smem:$0x3FFE];
	[sflag:s23] =	ssyncadd.s32 $0xFFFFFFFF  }
0xa5: {  	s26 =	simm.s32 $execute0_lowered;
	[smem:$0x3FD2] =	sst s25  }
0xa6: {  	s5 =	sshll.u32 s26, $0x1;
	_ =	strace $0x8000004C;
	[dreg:$0x1] =	wrdreg $0xFFFFFFFF  }
0xa7: {  	s28 =	simm.s32 $_size_execute0_lowered;
	s3 =	sadd.s32 s3, s5;
	[dreg:$0x0] =	wrdreg $0x0  }
0xa8: {  	s5 =	sshll.u32 s28, $0x1;
	[dreg:$0x2] =	wrdreg s3  }
0xa9: {  	[dreg:$0x3] =	wrdreg s5  }
0xaa: {  	[dreg:$0x4] =	wrdreg $0xC0  }
0xab: {  	_ =	task [dreg:s7], $0x5FFFF  }
0xac: {  	[dreg:$0x1] =	wrdreg $0xFFFFFFFF  }
0xad: {  	[dreg:$0x0] =	wrdreg $0x60  }
0xae: {  	[dreg:$0x2] =	wrdreg s2  }
0xaf: {  	[dreg:$0x3] =	wrdreg s24  }
0xb0: {  	[dreg:$0x4] =	wrdreg $0x0  }
0xb1: {  	[dreg:$0x5] =	wrdreg $0x9  }
0xb2: {  	_ =	task.clear_ibuf [dreg:s7], $0x6FFFF;
	_ =	strace $0x9000004C  }
0xb3: {  	s29 =	simm.s32 $0x9;
	_ =	strace $0x8000004E  }
0xb4: {  	_ =	swait.ge [sflag:s29], $0x1  }
0xb5: {  	[sflag:s29] =	ssyncadd.s32 $0xFFFFFFFF  }
0xb6: {  	_ =	strace $0x9000004E  }
0xb7: {  	_ =	sfence  }
0xb8: {  	s30 =	sld [smem:$0x0];
	_ =	sdelay $0x2  }
0xb9: {  	s31 =	sshll.u32 s1, $0xD;
	s1 =	sshrl.u32 s1, $0x2  }
0xba: {  	s3 =	sand.u32 $0x4000, s31;
	s1 =	sadd.s32 s1, s30  }
0xbb: {  	s0 =	sor.u32 s3, s0;
	s1 =	sshll.u32 s1, $0x11  }
0xbc: {  	s0 =	sor.u32 s1, s0  }
0xbd: {  	s0 =	sadd.s32 $0x8F2B, s0  }
0xbe: {  	[sflag:s0] =	ssyncadd.remote.s32 $0x1  }
0xbf: {  	_ =	sfence.sel $0xFFFF  }
0xc0: {  	[dreg:$0x0] =	wrdreg $0xFFFFFFFF;
	(pc) =	sbr.abs _section_cstart, $3  }
0xc1: {  	[dreg:$0x1] =	wrdreg $0xFFFFFFFF  }
0xc2: {  	_ =	task.clear_ibuf [dreg:s7], $0x2FFFF;
	_ =	strace $0x9FFFFFFF  }
0xc3: {  	(tm) =	ssettm $0x7FFFFFFF  }
tec
execute0_lowered:
.L_overlay_start_1:
0x0: {  	(tag) =	ssettag $0x1  }
0x1: {  	s1 =	rddreg [dreg:$0x0]  }
0x2: {  	s0 =	rddreg [dreg:$0x1]  }
0x3: {  	s2 =	rddreg [dreg:$0x2];
	s3 =	srdreg.scid;
	s4 =	simm.s32 $0x0  }
0x4: {  	s14 =	stileid.u32;
	s3 =	sand.u32 $0x1, s3;
	[smem:$0x7FF] =	sst s4  }
0x5: {  	s7 =	sadd.s32 $0xC400, s0;
	s8 =	sadd.s32 $0x2600, s0;
	s25 =	smul.u32 $0x13800, s14  }
0x6: {  	s0 =	sadd.s32 $0x16200, s0;
	s28 =	smul.u32 $0x2710, s14;
	s5 =	sshll.u32 s3, $0x4  }
0x7: {  	s13 =	smul.u32 $0x4E000, s14;
	s6 =	ssub.s32 $0x2, s3;
	s5 =	sor.u32 s14, s5  }
0x8: {  	p0 =	sne.s32 s14, $0xF;
	s9 =	sshrl.u32 s6, $0x1;
	s5 =	smul.u32 $0x2710, s5  }
0x9: {  	_ =	strace $0x8000004D;
	s11 =	smul.u32 $0x138800, s3;
	s6 =	ssub.s32 s6, s9  }
0xa: {  	s3 =	smul.u32 $0x27100, s3;
	s16 =	smax.u32 s6, $0x1;
	s5 =	sshrl.u32 s5, $0x3  }
0xb: {  	s14 =	simm.s32 $0x13A00;
	[dreg:$0x14] =	wrdreg s16;
	s18 =	sadd.s32 s7, s5  }
0xc: {  	s19 =	sadd.s32 s8, s5;
	s20 =	sadd.s32 $0xA, s5;
	[dreg:$0x4] =	wrdreg s18  }
0xd: {  	s3 =	sadd.s32 s28, s3;
	[dreg:$0x5] =	wrdreg s19;
	s10 =	sadd.s32 s7, s20  }
0xe: {  	s21 =	sadd.s32 $0x14, s5;
	s9 =	sadd.s32 s8, s20;
	[dreg:$0x6] =	wrdreg s10  }
0xf: {  	s23 =	sadd.s32 $0x1E, s5;
	s22 =	sadd.s32 s7, s21;
	[dreg:$0x7] =	wrdreg s9  }
0x10: {  	s26 =	sadd.s32 $0x28, s5;
	s24 =	sadd.s32 s7, s23;
	[dreg:$0x8] =	wrdreg s22  }
0x11: {  	s29 =	sadd.s32 $0x32, s5;
	s12 =	sadd.s32 s7, s26;
	[dreg:$0xa] =	wrdreg s24  }
0x12: {  	s3 =	sadd.s32 $0x230, s3;
	s30 =	sadd.s32 s7, s29;
	[dreg:$0xc] =	wrdreg s12  }
0x13: {  	s5 =	sadd.s32 $0x3C, s5;
	s31 =	sadd.s32 s8, s29;
	[dreg:$0xe] =	wrdreg s30  }
0x14: {  	s6 =	simm.s32 $0x13880;
	s15 =	sadd.s32 s7, s5;
	[dreg:$0xf] =	wrdreg s31  }
0x15: {  	s3 =	sshrl.u32 s3, $0x3;
	s5 =	sadd.s32 s8, s5;
	[dreg:$0x11] =	wrdreg s15  }
0x16: {  	s16 =	simm.s32 $0x3;
	s9 =	sadd.s32 s8, s21;
	[dreg:$0x12] =	wrdreg s5  }
0x17: {  	s10 =	sadd.s32 s8, s23;
	s12 =	sshrl.u32 s13, $0x2;
	[dreg:$0x9] =	wrdreg s9  }
0x18: {  	[dreg:$0xb] =	wrdreg s10;
	s10 =	sadd.s32 s8, s26;
	s23 =	sadd.s32 s12, s2  }
0x19: {  	s13 =	sshrl.u32 s11, $0x3;
	[dreg:$0xd] =	wrdreg s10;
	s17 =	sadd.s32 $0x1800, s23  }
0x1a: {  	s5 =	sadd.s32 s3, s8;
	s18 =	sadd.s32 $0x3000, s23;
	[dreg:$0x15] =	wrdreg s17  }
0x1b: {  	s21 =	sadd.s32 s3, s7;
	s19 =	sadd.s32 $0x4800, s23;
	[dreg:$0x16] =	wrdreg s18  }
0x1c: {  	s22 =	sadd.s32 $0x138000, s2;
	s20 =	sadd.s32 $0x6000, s23;
	[dreg:$0x17] =	wrdreg s19  }
0x1d: {  	s7 =	simm.s32 $0x13C80;
	s24 =	sadd.s32 $0x7800, s23;
	[dreg:$0x18] =	wrdreg s20  }
0x1e: {  	s9 =	sadd.s32 s25, s11;
	s25 =	sadd.s32 $0x9000, s23;
	[dreg:$0x19] =	wrdreg s24  }
0x1f: {  	s15 =	simm.s32 $0x1E080;
	s26 =	sadd.s32 $0xA800, s23;
	[dreg:$0x1a] =	wrdreg s25  }
0x20: {  	s8 =	simm.s32 $0x13900;
	s28 =	sadd.s32 $0xC000, s23;
	[dreg:$0x1b] =	wrdreg s26  }
0x21: {  	s9 =	sshrl.u32 s9, $0x3;
	s29 =	sadd.s32 $0xD800, s23;
	[dreg:$0x1c] =	wrdreg s28  }
0x22: {  	s30 =	sadd.s32 $0xF000, s23;
	s31 =	sadd.s32 $0x10800, s23;
	[dreg:$0x1d] =	wrdreg s29  }
0x23: {  	s9 =	sadd.s32 s0, s9;
	s0 =	sadd.s32 s0, s13;
	[dreg:$0x1e] =	wrdreg s30  }
0x24: {  	[dreg:$0x1f] =	wrdreg s31;
	s13 =	simm.s32 $0x13980;
	s17 =	simm.s32 $0x1  }
0x25: {  	s18 =	simm.s32 $0x50;
	s19 =	simm.s32 $0x14080;
	s24 =	simm.s32 $0x2  }
0x26: {  	s25 =	simm.s32 $0x4;
	[dreg:$0x10] =	wrdreg s9;
	s0 =	sadd.s32 $0x27000, s0  }
0x27: {  	v0 =	vimm.f32 $0.0e+00;
	s26 =	simm.s32 $0x0;
	s9 =	sadd.s32 $0x12000, s23;
	[dreg:$0x13] =	wrdreg s0  }
.LBB2_1:
0x28: {  	s0 =	rddreg [dreg:$0x4]  }
0x29: {  	[tilespmem:s6], [sflag:$0x1] =	stream.linear.gather [hbm4b:s0+s4], $0x50, $0x38;
	[tilespmem:$0x1F880] =	vst v63  }
0x2a: {  	s3 =	rddreg [dreg:$0x5]  }
0x2b: {  	[tilespmem:s7], [sflag:$0x1] =	stream.linear.gather [hbm4b:s3+s4], $0x50, $0x38;
	[tilespmem:$0x1F880] =	vst v63  }
0x2c: {  	s10 =	rddreg [dreg:$0x6]  }
0x2d: {  	[tilespmem:s8], [sflag:$0x1] =	stream.linear.gather [hbm4b:s10+s4], $0x50, $0x38;
	[tilespmem:$0x1F880] =	vst v63  }
0x2e: {  	s11 =	rddreg [dreg:$0x7];
	s3 =	simm.s32 $0x13D00  }
0x2f: {  	[tilespmem:s3], [sflag:$0x1] =	stream.linear.gather [hbm4b:s11+s4], $0x50, $0x38;
	[tilespmem:$0x1F880] =	vst v63  }
0x30: {  	s12 =	rddreg [dreg:$0x8]  }
0x31: {  	[tilespmem:s13], [sflag:$0x1] =	stream.linear.gather [hbm4b:s12+s4], $0x50, $0x38;
	[tilespmem:$0x1F880] =	vst v63  }
0x32: {  	s20 =	rddreg [dreg:$0x9];
	s28 =	simm.s32 $0x13D80  }
0x33: {  	[tilespmem:s28], [sflag:$0x1] =	stream.linear.gather [hbm4b:s20+s4], $0x50, $0x38;
	[tilespmem:$0x1F880] =	vst v63  }
0x34: {  	s29 =	rddreg [dreg:$0xa]  }
0x35: {  	[tilespmem:s14], [sflag:$0x1] =	stream.linear.gather [hbm4b:s29+s4], $0x50, $0x38;
	[tilespmem:$0x1F880] =	vst v63  }
0x36: {  	s30 =	rddreg [dreg:$0xb];
	s31 =	simm.s32 $0x13E00  }
0x37: {  	[tilespmem:s31], [sflag:$0x1] =	stream.linear.gather [hbm4b:s30+s4], $0x50, $0x38;
	[tilespmem:$0x1F880] =	vst v63  }
0x38: {  	s10 =	rddreg [dreg:$0xc];
	s11 =	simm.s32 $0x13A80  }
0x39: {  	[tilespmem:s11], [sflag:$0x1] =	stream.linear.gather [hbm4b:s10+s4], $0x50, $0x38;
	[tilespmem:$0x1F880] =	vst v63  }
0x3a: {  	s12 =	rddreg [dreg:$0xd];
	s20 =	simm.s32 $0x13E80  }
0x3b: {  	[tilespmem:s20], [sflag:$0x1] =	stream.linear.gather [hbm4b:s12+s4], $0x50, $0x38;
	[tilespmem:$0x1F880] =	vst v63  }
0x3c: {  	s0 =	simm.s32 $0x0;
	s28 =	rddreg [dreg:$0xe];
	s29 =	simm.s32 $0x13B00  }
0x3d: {  	[tilespmem:s29], [sflag:$0x1] =	stream.linear.gather [hbm4b:s28+s4], $0x50, $0x38;
	[tilespmem:$0x1F880] =	vst v63  }
0x3e: {  	s3 =	simm.s32 $0x200;
	s30 =	rddreg [dreg:$0xf];
	s31 =	simm.s32 $0x13F00  }
0x3f: {  	[tilespmem:s31], [sflag:$0x1] =	stream.linear.gather [hbm4b:s30+s4], $0x50, $0x38;
	[tilespmem:$0x1F880] =	vst v63  }
.LBB2_2:
0x40: {  	p1 =	sne.s32 s3, $0x5E00;
	[tilespmem:s0+$0x1E0F0] =	vst v0  }
0x41: {  	[tilespmem:s0+$0x1E080] =	vst v0  }
0x42: {  	[tilespmem:s0+$0x1E090] =	vst v0  }
.Ltmp0:
0x43: {  	[tilespmem:s0+$0x1E0A0] =	vst v0;
	(pc) =	sbr.rel @p1 .LBB2_2-.Ltmp0, $4  }
0x44: {  	[tilespmem:s0+$0x1E0B0] =	vst v0  }
0x45: {  	[tilespmem:s0+$0x1E0C0] =	vst v0  }
0x46: {  	[tilespmem:s0+$0x1E0D0] =	vst v0  }
0x47: {  	[tilespmem:s0+$0x1E0E0] =	vst v0;
	s0 =	sshra.s32 s3, $0x2;
	s3 =	sadd.s32 $0x200, s3  }
0x48: {  	[tilespmem:s0+$0x1E0F0] =	vst v0  }
0x49: {  	[tilespmem:s0+$0x1E080] =	vst v0  }
0x4a: {  	[tilespmem:s0+$0x1E090] =	vst v0  }
0x4b: {  	[tilespmem:s0+$0x1E0A0] =	vst v0  }
0x4c: {  	[tilespmem:s0+$0x1E0B0] =	vst v0  }
0x4d: {  	[tilespmem:s0+$0x1E0C0] =	vst v0  }
0x4e: {  	[tilespmem:s0+$0x1E0D0] =	vst v0  }
0x4f: {  	[tilespmem:s0+$0x1E0E0] =	vst v0  }
0x50: {  	[spmem:s23] =	stream.linear.scatter [tilespmem:s15], [sflag:$0x3], $0x1800, $0x38;
	[tilespmem:$0x1F880] =	vst v63  }
0x51: {  	s20 =	rddreg [dreg:$0x15]  }
0x52: {  	[spmem:s20] =	stream.linear.scatter [tilespmem:s15], [sflag:$0x3], $0x1800, $0x38;
	[tilespmem:$0x1F880] =	vst v63  }
0x53: {  	s3 =	rddreg [dreg:$0x16]  }
0x54: {  	[spmem:s3] =	stream.linear.scatter [tilespmem:s15], [sflag:$0x3], $0x1800, $0x38;
	[tilespmem:$0x1F880] =	vst v63  }
0x55: {  	s10 =	rddreg [dreg:$0x17]  }
0x56: {  	[spmem:s10] =	stream.linear.scatter [tilespmem:s15], [sflag:$0x3], $0x1800, $0x38;
	[tilespmem:$0x1F880] =	vst v63  }
0x57: {  	s11 =	rddreg [dreg:$0x18]  }
0x58: {  	[spmem:s11] =	stream.linear.scatter [tilespmem:s15], [sflag:$0x3], $0x1800, $0x38;
	[tilespmem:$0x1F880] =	vst v63  }
0x59: {  	s12 =	rddreg [dreg:$0x19]  }
0x5a: {  	[spmem:s12] =	stream.linear.scatter [tilespmem:s15], [sflag:$0x3], $0x1800, $0x38;
	[tilespmem:$0x1F880] =	vst v63  }
0x5b: {  	s20 =	rddreg [dreg:$0x1a]  }
0x5c: {  	[spmem:s20] =	stream.linear.scatter [tilespmem:s15], [sflag:$0x3], $0x1800, $0x38;
	[tilespmem:$0x1F880] =	vst v63  }
0x5d: {  	s3 =	rddreg [dreg:$0x1b]  }
0x5e: {  	[spmem:s3] =	stream.linear.scatter [tilespmem:s15], [sflag:$0x3], $0x1800, $0x38;
	[tilespmem:$0x1F880] =	vst v63  }
0x5f: {  	s10 =	rddreg [dreg:$0x1c]  }
0x60: {  	[spmem:s10] =	stream.linear.scatter [tilespmem:s15], [sflag:$0x3], $0x1800, $0x38;
	[tilespmem:$0x1F880] =	vst v63  }
0x61: {  	s11 =	rddreg [dreg:$0x1d]  }
0x62: {  	[spmem:s11] =	stream.linear.scatter [tilespmem:s15], [sflag:$0x3], $0x1800, $0x38;
	[tilespmem:$0x1F880] =	vst v63  }
0x63: {  	s12 =	rddreg [dreg:$0x1e]  }
0x64: {  	[spmem:s12] =	stream.linear.scatter [tilespmem:s15], [sflag:$0x3], $0x1800, $0x38;
	[tilespmem:$0x1F880] =	vst v63  }
0x65: {  	s20 =	rddreg [dreg:$0x1f]  }
0x66: {  	[spmem:s20] =	stream.linear.scatter [tilespmem:s15], [sflag:$0x3], $0x1800, $0x38;
	[tilespmem:$0x1F880] =	vst v63  }
0x67: {  	_ = 	snop  }
0x68: {  	[spmem:s9] =	stream.linear.scatter [tilespmem:s15], [sflag:$0x3], $0x1800, $0x38;
	[tilespmem:$0x1F880] =	vst v63  }
0x69: {  	s0 =	simm.s32 @!p0 $0x1E080  }
0x6a: {  	[spmem:s22] =	stream.linear.scatter @!p0 [tilespmem:s0], [sflag:$0x3], $0x800, $0x38;
	[tilespmem:$0x1F880] =	vst v63  }
0x6b: {  	_ =	swait.ge [sflag:s16], $0x1800  }
0x6c: {  	[sflag:s16] =	ssyncset.done $0x0  }
0x6d: {  	[sflag:s16] =	ssyncadd.s32 $0xFFFFE800  }
0x6e: {  	_ =	swait.ge [sflag:s16], $0x1800  }
0x6f: {  	[sflag:s16] =	ssyncset.done $0x0  }
0x70: {  	[sflag:s16] =	ssyncadd.s32 $0xFFFFE800  }
0x71: {  	_ =	swait.ge [sflag:s16], $0x1800  }
0x72: {  	[sflag:s16] =	ssyncset.done $0x0  }
0x73: {  	[sflag:s16] =	ssyncadd.s32 $0xFFFFE800  }
0x74: {  	_ =	swait.ge [sflag:s16], $0x1800  }
0x75: {  	[sflag:s16] =	ssyncset.done $0x0  }
0x76: {  	[sflag:s16] =	ssyncadd.s32 $0xFFFFE800  }
0x77: {  	_ =	swait.ge [sflag:s16], $0x1800  }
0x78: {  	[sflag:s16] =	ssyncset.done $0x0  }
0x79: {  	[sflag:s16] =	ssyncadd.s32 $0xFFFFE800  }
0x7a: {  	_ =	swait.ge [sflag:s16], $0x1800  }
0x7b: {  	[sflag:s16] =	ssyncset.done $0x0  }
0x7c: {  	[sflag:s16] =	ssyncadd.s32 $0xFFFFE800  }
0x7d: {  	_ =	swait.ge [sflag:s16], $0x1800  }
0x7e: {  	[sflag:s16] =	ssyncset.done $0x0  }
0x7f: {  	[sflag:s16] =	ssyncadd.s32 $0xFFFFE800  }
0x80: {  	_ =	swait.ge [sflag:s16], $0x1800  }
0x81: {  	[sflag:s16] =	ssyncset.done $0x0  }
0x82: {  	[sflag:s16] =	ssyncadd.s32 $0xFFFFE800  }
0x83: {  	_ =	swait.ge [sflag:s16], $0x1800  }
0x84: {  	[sflag:s16] =	ssyncset.done $0x0  }
0x85: {  	[sflag:s16] =	ssyncadd.s32 $0xFFFFE800  }
0x86: {  	_ =	swait.ge [sflag:s16], $0x1800  }
0x87: {  	[sflag:s16] =	ssyncset.done $0x0  }
0x88: {  	[sflag:s16] =	ssyncadd.s32 $0xFFFFE800  }
0x89: {  	_ =	swait.ge [sflag:s16], $0x1800  }
0x8a: {  	[sflag:s16] =	ssyncset.done $0x0  }
0x8b: {  	[sflag:s16] =	ssyncadd.s32 $0xFFFFE800  }
0x8c: {  	_ =	swait.ge [sflag:s16], $0x1800  }
0x8d: {  	[sflag:s16] =	ssyncset.done $0x0  }
0x8e: {  	[sflag:s16] =	ssyncadd.s32 $0xFFFFE800  }
0x8f: {  	_ =	swait.ge [sflag:s16], $0x1800  }
0x90: {  	[sflag:s16] =	ssyncset.done $0x0  }
0x91: {  	s0 =	simm.s32 @!p0 $0x3;
	[sflag:s16] =	ssyncadd.s32 $0xFFFFE800  }
0x92: {  	_ =	swait.ge @!p0 [sflag:s0], $0x800  }
0x93: {  	[sflag:s0] =	ssyncset.done @!p0 $0x0  }
0x94: {  	[sflag:s0] =	ssyncadd.s32 @!p0 $0xFFFFF800  }
0x95: {  	[bflag:$0x0] =	sbarrier.arrive $0xFFFF  }
0x96: {  	_ =	swait.ge [sflag:s17], $0x50  }
0x97: {  	[sflag:s17] =	ssyncset.done $0x0  }
0x98: {  	[sflag:s17] =	ssyncadd.s32 $0xFFFFFFB0  }
0x99: {  	_ =	swait.ge [sflag:s17], $0x50  }
0x9a: {  	[sflag:s17] =	ssyncset.done $0x0  }
0x9b: {  	[sflag:s17] =	ssyncadd.s32 $0xFFFFFFB0  }
0x9c: {  	[tilespmem:s19], [sflag:$0x2] =	stream.indirect.gather [hbm4b:s1+s18], $0x80, s6, s18, $0xb8;
	[tilespmem:$0x1F880] =	vst v63  }
0x9d: {  	_ =	swait.ge [sflag:s17], $0x50  }
0x9e: {  	[sflag:s17] =	ssyncset.done $0x0  }
0x9f: {  	[sflag:s17] =	ssyncadd.s32 $0xFFFFFFB0  }
0xa0: {  	_ =	swait.ge [sflag:s17], $0x50  }
0xa1: {  	[sflag:s17] =	ssyncset.done $0x0  }
0xa2: {  	s3 =	simm.s32 $0x16880;
	[sflag:s17] =	ssyncadd.s32 $0xFFFFFFB0  }
0xa3: {  	[tilespmem:s3], [sflag:$0x2] =	stream.indirect.gather [hbm4b:s1+s18], $0x80, s8, s18, $0xb8;
	[tilespmem:$0x1F880] =	vst v63  }
0xa4: {  	_ =	swait.ge [sflag:s17], $0x50  }
0xa5: {  	[sflag:s17] =	ssyncset.done $0x0  }
0xa6: {  	[sflag:s17] =	ssyncadd.s32 $0xFFFFFFB0  }
0xa7: {  	_ =	swait.ge [sflag:s17], $0x50  }
0xa8: {  	[sflag:s17] =	ssyncset.done $0x0  }
0xa9: {  	s6 =	simm.s32 $0x19080;
	[sflag:s17] =	ssyncadd.s32 $0xFFFFFFB0  }
0xaa: {  	[tilespmem:s6], [sflag:$0x2] =	stream.indirect.gather [hbm4b:s1+s18], $0x80, s13, s18, $0xb8;
	[tilespmem:$0x1F880] =	vst v63  }
0xab: {  	_ =	swait.ge [sflag:s24], $0x2800  }
0xac: {  	[sflag:s24] =	ssyncset.done $0x0  }
0xad: {  	[sflag:s24] =	ssyncadd.s32 $0xFFFFD800  }
0xae: {  	[spmem:s2] =	stream.indirect.scatter.add.f32 [tilespmem:s19], [sflag:$0x3], $0x80, s7, s18, $0xb8;
	[tilespmem:$0x1F880] =	vst v63  }
0xaf: {  	_ =	swait.ge [sflag:s17], $0x50  }
0xb0: {  	[sflag:s17] =	ssyncset.done $0x0  }
0xb1: {  	[sflag:s17] =	ssyncadd.s32 $0xFFFFFFB0  }
0xb2: {  	_ =	swait.ge [sflag:s17], $0x50  }
0xb3: {  	s11 =	simm.s32 $0x13F80;
	[sflag:s17] =	ssyncset.done $0x0  }
0xb4: {  	s12 =	simm.s32 $0x1;
	s7 =	simm.s32 $0x1B880;
	[sflag:s17] =	ssyncadd.s32 $0xFFFFFFB0  }
0xb5: {  	[tilespmem:s7], [sflag:$0x2] =	stream.indirect.gather [hbm4b:s1+s18], $0x80, s14, s18, $0xb8;
	[tilespmem:$0x1F880] =	vst v63  }
0xb6: {  	s0 =	sand.u32 $0x3, s12;
	s3 =	simm.s32 $0x13B80;
	s8 =	rddreg [dreg:$0x11]  }
0xb7: {  	[tilespmem:s3], [sflag:$0x1] =	stream.linear.gather [hbm4b:s8+s4], $0x50, $0x38;
	[tilespmem:$0x1F880] =	vst v63  }
0xb8: {  	s20 =	simm.s32 $0x200;
	s0 =	smul.u32 $0xA000, s0;
	s10 =	rddreg [dreg:$0x12]  }
0xb9: {  	[tilespmem:s11], [sflag:$0x1] =	stream.linear.gather [hbm4b:s10+s4], $0x50, $0x38;
	[tilespmem:$0x1F880] =	vst v63  }
0xba: {  	s3 =	sand.u32 $0xE00, s20;
	_ =	swait.ge [sflag:s24], $0x2800  }
0xbb: {  	s0 =	sshrl.u32 s0, $0x2;
	s3 =	sshrl.u32 s3, $0x2;
	[sflag:s24] =	ssyncset.done $0x0  }
0xbc: {  	s0 =	sadd.s32 $0x14080, s0;
	s3 =	sadd.s32 $0x13C80, s3;
	[sflag:s24] =	ssyncadd.s32 $0xFFFFD800  }
0xbd: {  	[spmem:s2] =	stream.indirect.scatter.add.f32 [tilespmem:s0], [sflag:$0x3], $0x80, s3, s18, $0xb8;
	[tilespmem:$0x1F880] =	vst v63  }
0xbe: {  	p1 =	por $0x0, $0x0;
	s31 =	simm.s32 $0x2;
	_ =	swait.ge [sflag:s16], $0x2800  }
0xbf: {  	s29 =	sadd.s32 $0xA, s21;
	s28 =	sadd.s32 $0xA, s5;
	[sflag:s16] =	ssyncset.done $0x0  }
0xc0: {  	p2 =	por @!p1 $0x0, $0x0;
	s3 =	simm.s32 @!p1 $0x1;
	[sflag:s16] =	ssyncadd.s32 $0xFFFFD800  }
0xc1: {  	s6 =	simm.s32 $0x800;
	s0 =	simm.s32 $0x4;
	_ =	swait.ge @!p1 [sflag:s3], $0x50  }
0xc2: {  	s6 =	sand.u32 @!p1 $0xE00, s6;
	s0 =	sand.u32 @!p1 $0x3, s0;
	[sflag:s3] =	ssyncset.done @!p1 $0x0  }
0xc3: {  	s6 =	sshrl.u32 @!p1 s6, $0x2;
	s0 =	smul.u32 @!p1 $0xA000, s0;
	[sflag:s3] =	ssyncadd.s32 @!p1 $0xFFFFFFB0  }
0xc4: {  	p2 =	por p2, p1;
	s6 =	sadd.s32 @!p1 $0x13880, s6;
	_ =	swait.ge @!p1 [sflag:s3], $0x50  }
0xc5: {  	s10 =	simm.s32 $0x380;
	s0 =	sshrl.u32 @!p1 s0, $0x2;
	[sflag:s3] =	ssyncset.done @!p1 $0x0  }
0xc6: {  	s11 =	simm.s32 @!p1 $0x50;
	s0 =	sadd.s32 @!p1 $0x14080, s0;
	[sflag:s3] =	ssyncadd.s32 @!p1 $0xFFFFFFB0  }
0xc7: {  	[tilespmem:s0], [sflag:$0x2] =	stream.indirect.gather @!p1 [hbm4b:s1+s11], $0x80, s6, s11, $0xb8;
	[tilespmem:$0x1F880] =	vst v63  }
0xc8: {  	s30 =	simm.s32 $0x400;
	s20 =	smov.u32 s5;
	s6 =	sand.u32 @!p2 $0x380, s10  }
0xc9: {  	s0 =	simm.s32 $0x5;
	s11 =	simm.s32 @!p2 $0x0;
	s3 =	sadd.s32 @!p2 $0x13880, s6  }
0xca: {  	[tilespmem:s3], [sflag:$0x1] =	stream.linear.gather @!p2 [hbm4b:s21+s11], $0x50, $0x38;
	[tilespmem:$0x1F880] =	vst v63  }
0xcb: {  	s10 =	simm.s32 $0x6;
	s6 =	sadd.s32 @!p2 $0x13C80, s6;
	s3 =	simm.s32 $0xA00  }
.LBB2_4:
0xcc: {  	s12 =	sand.u32 $0x3, s31;
	s7 =	smov.u32 s31;
	s31 =	sadd.s32 $0xFFFFFFFD, s10  }
0xcd: {  	s8 =	smov.u32 s0;
	s0 =	smov.u32 s10;
	s10 =	sadd.s32 $0x1, s10  }
0xce: {  	[tilespmem:s6], [sflag:$0x1] =	stream.linear.gather @!p2 [hbm4b:s20+s11], $0x50, $0x38;
	[tilespmem:$0x1F880] =	vst v63  }
0xcf: {  	p1 =	sne.s32 s10, $0x80;
	s6 =	smul.u32 $0xA000, s12;
	s11 =	sadd.s32 $0xFFFFFA00, s3  }
0xd0: {  	s12 =	smov.u32 s29;
	s11 =	sand.u32 $0xE00, s11;
	_ =	swait.ge [sflag:s24], $0x2800  }
0xd1: {  	s6 =	sshrl.u32 s6, $0x2;
	s11 =	sshrl.u32 s11, $0x2;
	[sflag:s24] =	ssyncset.done $0x0  }
0xd2: {  	s6 =	sadd.s32 $0x14080, s6;
	s11 =	sadd.s32 $0x13C80, s11;
	[sflag:s24] =	ssyncadd.s32 $0xFFFFD800  }
0xd3: {  	[spmem:s2] =	stream.indirect.scatter.add.f32 [tilespmem:s6], [sflag:$0x3], $0x80, s11, s18, $0xb8;
	[tilespmem:$0x1F880] =	vst v63  }
0xd4: {  	s20 =	smov.u32 s28;
	_ =	swait.ge [sflag:s16], $0x2800  }
0xd5: {  	p3 =	sgt.u32 s7, $0x79;
	[sflag:s16] =	ssyncset.done $0x0  }
0xd6: {  	s8 =	sand.u32 @!p3 $0x3, s8;
	s6 =	simm.s32 @!p3 $0x1;
	[sflag:s16] =	ssyncadd.s32 $0xFFFFD800  }
0xd7: {  	s8 =	smul.u32 @!p3 $0xA000, s8;
	s11 =	sand.u32 @!p3 $0xE00, s3;
	_ =	swait.ge @!p3 [sflag:s6], $0x50  }
0xd8: {  	p2 =	sgt.u32 @!p3 s7, $0x76;
	s11 =	sshrl.u32 @!p3 s11, $0x2;
	[sflag:s6] =	ssyncset.done @!p3 $0x0  }
0xd9: {  	s8 =	sshrl.u32 @!p3 s8, $0x2;
	s7 =	sadd.s32 @!p3 $0x13880, s11;
	[sflag:s6] =	ssyncadd.s32 @!p3 $0xFFFFFFB0  }
0xda: {  	s8 =	sadd.s32 @!p3 $0x14080, s8;
	s3 =	sadd.s32 $0x200, s3;
	_ =	swait.ge @!p3 [sflag:s6], $0x50  }
0xdb: {  	s29 =	sadd.s32 $0xA, s29;
	s11 =	simm.s32 @!p3 $0x50;
	[sflag:s6] =	ssyncset.done @!p3 $0x0  }
.Ltmp1:
0xdc: {  	p2 =	por p2, p3;
	[sflag:s6] =	ssyncadd.s32 @!p3 $0xFFFFFFB0;
	(pc) =	sbr.rel @p1 .LBB2_4-.Ltmp1, $4  }
0xdd: {  	[tilespmem:s8], [sflag:$0x2] =	stream.indirect.gather @!p3 [hbm4b:s1+s11], $0x80, s7, s11, $0xb8;
	[tilespmem:$0x1F880] =	vst v63  }
0xde: {  	s28 =	sadd.s32 $0xA, s28;
	s6 =	sand.u32 @!p2 $0x380, s30;
	s11 =	simm.s32 @!p2 $0x0  }
0xdf: {  	s30 =	sadd.s32 $0x80, s30;
	s7 =	sadd.s32 @!p2 $0x13880, s6;
	s6 =	sadd.s32 @!p2 $0x13C80, s6  }
0xe0: {  	[tilespmem:s7], [sflag:$0x1] =	stream.linear.gather @!p2 [hbm4b:s12+s11], $0x50, $0x38;
	[tilespmem:$0x1F880] =	vst v63  }
0xe1: {  	s7 =	sand.u32 $0x3, s31  }
0xe2: {  	[tilespmem:s6], [sflag:$0x1] =	stream.linear.gather @!p2 [hbm4b:s20+s11], $0x50, $0x38;
	[tilespmem:$0x1F880] =	vst v63  }
0xe3: {  	s20 =	sadd.s32 $0xFFFFFA00, s3;
	s12 =	smul.u32 $0xA000, s7  }
0xe4: {  	_ =	swait.ge [sflag:s24], $0x2800;
	s7 =	sand.u32 $0xE00, s20  }
0xe5: {  	[sflag:s24] =	ssyncset.done $0x0;
	s7 =	sshrl.u32 s7, $0x2;
	s6 =	sshrl.u32 s12, $0x2  }
0xe6: {  	[sflag:s24] =	ssyncadd.s32 $0xFFFFD800;
	s7 =	sadd.s32 $0x13C80, s7;
	s6 =	sadd.s32 $0x14080, s6  }
0xe7: {  	[spmem:s2] =	stream.indirect.scatter.add.f32 [tilespmem:s6], [sflag:$0x3], $0x80, s7, s18, $0xb8;
	[tilespmem:$0x1F880] =	vst v63  }
0xe8: {  	_ =	swait.ge [sflag:s16], $0x2800  }
0xe9: {  	p1 =	sgt.u32 s31, $0x79;
	[sflag:s16] =	ssyncset.done $0x0  }
0xea: {  	s6 =	simm.s32 @!p1 $0x1;
	[sflag:s16] =	ssyncadd.s32 $0xFFFFD800  }
0xeb: {  	_ =	swait.ge @!p1 [sflag:s6], $0x50  }
0xec: {  	s0 =	sand.u32 @!p1 $0x3, s0;
	s3 =	sand.u32 @!p1 $0xE00, s3;
	[sflag:s6] =	ssyncset.done @!p1 $0x0  }
0xed: {  	p2 =	sgt.u32 @!p1 s31, $0x76;
	s0 =	smul.u32 @!p1 $0xA000, s0;
	[sflag:s6] =	ssyncadd.s32 @!p1 $0xFFFFFFB0  }
0xee: {  	s3 =	sshrl.u32 @!p1 s3, $0x2;
	p2 =	por p2, p1;
	_ =	swait.ge @!p1 [sflag:s6], $0x50  }
0xef: {  	s3 =	sadd.s32 @!p1 $0x13880, s3;
	s0 =	sshrl.u32 @!p1 s0, $0x2;
	[sflag:s6] =	ssyncset.done @!p1 $0x0  }
0xf0: {  	s0 =	sadd.s32 @!p1 $0x14080, s0;
	s7 =	simm.s32 @!p1 $0x50;
	[sflag:s6] =	ssyncadd.s32 @!p1 $0xFFFFFFB0  }
0xf1: {  	[tilespmem:s0], [sflag:$0x2] =	stream.indirect.gather @!p1 [hbm4b:s1+s7], $0x80, s3, s7, $0xb8;
	[tilespmem:$0x1F880] =	vst v63  }
0xf2: {  	s0 =	sand.u32 @!p2 $0x380, s30  }
0xf3: {  	s3 =	simm.s32 @!p2 $0x0;
	s6 =	sadd.s32 @!p2 $0x13880, s0  }
0xf4: {  	[tilespmem:s6], [sflag:$0x1] =	stream.linear.gather @!p2 [hbm4b:s29+s3], $0x50, $0x38;
	[tilespmem:$0x1F880] =	vst v63  }
0xf5: {  	s0 =	sadd.s32 @!p2 $0x13C80, s0  }
0xf6: {  	[tilespmem:s0], [sflag:$0x1] =	stream.linear.gather @!p2 [hbm4b:s28+s3], $0x50, $0x38;
	[tilespmem:$0x1F880] =	vst v63  }
0xf7: {  	_ =	swait.ge [sflag:s16], $0x2800  }
0xf8: {  	[sflag:s16] =	ssyncset.done $0x0  }
0xf9: {  	s28 =	stileid.u32;
	[sflag:s16] =	ssyncadd.s32 $0xFFFFD800  }
0xfa: {  	s0 =	sshll.u32 s28, $0x6;
	[bflag:$0x0] =	sbarrier.arrive $0xFFFF  }
0xfb: {  	s29 =	sshrl.u32 s23, $0x3;
	s0 =	sor.u32 $0x1C04, s0;
	s30 =	rddreg [dreg:$0x10]  }
0xfc: {  	[hbm:s30], [sflag:s0] =	dma.local [spmem:s29], $0x2700  }
0xfd: {  	_ =	swait.ge [sflag:s25], $0x2700  }
0xfe: {  	[sflag:s25] =	ssyncset.done $0x0  }
0xff: {  	s3 =	sshrl.u32 @!p0 s22, $0x3;
	s6 =	rddreg [dreg:$0x13];
	[sflag:s25] =	ssyncadd.s32 $0xFFFFD900  }
0x100: {  	[hbm:s6], [sflag:s0] =	dma.local @!p0 [spmem:s3], $0x100  }
0x101: {  	s0 =	simm.s32 @!p0 $0x4  }
0x102: {  	_ =	swait.ge @!p0 [sflag:s0], $0x100  }
0x103: {  	s26 =	sadd.s32 $0x1, s26;
	s31 =	rddreg [dreg:$0x14]  }
0x104: {  	p1 =	sne.s32 s26, s31  }
.Ltmp2:
0x105: {  	_ = 	snop;
	(pc) =	sbr.rel @p1 .LBB2_1-.Ltmp2, $3  }
0x106: {  	_ =	sdelay $0x1  }
0x107: {  	s8 =	simm.s32 $0x13900;
	[sflag:s0] =	ssyncset.done @!p0 $0x0  }
0x108: {  	s7 =	simm.s32 $0x13C80;
	s6 =	simm.s32 $0x13880;
	[sflag:s0] =	ssyncadd.s32 @!p0 $0xFFFFFF00  }
0x109: {  	_ =	sfence.sel $0x180000  }
0x10a: {  	[bflag:$0x0] =	sbarrier.arrive $0xFFFF  }
0x10b: {  	_ =	strace $0x9000004D  }
0x10c: {  	s0 =	stileid.u32;
	[bflag:$0x2] =	sbarrier.arrive $0xFFFF  }
0x10d: {  	p0 =	sne.s32 s0, $0x0;
	s0 =	rddreg [dreg:$0x3]  }
0x10e: {  	s0 =	sadd.s32 @!p0 $0x100000, s0  }
0x10f: {  	[sflag:s0] =	ssyncadd.tile.s32 @!p0 $0x1;
	_ =	shalt  }
.Lfunc_end2:
_tile_overlayer_lowered:
.L_overlay_start_2:
0x110: {  	(tag) =	ssettag $0x2  }
0x111: {  	s0 =	rddreg [dreg:$0x0];
	s2 =	stileid.u32  }
0x112: {  	s1 =	rddreg [dreg:$0x1];
	p0 =	sne.s32 s2, $0x0  }
0x113: {  	s3 =	rddreg [dreg:$0x2];
	[bflag:$0x3] =	sbarrier.arrive $0xFFFF;
	s2 =	simm.s32 @!p0 $0x1C04  }
0x114: {  	[timem:s3], [sflag:s2] =	dma.local @!p0 [hbm:s0], s1  }
0x115: {  	s0 =	simm.s32 @!p0 $0x4  }
0x116: {  	_ =	swait.ge @!p0 [sflag:s0], s1  }
0x117: {  	s1 =	ssub.s32 @!p0 $0x0, s1;
	[sflag:s0] =	ssyncset.done @!p0 $0x0  }
0x118: {  	[sflag:s0] =	ssyncadd.s32 @!p0 s1  }
0x119: {  	[bflag:$0x3] =	sbarrier.arrive $0xFFFF  }
0x11a: {  	_ =	shalt  }

// kernel: kernel.9.cloned.1.call-start
scs
__scs_entry_jumppad:
0x0: {  	(pc) =	sbr.rel $0x88, $3  }
0x1: {  	(tag) =	ssettag $0x0;
	lr =	simm.s32 $0x1  }
0x2: {  	[smem:$0x3F9A] =	sst lr;
	_ =	strace $0xD0000000  }
0x3: {  	_ = 	snop  }
0x4: {  	_ = 	snop  }
0x5: {  	_ = 	snop  }
0x6: {  	_ = 	snop  }
0x7: {  	_ = 	snop  }
__scs_overlays_trampoline_lowered:
0x8: {  	[smem:$0x3FA9] =	sst s0  }
0x9: {  	[smem:$0x3FAA] =	sst s1  }
0xa: {  	[smem:$0x3FAB] =	sst s2  }
0xb: {  	[smem:$0x3FAC] =	sst s3  }
0xc: {  	[smem:$0x3FAD] =	sst s4  }
0xd: {  	[smem:$0x3FAE] =	sst s5  }
0xe: {  	[smem:$0x3FAF] =	sst s6  }
0xf: {  	[smem:$0x3FB0] =	sst s7  }
0x10: {  	[smem:$0x3FB1] =	sst s8  }
0x11: {  	[smem:$0x3FB2] =	sst s9;
	s0 =	simm.s32 @!p0 $0x0  }
0x12: {  	s1 =	sld [smem:$0x3F98];
	s0 =	simm.s32 @p0 $0x1  }
0x13: {  	[smem:$0x3FB3] =	sst s0;
	s0 =	simm.s32 @!p1 $0x0  }
0x14: {  	s2 =	sld [smem:$0x3F97];
	s0 =	simm.s32 @p1 $0x1  }
0x15: {  	[smem:$0x3FB4] =	sst s0;
	s0 =	simm.s32 @!p2 $0x0  }
0x16: {  	s3 =	sld [smem:$0x3FDB];
	s0 =	simm.s32 @p2 $0x1  }
0x17: {  	s4 =	simm.s32 $0x1BF5;
	[smem:$0x3FB6] =	sst s0  }
0x18: {  	s0 =	sld [smem:$0x3F99];
	_ =	swait.ge [sflag:s4], $0x0  }
0x19: {  	s7 =	sld [smem:$0x3F9A]  }
0x1a: {  	s8 =	sadd.s32 $0xFFFFE003, lr  }
0x1b: {  	s9 =	sadd.s32 $0xFFFFFEF7, lr;
	s5 =	simm.s32 $0xFFFFFFFF;
	p2 =	slt.u32 s8, $0xFFFFF086  }
0x1c: {  	p1 =	slt.u32 s9, $0xF7A;
	s5 =	simm.s32 @!p2 $0x0  }
0x1d: {  	s5 =	simm.s32 @p1 $0x1;
	p0 =	seq.s32 s7, s2  }
0x1e: {  	s7 =	smul.u32 @!p0 $0xF7A, s2;
	p2 =	seq.s32 @!p0 s5, $0x0  }
0x1f: {  	s9 =	smul.u32 $0xF7A, s1;
	s8 =	simm.s32 @!p0 $0x1BF5;
	p2 =	por !p2, p0  }
0x20: {  	[sflag:s8] =	ssyncset.s32 @!p0 $0xFFFFF086;
	s6 =	sadd.s32 @!p0 s3, s7;
	s7 =	simm.s32 @!p0 $0x108  }
0x21: {  	s3 =	sadd.s32 s3, s9;
	s6 =	sadd.s32 @!p0 $0x88, s6;
	s7 =	simm.s32 @p2 $0x1082  }
0x22: {  	[simem:s7], [sflag:s8] =	dma.local @!p0 [hbm:s6], $0xF7A  }
0x23: {  	s9 =	sor.u32 $0xD0000000, s2;
	s6 =	simm.s32 $0x108;
	_ =	swait.ge @!p0 [sflag:s8], $0x0  }
0x24: {  	s3 =	sadd.s32 $0x88, s3;
	s6 =	simm.s32 @!p1 $0x1082;
	[sflag:s4] =	ssyncset.s32 $0xFFFFF086  }
0x25: {  	[simem:s6], [sflag:s4] =	dma.local [hbm:s3], $0xF7A  }
0x26: {  	[smem:$0x3F9A] =	sst s1;
	(tag) =	ssettag s2;
	_ =	strace s9  }
0x27: {  	s1 =	sld [smem:$0x3FAA]  }
0x28: {  	s2 =	sld [smem:$0x3FAB]  }
0x29: {  	s4 =	sld [smem:$0x3FAD]  }
0x2a: {  	p0 =	seq.s32 s5, $0x0;
	s5 =	sld [smem:$0x3FAE]  }
0x2b: {  	s6 =	sld [smem:$0x3FAF]  }
0x2c: {  	s7 =	sld [smem:$0x3FB0]  }
0x2d: {  	s3 =	simm.s32 $0x108;
	s8 =	sld [smem:$0x3FB1]  }
0x2e: {  	s3 =	simm.s32 @!p0 $0x1082;
	s9 =	sld [smem:$0x3FB2]  }
0x2f: {  	lr =	sadd.s32 s0, s3;
	s0 =	sld [smem:$0x3FA9]  }
0x30: {  	s3 =	sld [smem:$0x3FAC]  }
0x31: {  	[smem:$0x3FB5] =	sst s10  }
0x32: {  	s10 =	sld [smem:$0x3FB3];
	_ =	sdelay $0x3  }
0x33: {  	p0 =	seq.s32 s10, $0x1;
	s10 =	sld [smem:$0x3FB5];
	_ =	sdelay $0x3  }
0x34: {  	[smem:$0x3FB5] =	sst s10  }
0x35: {  	s10 =	sld [smem:$0x3FB4];
	_ =	sdelay $0x3  }
0x36: {  	p1 =	seq.s32 s10, $0x1;
	s10 =	sld [smem:$0x3FB5];
	_ =	sdelay $0x3  }
0x37: {  	[smem:$0x3FB5] =	sst s10  }
0x38: {  	s10 =	sld [smem:$0x3FB6]  }
0x39: {  	_ = 	snop;
	(pc) =	sbr.ind lr, $3  }
0x3a: {  	_ = 	snop  }
0x3b: {  	_ = 	snop  }
0x3c: {  	p2 =	seq.s32 s10, $0x1;
	s10 =	sld [smem:$0x3FB5]  }
0x3d: {  	_ =	shalt  }
0x3e: {  	_ =	shalt  }
0x3f: {  	_ =	shalt  }
0x40: {  	_ =	shalt  }
0x41: {  	_ =	shalt  }
0x42: {  	_ =	shalt  }
0x43: {  	_ =	shalt  }
0x44: {  	_ =	shalt  }
0x45: {  	_ =	shalt  }
0x46: {  	_ =	shalt  }
0x47: {  	_ =	shalt  }
0x48: {  	_ =	shalt  }
0x49: {  	_ =	shalt  }
0x4a: {  	_ =	shalt  }
0x4b: {  	_ =	shalt  }
0x4c: {  	_ =	shalt  }
0x4d: {  	_ =	shalt  }
0x4e: {  	_ =	shalt  }
0x4f: {  	_ =	shalt  }
0x50: {  	_ =	shalt  }
0x51: {  	_ =	shalt  }
0x52: {  	_ =	shalt  }
0x53: {  	_ =	shalt  }
0x54: {  	_ =	shalt  }
0x55: {  	_ =	shalt  }
0x56: {  	_ =	shalt  }
0x57: {  	_ =	shalt  }
0x58: {  	_ =	shalt  }
0x59: {  	_ =	shalt  }
0x5a: {  	_ =	shalt  }
0x5b: {  	_ =	shalt  }
0x5c: {  	_ =	shalt  }
0x5d: {  	_ =	shalt  }
0x5e: {  	_ =	shalt  }
0x5f: {  	_ =	shalt  }
0x60: {  	_ =	shalt  }
0x61: {  	_ =	shalt  }
0x62: {  	_ =	shalt  }
0x63: {  	_ =	shalt  }
0x64: {  	_ =	shalt  }
0x65: {  	_ =	shalt  }
0x66: {  	_ =	shalt  }
0x67: {  	_ =	shalt  }
0x68: {  	_ =	shalt  }
0x69: {  	_ =	shalt  }
0x6a: {  	_ =	shalt  }
0x6b: {  	_ =	shalt  }
0x6c: {  	_ =	shalt  }
0x6d: {  	_ =	shalt  }
0x6e: {  	_ =	shalt  }
0x6f: {  	_ =	shalt  }
0x70: {  	_ =	shalt  }
0x71: {  	_ =	shalt  }
0x72: {  	_ =	shalt  }
0x73: {  	_ =	shalt  }
0x74: {  	_ =	shalt  }
0x75: {  	_ =	shalt  }
0x76: {  	_ =	shalt  }
0x77: {  	_ =	shalt  }
0x78: {  	_ =	shalt  }
0x79: {  	_ =	shalt  }
0x7a: {  	_ =	shalt  }
0x7b: {  	_ =	shalt  }
0x7c: {  	_ =	shalt  }
0x7d: {  	_ =	shalt  }
0x7e: {  	_ =	shalt  }
0x7f: {  	_ =	shalt  }
0x80: {  	_ =	shalt  }
0x81: {  	_ =	shalt  }
0x82: {  	_ =	shalt  }
0x83: {  	_ =	shalt  }
0x84: {  	_ =	shalt  }
0x85: {  	_ =	shalt  }
0x86: {  	_ =	shalt  }
0x87: {  	_ =	shalt  }
.Lfunc_end0:
.L_simem_size_0:
called_computation_lowered:
.L_overlay_start_0:
0x88: {  	s2 =	sld [smem:$0x3FD9]  }
0x89: {  	s3 =	sld [smem:$0x3FFE];
	_ =	sdelay $0x1  }
0x8a: {  	s1 =	srdreg.scid  }
0x8b: {  	s0 =	sand.u32 $0x1, s1  }
0x8c: {  	s17 =	sshll.u32 s0, $0xA;
	s2 =	sadd.s32 s3, s2  }
0x8d: {  	s2 =	sadd.s32 s2, s17  }
0x8e: {  	[smem:$0x3FC1] =	sst s2  }
0x8f: {  	_ = 	snop  }
0x90: {  	s2 =	sld [smem:$0x3FD0];
	(tm) =	ssettm $0x1  }
0x91: {  	s18 =	sld [smem:$0x3FFB];
	_ =	sdelay $0x3  }
0x92: {  	_ =	strace s18  }
0x93: {  	s3 =	sld [smem:$0x3FFC];
	_ =	sdelay $0x3  }
0x94: {  	_ =	strace s3  }
0x95: {  	s3 =	sld [smem:$0x3FFD];
	_ =	sdelay $0x3  }
0x96: {  	_ =	strace s3  }
0x97: {  	_ =	strace $0x8FFFFFFF  }
0x98: {  	s19 =	sld [smem:$0x3FDB];
	_ =	sdelay $0x1  }
0x99: {  	s4 =	simm.s32 $_scs_section_size  }
0x9a: {  	s5 =	simm.s32 $_size__tile_overlayer_lowered;
	s6 =	simm.s32 $_tile_overlayer_lowered  }
0x9b: {  	s22 =	simm.s32 $0x1BFF;
	s21 =	sshll.u32 s6, $0x1;
	s3 =	sadd.s32 s4, s19  }
0x9c: {  	s7 =	simm.s32 $0x0;
	s20 =	sshll.u32 s5, $0x1;
	s5 =	sadd.s32 s21, s3  }
0x9d: {  	[timem:s7], [sflag:s22] =	dma.local [hbm:s5], s20  }
0x9e: {  	_ =	swait.ge [sflag:s22], s20  }
0x9f: {  	s4 =	ssub.s32 $0x0, s20;
	[sflag:s22] =	ssyncset.done $0x0  }
0xa0: {  	[sflag:s22] =	ssyncadd.s32 s4;
	_ =	sdelay $0x1  }
0xa1: {  	s23 =	simm.s32 $0x1B8B  }
0xa2: {  	_ =	swait.ge [sflag:s23], $0x1  }
0xa3: {  	[sflag:s23] =	ssyncset.done $0x0  }
0xa4: {  	s25 =	simm.s32 $0x1B8E;
	s24 =	sld [smem:$0x3FFE];
	[sflag:s23] =	ssyncadd.s32 $0xFFFFFFFF  }
0xa5: {  	s26 =	simm.s32 $execute0_lowered;
	[smem:$0x3FD2] =	sst s25  }
0xa6: {  	s5 =	sshll.u32 s26, $0x1;
	_ =	strace $0x80000046;
	[dreg:$0x1] =	wrdreg $0xFFFFFFFF  }
0xa7: {  	s28 =	simm.s32 $_size_execute0_lowered;
	s3 =	sadd.s32 s3, s5;
	[dreg:$0x0] =	wrdreg $0x0  }
0xa8: {  	s5 =	sshll.u32 s28, $0x1;
	[dreg:$0x2] =	wrdreg s3  }
0xa9: {  	[dreg:$0x3] =	wrdreg s5  }
0xaa: {  	[dreg:$0x4] =	wrdreg $0xC0  }
0xab: {  	_ =	task [dreg:s7], $0x5FFFF  }
0xac: {  	[dreg:$0x1] =	wrdreg $0xFFFFFFFF  }
0xad: {  	[dreg:$0x0] =	wrdreg $0x60  }
0xae: {  	[dreg:$0x2] =	wrdreg s2  }
0xaf: {  	[dreg:$0x3] =	wrdreg s24  }
0xb0: {  	[dreg:$0x4] =	wrdreg $0x0  }
0xb1: {  	[dreg:$0x5] =	wrdreg $0x9  }
0xb2: {  	_ =	task.clear_ibuf [dreg:s7], $0x6FFFF;
	_ =	strace $0x90000046  }
0xb3: {  	s29 =	simm.s32 $0x9;
	_ =	strace $0x80000048  }
0xb4: {  	_ =	swait.ge [sflag:s29], $0x1  }
0xb5: {  	[sflag:s29] =	ssyncadd.s32 $0xFFFFFFFF  }
0xb6: {  	_ =	strace $0x90000048  }
0xb7: {  	_ =	sfence  }
0xb8: {  	s30 =	sld [smem:$0x0];
	_ =	sdelay $0x2  }
0xb9: {  	s31 =	sshll.u32 s1, $0xD;
	s1 =	sshrl.u32 s1, $0x2  }
0xba: {  	s3 =	sand.u32 $0x4000, s31;
	s1 =	sadd.s32 s1, s30  }
0xbb: {  	s0 =	sor.u32 s3, s0;
	s1 =	sshll.u32 s1, $0x11  }
0xbc: {  	s0 =	sor.u32 s1, s0  }
0xbd: {  	s0 =	sadd.s32 $0x8F2B, s0  }
0xbe: {  	[sflag:s0] =	ssyncadd.remote.s32 $0x1  }
0xbf: {  	_ =	sfence.sel $0xFFFF  }
0xc0: {  	[dreg:$0x0] =	wrdreg $0xFFFFFFFF;
	(pc) =	sbr.abs _section_cstart, $3  }
0xc1: {  	[dreg:$0x1] =	wrdreg $0xFFFFFFFF  }
0xc2: {  	_ =	task.clear_ibuf [dreg:s7], $0x2FFFF;
	_ =	strace $0x9FFFFFFF  }
0xc3: {  	(tm) =	ssettm $0x7FFFFFFF  }
tec
execute0_lowered:
.L_overlay_start_1:
0x0: {  	(tag) =	ssettag $0x1  }
0x1: {  	s1 =	rddreg [dreg:$0x0]  }
0x2: {  	s0 =	rddreg [dreg:$0x1]  }
0x3: {  	s2 =	rddreg [dreg:$0x2];
	s3 =	srdreg.scid;
	s4 =	simm.s32 $0x0  }
0x4: {  	s14 =	stileid.u32;
	s3 =	sand.u32 $0x1, s3;
	[smem:$0x7FF] =	sst s4  }
0x5: {  	s7 =	sadd.s32 $0xC400, s0;
	s8 =	sadd.s32 $0x2600, s0;
	s25 =	smul.u32 $0x13800, s14  }
0x6: {  	s0 =	sadd.s32 $0x16200, s0;
	s28 =	smul.u32 $0x2710, s14;
	s5 =	sshll.u32 s3, $0x4  }
0x7: {  	s13 =	smul.u32 $0x4E000, s14;
	s6 =	ssub.s32 $0x2, s3;
	s5 =	sor.u32 s14, s5  }
0x8: {  	p0 =	sne.s32 s14, $0xF;
	s9 =	sshrl.u32 s6, $0x1;
	s5 =	smul.u32 $0x2710, s5  }
0x9: {  	_ =	strace $0x80000047;
	s11 =	smul.u32 $0x138800, s3;
	s6 =	ssub.s32 s6, s9  }
0xa: {  	s3 =	smul.u32 $0x27100, s3;
	s16 =	smax.u32 s6, $0x1;
	s5 =	sshrl.u32 s5, $0x3  }
0xb: {  	s14 =	simm.s32 $0x13A00;
	[dreg:$0x14] =	wrdreg s16;
	s18 =	sadd.s32 s7, s5  }
0xc: {  	s19 =	sadd.s32 s8, s5;
	s20 =	sadd.s32 $0xA, s5;
	[dreg:$0x4] =	wrdreg s18  }
0xd: {  	s3 =	sadd.s32 s28, s3;
	[dreg:$0x5] =	wrdreg s19;
	s10 =	sadd.s32 s7, s20  }
0xe: {  	s21 =	sadd.s32 $0x14, s5;
	s9 =	sadd.s32 s8, s20;
	[dreg:$0x6] =	wrdreg s10  }
0xf: {  	s23 =	sadd.s32 $0x1E, s5;
	s22 =	sadd.s32 s7, s21;
	[dreg:$0x7] =	wrdreg s9  }
0x10: {  	s26 =	sadd.s32 $0x28, s5;
	s24 =	sadd.s32 s7, s23;
	[dreg:$0x8] =	wrdreg s22  }
0x11: {  	s29 =	sadd.s32 $0x32, s5;
	s12 =	sadd.s32 s7, s26;
	[dreg:$0xa] =	wrdreg s24  }
0x12: {  	s3 =	sadd.s32 $0x230, s3;
	s30 =	sadd.s32 s7, s29;
	[dreg:$0xc] =	wrdreg s12  }
0x13: {  	s5 =	sadd.s32 $0x3C, s5;
	s31 =	sadd.s32 s8, s29;
	[dreg:$0xe] =	wrdreg s30  }
0x14: {  	s6 =	simm.s32 $0x13880;
	s15 =	sadd.s32 s7, s5;
	[dreg:$0xf] =	wrdreg s31  }
0x15: {  	s3 =	sshrl.u32 s3, $0x3;
	s5 =	sadd.s32 s8, s5;
	[dreg:$0x11] =	wrdreg s15  }
0x16: {  	s16 =	simm.s32 $0x3;
	s9 =	sadd.s32 s8, s21;
	[dreg:$0x12] =	wrdreg s5  }
0x17: {  	s10 =	sadd.s32 s8, s23;
	s12 =	sshrl.u32 s13, $0x2;
	[dreg:$0x9] =	wrdreg s9  }
0x18: {  	[dreg:$0xb] =	wrdreg s10;
	s10 =	sadd.s32 s8, s26;
	s23 =	sadd.s32 s12, s2  }
0x19: {  	s13 =	sshrl.u32 s11, $0x3;
	[dreg:$0xd] =	wrdreg s10;
	s17 =	sadd.s32 $0x1800, s23  }
0x1a: {  	s5 =	sadd.s32 s3, s8;
	s18 =	sadd.s32 $0x3000, s23;
	[dreg:$0x15] =	wrdreg s17  }
0x1b: {  	s21 =	sadd.s32 s3, s7;
	s19 =	sadd.s32 $0x4800, s23;
	[dreg:$0x16] =	wrdreg s18  }
0x1c: {  	s22 =	sadd.s32 $0x138000, s2;
	s20 =	sadd.s32 $0x6000, s23;
	[dreg:$0x17] =	wrdreg s19  }
0x1d: {  	s7 =	simm.s32 $0x13C80;
	s24 =	sadd.s32 $0x7800, s23;
	[dreg:$0x18] =	wrdreg s20  }
0x1e: {  	s9 =	sadd.s32 s25, s11;
	s25 =	sadd.s32 $0x9000, s23;
	[dreg:$0x19] =	wrdreg s24  }
0x1f: {  	s15 =	simm.s32 $0x1E080;
	s26 =	sadd.s32 $0xA800, s23;
	[dreg:$0x1a] =	wrdreg s25  }
0x20: {  	s8 =	simm.s32 $0x13900;
	s28 =	sadd.s32 $0xC000, s23;
	[dreg:$0x1b] =	wrdreg s26  }
0x21: {  	s9 =	sshrl.u32 s9, $0x3;
	s29 =	sadd.s32 $0xD800, s23;
	[dreg:$0x1c] =	wrdreg s28  }
0x22: {  	s30 =	sadd.s32 $0xF000, s23;
	s31 =	sadd.s32 $0x10800, s23;
	[dreg:$0x1d] =	wrdreg s29  }
0x23: {  	s9 =	sadd.s32 s0, s9;
	s0 =	sadd.s32 s0, s13;
	[dreg:$0x1e] =	wrdreg s30  }
0x24: {  	[dreg:$0x1f] =	wrdreg s31;
	s13 =	simm.s32 $0x13980;
	s17 =	simm.s32 $0x1  }
0x25: {  	s18 =	simm.s32 $0x50;
	s19 =	simm.s32 $0x14080;
	s24 =	simm.s32 $0x2  }
0x26: {  	s25 =	simm.s32 $0x4;
	[dreg:$0x10] =	wrdreg s9;
	s0 =	sadd.s32 $0x27000, s0  }
0x27: {  	v0 =	vimm.f32 $0.0e+00;
	s26 =	simm.s32 $0x0;
	s9 =	sadd.s32 $0x12000, s23;
	[dreg:$0x13] =	wrdreg s0  }
.LBB2_1:
0x28: {  	s0 =	rddreg [dreg:$0x4]  }
0x29: {  	[tilespmem:s6], [sflag:$0x1] =	stream.linear.gather [hbm4b:s0+s4], $0x50, $0x38;
	[tilespmem:$0x1F880] =	vst v63  }
0x2a: {  	s3 =	rddreg [dreg:$0x5]  }
0x2b: {  	[tilespmem:s7], [sflag:$0x1] =	stream.linear.gather [hbm4b:s3+s4], $0x50, $0x38;
	[tilespmem:$0x1F880] =	vst v63  }
0x2c: {  	s10 =	rddreg [dreg:$0x6]  }
0x2d: {  	[tilespmem:s8], [sflag:$0x1] =	stream.linear.gather [hbm4b:s10+s4], $0x50, $0x38;
	[tilespmem:$0x1F880] =	vst v63  }
0x2e: {  	s11 =	rddreg [dreg:$0x7];
	s3 =	simm.s32 $0x13D00  }
0x2f: {  	[tilespmem:s3], [sflag:$0x1] =	stream.linear.gather [hbm4b:s11+s4], $0x50, $0x38;
	[tilespmem:$0x1F880] =	vst v63  }
0x30: {  	s12 =	rddreg [dreg:$0x8]  }
0x31: {  	[tilespmem:s13], [sflag:$0x1] =	stream.linear.gather [hbm4b:s12+s4], $0x50, $0x38;
	[tilespmem:$0x1F880] =	vst v63  }
0x32: {  	s20 =	rddreg [dreg:$0x9];
	s28 =	simm.s32 $0x13D80  }
0x33: {  	[tilespmem:s28], [sflag:$0x1] =	stream.linear.gather [hbm4b:s20+s4], $0x50, $0x38;
	[tilespmem:$0x1F880] =	vst v63  }
0x34: {  	s29 =	rddreg [dreg:$0xa]  }
0x35: {  	[tilespmem:s14], [sflag:$0x1] =	stream.linear.gather [hbm4b:s29+s4], $0x50, $0x38;
	[tilespmem:$0x1F880] =	vst v63  }
0x36: {  	s30 =	rddreg [dreg:$0xb];
	s31 =	simm.s32 $0x13E00  }
0x37: {  	[tilespmem:s31], [sflag:$0x1] =	stream.linear.gather [hbm4b:s30+s4], $0x50, $0x38;
	[tilespmem:$0x1F880] =	vst v63  }
0x38: {  	s10 =	rddreg [dreg:$0xc];
	s11 =	simm.s32 $0x13A80  }
0x39: {  	[tilespmem:s11], [sflag:$0x1] =	stream.linear.gather [hbm4b:s10+s4], $0x50, $0x38;
	[tilespmem:$0x1F880] =	vst v63  }
0x3a: {  	s12 =	rddreg [dreg:$0xd];
	s20 =	simm.s32 $0x13E80  }
0x3b: {  	[tilespmem:s20], [sflag:$0x1] =	stream.linear.gather [hbm4b:s12+s4], $0x50, $0x38;
	[tilespmem:$0x1F880] =	vst v63  }
0x3c: {  	s0 =	simm.s32 $0x0;
	s28 =	rddreg [dreg:$0xe];
	s29 =	simm.s32 $0x13B00  }
0x3d: {  	[tilespmem:s29], [sflag:$0x1] =	stream.linear.gather [hbm4b:s28+s4], $0x50, $0x38;
	[tilespmem:$0x1F880] =	vst v63  }
0x3e: {  	s3 =	simm.s32 $0x200;
	s30 =	rddreg [dreg:$0xf];
	s31 =	simm.s32 $0x13F00  }
0x3f: {  	[tilespmem:s31], [sflag:$0x1] =	stream.linear.gather [hbm4b:s30+s4], $0x50, $0x38;
	[tilespmem:$0x1F880] =	vst v63  }
.LBB2_2:
0x40: {  	p1 =	sne.s32 s3, $0x5E00;
	[tilespmem:s0+$0x1E0F0] =	vst v0  }
0x41: {  	[tilespmem:s0+$0x1E080] =	vst v0  }
0x42: {  	[tilespmem:s0+$0x1E090] =	vst v0  }
.Ltmp0:
0x43: {  	[tilespmem:s0+$0x1E0A0] =	vst v0;
	(pc) =	sbr.rel @p1 .LBB2_2-.Ltmp0, $4  }
0x44: {  	[tilespmem:s0+$0x1E0B0] =	vst v0  }
0x45: {  	[tilespmem:s0+$0x1E0C0] =	vst v0  }
0x46: {  	[tilespmem:s0+$0x1E0D0] =	vst v0  }
0x47: {  	[tilespmem:s0+$0x1E0E0] =	vst v0;
	s0 =	sshra.s32 s3, $0x2;
	s3 =	sadd.s32 $0x200, s3  }
0x48: {  	[tilespmem:s0+$0x1E0F0] =	vst v0  }
0x49: {  	[tilespmem:s0+$0x1E080] =	vst v0  }
0x4a: {  	[tilespmem:s0+$0x1E090] =	vst v0  }
0x4b: {  	[tilespmem:s0+$0x1E0A0] =	vst v0  }
0x4c: {  	[tilespmem:s0+$0x1E0B0] =	vst v0  }
0x4d: {  	[tilespmem:s0+$0x1E0C0] =	vst v0  }
0x4e: {  	[tilespmem:s0+$0x1E0D0] =	vst v0  }
0x4f: {  	[tilespmem:s0+$0x1E0E0] =	vst v0  }
0x50: {  	[spmem:s23] =	stream.linear.scatter [tilespmem:s15], [sflag:$0x3], $0x1800, $0x38;
	[tilespmem:$0x1F880] =	vst v63  }
0x51: {  	s20 =	rddreg [dreg:$0x15]  }
0x52: {  	[spmem:s20] =	stream.linear.scatter [tilespmem:s15], [sflag:$0x3], $0x1800, $0x38;
	[tilespmem:$0x1F880] =	vst v63  }
0x53: {  	s3 =	rddreg [dreg:$0x16]  }
0x54: {  	[spmem:s3] =	stream.linear.scatter [tilespmem:s15], [sflag:$0x3], $0x1800, $0x38;
	[tilespmem:$0x1F880] =	vst v63  }
0x55: {  	s10 =	rddreg [dreg:$0x17]  }
0x56: {  	[spmem:s10] =	stream.linear.scatter [tilespmem:s15], [sflag:$0x3], $0x1800, $0x38;
	[tilespmem:$0x1F880] =	vst v63  }
0x57: {  	s11 =	rddreg [dreg:$0x18]  }
0x58: {  	[spmem:s11] =	stream.linear.scatter [tilespmem:s15], [sflag:$0x3], $0x1800, $0x38;
	[tilespmem:$0x1F880] =	vst v63  }
0x59: {  	s12 =	rddreg [dreg:$0x19]  }
0x5a: {  	[spmem:s12] =	stream.linear.scatter [tilespmem:s15], [sflag:$0x3], $0x1800, $0x38;
	[tilespmem:$0x1F880] =	vst v63  }
0x5b: {  	s20 =	rddreg [dreg:$0x1a]  }
0x5c: {  	[spmem:s20] =	stream.linear.scatter [tilespmem:s15], [sflag:$0x3], $0x1800, $0x38;
	[tilespmem:$0x1F880] =	vst v63  }
0x5d: {  	s3 =	rddreg [dreg:$0x1b]  }
0x5e: {  	[spmem:s3] =	stream.linear.scatter [tilespmem:s15], [sflag:$0x3], $0x1800, $0x38;
	[tilespmem:$0x1F880] =	vst v63  }
0x5f: {  	s10 =	rddreg [dreg:$0x1c]  }
0x60: {  	[spmem:s10] =	stream.linear.scatter [tilespmem:s15], [sflag:$0x3], $0x1800, $0x38;
	[tilespmem:$0x1F880] =	vst v63  }
0x61: {  	s11 =	rddreg [dreg:$0x1d]  }
0x62: {  	[spmem:s11] =	stream.linear.scatter [tilespmem:s15], [sflag:$0x3], $0x1800, $0x38;
	[tilespmem:$0x1F880] =	vst v63  }
0x63: {  	s12 =	rddreg [dreg:$0x1e]  }
0x64: {  	[spmem:s12] =	stream.linear.scatter [tilespmem:s15], [sflag:$0x3], $0x1800, $0x38;
	[tilespmem:$0x1F880] =	vst v63  }
0x65: {  	s20 =	rddreg [dreg:$0x1f]  }
0x66: {  	[spmem:s20] =	stream.linear.scatter [tilespmem:s15], [sflag:$0x3], $0x1800, $0x38;
	[tilespmem:$0x1F880] =	vst v63  }
0x67: {  	_ = 	snop  }
0x68: {  	[spmem:s9] =	stream.linear.scatter [tilespmem:s15], [sflag:$0x3], $0x1800, $0x38;
	[tilespmem:$0x1F880] =	vst v63  }
0x69: {  	s0 =	simm.s32 @!p0 $0x1E080  }
0x6a: {  	[spmem:s22] =	stream.linear.scatter @!p0 [tilespmem:s0], [sflag:$0x3], $0x800, $0x38;
	[tilespmem:$0x1F880] =	vst v63  }
0x6b: {  	_ =	swait.ge [sflag:s16], $0x1800  }
0x6c: {  	[sflag:s16] =	ssyncset.done $0x0  }
0x6d: {  	[sflag:s16] =	ssyncadd.s32 $0xFFFFE800  }
0x6e: {  	_ =	swait.ge [sflag:s16], $0x1800  }
0x6f: {  	[sflag:s16] =	ssyncset.done $0x0  }
0x70: {  	[sflag:s16] =	ssyncadd.s32 $0xFFFFE800  }
0x71: {  	_ =	swait.ge [sflag:s16], $0x1800  }
0x72: {  	[sflag:s16] =	ssyncset.done $0x0  }
0x73: {  	[sflag:s16] =	ssyncadd.s32 $0xFFFFE800  }
0x74: {  	_ =	swait.ge [sflag:s16], $0x1800  }
0x75: {  	[sflag:s16] =	ssyncset.done $0x0  }
0x76: {  	[sflag:s16] =	ssyncadd.s32 $0xFFFFE800  }
0x77: {  	_ =	swait.ge [sflag:s16], $0x1800  }
0x78: {  	[sflag:s16] =	ssyncset.done $0x0  }
0x79: {  	[sflag:s16] =	ssyncadd.s32 $0xFFFFE800  }
0x7a: {  	_ =	swait.ge [sflag:s16], $0x1800  }
0x7b: {  	[sflag:s16] =	ssyncset.done $0x0  }
0x7c: {  	[sflag:s16] =	ssyncadd.s32 $0xFFFFE800  }
0x7d: {  	_ =	swait.ge [sflag:s16], $0x1800  }
0x7e: {  	[sflag:s16] =	ssyncset.done $0x0  }
0x7f: {  	[sflag:s16] =	ssyncadd.s32 $0xFFFFE800  }
0x80: {  	_ =	swait.ge [sflag:s16], $0x1800  }
0x81: {  	[sflag:s16] =	ssyncset.done $0x0  }
0x82: {  	[sflag:s16] =	ssyncadd.s32 $0xFFFFE800  }
0x83: {  	_ =	swait.ge [sflag:s16], $0x1800  }
0x84: {  	[sflag:s16] =	ssyncset.done $0x0  }
0x85: {  	[sflag:s16] =	ssyncadd.s32 $0xFFFFE800  }
0x86: {  	_ =	swait.ge [sflag:s16], $0x1800  }
0x87: {  	[sflag:s16] =	ssyncset.done $0x0  }
0x88: {  	[sflag:s16] =	ssyncadd.s32 $0xFFFFE800  }
0x89: {  	_ =	swait.ge [sflag:s16], $0x1800  }
0x8a: {  	[sflag:s16] =	ssyncset.done $0x0  }
0x8b: {  	[sflag:s16] =	ssyncadd.s32 $0xFFFFE800  }
0x8c: {  	_ =	swait.ge [sflag:s16], $0x1800  }
0x8d: {  	[sflag:s16] =	ssyncset.done $0x0  }
0x8e: {  	[sflag:s16] =	ssyncadd.s32 $0xFFFFE800  }
0x8f: {  	_ =	swait.ge [sflag:s16], $0x1800  }
0x90: {  	[sflag:s16] =	ssyncset.done $0x0  }
0x91: {  	s0 =	simm.s32 @!p0 $0x3;
	[sflag:s16] =	ssyncadd.s32 $0xFFFFE800  }
0x92: {  	_ =	swait.ge @!p0 [sflag:s0], $0x800  }
0x93: {  	[sflag:s0] =	ssyncset.done @!p0 $0x0  }
0x94: {  	[sflag:s0] =	ssyncadd.s32 @!p0 $0xFFFFF800  }
0x95: {  	[bflag:$0x0] =	sbarrier.arrive $0xFFFF  }
0x96: {  	_ =	swait.ge [sflag:s17], $0x50  }
0x97: {  	[sflag:s17] =	ssyncset.done $0x0  }
0x98: {  	[sflag:s17] =	ssyncadd.s32 $0xFFFFFFB0  }
0x99: {  	_ =	swait.ge [sflag:s17], $0x50  }
0x9a: {  	[sflag:s17] =	ssyncset.done $0x0  }
0x9b: {  	[sflag:s17] =	ssyncadd.s32 $0xFFFFFFB0  }
0x9c: {  	[tilespmem:s19], [sflag:$0x2] =	stream.indirect.gather [hbm4b:s1+s18], $0x80, s6, s18, $0xb8;
	[tilespmem:$0x1F880] =	vst v63  }
0x9d: {  	_ =	swait.ge [sflag:s17], $0x50  }
0x9e: {  	[sflag:s17] =	ssyncset.done $0x0  }
0x9f: {  	[sflag:s17] =	ssyncadd.s32 $0xFFFFFFB0  }
0xa0: {  	_ =	swait.ge [sflag:s17], $0x50  }
0xa1: {  	[sflag:s17] =	ssyncset.done $0x0  }
0xa2: {  	s3 =	simm.s32 $0x16880;
	[sflag:s17] =	ssyncadd.s32 $0xFFFFFFB0  }
0xa3: {  	[tilespmem:s3], [sflag:$0x2] =	stream.indirect.gather [hbm4b:s1+s18], $0x80, s8, s18, $0xb8;
	[tilespmem:$0x1F880] =	vst v63  }
0xa4: {  	_ =	swait.ge [sflag:s17], $0x50  }
0xa5: {  	[sflag:s17] =	ssyncset.done $0x0  }
0xa6: {  	[sflag:s17] =	ssyncadd.s32 $0xFFFFFFB0  }
0xa7: {  	_ =	swait.ge [sflag:s17], $0x50  }
0xa8: {  	[sflag:s17] =	ssyncset.done $0x0  }
0xa9: {  	s6 =	simm.s32 $0x19080;
	[sflag:s17] =	ssyncadd.s32 $0xFFFFFFB0  }
0xaa: {  	[tilespmem:s6], [sflag:$0x2] =	stream.indirect.gather [hbm4b:s1+s18], $0x80, s13, s18, $0xb8;
	[tilespmem:$0x1F880] =	vst v63  }
0xab: {  	_ =	swait.ge [sflag:s24], $0x2800  }
0xac: {  	[sflag:s24] =	ssyncset.done $0x0  }
0xad: {  	[sflag:s24] =	ssyncadd.s32 $0xFFFFD800  }
0xae: {  	[spmem:s2] =	stream.indirect.scatter.add.f32 [tilespmem:s19], [sflag:$0x3], $0x80, s7, s18, $0xb8;
	[tilespmem:$0x1F880] =	vst v63  }
0xaf: {  	_ =	swait.ge [sflag:s17], $0x50  }
0xb0: {  	[sflag:s17] =	ssyncset.done $0x0  }
0xb1: {  	[sflag:s17] =	ssyncadd.s32 $0xFFFFFFB0  }
0xb2: {  	_ =	swait.ge [sflag:s17], $0x50  }
0xb3: {  	s11 =	simm.s32 $0x13F80;
	[sflag:s17] =	ssyncset.done $0x0  }
0xb4: {  	s12 =	simm.s32 $0x1;
	s7 =	simm.s32 $0x1B880;
	[sflag:s17] =	ssyncadd.s32 $0xFFFFFFB0  }
0xb5: {  	[tilespmem:s7], [sflag:$0x2] =	stream.indirect.gather [hbm4b:s1+s18], $0x80, s14, s18, $0xb8;
	[tilespmem:$0x1F880] =	vst v63  }
0xb6: {  	s0 =	sand.u32 $0x3, s12;
	s3 =	simm.s32 $0x13B80;
	s8 =	rddreg [dreg:$0x11]  }
0xb7: {  	[tilespmem:s3], [sflag:$0x1] =	stream.linear.gather [hbm4b:s8+s4], $0x50, $0x38;
	[tilespmem:$0x1F880] =	vst v63  }
0xb8: {  	s20 =	simm.s32 $0x200;
	s0 =	smul.u32 $0xA000, s0;
	s10 =	rddreg [dreg:$0x12]  }
0xb9: {  	[tilespmem:s11], [sflag:$0x1] =	stream.linear.gather [hbm4b:s10+s4], $0x50, $0x38;
	[tilespmem:$0x1F880] =	vst v63  }
0xba: {  	s3 =	sand.u32 $0xE00, s20;
	_ =	swait.ge [sflag:s24], $0x2800  }
0xbb: {  	s0 =	sshrl.u32 s0, $0x2;
	s3 =	sshrl.u32 s3, $0x2;
	[sflag:s24] =	ssyncset.done $0x0  }
0xbc: {  	s0 =	sadd.s32 $0x14080, s0;
	s3 =	sadd.s32 $0x13C80, s3;
	[sflag:s24] =	ssyncadd.s32 $0xFFFFD800  }
0xbd: {  	[spmem:s2] =	stream.indirect.scatter.add.f32 [tilespmem:s0], [sflag:$0x3], $0x80, s3, s18, $0xb8;
	[tilespmem:$0x1F880] =	vst v63  }
0xbe: {  	p1 =	por $0x0, $0x0;
	s31 =	simm.s32 $0x2;
	_ =	swait.ge [sflag:s16], $0x2800  }
0xbf: {  	s29 =	sadd.s32 $0xA, s21;
	s28 =	sadd.s32 $0xA, s5;
	[sflag:s16] =	ssyncset.done $0x0  }
0xc0: {  	p2 =	por @!p1 $0x0, $0x0;
	s3 =	simm.s32 @!p1 $0x1;
	[sflag:s16] =	ssyncadd.s32 $0xFFFFD800  }
0xc1: {  	s6 =	simm.s32 $0x800;
	s0 =	simm.s32 $0x4;
	_ =	swait.ge @!p1 [sflag:s3], $0x50  }
0xc2: {  	s6 =	sand.u32 @!p1 $0xE00, s6;
	s0 =	sand.u32 @!p1 $0x3, s0;
	[sflag:s3] =	ssyncset.done @!p1 $0x0  }
0xc3: {  	s6 =	sshrl.u32 @!p1 s6, $0x2;
	s0 =	smul.u32 @!p1 $0xA000, s0;
	[sflag:s3] =	ssyncadd.s32 @!p1 $0xFFFFFFB0  }
0xc4: {  	p2 =	por p2, p1;
	s6 =	sadd.s32 @!p1 $0x13880, s6;
	_ =	swait.ge @!p1 [sflag:s3], $0x50  }
0xc5: {  	s10 =	simm.s32 $0x380;
	s0 =	sshrl.u32 @!p1 s0, $0x2;
	[sflag:s3] =	ssyncset.done @!p1 $0x0  }
0xc6: {  	s11 =	simm.s32 @!p1 $0x50;
	s0 =	sadd.s32 @!p1 $0x14080, s0;
	[sflag:s3] =	ssyncadd.s32 @!p1 $0xFFFFFFB0  }
0xc7: {  	[tilespmem:s0], [sflag:$0x2] =	stream.indirect.gather @!p1 [hbm4b:s1+s11], $0x80, s6, s11, $0xb8;
	[tilespmem:$0x1F880] =	vst v63  }
0xc8: {  	s30 =	simm.s32 $0x400;
	s20 =	smov.u32 s5;
	s6 =	sand.u32 @!p2 $0x380, s10  }
0xc9: {  	s0 =	simm.s32 $0x5;
	s11 =	simm.s32 @!p2 $0x0;
	s3 =	sadd.s32 @!p2 $0x13880, s6  }
0xca: {  	[tilespmem:s3], [sflag:$0x1] =	stream.linear.gather @!p2 [hbm4b:s21+s11], $0x50, $0x38;
	[tilespmem:$0x1F880] =	vst v63  }
0xcb: {  	s10 =	simm.s32 $0x6;
	s6 =	sadd.s32 @!p2 $0x13C80, s6;
	s3 =	simm.s32 $0xA00  }
.LBB2_4:
0xcc: {  	s12 =	sand.u32 $0x3, s31;
	s7 =	smov.u32 s31;
	s31 =	sadd.s32 $0xFFFFFFFD, s10  }
0xcd: {  	s8 =	smov.u32 s0;
	s0 =	smov.u32 s10;
	s10 =	sadd.s32 $0x1, s10  }
0xce: {  	[tilespmem:s6], [sflag:$0x1] =	stream.linear.gather @!p2 [hbm4b:s20+s11], $0x50, $0x38;
	[tilespmem:$0x1F880] =	vst v63  }
0xcf: {  	p1 =	sne.s32 s10, $0x80;
	s6 =	smul.u32 $0xA000, s12;
	s11 =	sadd.s32 $0xFFFFFA00, s3  }
0xd0: {  	s12 =	smov.u32 s29;
	s11 =	sand.u32 $0xE00, s11;
	_ =	swait.ge [sflag:s24], $0x2800  }
0xd1: {  	s6 =	sshrl.u32 s6, $0x2;
	s11 =	sshrl.u32 s11, $0x2;
	[sflag:s24] =	ssyncset.done $0x0  }
0xd2: {  	s6 =	sadd.s32 $0x14080, s6;
	s11 =	sadd.s32 $0x13C80, s11;
	[sflag:s24] =	ssyncadd.s32 $0xFFFFD800  }
0xd3: {  	[spmem:s2] =	stream.indirect.scatter.add.f32 [tilespmem:s6], [sflag:$0x3], $0x80, s11, s18, $0xb8;
	[tilespmem:$0x1F880] =	vst v63  }
0xd4: {  	s20 =	smov.u32 s28;
	_ =	swait.ge [sflag:s16], $0x2800  }
0xd5: {  	p3 =	sgt.u32 s7, $0x79;
	[sflag:s16] =	ssyncset.done $0x0  }
0xd6: {  	s8 =	sand.u32 @!p3 $0x3, s8;
	s6 =	simm.s32 @!p3 $0x1;
	[sflag:s16] =	ssyncadd.s32 $0xFFFFD800  }
0xd7: {  	s8 =	smul.u32 @!p3 $0xA000, s8;
	s11 =	sand.u32 @!p3 $0xE00, s3;
	_ =	swait.ge @!p3 [sflag:s6], $0x50  }
0xd8: {  	p2 =	sgt.u32 @!p3 s7, $0x76;
	s11 =	sshrl.u32 @!p3 s11, $0x2;
	[sflag:s6] =	ssyncset.done @!p3 $0x0  }
0xd9: {  	s8 =	sshrl.u32 @!p3 s8, $0x2;
	s7 =	sadd.s32 @!p3 $0x13880, s11;
	[sflag:s6] =	ssyncadd.s32 @!p3 $0xFFFFFFB0  }
0xda: {  	s8 =	sadd.s32 @!p3 $0x14080, s8;
	s3 =	sadd.s32 $0x200, s3;
	_ =	swait.ge @!p3 [sflag:s6], $0x50  }
0xdb: {  	s29 =	sadd.s32 $0xA, s29;
	s11 =	simm.s32 @!p3 $0x50;
	[sflag:s6] =	ssyncset.done @!p3 $0x0  }
.Ltmp1:
0xdc: {  	p2 =	por p2, p3;
	[sflag:s6] =	ssyncadd.s32 @!p3 $0xFFFFFFB0;
	(pc) =	sbr.rel @p1 .LBB2_4-.Ltmp1, $4  }
0xdd: {  	[tilespmem:s8], [sflag:$0x2] =	stream.indirect.gather @!p3 [hbm4b:s1+s11], $0x80, s7, s11, $0xb8;
	[tilespmem:$0x1F880] =	vst v63  }
0xde: {  	s28 =	sadd.s32 $0xA, s28;
	s6 =	sand.u32 @!p2 $0x380, s30;
	s11 =	simm.s32 @!p2 $0x0  }
0xdf: {  	s30 =	sadd.s32 $0x80, s30;
	s7 =	sadd.s32 @!p2 $0x13880, s6;
	s6 =	sadd.s32 @!p2 $0x13C80, s6  }
0xe0: {  	[tilespmem:s7], [sflag:$0x1] =	stream.linear.gather @!p2 [hbm4b:s12+s11], $0x50, $0x38;
	[tilespmem:$0x1F880] =	vst v63  }
0xe1: {  	s7 =	sand.u32 $0x3, s31  }
0xe2: {  	[tilespmem:s6], [sflag:$0x1] =	stream.linear.gather @!p2 [hbm4b:s20+s11], $0x50, $0x38;
	[tilespmem:$0x1F880] =	vst v63  }
0xe3: {  	s20 =	sadd.s32 $0xFFFFFA00, s3;
	s12 =	smul.u32 $0xA000, s7  }
0xe4: {  	_ =	swait.ge [sflag:s24], $0x2800;
	s7 =	sand.u32 $0xE00, s20  }
0xe5: {  	[sflag:s24] =	ssyncset.done $0x0;
	s7 =	sshrl.u32 s7, $0x2;
	s6 =	sshrl.u32 s12, $0x2  }
0xe6: {  	[sflag:s24] =	ssyncadd.s32 $0xFFFFD800;
	s7 =	sadd.s32 $0x13C80, s7;
	s6 =	sadd.s32 $0x14080, s6  }
0xe7: {  	[spmem:s2] =	stream.indirect.scatter.add.f32 [tilespmem:s6], [sflag:$0x3], $0x80, s7, s18, $0xb8;
	[tilespmem:$0x1F880] =	vst v63  }
0xe8: {  	_ =	swait.ge [sflag:s16], $0x2800  }
0xe9: {  	p1 =	sgt.u32 s31, $0x79;
	[sflag:s16] =	ssyncset.done $0x0  }
0xea: {  	s6 =	simm.s32 @!p1 $0x1;
	[sflag:s16] =	ssyncadd.s32 $0xFFFFD800  }
0xeb: {  	_ =	swait.ge @!p1 [sflag:s6], $0x50  }
0xec: {  	s0 =	sand.u32 @!p1 $0x3, s0;
	s3 =	sand.u32 @!p1 $0xE00, s3;
	[sflag:s6] =	ssyncset.done @!p1 $0x0  }
0xed: {  	p2 =	sgt.u32 @!p1 s31, $0x76;
	s0 =	smul.u32 @!p1 $0xA000, s0;
	[sflag:s6] =	ssyncadd.s32 @!p1 $0xFFFFFFB0  }
0xee: {  	s3 =	sshrl.u32 @!p1 s3, $0x2;
	p2 =	por p2, p1;
	_ =	swait.ge @!p1 [sflag:s6], $0x50  }
0xef: {  	s3 =	sadd.s32 @!p1 $0x13880, s3;
	s0 =	sshrl.u32 @!p1 s0, $0x2;
	[sflag:s6] =	ssyncset.done @!p1 $0x0  }
0xf0: {  	s0 =	sadd.s32 @!p1 $0x14080, s0;
	s7 =	simm.s32 @!p1 $0x50;
	[sflag:s6] =	ssyncadd.s32 @!p1 $0xFFFFFFB0  }
0xf1: {  	[tilespmem:s0], [sflag:$0x2] =	stream.indirect.gather @!p1 [hbm4b:s1+s7], $0x80, s3, s7, $0xb8;
	[tilespmem:$0x1F880] =	vst v63  }
0xf2: {  	s0 =	sand.u32 @!p2 $0x380, s30  }
0xf3: {  	s3 =	simm.s32 @!p2 $0x0;
	s6 =	sadd.s32 @!p2 $0x13880, s0  }
0xf4: {  	[tilespmem:s6], [sflag:$0x1] =	stream.linear.gather @!p2 [hbm4b:s29+s3], $0x50, $0x38;
	[tilespmem:$0x1F880] =	vst v63  }
0xf5: {  	s0 =	sadd.s32 @!p2 $0x13C80, s0  }
0xf6: {  	[tilespmem:s0], [sflag:$0x1] =	stream.linear.gather @!p2 [hbm4b:s28+s3], $0x50, $0x38;
	[tilespmem:$0x1F880] =	vst v63  }
0xf7: {  	_ =	swait.ge [sflag:s16], $0x2800  }
0xf8: {  	[sflag:s16] =	ssyncset.done $0x0  }
0xf9: {  	s28 =	stileid.u32;
	[sflag:s16] =	ssyncadd.s32 $0xFFFFD800  }
0xfa: {  	s0 =	sshll.u32 s28, $0x6;
	[bflag:$0x0] =	sbarrier.arrive $0xFFFF  }
0xfb: {  	s29 =	sshrl.u32 s23, $0x3;
	s0 =	sor.u32 $0x1C04, s0;
	s30 =	rddreg [dreg:$0x10]  }
0xfc: {  	[hbm:s30], [sflag:s0] =	dma.local [spmem:s29], $0x2700  }
0xfd: {  	_ =	swait.ge [sflag:s25], $0x2700  }
0xfe: {  	[sflag:s25] =	ssyncset.done $0x0  }
0xff: {  	s3 =	sshrl.u32 @!p0 s22, $0x3;
	s6 =	rddreg [dreg:$0x13];
	[sflag:s25] =	ssyncadd.s32 $0xFFFFD900  }
0x100: {  	[hbm:s6], [sflag:s0] =	dma.local @!p0 [spmem:s3], $0x100  }
0x101: {  	s0 =	simm.s32 @!p0 $0x4  }
0x102: {  	_ =	swait.ge @!p0 [sflag:s0], $0x100  }
0x103: {  	s26 =	sadd.s32 $0x1, s26;
	s31 =	rddreg [dreg:$0x14]  }
0x104: {  	p1 =	sne.s32 s26, s31  }
.Ltmp2:
0x105: {  	_ = 	snop;
	(pc) =	sbr.rel @p1 .LBB2_1-.Ltmp2, $3  }
0x106: {  	_ =	sdelay $0x1  }
0x107: {  	s8 =	simm.s32 $0x13900;
	[sflag:s0] =	ssyncset.done @!p0 $0x0  }
0x108: {  	s7 =	simm.s32 $0x13C80;
	s6 =	simm.s32 $0x13880;
	[sflag:s0] =	ssyncadd.s32 @!p0 $0xFFFFFF00  }
0x109: {  	_ =	sfence.sel $0x180000  }
0x10a: {  	[bflag:$0x0] =	sbarrier.arrive $0xFFFF  }
0x10b: {  	_ =	strace $0x90000047  }
0x10c: {  	s0 =	stileid.u32;
	[bflag:$0x2] =	sbarrier.arrive $0xFFFF  }
0x10d: {  	p0 =	sne.s32 s0, $0x0;
	s0 =	rddreg [dreg:$0x3]  }
0x10e: {  	s0 =	sadd.s32 @!p0 $0x100000, s0  }
0x10f: {  	[sflag:s0] =	ssyncadd.tile.s32 @!p0 $0x1;
	_ =	shalt  }
.Lfunc_end2:
_tile_overlayer_lowered:
.L_overlay_start_2:
0x110: {  	(tag) =	ssettag $0x2  }
0x111: {  	s0 =	rddreg [dreg:$0x0];
	s2 =	stileid.u32  }
0x112: {  	s1 =	rddreg [dreg:$0x1];
	p0 =	sne.s32 s2, $0x0  }
0x113: {  	s3 =	rddreg [dreg:$0x2];
	[bflag:$0x3] =	sbarrier.arrive $0xFFFF;
	s2 =	simm.s32 @!p0 $0x1C04  }
0x114: {  	[timem:s3], [sflag:s2] =	dma.local @!p0 [hbm:s0], s1  }
0x115: {  	s0 =	simm.s32 @!p0 $0x4  }
0x116: {  	_ =	swait.ge @!p0 [sflag:s0], s1  }
0x117: {  	s1 =	ssub.s32 @!p0 $0x0, s1;
	[sflag:s0] =	ssyncset.done @!p0 $0x0  }
0x118: {  	[sflag:s0] =	ssyncadd.s32 @!p0 s1  }
0x119: {  	[bflag:$0x3] =	sbarrier.arrive $0xFFFF  }
0x11a: {  	_ =	shalt  }

</sc_bundles>
